<compile_context>
chip_gen: v7x
topology: tpu7x:2x2x1
jax: 0.10.2.dev20260603
libtpu: 0.0.44.dev20260713+nightly
codegen_flags: <defaults>
</compile_context>

<pallas_src>
import functools

import jax
import jax.numpy as jnp
from jax import lax
from jax.experimental import pallas as pl
from jax.experimental.pallas import tpu as pltpu
from jax.experimental.pallas import tpu_sc as plsc

N = 500000
FEAT = 32
B, R, SR, K = 1, 4096, 24, 8
M = B * R * SR * K
NW = 32
U = 1024
RT = R // 128
NU = SR * RT
UPW = NU // NW
CH = 128
NCH = U // CH
L = 16
XP = 8
FT = FEAT // 8


def _bcast(cam_v, k):
    return plsc.load_gather(cam_v, [jnp.full((L,), k, jnp.int32)])


NTF = N // 128
NTAIL = N - NTF * 128


ST = 1024
NST = (NTF * 128) // ST
STPW = NST // NW
STX = NST - STPW * NW
LEFT = NTF - (NST * ST) // 128


def _tr_body(embT_hbm, tail_hbm, out_hbm, colbuf, rowbuf, semT):
    wid = lax.axis_index("s") * 2 + lax.axis_index("c")
    iota = lax.iota(jnp.int32, L)
    iota_lo = iota * ST
    iota_hi = iota_lo + L * ST

    def transp(npts):
        def inner(rloc, carry):
            g0 = plsc.load_gather(colbuf, [iota_lo + rloc])
            g1 = plsc.load_gather(colbuf, [iota_hi + rloc])
            rowbuf[pl.ds(rloc * FEAT, L)] = g0
            rowbuf[pl.ds(rloc * FEAT + L, L)] = g1
            return carry

        lax.fori_loop(0, npts, inner, 0, unroll=4)

    def block(col0, npts):
        cps = [pltpu.async_copy(
            embT_hbm.at[f, pl.ds(col0, npts)],
            colbuf.at[pl.ds(f * ST, npts)], semT)
            for f in range(FEAT)]
        for cp in cps:
            cp.wait()
        transp(npts)
        pltpu.sync_copy(rowbuf.at[pl.ds(0, npts * FEAT)],
                        out_hbm.at[pl.ds(col0 * FEAT, npts * FEAT)])

    def step(i, carry):
        block((wid + i * NW) * ST, ST)
        return carry

    lax.fori_loop(0, STPW, step, 0)

    @pl.when(wid < STX)
    def _():
        block((STPW * NW + wid) * ST, ST)

    @pl.when((wid >= STX) & (wid < STX + LEFT))
    def _():
        block(NST * ST + (wid - STX) * 128, 128)

    @pl.when(wid == NW - 1)
    def _():
        cps = [pltpu.async_copy(
            tail_hbm.at[f], colbuf.at[pl.ds(f * ST, 128)], semT)
            for f in range(FEAT)]
        for cp in cps:
            cp.wait()
        transp(NTAIL)
        pltpu.sync_copy(rowbuf.at[pl.ds(0, NTAIL * FEAT)],
                        out_hbm.at[pl.ds(NTF * 128 * FEAT, NTAIL * FEAT)])


@jax.jit
def _sc_transpose(embT, tail):
    run = pl.kernel(
        _tr_body,
        out_type=jax.ShapeDtypeStruct((N * FEAT,), jnp.float32),
        mesh=plsc.VectorSubcoreMesh(core_axis_name="c", subcore_axis_name="s"),
        compiler_params=pltpu.CompilerParams(
            needs_layout_passes=False, use_tc_tiling_on_sc=True),
        scratch_types=[
            pltpu.VMEM((FEAT * ST,), jnp.float32),
            pltpu.VMEM((ST * FEAT,), jnp.float32),
            pltpu.SemaphoreType.DMA,
        ],
    )
    return run(embT, tail)


def _sc_body(emb_hbm, xyz_hbm, pidx_hbm, cam_hbm,
             feats_hbm, pers_hbm, xyzw_hbm,
             idx_v, emb_v, xyz_v, feats_t, pers_t, xyzw_t, cam_v,
             sem_e0, sem_x0, sem3):
    wid = lax.axis_index("s") * 2 + lax.axis_index("c")

    pltpu.sync_copy(cam_hbm, cam_v)
    r = [_bcast(cam_v, k + 1) for k in range(9)]
    cpx = _bcast(cam_v, 10)
    cpy = _bcast(cam_v, 11)
    cpz = _bcast(cam_v, 12)
    iota = lax.iota(jnp.int32, L)
    c0i = jnp.full((L,), 0, jnp.int32)
    c1i = jnp.full((L,), 1, jnp.int32)
    c2i = jnp.full((L,), 2, jnp.int32)

    def unit(i, carry):
        u = wid * UPW + i
        sr = u // RT
        c = u % RT
        pltpu.sync_copy(pidx_hbm.at[pl.ds(u * U, U)], idx_v)
        cps = []
        for j in range(NCH):
            sl = pl.ds(j * CH, CH)
            cps.append(pltpu.async_copy(
                emb_hbm.at[idx_v.at[sl]], emb_v.at[sl], sem_e0))
            cps.append(pltpu.async_copy(
                xyz_hbm.at[idx_v.at[sl]], xyz_v.at[sl], sem_x0))
        for cp in cps:
            cp.wait()

        def xform(v, carry):
            rvec = iota + v * L
            sl16 = pl.ds(v * L, L)
            x = plsc.load_gather(xyz_v, [rvec, c0i])
            y = plsc.load_gather(xyz_v, [rvec, c1i])
            z = plsc.load_gather(xyz_v, [rvec, c2i])
            xyzw_t[0, sl16] = x
            xyzw_t[1, sl16] = y
            xyzw_t[2, sl16] = z
            sx = x - cpx
            sy = y - cpy
            sz = z - cpz
            v0 = r[0] * sx + r[3] * sy + r[6] * sz
            v1 = r[1] * sx + r[4] * sy + r[7] * sz
            v2 = r[2] * sx + r[5] * sy + r[8] * sz
            den = v2 + 1e-9
            pers_t[0, sl16] = v0 / den
            pers_t[1, sl16] = v1 / den
            pers_t[2, sl16] = v2
            return carry

        lax.fori_loop(0, U // L, xform, 0)

        def tpose(q, carry):
            k = q >> 5
            t = (q >> 3) & 3
            fm = q & 7
            col = jnp.full((L,), t * 8 + fm, jnp.int32)
            row0 = k * 128
            dst = k * FT + t
            for j in range(8):
                g = plsc.load_gather(emb_v, [row0 + j * L + iota, col])
                feats_t[dst, pl.ds(fm * 128 + j * L, L)] = g
            return carry

        lax.fori_loop(0, 256, tpose, 0)

        outs = []
        for k in range(K):
            for t in range(FT):
                off = ((sr * K + k) * 128 + t * RT + c) * U
                outs.append(pltpu.async_copy(
                    feats_t.at[k * FT + t], feats_hbm.at[pl.ds(off, U)], sem3))
        for comp in range(3):
            off = ((sr * 3 + comp) * RT + c) * U
            outs.append(pltpu.async_copy(
                pers_t.at[comp], pers_hbm.at[pl.ds(off, U)], sem3))
            outs.append(pltpu.async_copy(
                xyzw_t.at[comp], xyzw_hbm.at[pl.ds(off, U)], sem3))
        for cp in outs:
            cp.wait()
        return carry

    lax.fori_loop(0, UPW, unit, 0)


@jax.jit
def _sc_gather(points_embeding, xyz_pad, pidx_tiles, cam):
    f32 = jnp.float32
    run = pl.kernel(
        _sc_body,
        out_type=(
            jax.ShapeDtypeStruct((M * FEAT,), f32),
            jax.ShapeDtypeStruct((M * 3,), f32),
            jax.ShapeDtypeStruct((M * 3,), f32),
        ),
        mesh=plsc.VectorSubcoreMesh(core_axis_name="c", subcore_axis_name="s"),
        compiler_params=pltpu.CompilerParams(
            needs_layout_passes=False, use_tc_tiling_on_sc=False),
        scratch_types=[
            pltpu.VMEM((U,), jnp.int32),
            pltpu.VMEM((U, FEAT), f32),
            pltpu.VMEM((U, XP), f32),
            pltpu.VMEM((K * FT, 128 * 8), f32),
            pltpu.VMEM((3, U), f32),
            pltpu.VMEM((3, U), f32),
            pltpu.VMEM((L,), f32),
            pltpu.SemaphoreType.DMA,
            pltpu.SemaphoreType.DMA,
            pltpu.SemaphoreType.DMA,
        ],
    )
    return run(points_embeding, xyz_pad, pidx_tiles, cam)


def kernel(xyz, points_embeding, camrotc2w, campos, sample_pidx):
    pidx_tiles = (sample_pidx.reshape(RT, 128, SR, K)
                  .transpose(2, 0, 3, 1).reshape(-1).astype(jnp.int32))
    cam = jnp.concatenate(
        [jnp.zeros((1,), jnp.float32), camrotc2w.reshape(9),
         campos.reshape(3), jnp.zeros((3,), jnp.float32)]).astype(jnp.float32)
    zcol = jnp.zeros((N,), jnp.float32)
    xyz_pad = jnp.stack(
        [xyz[:, 0], xyz[:, 1], xyz[:, 2], zcol, zcol, zcol, zcol, zcol],
        axis=1)
    embT = points_embeding.T
    tail = jnp.pad(points_embeding[NTF * 128:], ((0, 128 - NTAIL), (0, 0))).T
    emb_rm = _sc_transpose(embT, tail).reshape(N, FEAT)
    feats_img, pers_img, xyzw_img = _sc_gather(
        emb_rm, xyz_pad, pidx_tiles, cam)
    feats = (feats_img.reshape(SR, K, FT, RT, 8, 128)
             .transpose(3, 5, 0, 1, 2, 4).reshape(1, R, SR, K, FEAT))
    pers = (pers_img.reshape(SR, 3, RT, K, 128)
            .transpose(2, 4, 0, 3, 1).reshape(1, R, SR, K, 3))
    xyzw = (xyzw_img.reshape(SR, 3, RT, K, 128)
            .transpose(2, 4, 0, 3, 1).reshape(1, R, SR, K, 3))
    sample_pnt_mask = sample_pidx >= 0
    Rw2c = jnp.eye(3, dtype=xyz.dtype)
    return (feats, pers, xyzw, sample_pnt_mask, Rw2c)

# --- scband reference (transcript-rebuilt; emitter-appended) ---
"""Pipeline reference for scband-neural-points-1443109012011 (READ-ONLY COPY).

The authoritative reference and input builder live on the scoring server;
editing this copy changes nothing except your own understanding.
"""

import jax, jax.numpy as jnp
import numpy as np

N = 500000
FEAT = 32
B, R, SR, K = 1, 4096, 24, 8

def setup_inputs(seed: int = 0) -> dict:
    key = jax.random.key(seed)
    k1, k2, k3, k4, k5 = jax.random.split(key, 5)
    xyz = jax.random.normal(k1, (N, 3), dtype=jnp.float32)
    points_embeding = jax.random.normal(k2, (N, FEAT), dtype=jnp.float32)
    camrotc2w = jax.random.normal(k3, (1, 3, 3), dtype=jnp.float32)
    campos = jax.random.normal(k4, (1, 3), dtype=jnp.float32)
    sample_pidx = jax.random.randint(k5, (B, R, SR, K), 0, N, dtype=jnp.int32)
    return {"xyz": xyz, "points_embeding": points_embeding, "camrotc2w": camrotc2w, "campos": campos, "sample_pidx": sample_pidx}

def w2pers(point_xyz, camrotc2w, campos):
    # point_xyz: [N,3]; camrotc2w: [B,3,3]; campos: [B,3]
    point_xyz_shift = point_xyz[None, ...] - campos[:, None, :]          # [B,N,3]
    xyz_c = jnp.sum(camrotc2w[:, None, :, :] * point_xyz_shift[:, :, :, None], axis=-2)  # [B,N,3]
    xper = xyz_c[:, :, 0] / (xyz_c[:, :, 2] + 1e-9)
    yper = xyz_c[:, :, 1] / (xyz_c[:, :, 2] + 1e-9)
    return jnp.stack([xper, yper, xyz_c[:, :, 2]], axis=-1)             # [B,N,3]

def reference(xyz, points_embeding, camrotc2w, campos, sample_pidx):
    point_xyz_pers = w2pers(xyz, camrotc2w, campos)                      # [B,N,3]
    sample_pnt_mask = sample_pidx >= 0                                   # [B,R,SR,K]
    pidx_flat = jnp.clip(sample_pidx, 0).reshape(-1).astype(jnp.int32)   # [B*R*SR*K]
    cat = jnp.concatenate([xyz[None, ...], point_xyz_pers, points_embeding[None, ...]], axis=-1)  # [B,N,3+3+FEAT]
    D = FEAT + 6
    sampled_embedding = jnp.take(cat, pidx_flat, axis=1).reshape(B, R, SR, K, D)
    Rw2c = jnp.eye(3, dtype=xyz.dtype)
    sampled_feats = sampled_embedding[..., 6:]
    sampled_xyz_pers = sampled_embedding[..., 3:6]
    sampled_xyz_w = sampled_embedding[..., :3]
    return (sampled_feats, sampled_xyz_pers, sampled_xyz_w, sample_pnt_mask, Rw2c)

if __name__ == "__main__":
    import jax
    _d = setup_inputs()
    print(jax.jit(kernel)(*tuple(_d.values())))

</pallas_src>

<mosaic_0001>
#map = affine_map<(d0, d1) -> (0, 0)>
#map1 = affine_map<(d0, d1) -> (0)>
module attributes {stable_mosaic.version = 14 : i64} {
  func.func @_tr_body(%arg0: i32, %arg1: i32, %arg2: memref<32x500000xf32, #tpu.memory_space<hbm>>, %arg3: memref<32x128xf32, #tpu.memory_space<hbm>>, %arg4: memref<16000000xf32, #tpu.memory_space<hbm>>, %arg5: memref<32768xf32, #tpu.memory_space<vmem>>, %arg6: memref<32768xf32, #tpu.memory_space<vmem>>, %arg7: memref<!tpu.dma_semaphore, #tpu.memory_space<semaphore_mem>>) attributes {dimension_semantics = [#tpu.dimension_semantics<core_parallel>, #tpu.dimension_semantics<subcore_parallel>], iteration_bounds = array<i64: 2, 16>, scalar_prefetch = 0 : i64, scratch_operands = 3 : i64, tpu.core_type = #tpu.core_type<sc_vector_subcore>, window_params = [{transform_indices = #map}, {transform_indices = #map}, {transform_indices = #map1}]} {
    %mul3A = arith.constant 2 : i32
    %mul3A_0 = arith.muli %arg1, %mul3A : i32
    %add3A = arith.addi %mul3A_0, %arg0 : i32
    %iota3A = tpu.iota {dimensions = array<i32: 0>} : vector<16xi32>
    %mul3A_1 = arith.constant 1024 : i32
    %mul3A_2 = vector.broadcast %mul3A_1 : i32 to vector<16xi32>
    %mul3A_3 = arith.muli %iota3A, %mul3A_2 : vector<16xi32>
    %add3A_4 = arith.constant 16384 : i32
    %add3A_5 = vector.broadcast %add3A_4 : i32 to vector<16xi32>
    %add3A_6 = arith.addi %mul3A_3, %add3A_5 : vector<16xi32>
    %scan3A = arith.constant 0 : i32
    %scan3A_7 = arith.constant 0 : i32
    %scan3A_8 = arith.constant 15 : i32
    %scan3A_9 = arith.addi %scan3A_7, %scan3A_8 : i32
    %scan3A_10 = arith.constant 1 : i32
    scf.for %scan3A_24 = %scan3A_7 to %scan3A_9 step %scan3A_10  : i32 {
      %mul3A_25 = arith.constant 32 : i32
      %mul3A_26 = arith.muli %scan3A_24, %mul3A_25 : i32
      %add3A_27 = arith.addi %add3A, %mul3A_26 : i32
      %mul3A_28 = arith.constant 1024 : i32
      %mul3A_29 = arith.muli %add3A_27, %mul3A_28 : i32
      %dma_start3A = arith.constant 0 : i32
      %dma_start3A_30 = arith.constant 0 : i32
      %dma_start3A_31 = tpu.memref_slice %arg5[%dma_start3A_30] : memref<32768xf32, #tpu.memory_space<vmem>> -> memref<1024xf32, #tpu.memory_space<vmem>>
      %dma_start3A_32 = tpu.memref_slice %arg2[%dma_start3A, %mul3A_29] : memref<32x500000xf32, #tpu.memory_space<hbm>> -> memref<1x1024xf32, #tpu.memory_space<hbm>>
      %dma_start3A_33 = tpu.memref_squeeze %dma_start3A_32 : memref<1x1024xf32, #tpu.memory_space<hbm>> -> memref<1024xf32, #tpu.memory_space<hbm>>
      %dma_start3A_34 = arith.constant 0 : i32
      %dma_start3A_35 = tpu.memref_slice %arg5[%dma_start3A_34] : memref<32768xf32, #tpu.memory_space<vmem>> -> memref<1024xf32, #tpu.memory_space<vmem>>
      %dma_start3A_36 = tpu.memref_slice %arg2[%dma_start3A, %mul3A_29] : memref<32x500000xf32, #tpu.memory_space<hbm>> -> memref<1x1024xf32, #tpu.memory_space<hbm>>
      %dma_start3A_37 = tpu.memref_squeeze %dma_start3A_36 : memref<1x1024xf32, #tpu.memory_space<hbm>> -> memref<1024xf32, #tpu.memory_space<hbm>>
      tpu.enqueue_dma source(%dma_start3A_37 : memref<1024xf32, #tpu.memory_space<hbm>>) target(%dma_start3A_35 : memref<1024xf32, #tpu.memory_space<vmem>>) target_semaphore(%arg7 : memref<!tpu.dma_semaphore, #tpu.memory_space<semaphore_mem>>)
      %dma_start3A_38 = arith.constant 1 : i32
      %dma_start3A_39 = arith.constant 1024 : i32
      %dma_start3A_40 = tpu.memref_slice %arg5[%dma_start3A_39] : memref<32768xf32, #tpu.memory_space<vmem>> -> memref<1024xf32, #tpu.memory_space<vmem>>
      %dma_start3A_41 = tpu.memref_slice %arg2[%dma_start3A_38, %mul3A_29] : memref<32x500000xf32, #tpu.memory_space<hbm>> -> memref<1x1024xf32, #tpu.memory_space<hbm>>
      %dma_start3A_42 = tpu.memref_squeeze %dma_start3A_41 : memref<1x1024xf32, #tpu.memory_space<hbm>> -> memref<1024xf32, #tpu.memory_space<hbm>>
      %dma_start3A_43 = arith.constant 1024 : i32
      %dma_start3A_44 = tpu.memref_slice %arg5[%dma_start3A_43] : memref<32768xf32, #tpu.memory_space<vmem>> -> memref<1024xf32, #tpu.memory_space<vmem>>
      %dma_start3A_45 = tpu.memref_slice %arg2[%dma_start3A_38, %mul3A_29] : memref<32x500000xf32, #tpu.memory_space<hbm>> -> memref<1x1024xf32, #tpu.memory_space<hbm>>
      %dma_start3A_46 = tpu.memref_squeeze %dma_start3A_45 : memref<1x1024xf32, #tpu.memory_space<hbm>> -> memref<1024xf32, #tpu.memory_space<hbm>>
      tpu.enqueue_dma source(%dma_start3A_46 : memref<1024xf32, #tpu.memory_space<hbm>>) target(%dma_start3A_44 : memref<1024xf32, #tpu.memory_space<vmem>>) target_semaphore(%arg7 : memref<!tpu.dma_semaphore, #tpu.memory_space<semaphore_mem>>)
      %dma_start3A_47 = arith.constant 2 : i32
      %dma_start3A_48 = arith.constant 2048 : i32
      %dma_start3A_49 = tpu.memref_slice %arg5[%dma_start3A_48] : memref<32768xf32, #tpu.memory_space<vmem>> -> memref<1024xf32, #tpu.memory_space<vmem>>
      %dma_start3A_50 = tpu.memref_slice %arg2[%dma_start3A_47, %mul3A_29] : memref<32x500000xf32, #tpu.memory_space<hbm>> -> memref<1x1024xf32, #tpu.memory_space<hbm>>
      %dma_start3A_51 = tpu.memref_squeeze %dma_start3A_50 : memref<1x1024xf32, #tpu.memory_space<hbm>> -> memref<1024xf32, #tpu.memory_space<hbm>>
      %dma_start3A_52 = arith.constant 2048 : i32
      %dma_start3A_53 = tpu.memref_slice %arg5[%dma_start3A_52] : memref<32768xf32, #tpu.memory_space<vmem>> -> memref<1024xf32, #tpu.memory_space<vmem>>
      %dma_start3A_54 = tpu.memref_slice %arg2[%dma_start3A_47, %mul3A_29] : memref<32x500000xf32, #tpu.memory_space<hbm>> -> memref<1x1024xf32, #tpu.memory_space<hbm>>
      %dma_start3A_55 = tpu.memref_squeeze %dma_start3A_54 : memref<1x1024xf32, #tpu.memory_space<hbm>> -> memref<1024xf32, #tpu.memory_space<hbm>>
      tpu.enqueue_dma source(%dma_start3A_55 : memref<1024xf32, #tpu.memory_space<hbm>>) target(%dma_start3A_53 : memref<1024xf32, #tpu.memory_space<vmem>>) target_semaphore(%arg7 : memref<!tpu.dma_semaphore, #tpu.memory_space<semaphore_mem>>)
      %dma_start3A_56 = arith.constant 3 : i32
      %dma_start3A_57 = arith.constant 3072 : i32
      %dma_start3A_58 = tpu.memref_slice %arg5[%dma_start3A_57] : memref<32768xf32, #tpu.memory_space<vmem>> -> memref<1024xf32, #tpu.memory_space<vmem>>
      %dma_start3A_59 = tpu.memref_slice %arg2[%dma_start3A_56, %mul3A_29] : memref<32x500000xf32, #tpu.memory_space<hbm>> -> memref<1x1024xf32, #tpu.memory_space<hbm>>
      %dma_start3A_60 = tpu.memref_squeeze %dma_start3A_59 : memref<1x1024xf32, #tpu.memory_space<hbm>> -> memref<1024xf32, #tpu.memory_space<hbm>>
      %dma_start3A_61 = arith.constant 3072 : i32
      %dma_start3A_62 = tpu.memref_slice %arg5[%dma_start3A_61] : memref<32768xf32, #tpu.memory_space<vmem>> -> memref<1024xf32, #tpu.memory_space<vmem>>
      %dma_start3A_63 = tpu.memref_slice %arg2[%dma_start3A_56, %mul3A_29] : memref<32x500000xf32, #tpu.memory_space<hbm>> -> memref<1x1024xf32, #tpu.memory_space<hbm>>
      %dma_start3A_64 = tpu.memref_squeeze %dma_start3A_63 : memref<1x1024xf32, #tpu.memory_space<hbm>> -> memref<1024xf32, #tpu.memory_space<hbm>>
      tpu.enqueue_dma source(%dma_start3A_64 : memref<1024xf32, #tpu.memory_space<hbm>>) target(%dma_start3A_62 : memref<1024xf32, #tpu.memory_space<vmem>>) target_semaphore(%arg7 : memref<!tpu.dma_semaphore, #tpu.memory_space<semaphore_mem>>)
      %dma_start3A_65 = arith.constant 4 : i32
      %dma_start3A_66 = arith.constant 4096 : i32
      %dma_start3A_67 = tpu.memref_slice %arg5[%dma_start3A_66] : memref<32768xf32, #tpu.memory_space<vmem>> -> memref<1024xf32, #tpu.memory_space<vmem>>
      %dma_start3A_68 = tpu.memref_slice %arg2[%dma_start3A_65, %mul3A_29] : memref<32x500000xf32, #tpu.memory_space<hbm>> -> memref<1x1024xf32, #tpu.memory_space<hbm>>
      %dma_start3A_69 = tpu.memref_squeeze %dma_start3A_68 : memref<1x1024xf32, #tpu.memory_space<hbm>> -> memref<1024xf32, #tpu.memory_space<hbm>>
      %dma_start3A_70 = arith.constant 4096 : i32
      %dma_start3A_71 = tpu.memref_slice %arg5[%dma_start3A_70] : memref<32768xf32, #tpu.memory_space<vmem>> -> memref<1024xf32, #tpu.memory_space<vmem>>
      %dma_start3A_72 = tpu.memref_slice %arg2[%dma_start3A_65, %mul3A_29] : memref<32x500000xf32, #tpu.memory_space<hbm>> -> memref<1x1024xf32, #tpu.memory_space<hbm>>
      %dma_start3A_73 = tpu.memref_squeeze %dma_start3A_72 : memref<1x1024xf32, #tpu.memory_space<hbm>> -> memref<1024xf32, #tpu.memory_space<hbm>>
      tpu.enqueue_dma source(%dma_start3A_73 : memref<1024xf32, #tpu.memory_space<hbm>>) target(%dma_start3A_71 : memref<1024xf32, #tpu.memory_space<vmem>>) target_semaphore(%arg7 : memref<!tpu.dma_semaphore, #tpu.memory_space<semaphore_mem>>)
      %dma_start3A_74 = arith.constant 5 : i32
      %dma_start3A_75 = arith.constant 5120 : i32
      %dma_start3A_76 = tpu.memref_slice %arg5[%dma_start3A_75] : memref<32768xf32, #tpu.memory_space<vmem>> -> memref<1024xf32, #tpu.memory_space<vmem>>
      %dma_start3A_77 = tpu.memref_slice %arg2[%dma_start3A_74, %mul3A_29] : memref<32x500000xf32, #tpu.memory_space<hbm>> -> memref<1x1024xf32, #tpu.memory_space<hbm>>
      %dma_start3A_78 = tpu.memref_squeeze %dma_start3A_77 : memref<1x1024xf32, #tpu.memory_space<hbm>> -> memref<1024xf32, #tpu.memory_space<hbm>>
      %dma_start3A_79 = arith.constant 5120 : i32
      %dma_start3A_80 = tpu.memref_slice %arg5[%dma_start3A_79] : memref<32768xf32, #tpu.memory_space<vmem>> -> memref<1024xf32, #tpu.memory_space<vmem>>
      %dma_start3A_81 = tpu.memref_slice %arg2[%dma_start3A_74, %mul3A_29] : memref<32x500000xf32, #tpu.memory_space<hbm>> -> memref<1x1024xf32, #tpu.memory_space<hbm>>
      %dma_start3A_82 = tpu.memref_squeeze %dma_start3A_81 : memref<1x1024xf32, #tpu.memory_space<hbm>> -> memref<1024xf32, #tpu.memory_space<hbm>>
      tpu.enqueue_dma source(%dma_start3A_82 : memref<1024xf32, #tpu.memory_space<hbm>>) target(%dma_start3A_80 : memref<1024xf32, #tpu.memory_space<vmem>>) target_semaphore(%arg7 : memref<!tpu.dma_semaphore, #tpu.memory_space<semaphore_mem>>)
      %dma_start3A_83 = arith.constant 6 : i32
      %dma_start3A_84 = arith.constant 6144 : i32
      %dma_start3A_85 = tpu.memref_slice %arg5[%dma_start3A_84] : memref<32768xf32, #tpu.memory_space<vmem>> -> memref<1024xf32, #tpu.memory_space<vmem>>
      %dma_start3A_86 = tpu.memref_slice %arg2[%dma_start3A_83, %mul3A_29] : memref<32x500000xf32, #tpu.memory_space<hbm>> -> memref<1x1024xf32, #tpu.memory_space<hbm>>
      %dma_start3A_87 = tpu.memref_squeeze %dma_start3A_86 : memref<1x1024xf32, #tpu.memory_space<hbm>> -> memref<1024xf32, #tpu.memory_space<hbm>>
      %dma_start3A_88 = arith.constant 6144 : i32
      %dma_start3A_89 = tpu.memref_slice %arg5[%dma_start3A_88] : memref<32768xf32, #tpu.memory_space<vmem>> -> memref<1024xf32, #tpu.memory_space<vmem>>
      %dma_start3A_90 = tpu.memref_slice %arg2[%dma_start3A_83, %mul3A_29] : memref<32x500000xf32, #tpu.memory_space<hbm>> -> memref<1x1024xf32, #tpu.memory_space<hbm>>
      %dma_start3A_91 = tpu.memref_squeeze %dma_start3A_90 : memref<1x1024xf32, #tpu.memory_space<hbm>> -> memref<1024xf32, #tpu.memory_space<hbm>>
      tpu.enqueue_dma source(%dma_start3A_91 : memref<1024xf32, #tpu.memory_space<hbm>>) target(%dma_start3A_89 : memref<1024xf32, #tpu.memory_space<vmem>>) target_semaphore(%arg7 : memref<!tpu.dma_semaphore, #tpu.memory_space<semaphore_mem>>)
      %dma_start3A_92 = arith.constant 7 : i32
      %dma_start3A_93 = arith.constant 7168 : i32
      %dma_start3A_94 = tpu.memref_slice %arg5[%dma_start3A_93] : memref<32768xf32, #tpu.memory_space<vmem>> -> memref<1024xf32, #tpu.memory_space<vmem>>
      %dma_start3A_95 = tpu.memref_slice %arg2[%dma_start3A_92, %mul3A_29] : memref<32x500000xf32, #tpu.memory_space<hbm>> -> memref<1x1024xf32, #tpu.memory_space<hbm>>
      %dma_start3A_96 = tpu.memref_squeeze %dma_start3A_95 : memref<1x1024xf32, #tpu.memory_space<hbm>> -> memref<1024xf32, #tpu.memory_space<hbm>>
      %dma_start3A_97 = arith.constant 7168 : i32
      %dma_start3A_98 = tpu.memref_slice %arg5[%dma_start3A_97] : memref<32768xf32, #tpu.memory_space<vmem>> -> memref<1024xf32, #tpu.memory_space<vmem>>
      %dma_start3A_99 = tpu.memref_slice %arg2[%dma_start3A_92, %mul3A_29] : memref<32x500000xf32, #tpu.memory_space<hbm>> -> memref<1x1024xf32, #tpu.memory_space<hbm>>
      %dma_start3A_100 = tpu.memref_squeeze %dma_start3A_99 : memref<1x1024xf32, #tpu.memory_space<hbm>> -> memref<1024xf32, #tpu.memory_space<hbm>>
      tpu.enqueue_dma source(%dma_start3A_100 : memref<1024xf32, #tpu.memory_space<hbm>>) target(%dma_start3A_98 : memref<1024xf32, #tpu.memory_space<vmem>>) target_semaphore(%arg7 : memref<!tpu.dma_semaphore, #tpu.memory_space<semaphore_mem>>)
      %dma_start3A_101 = arith.constant 8 : i32
      %dma_start3A_102 = arith.constant 8192 : i32
      %dma_start3A_103 = tpu.memref_slice %arg5[%dma_start3A_102] : memref<32768xf32, #tpu.memory_space<vmem>> -> memref<1024xf32, #tpu.memory_space<vmem>>
      %dma_start3A_104 = tpu.memref_slice %arg2[%dma_start3A_101, %mul3A_29] : memref<32x500000xf32, #tpu.memory_space<hbm>> -> memref<1x1024xf32, #tpu.memory_space<hbm>>
      %dma_start3A_105 = tpu.memref_squeeze %dma_start3A_104 : memref<1x1024xf32, #tpu.memory_space<hbm>> -> memref<1024xf32, #tpu.memory_space<hbm>>
      %dma_start3A_106 = arith.constant 8192 : i32
      %dma_start3A_107 = tpu.memref_slice %arg5[%dma_start3A_106] : memref<32768xf32, #tpu.memory_space<vmem>> -> memref<1024xf32, #tpu.memory_space<vmem>>
      %dma_start3A_108 = tpu.memref_slice %arg2[%dma_start3A_101, %mul3A_29] : memref<32x500000xf32, #tpu.memory_space<hbm>> -> memref<1x1024xf32, #tpu.memory_space<hbm>>
      %dma_start3A_109 = tpu.memref_squeeze %dma_start3A_108 : memref<1x1024xf32, #tpu.memory_space<hbm>> -> memref<1024xf32, #tpu.memory_space<hbm>>
      tpu.enqueue_dma source(%dma_start3A_109 : memref<1024xf32, #tpu.memory_space<hbm>>) target(%dma_start3A_107 : memref<1024xf32, #tpu.memory_space<vmem>>) target_semaphore(%arg7 : memref<!tpu.dma_semaphore, #tpu.memory_space<semaphore_mem>>)
      %dma_start3A_110 = arith.constant 9 : i32
      %dma_start3A_111 = arith.constant 9216 : i32
      %dma_start3A_112 = tpu.memref_slice %arg5[%dma_start3A_111] : memref<32768xf32, #tpu.memory_space<vmem>> -> memref<1024xf32, #tpu.memory_space<vmem>>
      %dma_start3A_113 = tpu.memref_slice %arg2[%dma_start3A_110, %mul3A_29] : memref<32x500000xf32, #tpu.memory_space<hbm>> -> memref<1x1024xf32, #tpu.memory_space<hbm>>
      %dma_start3A_114 = tpu.memref_squeeze %dma_start3A_113 : memref<1x1024xf32, #tpu.memory_space<hbm>> -> memref<1024xf32, #tpu.memory_space<hbm>>
      %dma_start3A_115 = arith.constant 9216 : i32
      %dma_start3A_116 = tpu.memref_slice %arg5[%dma_start3A_115] : memref<32768xf32, #tpu.memory_space<vmem>> -> memref<1024xf32, #tpu.memory_space<vmem>>
      %dma_start3A_117 = tpu.memref_slice %arg2[%dma_start3A_110, %mul3A_29] : memref<32x500000xf32, #tpu.memory_space<hbm>> -> memref<1x1024xf32, #tpu.memory_space<hbm>>
      %dma_start3A_118 = tpu.memref_squeeze %dma_start3A_117 : memref<1x1024xf32, #tpu.memory_space<hbm>> -> memref<1024xf32, #tpu.memory_space<hbm>>
      tpu.enqueue_dma source(%dma_start3A_118 : memref<1024xf32, #tpu.memory_space<hbm>>) target(%dma_start3A_116 : memref<1024xf32, #tpu.memory_space<vmem>>) target_semaphore(%arg7 : memref<!tpu.dma_semaphore, #tpu.memory_space<semaphore_mem>>)
      %dma_start3A_119 = arith.constant 10 : i32
      %dma_start3A_120 = arith.constant 10240 : i32
      %dma_start3A_121 = tpu.memref_slice %arg5[%dma_start3A_120] : memref<32768xf32, #tpu.memory_space<vmem>> -> memref<1024xf32, #tpu.memory_space<vmem>>
      %dma_start3A_122 = tpu.memref_slice %arg2[%dma_start3A_119, %mul3A_29] : memref<32x500000xf32, #tpu.memory_space<hbm>> -> memref<1x1024xf32, #tpu.memory_space<hbm>>
      %dma_start3A_123 = tpu.memref_squeeze %dma_start3A_122 : memref<1x1024xf32, #tpu.memory_space<hbm>> -> memref<1024xf32, #tpu.memory_space<hbm>>
      %dma_start3A_124 = arith.constant 10240 : i32
      %dma_start3A_125 = tpu.memref_slice %arg5[%dma_start3A_124] : memref<32768xf32, #tpu.memory_space<vmem>> -> memref<1024xf32, #tpu.memory_space<vmem>>
      %dma_start3A_126 = tpu.memref_slice %arg2[%dma_start3A_119, %mul3A_29] : memref<32x500000xf32, #tpu.memory_space<hbm>> -> memref<1x1024xf32, #tpu.memory_space<hbm>>
      %dma_start3A_127 = tpu.memref_squeeze %dma_start3A_126 : memref<1x1024xf32, #tpu.memory_space<hbm>> -> memref<1024xf32, #tpu.memory_space<hbm>>
      tpu.enqueue_dma source(%dma_start3A_127 : memref<1024xf32, #tpu.memory_space<hbm>>) target(%dma_start3A_125 : memref<1024xf32, #tpu.memory_space<vmem>>) target_semaphore(%arg7 : memref<!tpu.dma_semaphore, #tpu.memory_space<semaphore_mem>>)
      %dma_start3A_128 = arith.constant 11 : i32
      %dma_start3A_129 = arith.constant 11264 : i32
      %dma_start3A_130 = tpu.memref_slice %arg5[%dma_start3A_129] : memref<32768xf32, #tpu.memory_space<vmem>> -> memref<1024xf32, #tpu.memory_space<vmem>>
      %dma_start3A_131 = tpu.memref_slice %arg2[%dma_start3A_128, %mul3A_29] : memref<32x500000xf32, #tpu.memory_space<hbm>> -> memref<1x1024xf32, #tpu.memory_space<hbm>>
      %dma_start3A_132 = tpu.memref_squeeze %dma_start3A_131 : memref<1x1024xf32, #tpu.memory_space<hbm>> -> memref<1024xf32, #tpu.memory_space<hbm>>
      %dma_start3A_133 = arith.constant 11264 : i32
      %dma_start3A_134 = tpu.memref_slice %arg5[%dma_start3A_133] : memref<32768xf32, #tpu.memory_space<vmem>> -> memref<1024xf32, #tpu.memory_space<vmem>>
      %dma_start3A_135 = tpu.memref_slice %arg2[%dma_start3A_128, %mul3A_29] : memref<32x500000xf32, #tpu.memory_space<hbm>> -> memref<1x1024xf32, #tpu.memory_space<hbm>>
      %dma_start3A_136 = tpu.memref_squeeze %dma_start3A_135 : memref<1x1024xf32, #tpu.memory_space<hbm>> -> memref<1024xf32, #tpu.memory_space<hbm>>
      tpu.enqueue_dma source(%dma_start3A_136 : memref<1024xf32, #tpu.memory_space<hbm>>) target(%dma_start3A_134 : memref<1024xf32, #tpu.memory_space<vmem>>) target_semaphore(%arg7 : memref<!tpu.dma_semaphore, #tpu.memory_space<semaphore_mem>>)
      %dma_start3A_137 = arith.constant 12 : i32
      %dma_start3A_138 = arith.constant 12288 : i32
      %dma_start3A_139 = tpu.memref_slice %arg5[%dma_start3A_138] : memref<32768xf32, #tpu.memory_space<vmem>> -> memref<1024xf32, #tpu.memory_space<vmem>>
      %dma_start3A_140 = tpu.memref_slice %arg2[%dma_start3A_137, %mul3A_29] : memref<32x500000xf32, #tpu.memory_space<hbm>> -> memref<1x1024xf32, #tpu.memory_space<hbm>>
      %dma_start3A_141 = tpu.memref_squeeze %dma_start3A_140 : memref<1x1024xf32, #tpu.memory_space<hbm>> -> memref<1024xf32, #tpu.memory_space<hbm>>
      %dma_start3A_142 = arith.constant 12288 : i32
      %dma_start3A_143 = tpu.memref_slice %arg5[%dma_start3A_142] : memref<32768xf32, #tpu.memory_space<vmem>> -> memref<1024xf32, #tpu.memory_space<vmem>>
      %dma_start3A_144 = tpu.memref_slice %arg2[%dma_start3A_137, %mul3A_29] : memref<32x500000xf32, #tpu.memory_space<hbm>> -> memref<1x1024xf32, #tpu.memory_space<hbm>>
      %dma_start3A_145 = tpu.memref_squeeze %dma_start3A_144 : memref<1x1024xf32, #tpu.memory_space<hbm>> -> memref<1024xf32, #tpu.memory_space<hbm>>
      tpu.enqueue_dma source(%dma_start3A_145 : memref<1024xf32, #tpu.memory_space<hbm>>) target(%dma_start3A_143 : memref<1024xf32, #tpu.memory_space<vmem>>) target_semaphore(%arg7 : memref<!tpu.dma_semaphore, #tpu.memory_space<semaphore_mem>>)
      %dma_start3A_146 = arith.constant 13 : i32
      %dma_start3A_147 = arith.constant 13312 : i32
      %dma_start3A_148 = tpu.memref_slice %arg5[%dma_start3A_147] : memref<32768xf32, #tpu.memory_space<vmem>> -> memref<1024xf32, #tpu.memory_space<vmem>>
      %dma_start3A_149 = tpu.memref_slice %arg2[%dma_start3A_146, %mul3A_29] : memref<32x500000xf32, #tpu.memory_space<hbm>> -> memref<1x1024xf32, #tpu.memory_space<hbm>>
      %dma_start3A_150 = tpu.memref_squeeze %dma_start3A_149 : memref<1x1024xf32, #tpu.memory_space<hbm>> -> memref<1024xf32, #tpu.memory_space<hbm>>
      %dma_start3A_151 = arith.constant 13312 : i32
      %dma_start3A_152 = tpu.memref_slice %arg5[%dma_start3A_151] : memref<32768xf32, #tpu.memory_space<vmem>> -> memref<1024xf32, #tpu.memory_space<vmem>>
      %dma_start3A_153 = tpu.memref_slice %arg2[%dma_start3A_146, %mul3A_29] : memref<32x500000xf32, #tpu.memory_space<hbm>> -> memref<1x1024xf32, #tpu.memory_space<hbm>>
      %dma_start3A_154 = tpu.memref_squeeze %dma_start3A_153 : memref<1x1024xf32, #tpu.memory_space<hbm>> -> memref<1024xf32, #tpu.memory_space<hbm>>
      tpu.enqueue_dma source(%dma_start3A_154 : memref<1024xf32, #tpu.memory_space<hbm>>) target(%dma_start3A_152 : memref<1024xf32, #tpu.memory_space<vmem>>) target_semaphore(%arg7 : memref<!tpu.dma_semaphore, #tpu.memory_space<semaphore_mem>>)
      %dma_start3A_155 = arith.constant 14 : i32
      %dma_start3A_156 = arith.constant 14336 : i32
      %dma_start3A_157 = tpu.memref_slice %arg5[%dma_start3A_156] : memref<32768xf32, #tpu.memory_space<vmem>> -> memref<1024xf32, #tpu.memory_space<vmem>>
      %dma_start3A_158 = tpu.memref_slice %arg2[%dma_start3A_155, %mul3A_29] : memref<32x500000xf32, #tpu.memory_space<hbm>> -> memref<1x1024xf32, #tpu.memory_space<hbm>>
      %dma_start3A_159 = tpu.memref_squeeze %dma_start3A_158 : memref<1x1024xf32, #tpu.memory_space<hbm>> -> memref<1024xf32, #tpu.memory_space<hbm>>
      %dma_start3A_160 = arith.constant 14336 : i32
      %dma_start3A_161 = tpu.memref_slice %arg5[%dma_start3A_160] : memref<32768xf32, #tpu.memory_space<vmem>> -> memref<1024xf32, #tpu.memory_space<vmem>>
      %dma_start3A_162 = tpu.memref_slice %arg2[%dma_start3A_155, %mul3A_29] : memref<32x500000xf32, #tpu.memory_space<hbm>> -> memref<1x1024xf32, #tpu.memory_space<hbm>>
      %dma_start3A_163 = tpu.memref_squeeze %dma_start3A_162 : memref<1x1024xf32, #tpu.memory_space<hbm>> -> memref<1024xf32, #tpu.memory_space<hbm>>
      tpu.enqueue_dma source(%dma_start3A_163 : memref<1024xf32, #tpu.memory_space<hbm>>) target(%dma_start3A_161 : memref<1024xf32, #tpu.memory_space<vmem>>) target_semaphore(%arg7 : memref<!tpu.dma_semaphore, #tpu.memory_space<semaphore_mem>>)
      %dma_start3A_164 = arith.constant 15 : i32
      %dma_start3A_165 = arith.constant 15360 : i32
      %dma_start3A_166 = tpu.memref_slice %arg5[%dma_start3A_165] : memref<32768xf32, #tpu.memory_space<vmem>> -> memref<1024xf32, #tpu.memory_space<vmem>>
      %dma_start3A_167 = tpu.memref_slice %arg2[%dma_start3A_164, %mul3A_29] : memref<32x500000xf32, #tpu.memory_space<hbm>> -> memref<1x1024xf32, #tpu.memory_space<hbm>>
      %dma_start3A_168 = tpu.memref_squeeze %dma_start3A_167 : memref<1x1024xf32, #tpu.memory_space<hbm>> -> memref<1024xf32, #tpu.memory_space<hbm>>
      %dma_start3A_169 = arith.constant 15360 : i32
      %dma_start3A_170 = tpu.memref_slice %arg5[%dma_start3A_169] : memref<32768xf32, #tpu.memory_space<vmem>> -> memref<1024xf32, #tpu.memory_space<vmem>>
      %dma_start3A_171 = tpu.memref_slice %arg2[%dma_start3A_164, %mul3A_29] : memref<32x500000xf32, #tpu.memory_space<hbm>> -> memref<1x1024xf32, #tpu.memory_space<hbm>>
      %dma_start3A_172 = tpu.memref_squeeze %dma_start3A_171 : memref<1x1024xf32, #tpu.memory_space<hbm>> -> memref<1024xf32, #tpu.memory_space<hbm>>
      tpu.enqueue_dma source(%dma_start3A_172 : memref<1024xf32, #tpu.memory_space<hbm>>) target(%dma_start3A_170 : memref<1024xf32, #tpu.memory_space<vmem>>) target_semaphore(%arg7 : memref<!tpu.dma_semaphore, #tpu.memory_space<semaphore_mem>>)
      %dma_start3A_173 = arith.constant 16 : i32
      %dma_start3A_174 = arith.constant 16384 : i32
      %dma_start3A_175 = tpu.memref_slice %arg5[%dma_start3A_174] : memref<32768xf32, #tpu.memory_space<vmem>> -> memref<1024xf32, #tpu.memory_space<vmem>>
      %dma_start3A_176 = tpu.memref_slice %arg2[%dma_start3A_173, %mul3A_29] : memref<32x500000xf32, #tpu.memory_space<hbm>> -> memref<1x1024xf32, #tpu.memory_space<hbm>>
      %dma_start3A_177 = tpu.memref_squeeze %dma_start3A_176 : memref<1x1024xf32, #tpu.memory_space<hbm>> -> memref<1024xf32, #tpu.memory_space<hbm>>
      %dma_start3A_178 = arith.constant 16384 : i32
      %dma_start3A_179 = tpu.memref_slice %arg5[%dma_start3A_178] : memref<32768xf32, #tpu.memory_space<vmem>> -> memref<1024xf32, #tpu.memory_space<vmem>>
      %dma_start3A_180 = tpu.memref_slice %arg2[%dma_start3A_173, %mul3A_29] : memref<32x500000xf32, #tpu.memory_space<hbm>> -> memref<1x1024xf32, #tpu.memory_space<hbm>>
      %dma_start3A_181 = tpu.memref_squeeze %dma_start3A_180 : memref<1x1024xf32, #tpu.memory_space<hbm>> -> memref<1024xf32, #tpu.memory_space<hbm>>
      tpu.enqueue_dma source(%dma_start3A_181 : memref<1024xf32, #tpu.memory_space<hbm>>) target(%dma_start3A_179 : memref<1024xf32, #tpu.memory_space<vmem>>) target_semaphore(%arg7 : memref<!tpu.dma_semaphore, #tpu.memory_space<semaphore_mem>>)
      %dma_start3A_182 = arith.constant 17 : i32
      %dma_start3A_183 = arith.constant 17408 : i32
      %dma_start3A_184 = tpu.memref_slice %arg5[%dma_start3A_183] : memref<32768xf32, #tpu.memory_space<vmem>> -> memref<1024xf32, #tpu.memory_space<vmem>>
      %dma_start3A_185 = tpu.memref_slice %arg2[%dma_start3A_182, %mul3A_29] : memref<32x500000xf32, #tpu.memory_space<hbm>> -> memref<1x1024xf32, #tpu.memory_space<hbm>>
      %dma_start3A_186 = tpu.memref_squeeze %dma_start3A_185 : memref<1x1024xf32, #tpu.memory_space<hbm>> -> memref<1024xf32, #tpu.memory_space<hbm>>
      %dma_start3A_187 = arith.constant 17408 : i32
      %dma_start3A_188 = tpu.memref_slice %arg5[%dma_start3A_187] : memref<32768xf32, #tpu.memory_space<vmem>> -> memref<1024xf32, #tpu.memory_space<vmem>>
      %dma_start3A_189 = tpu.memref_slice %arg2[%dma_start3A_182, %mul3A_29] : memref<32x500000xf32, #tpu.memory_space<hbm>> -> memref<1x1024xf32, #tpu.memory_space<hbm>>
      %dma_start3A_190 = tpu.memref_squeeze %dma_start3A_189 : memref<1x1024xf32, #tpu.memory_space<hbm>> -> memref<1024xf32, #tpu.memory_space<hbm>>
      tpu.enqueue_dma source(%dma_start3A_190 : memref<1024xf32, #tpu.memory_space<hbm>>) target(%dma_start3A_188 : memref<1024xf32, #tpu.memory_space<vmem>>) target_semaphore(%arg7 : memref<!tpu.dma_semaphore, #tpu.memory_space<semaphore_mem>>)
      %dma_start3A_191 = arith.constant 18 : i32
      %dma_start3A_192 = arith.constant 18432 : i32
      %dma_start3A_193 = tpu.memref_slice %arg5[%dma_start3A_192] : memref<32768xf32, #tpu.memory_space<vmem>> -> memref<1024xf32, #tpu.memory_space<vmem>>
      %dma_start3A_194 = tpu.memref_slice %arg2[%dma_start3A_191, %mul3A_29] : memref<32x500000xf32, #tpu.memory_space<hbm>> -> memref<1x1024xf32, #tpu.memory_space<hbm>>
      %dma_start3A_195 = tpu.memref_squeeze %dma_start3A_194 : memref<1x1024xf32, #tpu.memory_space<hbm>> -> memref<1024xf32, #tpu.memory_space<hbm>>
      %dma_start3A_196 = arith.constant 18432 : i32
      %dma_start3A_197 = tpu.memref_slice %arg5[%dma_start3A_196] : memref<32768xf32, #tpu.memory_space<vmem>> -> memref<1024xf32, #tpu.memory_space<vmem>>
      %dma_start3A_198 = tpu.memref_slice %arg2[%dma_start3A_191, %mul3A_29] : memref<32x500000xf32, #tpu.memory_space<hbm>> -> memref<1x1024xf32, #tpu.memory_space<hbm>>
      %dma_start3A_199 = tpu.memref_squeeze %dma_start3A_198 : memref<1x1024xf32, #tpu.memory_space<hbm>> -> memref<1024xf32, #tpu.memory_space<hbm>>
      tpu.enqueue_dma source(%dma_start3A_199 : memref<1024xf32, #tpu.memory_space<hbm>>) target(%dma_start3A_197 : memref<1024xf32, #tpu.memory_space<vmem>>) target_semaphore(%arg7 : memref<!tpu.dma_semaphore, #tpu.memory_space<semaphore_mem>>)
      %dma_start3A_200 = arith.constant 19 : i32
      %dma_start3A_201 = arith.constant 19456 : i32
      %dma_start3A_202 = tpu.memref_slice %arg5[%dma_start3A_201] : memref<32768xf32, #tpu.memory_space<vmem>> -> memref<1024xf32, #tpu.memory_space<vmem>>
      %dma_start3A_203 = tpu.memref_slice %arg2[%dma_start3A_200, %mul3A_29] : memref<32x500000xf32, #tpu.memory_space<hbm>> -> memref<1x1024xf32, #tpu.memory_space<hbm>>
      %dma_start3A_204 = tpu.memref_squeeze %dma_start3A_203 : memref<1x1024xf32, #tpu.memory_space<hbm>> -> memref<1024xf32, #tpu.memory_space<hbm>>
      %dma_start3A_205 = arith.constant 19456 : i32
      %dma_start3A_206 = tpu.memref_slice %arg5[%dma_start3A_205] : memref<32768xf32, #tpu.memory_space<vmem>> -> memref<1024xf32, #tpu.memory_space<vmem>>
      %dma_start3A_207 = tpu.memref_slice %arg2[%dma_start3A_200, %mul3A_29] : memref<32x500000xf32, #tpu.memory_space<hbm>> -> memref<1x1024xf32, #tpu.memory_space<hbm>>
      %dma_start3A_208 = tpu.memref_squeeze %dma_start3A_207 : memref<1x1024xf32, #tpu.memory_space<hbm>> -> memref<1024xf32, #tpu.memory_space<hbm>>
      tpu.enqueue_dma source(%dma_start3A_208 : memref<1024xf32, #tpu.memory_space<hbm>>) target(%dma_start3A_206 : memref<1024xf32, #tpu.memory_space<vmem>>) target_semaphore(%arg7 : memref<!tpu.dma_semaphore, #tpu.memory_space<semaphore_mem>>)
      %dma_start3A_209 = arith.constant 20 : i32
      %dma_start3A_210 = arith.constant 20480 : i32
      %dma_start3A_211 = tpu.memref_slice %arg5[%dma_start3A_210] : memref<32768xf32, #tpu.memory_space<vmem>> -> memref<1024xf32, #tpu.memory_space<vmem>>
      %dma_start3A_212 = tpu.memref_slice %arg2[%dma_start3A_209, %mul3A_29] : memref<32x500000xf32, #tpu.memory_space<hbm>> -> memref<1x1024xf32, #tpu.memory_space<hbm>>
      %dma_start3A_213 = tpu.memref_squeeze %dma_start3A_212 : memref<1x1024xf32, #tpu.memory_space<hbm>> -> memref<1024xf32, #tpu.memory_space<hbm>>
      %dma_start3A_214 = arith.constant 20480 : i32
      %dma_start3A_215 = tpu.memref_slice %arg5[%dma_start3A_214] : memref<32768xf32, #tpu.memory_space<vmem>> -> memref<1024xf32, #tpu.memory_space<vmem>>
      %dma_start3A_216 = tpu.memref_slice %arg2[%dma_start3A_209, %mul3A_29] : memref<32x500000xf32, #tpu.memory_space<hbm>> -> memref<1x1024xf32, #tpu.memory_space<hbm>>
      %dma_start3A_217 = tpu.memref_squeeze %dma_start3A_216 : memref<1x1024xf32, #tpu.memory_space<hbm>> -> memref<1024xf32, #tpu.memory_space<hbm>>
      tpu.enqueue_dma source(%dma_start3A_217 : memref<1024xf32, #tpu.memory_space<hbm>>) target(%dma_start3A_215 : memref<1024xf32, #tpu.memory_space<vmem>>) target_semaphore(%arg7 : memref<!tpu.dma_semaphore, #tpu.memory_space<semaphore_mem>>)
      %dma_start3A_218 = arith.constant 21 : i32
      %dma_start3A_219 = arith.constant 21504 : i32
      %dma_start3A_220 = tpu.memref_slice %arg5[%dma_start3A_219] : memref<32768xf32, #tpu.memory_space<vmem>> -> memref<1024xf32, #tpu.memory_space<vmem>>
      %dma_start3A_221 = tpu.memref_slice %arg2[%dma_start3A_218, %mul3A_29] : memref<32x500000xf32, #tpu.memory_space<hbm>> -> memref<1x1024xf32, #tpu.memory_space<hbm>>
      %dma_start3A_222 = tpu.memref_squeeze %dma_start3A_221 : memref<1x1024xf32, #tpu.memory_space<hbm>> -> memref<1024xf32, #tpu.memory_space<hbm>>
      %dma_start3A_223 = arith.constant 21504 : i32
      %dma_start3A_224 = tpu.memref_slice %arg5[%dma_start3A_223] : memref<32768xf32, #tpu.memory_space<vmem>> -> memref<1024xf32, #tpu.memory_space<vmem>>
      %dma_start3A_225 = tpu.memref_slice %arg2[%dma_start3A_218, %mul3A_29] : memref<32x500000xf32, #tpu.memory_space<hbm>> -> memref<1x1024xf32, #tpu.memory_space<hbm>>
      %dma_start3A_226 = tpu.memref_squeeze %dma_start3A_225 : memref<1x1024xf32, #tpu.memory_space<hbm>> -> memref<1024xf32, #tpu.memory_space<hbm>>
      tpu.enqueue_dma source(%dma_start3A_226 : memref<1024xf32, #tpu.memory_space<hbm>>) target(%dma_start3A_224 : memref<1024xf32, #tpu.memory_space<vmem>>) target_semaphore(%arg7 : memref<!tpu.dma_semaphore, #tpu.memory_space<semaphore_mem>>)
      %dma_start3A_227 = arith.constant 22 : i32
      %dma_start3A_228 = arith.constant 22528 : i32
      %dma_start3A_229 = tpu.memref_slice %arg5[%dma_start3A_228] : memref<32768xf32, #tpu.memory_space<vmem>> -> memref<1024xf32, #tpu.memory_space<vmem>>
      %dma_start3A_230 = tpu.memref_slice %arg2[%dma_start3A_227, %mul3A_29] : memref<32x500000xf32, #tpu.memory_space<hbm>> -> memref<1x1024xf32, #tpu.memory_space<hbm>>
      %dma_start3A_231 = tpu.memref_squeeze %dma_start3A_230 : memref<1x1024xf32, #tpu.memory_space<hbm>> -> memref<1024xf32, #tpu.memory_space<hbm>>
      %dma_start3A_232 = arith.constant 22528 : i32
      %dma_start3A_233 = tpu.memref_slice %arg5[%dma_start3A_232] : memref<32768xf32, #tpu.memory_space<vmem>> -> memref<1024xf32, #tpu.memory_space<vmem>>
      %dma_start3A_234 = tpu.memref_slice %arg2[%dma_start3A_227, %mul3A_29] : memref<32x500000xf32, #tpu.memory_space<hbm>> -> memref<1x1024xf32, #tpu.memory_space<hbm>>
      %dma_start3A_235 = tpu.memref_squeeze %dma_start3A_234 : memref<1x1024xf32, #tpu.memory_space<hbm>> -> memref<1024xf32, #tpu.memory_space<hbm>>
      tpu.enqueue_dma source(%dma_start3A_235 : memref<1024xf32, #tpu.memory_space<hbm>>) target(%dma_start3A_233 : memref<1024xf32, #tpu.memory_space<vmem>>) target_semaphore(%arg7 : memref<!tpu.dma_semaphore, #tpu.memory_space<semaphore_mem>>)
      %dma_start3A_236 = arith.constant 23 : i32
      %dma_start3A_237 = arith.constant 23552 : i32
      %dma_start3A_238 = tpu.memref_slice %arg5[%dma_start3A_237] : memref<32768xf32, #tpu.memory_space<vmem>> -> memref<1024xf32, #tpu.memory_space<vmem>>
      %dma_start3A_239 = tpu.memref_slice %arg2[%dma_start3A_236, %mul3A_29] : memref<32x500000xf32, #tpu.memory_space<hbm>> -> memref<1x1024xf32, #tpu.memory_space<hbm>>
      %dma_start3A_240 = tpu.memref_squeeze %dma_start3A_239 : memref<1x1024xf32, #tpu.memory_space<hbm>> -> memref<1024xf32, #tpu.memory_space<hbm>>
      %dma_start3A_241 = arith.constant 23552 : i32
      %dma_start3A_242 = tpu.memref_slice %arg5[%dma_start3A_241] : memref<32768xf32, #tpu.memory_space<vmem>> -> memref<1024xf32, #tpu.memory_space<vmem>>
      %dma_start3A_243 = tpu.memref_slice %arg2[%dma_start3A_236, %mul3A_29] : memref<32x500000xf32, #tpu.memory_space<hbm>> -> memref<1x1024xf32, #tpu.memory_space<hbm>>
      %dma_start3A_244 = tpu.memref_squeeze %dma_start3A_243 : memref<1x1024xf32, #tpu.memory_space<hbm>> -> memref<1024xf32, #tpu.memory_space<hbm>>
      tpu.enqueue_dma source(%dma_start3A_244 : memref<1024xf32, #tpu.memory_space<hbm>>) target(%dma_start3A_242 : memref<1024xf32, #tpu.memory_space<vmem>>) target_semaphore(%arg7 : memref<!tpu.dma_semaphore, #tpu.memory_space<semaphore_mem>>)
      %dma_start3A_245 = arith.constant 24 : i32
      %dma_start3A_246 = arith.constant 24576 : i32
      %dma_start3A_247 = tpu.memref_slice %arg5[%dma_start3A_246] : memref<32768xf32, #tpu.memory_space<vmem>> -> memref<1024xf32, #tpu.memory_space<vmem>>
      %dma_start3A_248 = tpu.memref_slice %arg2[%dma_start3A_245, %mul3A_29] : memref<32x500000xf32, #tpu.memory_space<hbm>> -> memref<1x1024xf32, #tpu.memory_space<hbm>>
      %dma_start3A_249 = tpu.memref_squeeze %dma_start3A_248 : memref<1x1024xf32, #tpu.memory_space<hbm>> -> memref<1024xf32, #tpu.memory_space<hbm>>
      %dma_start3A_250 = arith.constant 24576 : i32
      %dma_start3A_251 = tpu.memref_slice %arg5[%dma_start3A_250] : memref<32768xf32, #tpu.memory_space<vmem>> -> memref<1024xf32, #tpu.memory_space<vmem>>
      %dma_start3A_252 = tpu.memref_slice %arg2[%dma_start3A_245, %mul3A_29] : memref<32x500000xf32, #tpu.memory_space<hbm>> -> memref<1x1024xf32, #tpu.memory_space<hbm>>
      %dma_start3A_253 = tpu.memref_squeeze %dma_start3A_252 : memref<1x1024xf32, #tpu.memory_space<hbm>> -> memref<1024xf32, #tpu.memory_space<hbm>>
      tpu.enqueue_dma source(%dma_start3A_253 : memref<1024xf32, #tpu.memory_space<hbm>>) target(%dma_start3A_251 : memref<1024xf32, #tpu.memory_space<vmem>>) target_semaphore(%arg7 : memref<!tpu.dma_semaphore, #tpu.memory_space<semaphore_mem>>)
      %dma_start3A_254 = arith.constant 25 : i32
      %dma_start3A_255 = arith.constant 25600 : i32
      %dma_start3A_256 = tpu.memref_slice %arg5[%dma_start3A_255] : memref<32768xf32, #tpu.memory_space<vmem>> -> memref<1024xf32, #tpu.memory_space<vmem>>
      %dma_start3A_257 = tpu.memref_slice %arg2[%dma_start3A_254, %mul3A_29] : memref<32x500000xf32, #tpu.memory_space<hbm>> -> memref<1x1024xf32, #tpu.memory_space<hbm>>
      %dma_start3A_258 = tpu.memref_squeeze %dma_start3A_257 : memref<1x1024xf32, #tpu.memory_space<hbm>> -> memref<1024xf32, #tpu.memory_space<hbm>>
      %dma_start3A_259 = arith.constant 25600 : i32
      %dma_start3A_260 = tpu.memref_slice %arg5[%dma_start3A_259] : memref<32768xf32, #tpu.memory_space<vmem>> -> memref<1024xf32, #tpu.memory_space<vmem>>
      %dma_start3A_261 = tpu.memref_slice %arg2[%dma_start3A_254, %mul3A_29] : memref<32x500000xf32, #tpu.memory_space<hbm>> -> memref<1x1024xf32, #tpu.memory_space<hbm>>
      %dma_start3A_262 = tpu.memref_squeeze %dma_start3A_261 : memref<1x1024xf32, #tpu.memory_space<hbm>> -> memref<1024xf32, #tpu.memory_space<hbm>>
      tpu.enqueue_dma source(%dma_start3A_262 : memref<1024xf32, #tpu.memory_space<hbm>>) target(%dma_start3A_260 : memref<1024xf32, #tpu.memory_space<vmem>>) target_semaphore(%arg7 : memref<!tpu.dma_semaphore, #tpu.memory_space<semaphore_mem>>)
      %dma_start3A_263 = arith.constant 26 : i32
      %dma_start3A_264 = arith.constant 26624 : i32
      %dma_start3A_265 = tpu.memref_slice %arg5[%dma_start3A_264] : memref<32768xf32, #tpu.memory_space<vmem>> -> memref<1024xf32, #tpu.memory_space<vmem>>
      %dma_start3A_266 = tpu.memref_slice %arg2[%dma_start3A_263, %mul3A_29] : memref<32x500000xf32, #tpu.memory_space<hbm>> -> memref<1x1024xf32, #tpu.memory_space<hbm>>
      %dma_start3A_267 = tpu.memref_squeeze %dma_start3A_266 : memref<1x1024xf32, #tpu.memory_space<hbm>> -> memref<1024xf32, #tpu.memory_space<hbm>>
      %dma_start3A_268 = arith.constant 26624 : i32
      %dma_start3A_269 = tpu.memref_slice %arg5[%dma_start3A_268] : memref<32768xf32, #tpu.memory_space<vmem>> -> memref<1024xf32, #tpu.memory_space<vmem>>
      %dma_start3A_270 = tpu.memref_slice %arg2[%dma_start3A_263, %mul3A_29] : memref<32x500000xf32, #tpu.memory_space<hbm>> -> memref<1x1024xf32, #tpu.memory_space<hbm>>
      %dma_start3A_271 = tpu.memref_squeeze %dma_start3A_270 : memref<1x1024xf32, #tpu.memory_space<hbm>> -> memref<1024xf32, #tpu.memory_space<hbm>>
      tpu.enqueue_dma source(%dma_start3A_271 : memref<1024xf32, #tpu.memory_space<hbm>>) target(%dma_start3A_269 : memref<1024xf32, #tpu.memory_space<vmem>>) target_semaphore(%arg7 : memref<!tpu.dma_semaphore, #tpu.memory_space<semaphore_mem>>)
      %dma_start3A_272 = arith.constant 27 : i32
      %dma_start3A_273 = arith.constant 27648 : i32
      %dma_start3A_274 = tpu.memref_slice %arg5[%dma_start3A_273] : memref<32768xf32, #tpu.memory_space<vmem>> -> memref<1024xf32, #tpu.memory_space<vmem>>
      %dma_start3A_275 = tpu.memref_slice %arg2[%dma_start3A_272, %mul3A_29] : memref<32x500000xf32, #tpu.memory_space<hbm>> -> memref<1x1024xf32, #tpu.memory_space<hbm>>
      %dma_start3A_276 = tpu.memref_squeeze %dma_start3A_275 : memref<1x1024xf32, #tpu.memory_space<hbm>> -> memref<1024xf32, #tpu.memory_space<hbm>>
      %dma_start3A_277 = arith.constant 27648 : i32
      %dma_start3A_278 = tpu.memref_slice %arg5[%dma_start3A_277] : memref<32768xf32, #tpu.memory_space<vmem>> -> memref<1024xf32, #tpu.memory_space<vmem>>
      %dma_start3A_279 = tpu.memref_slice %arg2[%dma_start3A_272, %mul3A_29] : memref<32x500000xf32, #tpu.memory_space<hbm>> -> memref<1x1024xf32, #tpu.memory_space<hbm>>
      %dma_start3A_280 = tpu.memref_squeeze %dma_start3A_279 : memref<1x1024xf32, #tpu.memory_space<hbm>> -> memref<1024xf32, #tpu.memory_space<hbm>>
      tpu.enqueue_dma source(%dma_start3A_280 : memref<1024xf32, #tpu.memory_space<hbm>>) target(%dma_start3A_278 : memref<1024xf32, #tpu.memory_space<vmem>>) target_semaphore(%arg7 : memref<!tpu.dma_semaphore, #tpu.memory_space<semaphore_mem>>)
      %dma_start3A_281 = arith.constant 28 : i32
      %dma_start3A_282 = arith.constant 28672 : i32
      %dma_start3A_283 = tpu.memref_slice %arg5[%dma_start3A_282] : memref<32768xf32, #tpu.memory_space<vmem>> -> memref<1024xf32, #tpu.memory_space<vmem>>
      %dma_start3A_284 = tpu.memref_slice %arg2[%dma_start3A_281, %mul3A_29] : memref<32x500000xf32, #tpu.memory_space<hbm>> -> memref<1x1024xf32, #tpu.memory_space<hbm>>
      %dma_start3A_285 = tpu.memref_squeeze %dma_start3A_284 : memref<1x1024xf32, #tpu.memory_space<hbm>> -> memref<1024xf32, #tpu.memory_space<hbm>>
      %dma_start3A_286 = arith.constant 28672 : i32
      %dma_start3A_287 = tpu.memref_slice %arg5[%dma_start3A_286] : memref<32768xf32, #tpu.memory_space<vmem>> -> memref<1024xf32, #tpu.memory_space<vmem>>
      %dma_start3A_288 = tpu.memref_slice %arg2[%dma_start3A_281, %mul3A_29] : memref<32x500000xf32, #tpu.memory_space<hbm>> -> memref<1x1024xf32, #tpu.memory_space<hbm>>
      %dma_start3A_289 = tpu.memref_squeeze %dma_start3A_288 : memref<1x1024xf32, #tpu.memory_space<hbm>> -> memref<1024xf32, #tpu.memory_space<hbm>>
      tpu.enqueue_dma source(%dma_start3A_289 : memref<1024xf32, #tpu.memory_space<hbm>>) target(%dma_start3A_287 : memref<1024xf32, #tpu.memory_space<vmem>>) target_semaphore(%arg7 : memref<!tpu.dma_semaphore, #tpu.memory_space<semaphore_mem>>)
      %dma_start3A_290 = arith.constant 29 : i32
      %dma_start3A_291 = arith.constant 29696 : i32
      %dma_start3A_292 = tpu.memref_slice %arg5[%dma_start3A_291] : memref<32768xf32, #tpu.memory_space<vmem>> -> memref<1024xf32, #tpu.memory_space<vmem>>
      %dma_start3A_293 = tpu.memref_slice %arg2[%dma_start3A_290, %mul3A_29] : memref<32x500000xf32, #tpu.memory_space<hbm>> -> memref<1x1024xf32, #tpu.memory_space<hbm>>
      %dma_start3A_294 = tpu.memref_squeeze %dma_start3A_293 : memref<1x1024xf32, #tpu.memory_space<hbm>> -> memref<1024xf32, #tpu.memory_space<hbm>>
      %dma_start3A_295 = arith.constant 29696 : i32
      %dma_start3A_296 = tpu.memref_slice %arg5[%dma_start3A_295] : memref<32768xf32, #tpu.memory_space<vmem>> -> memref<1024xf32, #tpu.memory_space<vmem>>
      %dma_start3A_297 = tpu.memref_slice %arg2[%dma_start3A_290, %mul3A_29] : memref<32x500000xf32, #tpu.memory_space<hbm>> -> memref<1x1024xf32, #tpu.memory_space<hbm>>
      %dma_start3A_298 = tpu.memref_squeeze %dma_start3A_297 : memref<1x1024xf32, #tpu.memory_space<hbm>> -> memref<1024xf32, #tpu.memory_space<hbm>>
      tpu.enqueue_dma source(%dma_start3A_298 : memref<1024xf32, #tpu.memory_space<hbm>>) target(%dma_start3A_296 : memref<1024xf32, #tpu.memory_space<vmem>>) target_semaphore(%arg7 : memref<!tpu.dma_semaphore, #tpu.memory_space<semaphore_mem>>)
      %dma_start3A_299 = arith.constant 30 : i32
      %dma_start3A_300 = arith.constant 30720 : i32
      %dma_start3A_301 = tpu.memref_slice %arg5[%dma_start3A_300] : memref<32768xf32, #tpu.memory_space<vmem>> -> memref<1024xf32, #tpu.memory_space<vmem>>
      %dma_start3A_302 = tpu.memref_slice %arg2[%dma_start3A_299, %mul3A_29] : memref<32x500000xf32, #tpu.memory_space<hbm>> -> memref<1x1024xf32, #tpu.memory_space<hbm>>
      %dma_start3A_303 = tpu.memref_squeeze %dma_start3A_302 : memref<1x1024xf32, #tpu.memory_space<hbm>> -> memref<1024xf32, #tpu.memory_space<hbm>>
      %dma_start3A_304 = arith.constant 30720 : i32
      %dma_start3A_305 = tpu.memref_slice %arg5[%dma_start3A_304] : memref<32768xf32, #tpu.memory_space<vmem>> -> memref<1024xf32, #tpu.memory_space<vmem>>
      %dma_start3A_306 = tpu.memref_slice %arg2[%dma_start3A_299, %mul3A_29] : memref<32x500000xf32, #tpu.memory_space<hbm>> -> memref<1x1024xf32, #tpu.memory_space<hbm>>
      %dma_start3A_307 = tpu.memref_squeeze %dma_start3A_306 : memref<1x1024xf32, #tpu.memory_space<hbm>> -> memref<1024xf32, #tpu.memory_space<hbm>>
      tpu.enqueue_dma source(%dma_start3A_307 : memref<1024xf32, #tpu.memory_space<hbm>>) target(%dma_start3A_305 : memref<1024xf32, #tpu.memory_space<vmem>>) target_semaphore(%arg7 : memref<!tpu.dma_semaphore, #tpu.memory_space<semaphore_mem>>)
      %dma_start3A_308 = arith.constant 31 : i32
      %dma_start3A_309 = arith.constant 31744 : i32
      %dma_start3A_310 = tpu.memref_slice %arg5[%dma_start3A_309] : memref<32768xf32, #tpu.memory_space<vmem>> -> memref<1024xf32, #tpu.memory_space<vmem>>
      %dma_start3A_311 = tpu.memref_slice %arg2[%dma_start3A_308, %mul3A_29] : memref<32x500000xf32, #tpu.memory_space<hbm>> -> memref<1x1024xf32, #tpu.memory_space<hbm>>
      %dma_start3A_312 = tpu.memref_squeeze %dma_start3A_311 : memref<1x1024xf32, #tpu.memory_space<hbm>> -> memref<1024xf32, #tpu.memory_space<hbm>>
      %dma_start3A_313 = arith.constant 31744 : i32
      %dma_start3A_314 = tpu.memref_slice %arg5[%dma_start3A_313] : memref<32768xf32, #tpu.memory_space<vmem>> -> memref<1024xf32, #tpu.memory_space<vmem>>
      %dma_start3A_315 = tpu.memref_slice %arg2[%dma_start3A_308, %mul3A_29] : memref<32x500000xf32, #tpu.memory_space<hbm>> -> memref<1x1024xf32, #tpu.memory_space<hbm>>
      %dma_start3A_316 = tpu.memref_squeeze %dma_start3A_315 : memref<1x1024xf32, #tpu.memory_space<hbm>> -> memref<1024xf32, #tpu.memory_space<hbm>>
      tpu.enqueue_dma source(%dma_start3A_316 : memref<1024xf32, #tpu.memory_space<hbm>>) target(%dma_start3A_314 : memref<1024xf32, #tpu.memory_space<vmem>>) target_semaphore(%arg7 : memref<!tpu.dma_semaphore, #tpu.memory_space<semaphore_mem>>)
      %dma_wait3A = arith.constant 0 : i32
      %dma_wait3A_317 = arith.constant 0 : i32
      %dma_wait3A_318 = tpu.memref_slice %arg5[%dma_wait3A_317] : memref<32768xf32, #tpu.memory_space<vmem>> -> memref<1024xf32, #tpu.memory_space<vmem>>
      %dma_wait3A_319 = tpu.memref_slice %arg2[%dma_wait3A, %mul3A_29] : memref<32x500000xf32, #tpu.memory_space<hbm>> -> memref<1x1024xf32, #tpu.memory_space<hbm>>
      %dma_wait3A_320 = tpu.memref_squeeze %dma_wait3A_319 : memref<1x1024xf32, #tpu.memory_space<hbm>> -> memref<1024xf32, #tpu.memory_space<hbm>>
      %dma_wait3A_321 = arith.constant 0 : i32
      %dma_wait3A_322 = tpu.memref_slice %arg5[%dma_wait3A_321] : memref<32768xf32, #tpu.memory_space<vmem>> -> memref<1024xf32, #tpu.memory_space<vmem>>
      %dma_wait3A_323 = tpu.memref_slice %arg2[%dma_wait3A, %mul3A_29] : memref<32x500000xf32, #tpu.memory_space<hbm>> -> memref<1x1024xf32, #tpu.memory_space<hbm>>
      %dma_wait3A_324 = tpu.memref_squeeze %dma_wait3A_323 : memref<1x1024xf32, #tpu.memory_space<hbm>> -> memref<1024xf32, #tpu.memory_space<hbm>>
      tpu.wait_dma2 semaphore(%arg7 : memref<!tpu.dma_semaphore, #tpu.memory_space<semaphore_mem>>) src(%dma_wait3A_324 : memref<1024xf32, #tpu.memory_space<hbm>>) dst(%dma_wait3A_322 : memref<1024xf32, #tpu.memory_space<vmem>>)
      %dma_wait3A_325 = arith.constant 1 : i32
      %dma_wait3A_326 = arith.constant 1024 : i32
      %dma_wait3A_327 = tpu.memref_slice %arg5[%dma_wait3A_326] : memref<32768xf32, #tpu.memory_space<vmem>> -> memref<1024xf32, #tpu.memory_space<vmem>>
      %dma_wait3A_328 = tpu.memref_slice %arg2[%dma_wait3A_325, %mul3A_29] : memref<32x500000xf32, #tpu.memory_space<hbm>> -> memref<1x1024xf32, #tpu.memory_space<hbm>>
      %dma_wait3A_329 = tpu.memref_squeeze %dma_wait3A_328 : memref<1x1024xf32, #tpu.memory_space<hbm>> -> memref<1024xf32, #tpu.memory_space<hbm>>
      %dma_wait3A_330 = arith.constant 1024 : i32
      %dma_wait3A_331 = tpu.memref_slice %arg5[%dma_wait3A_330] : memref<32768xf32, #tpu.memory_space<vmem>> -> memref<1024xf32, #tpu.memory_space<vmem>>
      %dma_wait3A_332 = tpu.memref_slice %arg2[%dma_wait3A_325, %mul3A_29] : memref<32x500000xf32, #tpu.memory_space<hbm>> -> memref<1x1024xf32, #tpu.memory_space<hbm>>
      %dma_wait3A_333 = tpu.memref_squeeze %dma_wait3A_332 : memref<1x1024xf32, #tpu.memory_space<hbm>> -> memref<1024xf32, #tpu.memory_space<hbm>>
      tpu.wait_dma2 semaphore(%arg7 : memref<!tpu.dma_semaphore, #tpu.memory_space<semaphore_mem>>) src(%dma_wait3A_333 : memref<1024xf32, #tpu.memory_space<hbm>>) dst(%dma_wait3A_331 : memref<1024xf32, #tpu.memory_space<vmem>>)
      %dma_wait3A_334 = arith.constant 2 : i32
      %dma_wait3A_335 = arith.constant 2048 : i32
      %dma_wait3A_336 = tpu.memref_slice %arg5[%dma_wait3A_335] : memref<32768xf32, #tpu.memory_space<vmem>> -> memref<1024xf32, #tpu.memory_space<vmem>>
      %dma_wait3A_337 = tpu.memref_slice %arg2[%dma_wait3A_334, %mul3A_29] : memref<32x500000xf32, #tpu.memory_space<hbm>> -> memref<1x1024xf32, #tpu.memory_space<hbm>>
      %dma_wait3A_338 = tpu.memref_squeeze %dma_wait3A_337 : memref<1x1024xf32, #tpu.memory_space<hbm>> -> memref<1024xf32, #tpu.memory_space<hbm>>
      %dma_wait3A_339 = arith.constant 2048 : i32
      %dma_wait3A_340 = tpu.memref_slice %arg5[%dma_wait3A_339] : memref<32768xf32, #tpu.memory_space<vmem>> -> memref<1024xf32, #tpu.memory_space<vmem>>
      %dma_wait3A_341 = tpu.memref_slice %arg2[%dma_wait3A_334, %mul3A_29] : memref<32x500000xf32, #tpu.memory_space<hbm>> -> memref<1x1024xf32, #tpu.memory_space<hbm>>
      %dma_wait3A_342 = tpu.memref_squeeze %dma_wait3A_341 : memref<1x1024xf32, #tpu.memory_space<hbm>> -> memref<1024xf32, #tpu.memory_space<hbm>>
      tpu.wait_dma2 semaphore(%arg7 : memref<!tpu.dma_semaphore, #tpu.memory_space<semaphore_mem>>) src(%dma_wait3A_342 : memref<1024xf32, #tpu.memory_space<hbm>>) dst(%dma_wait3A_340 : memref<1024xf32, #tpu.memory_space<vmem>>)
      %dma_wait3A_343 = arith.constant 3 : i32
      %dma_wait3A_344 = arith.constant 3072 : i32
      %dma_wait3A_345 = tpu.memref_slice %arg5[%dma_wait3A_344] : memref<32768xf32, #tpu.memory_space<vmem>> -> memref<1024xf32, #tpu.memory_space<vmem>>
      %dma_wait3A_346 = tpu.memref_slice %arg2[%dma_wait3A_343, %mul3A_29] : memref<32x500000xf32, #tpu.memory_space<hbm>> -> memref<1x1024xf32, #tpu.memory_space<hbm>>
      %dma_wait3A_347 = tpu.memref_squeeze %dma_wait3A_346 : memref<1x1024xf32, #tpu.memory_space<hbm>> -> memref<1024xf32, #tpu.memory_space<hbm>>
      %dma_wait3A_348 = arith.constant 3072 : i32
      %dma_wait3A_349 = tpu.memref_slice %arg5[%dma_wait3A_348] : memref<32768xf32, #tpu.memory_space<vmem>> -> memref<1024xf32, #tpu.memory_space<vmem>>
      %dma_wait3A_350 = tpu.memref_slice %arg2[%dma_wait3A_343, %mul3A_29] : memref<32x500000xf32, #tpu.memory_space<hbm>> -> memref<1x1024xf32, #tpu.memory_space<hbm>>
      %dma_wait3A_351 = tpu.memref_squeeze %dma_wait3A_350 : memref<1x1024xf32, #tpu.memory_space<hbm>> -> memref<1024xf32, #tpu.memory_space<hbm>>
      tpu.wait_dma2 semaphore(%arg7 : memref<!tpu.dma_semaphore, #tpu.memory_space<semaphore_mem>>) src(%dma_wait3A_351 : memref<1024xf32, #tpu.memory_space<hbm>>) dst(%dma_wait3A_349 : memref<1024xf32, #tpu.memory_space<vmem>>)
      %dma_wait3A_352 = arith.constant 4 : i32
      %dma_wait3A_353 = arith.constant 4096 : i32
      %dma_wait3A_354 = tpu.memref_slice %arg5[%dma_wait3A_353] : memref<32768xf32, #tpu.memory_space<vmem>> -> memref<1024xf32, #tpu.memory_space<vmem>>
      %dma_wait3A_355 = tpu.memref_slice %arg2[%dma_wait3A_352, %mul3A_29] : memref<32x500000xf32, #tpu.memory_space<hbm>> -> memref<1x1024xf32, #tpu.memory_space<hbm>>
      %dma_wait3A_356 = tpu.memref_squeeze %dma_wait3A_355 : memref<1x1024xf32, #tpu.memory_space<hbm>> -> memref<1024xf32, #tpu.memory_space<hbm>>
      %dma_wait3A_357 = arith.constant 4096 : i32
      %dma_wait3A_358 = tpu.memref_slice %arg5[%dma_wait3A_357] : memref<32768xf32, #tpu.memory_space<vmem>> -> memref<1024xf32, #tpu.memory_space<vmem>>
      %dma_wait3A_359 = tpu.memref_slice %arg2[%dma_wait3A_352, %mul3A_29] : memref<32x500000xf32, #tpu.memory_space<hbm>> -> memref<1x1024xf32, #tpu.memory_space<hbm>>
      %dma_wait3A_360 = tpu.memref_squeeze %dma_wait3A_359 : memref<1x1024xf32, #tpu.memory_space<hbm>> -> memref<1024xf32, #tpu.memory_space<hbm>>
      tpu.wait_dma2 semaphore(%arg7 : memref<!tpu.dma_semaphore, #tpu.memory_space<semaphore_mem>>) src(%dma_wait3A_360 : memref<1024xf32, #tpu.memory_space<hbm>>) dst(%dma_wait3A_358 : memref<1024xf32, #tpu.memory_space<vmem>>)
      %dma_wait3A_361 = arith.constant 5 : i32
      %dma_wait3A_362 = arith.constant 5120 : i32
      %dma_wait3A_363 = tpu.memref_slice %arg5[%dma_wait3A_362] : memref<32768xf32, #tpu.memory_space<vmem>> -> memref<1024xf32, #tpu.memory_space<vmem>>
      %dma_wait3A_364 = tpu.memref_slice %arg2[%dma_wait3A_361, %mul3A_29] : memref<32x500000xf32, #tpu.memory_space<hbm>> -> memref<1x1024xf32, #tpu.memory_space<hbm>>
      %dma_wait3A_365 = tpu.memref_squeeze %dma_wait3A_364 : memref<1x1024xf32, #tpu.memory_space<hbm>> -> memref<1024xf32, #tpu.memory_space<hbm>>
      %dma_wait3A_366 = arith.constant 5120 : i32
      %dma_wait3A_367 = tpu.memref_slice %arg5[%dma_wait3A_366] : memref<32768xf32, #tpu.memory_space<vmem>> -> memref<1024xf32, #tpu.memory_space<vmem>>
      %dma_wait3A_368 = tpu.memref_slice %arg2[%dma_wait3A_361, %mul3A_29] : memref<32x500000xf32, #tpu.memory_space<hbm>> -> memref<1x1024xf32, #tpu.memory_space<hbm>>
      %dma_wait3A_369 = tpu.memref_squeeze %dma_wait3A_368 : memref<1x1024xf32, #tpu.memory_space<hbm>> -> memref<1024xf32, #tpu.memory_space<hbm>>
      tpu.wait_dma2 semaphore(%arg7 : memref<!tpu.dma_semaphore, #tpu.memory_space<semaphore_mem>>) src(%dma_wait3A_369 : memref<1024xf32, #tpu.memory_space<hbm>>) dst(%dma_wait3A_367 : memref<1024xf32, #tpu.memory_space<vmem>>)
      %dma_wait3A_370 = arith.constant 6 : i32
      %dma_wait3A_371 = arith.constant 6144 : i32
      %dma_wait3A_372 = tpu.memref_slice %arg5[%dma_wait3A_371] : memref<32768xf32, #tpu.memory_space<vmem>> -> memref<1024xf32, #tpu.memory_space<vmem>>
      %dma_wait3A_373 = tpu.memref_slice %arg2[%dma_wait3A_370, %mul3A_29] : memref<32x500000xf32, #tpu.memory_space<hbm>> -> memref<1x1024xf32, #tpu.memory_space<hbm>>
      %dma_wait3A_374 = tpu.memref_squeeze %dma_wait3A_373 : memref<1x1024xf32, #tpu.memory_space<hbm>> -> memref<1024xf32, #tpu.memory_space<hbm>>
      %dma_wait3A_375 = arith.constant 6144 : i32
      %dma_wait3A_376 = tpu.memref_slice %arg5[%dma_wait3A_375] : memref<32768xf32, #tpu.memory_space<vmem>> -> memref<1024xf32, #tpu.memory_space<vmem>>
      %dma_wait3A_377 = tpu.memref_slice %arg2[%dma_wait3A_370, %mul3A_29] : memref<32x500000xf32, #tpu.memory_space<hbm>> -> memref<1x1024xf32, #tpu.memory_space<hbm>>
      %dma_wait3A_378 = tpu.memref_squeeze %dma_wait3A_377 : memref<1x1024xf32, #tpu.memory_space<hbm>> -> memref<1024xf32, #tpu.memory_space<hbm>>
      tpu.wait_dma2 semaphore(%arg7 : memref<!tpu.dma_semaphore, #tpu.memory_space<semaphore_mem>>) src(%dma_wait3A_378 : memref<1024xf32, #tpu.memory_space<hbm>>) dst(%dma_wait3A_376 : memref<1024xf32, #tpu.memory_space<vmem>>)
      %dma_wait3A_379 = arith.constant 7 : i32
      %dma_wait3A_380 = arith.constant 7168 : i32
      %dma_wait3A_381 = tpu.memref_slice %arg5[%dma_wait3A_380] : memref<32768xf32, #tpu.memory_space<vmem>> -> memref<1024xf32, #tpu.memory_space<vmem>>
      %dma_wait3A_382 = tpu.memref_slice %arg2[%dma_wait3A_379, %mul3A_29] : memref<32x500000xf32, #tpu.memory_space<hbm>> -> memref<1x1024xf32, #tpu.memory_space<hbm>>
      %dma_wait3A_383 = tpu.memref_squeeze %dma_wait3A_382 : memref<1x1024xf32, #tpu.memory_space<hbm>> -> memref<1024xf32, #tpu.memory_space<hbm>>
      %dma_wait3A_384 = arith.constant 7168 : i32
      %dma_wait3A_385 = tpu.memref_slice %arg5[%dma_wait3A_384] : memref<32768xf32, #tpu.memory_space<vmem>> -> memref<1024xf32, #tpu.memory_space<vmem>>
      %dma_wait3A_386 = tpu.memref_slice %arg2[%dma_wait3A_379, %mul3A_29] : memref<32x500000xf32, #tpu.memory_space<hbm>> -> memref<1x1024xf32, #tpu.memory_space<hbm>>
      %dma_wait3A_387 = tpu.memref_squeeze %dma_wait3A_386 : memref<1x1024xf32, #tpu.memory_space<hbm>> -> memref<1024xf32, #tpu.memory_space<hbm>>
      tpu.wait_dma2 semaphore(%arg7 : memref<!tpu.dma_semaphore, #tpu.memory_space<semaphore_mem>>) src(%dma_wait3A_387 : memref<1024xf32, #tpu.memory_space<hbm>>) dst(%dma_wait3A_385 : memref<1024xf32, #tpu.memory_space<vmem>>)
      %dma_wait3A_388 = arith.constant 8 : i32
      %dma_wait3A_389 = arith.constant 8192 : i32
      %dma_wait3A_390 = tpu.memref_slice %arg5[%dma_wait3A_389] : memref<32768xf32, #tpu.memory_space<vmem>> -> memref<1024xf32, #tpu.memory_space<vmem>>
      %dma_wait3A_391 = tpu.memref_slice %arg2[%dma_wait3A_388, %mul3A_29] : memref<32x500000xf32, #tpu.memory_space<hbm>> -> memref<1x1024xf32, #tpu.memory_space<hbm>>
      %dma_wait3A_392 = tpu.memref_squeeze %dma_wait3A_391 : memref<1x1024xf32, #tpu.memory_space<hbm>> -> memref<1024xf32, #tpu.memory_space<hbm>>
      %dma_wait3A_393 = arith.constant 8192 : i32
      %dma_wait3A_394 = tpu.memref_slice %arg5[%dma_wait3A_393] : memref<32768xf32, #tpu.memory_space<vmem>> -> memref<1024xf32, #tpu.memory_space<vmem>>
      %dma_wait3A_395 = tpu.memref_slice %arg2[%dma_wait3A_388, %mul3A_29] : memref<32x500000xf32, #tpu.memory_space<hbm>> -> memref<1x1024xf32, #tpu.memory_space<hbm>>
      %dma_wait3A_396 = tpu.memref_squeeze %dma_wait3A_395 : memref<1x1024xf32, #tpu.memory_space<hbm>> -> memref<1024xf32, #tpu.memory_space<hbm>>
      tpu.wait_dma2 semaphore(%arg7 : memref<!tpu.dma_semaphore, #tpu.memory_space<semaphore_mem>>) src(%dma_wait3A_396 : memref<1024xf32, #tpu.memory_space<hbm>>) dst(%dma_wait3A_394 : memref<1024xf32, #tpu.memory_space<vmem>>)
      %dma_wait3A_397 = arith.constant 9 : i32
      %dma_wait3A_398 = arith.constant 9216 : i32
      %dma_wait3A_399 = tpu.memref_slice %arg5[%dma_wait3A_398] : memref<32768xf32, #tpu.memory_space<vmem>> -> memref<1024xf32, #tpu.memory_space<vmem>>
      %dma_wait3A_400 = tpu.memref_slice %arg2[%dma_wait3A_397, %mul3A_29] : memref<32x500000xf32, #tpu.memory_space<hbm>> -> memref<1x1024xf32, #tpu.memory_space<hbm>>
      %dma_wait3A_401 = tpu.memref_squeeze %dma_wait3A_400 : memref<1x1024xf32, #tpu.memory_space<hbm>> -> memref<1024xf32, #tpu.memory_space<hbm>>
      %dma_wait3A_402 = arith.constant 9216 : i32
      %dma_wait3A_403 = tpu.memref_slice %arg5[%dma_wait3A_402] : memref<32768xf32, #tpu.memory_space<vmem>> -> memref<1024xf32, #tpu.memory_space<vmem>>
      %dma_wait3A_404 = tpu.memref_slice %arg2[%dma_wait3A_397, %mul3A_29] : memref<32x500000xf32, #tpu.memory_space<hbm>> -> memref<1x1024xf32, #tpu.memory_space<hbm>>
      %dma_wait3A_405 = tpu.memref_squeeze %dma_wait3A_404 : memref<1x1024xf32, #tpu.memory_space<hbm>> -> memref<1024xf32, #tpu.memory_space<hbm>>
      tpu.wait_dma2 semaphore(%arg7 : memref<!tpu.dma_semaphore, #tpu.memory_space<semaphore_mem>>) src(%dma_wait3A_405 : memref<1024xf32, #tpu.memory_space<hbm>>) dst(%dma_wait3A_403 : memref<1024xf32, #tpu.memory_space<vmem>>)
      %dma_wait3A_406 = arith.constant 10 : i32
      %dma_wait3A_407 = arith.constant 10240 : i32
      %dma_wait3A_408 = tpu.memref_slice %arg5[%dma_wait3A_407] : memref<32768xf32, #tpu.memory_space<vmem>> -> memref<1024xf32, #tpu.memory_space<vmem>>
      %dma_wait3A_409 = tpu.memref_slice %arg2[%dma_wait3A_406, %mul3A_29] : memref<32x500000xf32, #tpu.memory_space<hbm>> -> memref<1x1024xf32, #tpu.memory_space<hbm>>
      %dma_wait3A_410 = tpu.memref_squeeze %dma_wait3A_409 : memref<1x1024xf32, #tpu.memory_space<hbm>> -> memref<1024xf32, #tpu.memory_space<hbm>>
      %dma_wait3A_411 = arith.constant 10240 : i32
      %dma_wait3A_412 = tpu.memref_slice %arg5[%dma_wait3A_411] : memref<32768xf32, #tpu.memory_space<vmem>> -> memref<1024xf32, #tpu.memory_space<vmem>>
      %dma_wait3A_413 = tpu.memref_slice %arg2[%dma_wait3A_406, %mul3A_29] : memref<32x500000xf32, #tpu.memory_space<hbm>> -> memref<1x1024xf32, #tpu.memory_space<hbm>>
      %dma_wait3A_414 = tpu.memref_squeeze %dma_wait3A_413 : memref<1x1024xf32, #tpu.memory_space<hbm>> -> memref<1024xf32, #tpu.memory_space<hbm>>
      tpu.wait_dma2 semaphore(%arg7 : memref<!tpu.dma_semaphore, #tpu.memory_space<semaphore_mem>>) src(%dma_wait3A_414 : memref<1024xf32, #tpu.memory_space<hbm>>) dst(%dma_wait3A_412 : memref<1024xf32, #tpu.memory_space<vmem>>)
      %dma_wait3A_415 = arith.constant 11 : i32
      %dma_wait3A_416 = arith.constant 11264 : i32
      %dma_wait3A_417 = tpu.memref_slice %arg5[%dma_wait3A_416] : memref<32768xf32, #tpu.memory_space<vmem>> -> memref<1024xf32, #tpu.memory_space<vmem>>
      %dma_wait3A_418 = tpu.memref_slice %arg2[%dma_wait3A_415, %mul3A_29] : memref<32x500000xf32, #tpu.memory_space<hbm>> -> memref<1x1024xf32, #tpu.memory_space<hbm>>
      %dma_wait3A_419 = tpu.memref_squeeze %dma_wait3A_418 : memref<1x1024xf32, #tpu.memory_space<hbm>> -> memref<1024xf32, #tpu.memory_space<hbm>>
      %dma_wait3A_420 = arith.constant 11264 : i32
      %dma_wait3A_421 = tpu.memref_slice %arg5[%dma_wait3A_420] : memref<32768xf32, #tpu.memory_space<vmem>> -> memref<1024xf32, #tpu.memory_space<vmem>>
      %dma_wait3A_422 = tpu.memref_slice %arg2[%dma_wait3A_415, %mul3A_29] : memref<32x500000xf32, #tpu.memory_space<hbm>> -> memref<1x1024xf32, #tpu.memory_space<hbm>>
      %dma_wait3A_423 = tpu.memref_squeeze %dma_wait3A_422 : memref<1x1024xf32, #tpu.memory_space<hbm>> -> memref<1024xf32, #tpu.memory_space<hbm>>
      tpu.wait_dma2 semaphore(%arg7 : memref<!tpu.dma_semaphore, #tpu.memory_space<semaphore_mem>>) src(%dma_wait3A_423 : memref<1024xf32, #tpu.memory_space<hbm>>) dst(%dma_wait3A_421 : memref<1024xf32, #tpu.memory_space<vmem>>)
      %dma_wait3A_424 = arith.constant 12 : i32
      %dma_wait3A_425 = arith.constant 12288 : i32
      %dma_wait3A_426 = tpu.memref_slice %arg5[%dma_wait3A_425] : memref<32768xf32, #tpu.memory_space<vmem>> -> memref<1024xf32, #tpu.memory_space<vmem>>
      %dma_wait3A_427 = tpu.memref_slice %arg2[%dma_wait3A_424, %mul3A_29] : memref<32x500000xf32, #tpu.memory_space<hbm>> -> memref<1x1024xf32, #tpu.memory_space<hbm>>
      %dma_wait3A_428 = tpu.memref_squeeze %dma_wait3A_427 : memref<1x1024xf32, #tpu.memory_space<hbm>> -> memref<1024xf32, #tpu.memory_space<hbm>>
      %dma_wait3A_429 = arith.constant 12288 : i32
      %dma_wait3A_430 = tpu.memref_slice %arg5[%dma_wait3A_429] : memref<32768xf32, #tpu.memory_space<vmem>> -> memref<1024xf32, #tpu.memory_space<vmem>>
      %dma_wait3A_431 = tpu.memref_slice %arg2[%dma_wait3A_424, %mul3A_29] : memref<32x500000xf32, #tpu.memory_space<hbm>> -> memref<1x1024xf32, #tpu.memory_space<hbm>>
      %dma_wait3A_432 = tpu.memref_squeeze %dma_wait3A_431 : memref<1x1024xf32, #tpu.memory_space<hbm>> -> memref<1024xf32, #tpu.memory_space<hbm>>
      tpu.wait_dma2 semaphore(%arg7 : memref<!tpu.dma_semaphore, #tpu.memory_space<semaphore_mem>>) src(%dma_wait3A_432 : memref<1024xf32, #tpu.memory_space<hbm>>) dst(%dma_wait3A_430 : memref<1024xf32, #tpu.memory_space<vmem>>)
      %dma_wait3A_433 = arith.constant 13 : i32
      %dma_wait3A_434 = arith.constant 13312 : i32
      %dma_wait3A_435 = tpu.memref_slice %arg5[%dma_wait3A_434] : memref<32768xf32, #tpu.memory_space<vmem>> -> memref<1024xf32, #tpu.memory_space<vmem>>
      %dma_wait3A_436 = tpu.memref_slice %arg2[%dma_wait3A_433, %mul3A_29] : memref<32x500000xf32, #tpu.memory_space<hbm>> -> memref<1x1024xf32, #tpu.memory_space<hbm>>
      %dma_wait3A_437 = tpu.memref_squeeze %dma_wait3A_436 : memref<1x1024xf32, #tpu.memory_space<hbm>> -> memref<1024xf32, #tpu.memory_space<hbm>>
      %dma_wait3A_438 = arith.constant 13312 : i32
      %dma_wait3A_439 = tpu.memref_slice %arg5[%dma_wait3A_438] : memref<32768xf32, #tpu.memory_space<vmem>> -> memref<1024xf32, #tpu.memory_space<vmem>>
      %dma_wait3A_440 = tpu.memref_slice %arg2[%dma_wait3A_433, %mul3A_29] : memref<32x500000xf32, #tpu.memory_space<hbm>> -> memref<1x1024xf32, #tpu.memory_space<hbm>>
      %dma_wait3A_441 = tpu.memref_squeeze %dma_wait3A_440 : memref<1x1024xf32, #tpu.memory_space<hbm>> -> memref<1024xf32, #tpu.memory_space<hbm>>
      tpu.wait_dma2 semaphore(%arg7 : memref<!tpu.dma_semaphore, #tpu.memory_space<semaphore_mem>>) src(%dma_wait3A_441 : memref<1024xf32, #tpu.memory_space<hbm>>) dst(%dma_wait3A_439 : memref<1024xf32, #tpu.memory_space<vmem>>)
      %dma_wait3A_442 = arith.constant 14 : i32
      %dma_wait3A_443 = arith.constant 14336 : i32
      %dma_wait3A_444 = tpu.memref_slice %arg5[%dma_wait3A_443] : memref<32768xf32, #tpu.memory_space<vmem>> -> memref<1024xf32, #tpu.memory_space<vmem>>
      %dma_wait3A_445 = tpu.memref_slice %arg2[%dma_wait3A_442, %mul3A_29] : memref<32x500000xf32, #tpu.memory_space<hbm>> -> memref<1x1024xf32, #tpu.memory_space<hbm>>
      %dma_wait3A_446 = tpu.memref_squeeze %dma_wait3A_445 : memref<1x1024xf32, #tpu.memory_space<hbm>> -> memref<1024xf32, #tpu.memory_space<hbm>>
      %dma_wait3A_447 = arith.constant 14336 : i32
      %dma_wait3A_448 = tpu.memref_slice %arg5[%dma_wait3A_447] : memref<32768xf32, #tpu.memory_space<vmem>> -> memref<1024xf32, #tpu.memory_space<vmem>>
      %dma_wait3A_449 = tpu.memref_slice %arg2[%dma_wait3A_442, %mul3A_29] : memref<32x500000xf32, #tpu.memory_space<hbm>> -> memref<1x1024xf32, #tpu.memory_space<hbm>>
      %dma_wait3A_450 = tpu.memref_squeeze %dma_wait3A_449 : memref<1x1024xf32, #tpu.memory_space<hbm>> -> memref<1024xf32, #tpu.memory_space<hbm>>
      tpu.wait_dma2 semaphore(%arg7 : memref<!tpu.dma_semaphore, #tpu.memory_space<semaphore_mem>>) src(%dma_wait3A_450 : memref<1024xf32, #tpu.memory_space<hbm>>) dst(%dma_wait3A_448 : memref<1024xf32, #tpu.memory_space<vmem>>)
      %dma_wait3A_451 = arith.constant 15 : i32
      %dma_wait3A_452 = arith.constant 15360 : i32
      %dma_wait3A_453 = tpu.memref_slice %arg5[%dma_wait3A_452] : memref<32768xf32, #tpu.memory_space<vmem>> -> memref<1024xf32, #tpu.memory_space<vmem>>
      %dma_wait3A_454 = tpu.memref_slice %arg2[%dma_wait3A_451, %mul3A_29] : memref<32x500000xf32, #tpu.memory_space<hbm>> -> memref<1x1024xf32, #tpu.memory_space<hbm>>
      %dma_wait3A_455 = tpu.memref_squeeze %dma_wait3A_454 : memref<1x1024xf32, #tpu.memory_space<hbm>> -> memref<1024xf32, #tpu.memory_space<hbm>>
      %dma_wait3A_456 = arith.constant 15360 : i32
      %dma_wait3A_457 = tpu.memref_slice %arg5[%dma_wait3A_456] : memref<32768xf32, #tpu.memory_space<vmem>> -> memref<1024xf32, #tpu.memory_space<vmem>>
      %dma_wait3A_458 = tpu.memref_slice %arg2[%dma_wait3A_451, %mul3A_29] : memref<32x500000xf32, #tpu.memory_space<hbm>> -> memref<1x1024xf32, #tpu.memory_space<hbm>>
      %dma_wait3A_459 = tpu.memref_squeeze %dma_wait3A_458 : memref<1x1024xf32, #tpu.memory_space<hbm>> -> memref<1024xf32, #tpu.memory_space<hbm>>
      tpu.wait_dma2 semaphore(%arg7 : memref<!tpu.dma_semaphore, #tpu.memory_space<semaphore_mem>>) src(%dma_wait3A_459 : memref<1024xf32, #tpu.memory_space<hbm>>) dst(%dma_wait3A_457 : memref<1024xf32, #tpu.memory_space<vmem>>)
      %dma_wait3A_460 = arith.constant 16 : i32
      %dma_wait3A_461 = arith.constant 16384 : i32
      %dma_wait3A_462 = tpu.memref_slice %arg5[%dma_wait3A_461] : memref<32768xf32, #tpu.memory_space<vmem>> -> memref<1024xf32, #tpu.memory_space<vmem>>
      %dma_wait3A_463 = tpu.memref_slice %arg2[%dma_wait3A_460, %mul3A_29] : memref<32x500000xf32, #tpu.memory_space<hbm>> -> memref<1x1024xf32, #tpu.memory_space<hbm>>
      %dma_wait3A_464 = tpu.memref_squeeze %dma_wait3A_463 : memref<1x1024xf32, #tpu.memory_space<hbm>> -> memref<1024xf32, #tpu.memory_space<hbm>>
      %dma_wait3A_465 = arith.constant 16384 : i32
      %dma_wait3A_466 = tpu.memref_slice %arg5[%dma_wait3A_465] : memref<32768xf32, #tpu.memory_space<vmem>> -> memref<1024xf32, #tpu.memory_space<vmem>>
      %dma_wait3A_467 = tpu.memref_slice %arg2[%dma_wait3A_460, %mul3A_29] : memref<32x500000xf32, #tpu.memory_space<hbm>> -> memref<1x1024xf32, #tpu.memory_space<hbm>>
      %dma_wait3A_468 = tpu.memref_squeeze %dma_wait3A_467 : memref<1x1024xf32, #tpu.memory_space<hbm>> -> memref<1024xf32, #tpu.memory_space<hbm>>
      tpu.wait_dma2 semaphore(%arg7 : memref<!tpu.dma_semaphore, #tpu.memory_space<semaphore_mem>>) src(%dma_wait3A_468 : memref<1024xf32, #tpu.memory_space<hbm>>) dst(%dma_wait3A_466 : memref<1024xf32, #tpu.memory_space<vmem>>)
      %dma_wait3A_469 = arith.constant 17 : i32
      %dma_wait3A_470 = arith.constant 17408 : i32
      %dma_wait3A_471 = tpu.memref_slice %arg5[%dma_wait3A_470] : memref<32768xf32, #tpu.memory_space<vmem>> -> memref<1024xf32, #tpu.memory_space<vmem>>
      %dma_wait3A_472 = tpu.memref_slice %arg2[%dma_wait3A_469, %mul3A_29] : memref<32x500000xf32, #tpu.memory_space<hbm>> -> memref<1x1024xf32, #tpu.memory_space<hbm>>
      %dma_wait3A_473 = tpu.memref_squeeze %dma_wait3A_472 : memref<1x1024xf32, #tpu.memory_space<hbm>> -> memref<1024xf32, #tpu.memory_space<hbm>>
      %dma_wait3A_474 = arith.constant 17408 : i32
      %dma_wait3A_475 = tpu.memref_slice %arg5[%dma_wait3A_474] : memref<32768xf32, #tpu.memory_space<vmem>> -> memref<1024xf32, #tpu.memory_space<vmem>>
      %dma_wait3A_476 = tpu.memref_slice %arg2[%dma_wait3A_469, %mul3A_29] : memref<32x500000xf32, #tpu.memory_space<hbm>> -> memref<1x1024xf32, #tpu.memory_space<hbm>>
      %dma_wait3A_477 = tpu.memref_squeeze %dma_wait3A_476 : memref<1x1024xf32, #tpu.memory_space<hbm>> -> memref<1024xf32, #tpu.memory_space<hbm>>
      tpu.wait_dma2 semaphore(%arg7 : memref<!tpu.dma_semaphore, #tpu.memory_space<semaphore_mem>>) src(%dma_wait3A_477 : memref<1024xf32, #tpu.memory_space<hbm>>) dst(%dma_wait3A_475 : memref<1024xf32, #tpu.memory_space<vmem>>)
      %dma_wait3A_478 = arith.constant 18 : i32
      %dma_wait3A_479 = arith.constant 18432 : i32
      %dma_wait3A_480 = tpu.memref_slice %arg5[%dma_wait3A_479] : memref<32768xf32, #tpu.memory_space<vmem>> -> memref<1024xf32, #tpu.memory_space<vmem>>
      %dma_wait3A_481 = tpu.memref_slice %arg2[%dma_wait3A_478, %mul3A_29] : memref<32x500000xf32, #tpu.memory_space<hbm>> -> memref<1x1024xf32, #tpu.memory_space<hbm>>
      %dma_wait3A_482 = tpu.memref_squeeze %dma_wait3A_481 : memref<1x1024xf32, #tpu.memory_space<hbm>> -> memref<1024xf32, #tpu.memory_space<hbm>>
      %dma_wait3A_483 = arith.constant 18432 : i32
      %dma_wait3A_484 = tpu.memref_slice %arg5[%dma_wait3A_483] : memref<32768xf32, #tpu.memory_space<vmem>> -> memref<1024xf32, #tpu.memory_space<vmem>>
      %dma_wait3A_485 = tpu.memref_slice %arg2[%dma_wait3A_478, %mul3A_29] : memref<32x500000xf32, #tpu.memory_space<hbm>> -> memref<1x1024xf32, #tpu.memory_space<hbm>>
      %dma_wait3A_486 = tpu.memref_squeeze %dma_wait3A_485 : memref<1x1024xf32, #tpu.memory_space<hbm>> -> memref<1024xf32, #tpu.memory_space<hbm>>
      tpu.wait_dma2 semaphore(%arg7 : memref<!tpu.dma_semaphore, #tpu.memory_space<semaphore_mem>>) src(%dma_wait3A_486 : memref<1024xf32, #tpu.memory_space<hbm>>) dst(%dma_wait3A_484 : memref<1024xf32, #tpu.memory_space<vmem>>)
      %dma_wait3A_487 = arith.constant 19 : i32
      %dma_wait3A_488 = arith.constant 19456 : i32
      %dma_wait3A_489 = tpu.memref_slice %arg5[%dma_wait3A_488] : memref<32768xf32, #tpu.memory_space<vmem>> -> memref<1024xf32, #tpu.memory_space<vmem>>
      %dma_wait3A_490 = tpu.memref_slice %arg2[%dma_wait3A_487, %mul3A_29] : memref<32x500000xf32, #tpu.memory_space<hbm>> -> memref<1x1024xf32, #tpu.memory_space<hbm>>
      %dma_wait3A_491 = tpu.memref_squeeze %dma_wait3A_490 : memref<1x1024xf32, #tpu.memory_space<hbm>> -> memref<1024xf32, #tpu.memory_space<hbm>>
      %dma_wait3A_492 = arith.constant 19456 : i32
      %dma_wait3A_493 = tpu.memref_slice %arg5[%dma_wait3A_492] : memref<32768xf32, #tpu.memory_space<vmem>> -> memref<1024xf32, #tpu.memory_space<vmem>>
      %dma_wait3A_494 = tpu.memref_slice %arg2[%dma_wait3A_487, %mul3A_29] : memref<32x500000xf32, #tpu.memory_space<hbm>> -> memref<1x1024xf32, #tpu.memory_space<hbm>>
      %dma_wait3A_495 = tpu.memref_squeeze %dma_wait3A_494 : memref<1x1024xf32, #tpu.memory_space<hbm>> -> memref<1024xf32, #tpu.memory_space<hbm>>
      tpu.wait_dma2 semaphore(%arg7 : memref<!tpu.dma_semaphore, #tpu.memory_space<semaphore_mem>>) src(%dma_wait3A_495 : memref<1024xf32, #tpu.memory_space<hbm>>) dst(%dma_wait3A_493 : memref<1024xf32, #tpu.memory_space<vmem>>)
      %dma_wait3A_496 = arith.constant 20 : i32
      %dma_wait3A_497 = arith.constant 20480 : i32
      %dma_wait3A_498 = tpu.memref_slice %arg5[%dma_wait3A_497] : memref<32768xf32, #tpu.memory_space<vmem>> -> memref<1024xf32, #tpu.memory_space<vmem>>
      %dma_wait3A_499 = tpu.memref_slice %arg2[%dma_wait3A_496, %mul3A_29] : memref<32x500000xf32, #tpu.memory_space<hbm>> -> memref<1x1024xf32, #tpu.memory_space<hbm>>
      %dma_wait3A_500 = tpu.memref_squeeze %dma_wait3A_499 : memref<1x1024xf32, #tpu.memory_space<hbm>> -> memref<1024xf32, #tpu.memory_space<hbm>>
      %dma_wait3A_501 = arith.constant 20480 : i32
      %dma_wait3A_502 = tpu.memref_slice %arg5[%dma_wait3A_501] : memref<32768xf32, #tpu.memory_space<vmem>> -> memref<1024xf32, #tpu.memory_space<vmem>>
      %dma_wait3A_503 = tpu.memref_slice %arg2[%dma_wait3A_496, %mul3A_29] : memref<32x500000xf32, #tpu.memory_space<hbm>> -> memref<1x1024xf32, #tpu.memory_space<hbm>>
      %dma_wait3A_504 = tpu.memref_squeeze %dma_wait3A_503 : memref<1x1024xf32, #tpu.memory_space<hbm>> -> memref<1024xf32, #tpu.memory_space<hbm>>
      tpu.wait_dma2 semaphore(%arg7 : memref<!tpu.dma_semaphore, #tpu.memory_space<semaphore_mem>>) src(%dma_wait3A_504 : memref<1024xf32, #tpu.memory_space<hbm>>) dst(%dma_wait3A_502 : memref<1024xf32, #tpu.memory_space<vmem>>)
      %dma_wait3A_505 = arith.constant 21 : i32
      %dma_wait3A_506 = arith.constant 21504 : i32
      %dma_wait3A_507 = tpu.memref_slice %arg5[%dma_wait3A_506] : memref<32768xf32, #tpu.memory_space<vmem>> -> memref<1024xf32, #tpu.memory_space<vmem>>
      %dma_wait3A_508 = tpu.memref_slice %arg2[%dma_wait3A_505, %mul3A_29] : memref<32x500000xf32, #tpu.memory_space<hbm>> -> memref<1x1024xf32, #tpu.memory_space<hbm>>
      %dma_wait3A_509 = tpu.memref_squeeze %dma_wait3A_508 : memref<1x1024xf32, #tpu.memory_space<hbm>> -> memref<1024xf32, #tpu.memory_space<hbm>>
      %dma_wait3A_510 = arith.constant 21504 : i32
      %dma_wait3A_511 = tpu.memref_slice %arg5[%dma_wait3A_510] : memref<32768xf32, #tpu.memory_space<vmem>> -> memref<1024xf32, #tpu.memory_space<vmem>>
      %dma_wait3A_512 = tpu.memref_slice %arg2[%dma_wait3A_505, %mul3A_29] : memref<32x500000xf32, #tpu.memory_space<hbm>> -> memref<1x1024xf32, #tpu.memory_space<hbm>>
      %dma_wait3A_513 = tpu.memref_squeeze %dma_wait3A_512 : memref<1x1024xf32, #tpu.memory_space<hbm>> -> memref<1024xf32, #tpu.memory_space<hbm>>
      tpu.wait_dma2 semaphore(%arg7 : memref<!tpu.dma_semaphore, #tpu.memory_space<semaphore_mem>>) src(%dma_wait3A_513 : memref<1024xf32, #tpu.memory_space<hbm>>) dst(%dma_wait3A_511 : memref<1024xf32, #tpu.memory_space<vmem>>)
      %dma_wait3A_514 = arith.constant 22 : i32
      %dma_wait3A_515 = arith.constant 22528 : i32
      %dma_wait3A_516 = tpu.memref_slice %arg5[%dma_wait3A_515] : memref<32768xf32, #tpu.memory_space<vmem>> -> memref<1024xf32, #tpu.memory_space<vmem>>
      %dma_wait3A_517 = tpu.memref_slice %arg2[%dma_wait3A_514, %mul3A_29] : memref<32x500000xf32, #tpu.memory_space<hbm>> -> memref<1x1024xf32, #tpu.memory_space<hbm>>
      %dma_wait3A_518 = tpu.memref_squeeze %dma_wait3A_517 : memref<1x1024xf32, #tpu.memory_space<hbm>> -> memref<1024xf32, #tpu.memory_space<hbm>>
      %dma_wait3A_519 = arith.constant 22528 : i32
      %dma_wait3A_520 = tpu.memref_slice %arg5[%dma_wait3A_519] : memref<32768xf32, #tpu.memory_space<vmem>> -> memref<1024xf32, #tpu.memory_space<vmem>>
      %dma_wait3A_521 = tpu.memref_slice %arg2[%dma_wait3A_514, %mul3A_29] : memref<32x500000xf32, #tpu.memory_space<hbm>> -> memref<1x1024xf32, #tpu.memory_space<hbm>>
      %dma_wait3A_522 = tpu.memref_squeeze %dma_wait3A_521 : memref<1x1024xf32, #tpu.memory_space<hbm>> -> memref<1024xf32, #tpu.memory_space<hbm>>
      tpu.wait_dma2 semaphore(%arg7 : memref<!tpu.dma_semaphore, #tpu.memory_space<semaphore_mem>>) src(%dma_wait3A_522 : memref<1024xf32, #tpu.memory_space<hbm>>) dst(%dma_wait3A_520 : memref<1024xf32, #tpu.memory_space<vmem>>)
      %dma_wait3A_523 = arith.constant 23 : i32
      %dma_wait3A_524 = arith.constant 23552 : i32
      %dma_wait3A_525 = tpu.memref_slice %arg5[%dma_wait3A_524] : memref<32768xf32, #tpu.memory_space<vmem>> -> memref<1024xf32, #tpu.memory_space<vmem>>
      %dma_wait3A_526 = tpu.memref_slice %arg2[%dma_wait3A_523, %mul3A_29] : memref<32x500000xf32, #tpu.memory_space<hbm>> -> memref<1x1024xf32, #tpu.memory_space<hbm>>
      %dma_wait3A_527 = tpu.memref_squeeze %dma_wait3A_526 : memref<1x1024xf32, #tpu.memory_space<hbm>> -> memref<1024xf32, #tpu.memory_space<hbm>>
      %dma_wait3A_528 = arith.constant 23552 : i32
      %dma_wait3A_529 = tpu.memref_slice %arg5[%dma_wait3A_528] : memref<32768xf32, #tpu.memory_space<vmem>> -> memref<1024xf32, #tpu.memory_space<vmem>>
      %dma_wait3A_530 = tpu.memref_slice %arg2[%dma_wait3A_523, %mul3A_29] : memref<32x500000xf32, #tpu.memory_space<hbm>> -> memref<1x1024xf32, #tpu.memory_space<hbm>>
      %dma_wait3A_531 = tpu.memref_squeeze %dma_wait3A_530 : memref<1x1024xf32, #tpu.memory_space<hbm>> -> memref<1024xf32, #tpu.memory_space<hbm>>
      tpu.wait_dma2 semaphore(%arg7 : memref<!tpu.dma_semaphore, #tpu.memory_space<semaphore_mem>>) src(%dma_wait3A_531 : memref<1024xf32, #tpu.memory_space<hbm>>) dst(%dma_wait3A_529 : memref<1024xf32, #tpu.memory_space<vmem>>)
      %dma_wait3A_532 = arith.constant 24 : i32
      %dma_wait3A_533 = arith.constant 24576 : i32
      %dma_wait3A_534 = tpu.memref_slice %arg5[%dma_wait3A_533] : memref<32768xf32, #tpu.memory_space<vmem>> -> memref<1024xf32, #tpu.memory_space<vmem>>
      %dma_wait3A_535 = tpu.memref_slice %arg2[%dma_wait3A_532, %mul3A_29] : memref<32x500000xf32, #tpu.memory_space<hbm>> -> memref<1x1024xf32, #tpu.memory_space<hbm>>
      %dma_wait3A_536 = tpu.memref_squeeze %dma_wait3A_535 : memref<1x1024xf32, #tpu.memory_space<hbm>> -> memref<1024xf32, #tpu.memory_space<hbm>>
      %dma_wait3A_537 = arith.constant 24576 : i32
      %dma_wait3A_538 = tpu.memref_slice %arg5[%dma_wait3A_537] : memref<32768xf32, #tpu.memory_space<vmem>> -> memref<1024xf32, #tpu.memory_space<vmem>>
      %dma_wait3A_539 = tpu.memref_slice %arg2[%dma_wait3A_532, %mul3A_29] : memref<32x500000xf32, #tpu.memory_space<hbm>> -> memref<1x1024xf32, #tpu.memory_space<hbm>>
      %dma_wait3A_540 = tpu.memref_squeeze %dma_wait3A_539 : memref<1x1024xf32, #tpu.memory_space<hbm>> -> memref<1024xf32, #tpu.memory_space<hbm>>
      tpu.wait_dma2 semaphore(%arg7 : memref<!tpu.dma_semaphore, #tpu.memory_space<semaphore_mem>>) src(%dma_wait3A_540 : memref<1024xf32, #tpu.memory_space<hbm>>) dst(%dma_wait3A_538 : memref<1024xf32, #tpu.memory_space<vmem>>)
      %dma_wait3A_541 = arith.constant 25 : i32
      %dma_wait3A_542 = arith.constant 25600 : i32
      %dma_wait3A_543 = tpu.memref_slice %arg5[%dma_wait3A_542] : memref<32768xf32, #tpu.memory_space<vmem>> -> memref<1024xf32, #tpu.memory_space<vmem>>
      %dma_wait3A_544 = tpu.memref_slice %arg2[%dma_wait3A_541, %mul3A_29] : memref<32x500000xf32, #tpu.memory_space<hbm>> -> memref<1x1024xf32, #tpu.memory_space<hbm>>
      %dma_wait3A_545 = tpu.memref_squeeze %dma_wait3A_544 : memref<1x1024xf32, #tpu.memory_space<hbm>> -> memref<1024xf32, #tpu.memory_space<hbm>>
      %dma_wait3A_546 = arith.constant 25600 : i32
      %dma_wait3A_547 = tpu.memref_slice %arg5[%dma_wait3A_546] : memref<32768xf32, #tpu.memory_space<vmem>> -> memref<1024xf32, #tpu.memory_space<vmem>>
      %dma_wait3A_548 = tpu.memref_slice %arg2[%dma_wait3A_541, %mul3A_29] : memref<32x500000xf32, #tpu.memory_space<hbm>> -> memref<1x1024xf32, #tpu.memory_space<hbm>>
      %dma_wait3A_549 = tpu.memref_squeeze %dma_wait3A_548 : memref<1x1024xf32, #tpu.memory_space<hbm>> -> memref<1024xf32, #tpu.memory_space<hbm>>
      tpu.wait_dma2 semaphore(%arg7 : memref<!tpu.dma_semaphore, #tpu.memory_space<semaphore_mem>>) src(%dma_wait3A_549 : memref<1024xf32, #tpu.memory_space<hbm>>) dst(%dma_wait3A_547 : memref<1024xf32, #tpu.memory_space<vmem>>)
      %dma_wait3A_550 = arith.constant 26 : i32
      %dma_wait3A_551 = arith.constant 26624 : i32
      %dma_wait3A_552 = tpu.memref_slice %arg5[%dma_wait3A_551] : memref<32768xf32, #tpu.memory_space<vmem>> -> memref<1024xf32, #tpu.memory_space<vmem>>
      %dma_wait3A_553 = tpu.memref_slice %arg2[%dma_wait3A_550, %mul3A_29] : memref<32x500000xf32, #tpu.memory_space<hbm>> -> memref<1x1024xf32, #tpu.memory_space<hbm>>
      %dma_wait3A_554 = tpu.memref_squeeze %dma_wait3A_553 : memref<1x1024xf32, #tpu.memory_space<hbm>> -> memref<1024xf32, #tpu.memory_space<hbm>>
      %dma_wait3A_555 = arith.constant 26624 : i32
      %dma_wait3A_556 = tpu.memref_slice %arg5[%dma_wait3A_555] : memref<32768xf32, #tpu.memory_space<vmem>> -> memref<1024xf32, #tpu.memory_space<vmem>>
      %dma_wait3A_557 = tpu.memref_slice %arg2[%dma_wait3A_550, %mul3A_29] : memref<32x500000xf32, #tpu.memory_space<hbm>> -> memref<1x1024xf32, #tpu.memory_space<hbm>>
      %dma_wait3A_558 = tpu.memref_squeeze %dma_wait3A_557 : memref<1x1024xf32, #tpu.memory_space<hbm>> -> memref<1024xf32, #tpu.memory_space<hbm>>
      tpu.wait_dma2 semaphore(%arg7 : memref<!tpu.dma_semaphore, #tpu.memory_space<semaphore_mem>>) src(%dma_wait3A_558 : memref<1024xf32, #tpu.memory_space<hbm>>) dst(%dma_wait3A_556 : memref<1024xf32, #tpu.memory_space<vmem>>)
      %dma_wait3A_559 = arith.constant 27 : i32
      %dma_wait3A_560 = arith.constant 27648 : i32
      %dma_wait3A_561 = tpu.memref_slice %arg5[%dma_wait3A_560] : memref<32768xf32, #tpu.memory_space<vmem>> -> memref<1024xf32, #tpu.memory_space<vmem>>
      %dma_wait3A_562 = tpu.memref_slice %arg2[%dma_wait3A_559, %mul3A_29] : memref<32x500000xf32, #tpu.memory_space<hbm>> -> memref<1x1024xf32, #tpu.memory_space<hbm>>
      %dma_wait3A_563 = tpu.memref_squeeze %dma_wait3A_562 : memref<1x1024xf32, #tpu.memory_space<hbm>> -> memref<1024xf32, #tpu.memory_space<hbm>>
      %dma_wait3A_564 = arith.constant 27648 : i32
      %dma_wait3A_565 = tpu.memref_slice %arg5[%dma_wait3A_564] : memref<32768xf32, #tpu.memory_space<vmem>> -> memref<1024xf32, #tpu.memory_space<vmem>>
      %dma_wait3A_566 = tpu.memref_slice %arg2[%dma_wait3A_559, %mul3A_29] : memref<32x500000xf32, #tpu.memory_space<hbm>> -> memref<1x1024xf32, #tpu.memory_space<hbm>>
      %dma_wait3A_567 = tpu.memref_squeeze %dma_wait3A_566 : memref<1x1024xf32, #tpu.memory_space<hbm>> -> memref<1024xf32, #tpu.memory_space<hbm>>
      tpu.wait_dma2 semaphore(%arg7 : memref<!tpu.dma_semaphore, #tpu.memory_space<semaphore_mem>>) src(%dma_wait3A_567 : memref<1024xf32, #tpu.memory_space<hbm>>) dst(%dma_wait3A_565 : memref<1024xf32, #tpu.memory_space<vmem>>)
      %dma_wait3A_568 = arith.constant 28 : i32
      %dma_wait3A_569 = arith.constant 28672 : i32
      %dma_wait3A_570 = tpu.memref_slice %arg5[%dma_wait3A_569] : memref<32768xf32, #tpu.memory_space<vmem>> -> memref<1024xf32, #tpu.memory_space<vmem>>
      %dma_wait3A_571 = tpu.memref_slice %arg2[%dma_wait3A_568, %mul3A_29] : memref<32x500000xf32, #tpu.memory_space<hbm>> -> memref<1x1024xf32, #tpu.memory_space<hbm>>
      %dma_wait3A_572 = tpu.memref_squeeze %dma_wait3A_571 : memref<1x1024xf32, #tpu.memory_space<hbm>> -> memref<1024xf32, #tpu.memory_space<hbm>>
      %dma_wait3A_573 = arith.constant 28672 : i32
      %dma_wait3A_574 = tpu.memref_slice %arg5[%dma_wait3A_573] : memref<32768xf32, #tpu.memory_space<vmem>> -> memref<1024xf32, #tpu.memory_space<vmem>>
      %dma_wait3A_575 = tpu.memref_slice %arg2[%dma_wait3A_568, %mul3A_29] : memref<32x500000xf32, #tpu.memory_space<hbm>> -> memref<1x1024xf32, #tpu.memory_space<hbm>>
      %dma_wait3A_576 = tpu.memref_squeeze %dma_wait3A_575 : memref<1x1024xf32, #tpu.memory_space<hbm>> -> memref<1024xf32, #tpu.memory_space<hbm>>
      tpu.wait_dma2 semaphore(%arg7 : memref<!tpu.dma_semaphore, #tpu.memory_space<semaphore_mem>>) src(%dma_wait3A_576 : memref<1024xf32, #tpu.memory_space<hbm>>) dst(%dma_wait3A_574 : memref<1024xf32, #tpu.memory_space<vmem>>)
      %dma_wait3A_577 = arith.constant 29 : i32
      %dma_wait3A_578 = arith.constant 29696 : i32
      %dma_wait3A_579 = tpu.memref_slice %arg5[%dma_wait3A_578] : memref<32768xf32, #tpu.memory_space<vmem>> -> memref<1024xf32, #tpu.memory_space<vmem>>
      %dma_wait3A_580 = tpu.memref_slice %arg2[%dma_wait3A_577, %mul3A_29] : memref<32x500000xf32, #tpu.memory_space<hbm>> -> memref<1x1024xf32, #tpu.memory_space<hbm>>
      %dma_wait3A_581 = tpu.memref_squeeze %dma_wait3A_580 : memref<1x1024xf32, #tpu.memory_space<hbm>> -> memref<1024xf32, #tpu.memory_space<hbm>>
      %dma_wait3A_582 = arith.constant 29696 : i32
      %dma_wait3A_583 = tpu.memref_slice %arg5[%dma_wait3A_582] : memref<32768xf32, #tpu.memory_space<vmem>> -> memref<1024xf32, #tpu.memory_space<vmem>>
      %dma_wait3A_584 = tpu.memref_slice %arg2[%dma_wait3A_577, %mul3A_29] : memref<32x500000xf32, #tpu.memory_space<hbm>> -> memref<1x1024xf32, #tpu.memory_space<hbm>>
      %dma_wait3A_585 = tpu.memref_squeeze %dma_wait3A_584 : memref<1x1024xf32, #tpu.memory_space<hbm>> -> memref<1024xf32, #tpu.memory_space<hbm>>
      tpu.wait_dma2 semaphore(%arg7 : memref<!tpu.dma_semaphore, #tpu.memory_space<semaphore_mem>>) src(%dma_wait3A_585 : memref<1024xf32, #tpu.memory_space<hbm>>) dst(%dma_wait3A_583 : memref<1024xf32, #tpu.memory_space<vmem>>)
      %dma_wait3A_586 = arith.constant 30 : i32
      %dma_wait3A_587 = arith.constant 30720 : i32
      %dma_wait3A_588 = tpu.memref_slice %arg5[%dma_wait3A_587] : memref<32768xf32, #tpu.memory_space<vmem>> -> memref<1024xf32, #tpu.memory_space<vmem>>
      %dma_wait3A_589 = tpu.memref_slice %arg2[%dma_wait3A_586, %mul3A_29] : memref<32x500000xf32, #tpu.memory_space<hbm>> -> memref<1x1024xf32, #tpu.memory_space<hbm>>
      %dma_wait3A_590 = tpu.memref_squeeze %dma_wait3A_589 : memref<1x1024xf32, #tpu.memory_space<hbm>> -> memref<1024xf32, #tpu.memory_space<hbm>>
      %dma_wait3A_591 = arith.constant 30720 : i32
      %dma_wait3A_592 = tpu.memref_slice %arg5[%dma_wait3A_591] : memref<32768xf32, #tpu.memory_space<vmem>> -> memref<1024xf32, #tpu.memory_space<vmem>>
      %dma_wait3A_593 = tpu.memref_slice %arg2[%dma_wait3A_586, %mul3A_29] : memref<32x500000xf32, #tpu.memory_space<hbm>> -> memref<1x1024xf32, #tpu.memory_space<hbm>>
      %dma_wait3A_594 = tpu.memref_squeeze %dma_wait3A_593 : memref<1x1024xf32, #tpu.memory_space<hbm>> -> memref<1024xf32, #tpu.memory_space<hbm>>
      tpu.wait_dma2 semaphore(%arg7 : memref<!tpu.dma_semaphore, #tpu.memory_space<semaphore_mem>>) src(%dma_wait3A_594 : memref<1024xf32, #tpu.memory_space<hbm>>) dst(%dma_wait3A_592 : memref<1024xf32, #tpu.memory_space<vmem>>)
      %dma_wait3A_595 = arith.constant 31 : i32
      %dma_wait3A_596 = arith.constant 31744 : i32
      %dma_wait3A_597 = tpu.memref_slice %arg5[%dma_wait3A_596] : memref<32768xf32, #tpu.memory_space<vmem>> -> memref<1024xf32, #tpu.memory_space<vmem>>
      %dma_wait3A_598 = tpu.memref_slice %arg2[%dma_wait3A_595, %mul3A_29] : memref<32x500000xf32, #tpu.memory_space<hbm>> -> memref<1x1024xf32, #tpu.memory_space<hbm>>
      %dma_wait3A_599 = tpu.memref_squeeze %dma_wait3A_598 : memref<1x1024xf32, #tpu.memory_space<hbm>> -> memref<1024xf32, #tpu.memory_space<hbm>>
      %dma_wait3A_600 = arith.constant 31744 : i32
      %dma_wait3A_601 = tpu.memref_slice %arg5[%dma_wait3A_600] : memref<32768xf32, #tpu.memory_space<vmem>> -> memref<1024xf32, #tpu.memory_space<vmem>>
      %dma_wait3A_602 = tpu.memref_slice %arg2[%dma_wait3A_595, %mul3A_29] : memref<32x500000xf32, #tpu.memory_space<hbm>> -> memref<1x1024xf32, #tpu.memory_space<hbm>>
      %dma_wait3A_603 = tpu.memref_squeeze %dma_wait3A_602 : memref<1x1024xf32, #tpu.memory_space<hbm>> -> memref<1024xf32, #tpu.memory_space<hbm>>
      tpu.wait_dma2 semaphore(%arg7 : memref<!tpu.dma_semaphore, #tpu.memory_space<semaphore_mem>>) src(%dma_wait3A_603 : memref<1024xf32, #tpu.memory_space<hbm>>) dst(%dma_wait3A_601 : memref<1024xf32, #tpu.memory_space<vmem>>)
      %scan3A_604 = arith.constant 0 : i32
      %scan3A_605 = arith.constant 0 : i32
      %scan3A_606 = arith.constant 1024 : i32
      %scan3A_607 = arith.addi %scan3A_605, %scan3A_606 : i32
      %scan3A_608 = arith.constant 4 : i32
      scf.for %scan3A_612 = %scan3A_605 to %scan3A_607 step %scan3A_608  : i32 {
        %add3A_613 = vector.broadcast %scan3A_612 : i32 to vector<16xi32>
        %add3A_614 = arith.addi %mul3A_3, %add3A_613 : vector<16xi32>
        %gather3A = tpu.vector_load_idx %arg5[%add3A_614] : memref<32768xf32, #tpu.memory_space<vmem>>[vector<16xi32>], vector<16xf32>,
        %add3A_615 = vector.broadcast %scan3A_612 : i32 to vector<16xi32>
        %add3A_616 = arith.addi %add3A_6, %add3A_615 : vector<16xi32>
        %gather3A_617 = tpu.vector_load_idx %arg5[%add3A_616] : memref<32768xf32, #tpu.memory_space<vmem>>[vector<16xi32>], vector<16xf32>,
        %mul3A_618 = arith.constant 32 : i32
        %mul3A_619 = arith.muli %scan3A_612, %mul3A_618 : i32
        %swap3A = arith.index_cast %mul3A_619 : i32 to index
        %swap3A_620 = tpu.vector_load %arg6[%swap3A] {strides = array<i32>} : memref<32768xf32, #tpu.memory_space<vmem>>, vector<16xf32>,
        tpu.vector_store %arg6[%swap3A], %gather3A {strides = array<i32>} : memref<32768xf32, #tpu.memory_space<vmem>>, vector<16xf32>,
        %mul3A_621 = arith.constant 32 : i32
        %mul3A_622 = arith.muli %scan3A_612, %mul3A_621 : i32
        %add3A_623 = arith.constant 16 : i32
        %add3A_624 = arith.addi %mul3A_622, %add3A_623 : i32
        %swap3A_625 = arith.index_cast %add3A_624 : i32 to index
        %swap3A_626 = tpu.vector_load %arg6[%swap3A_625] {strides = array<i32>} : memref<32768xf32, #tpu.memory_space<vmem>>, vector<16xf32>,
        tpu.vector_store %arg6[%swap3A_625], %gather3A_617 {strides = array<i32>} : memref<32768xf32, #tpu.memory_space<vmem>>, vector<16xf32>,
        %scan3A_627 = arith.constant 1 : i32
        %scan3A_628 = arith.addi %scan3A_612, %scan3A_627 : i32
        %add3A_629 = vector.broadcast %scan3A_628 : i32 to vector<16xi32>
        %add3A_630 = arith.addi %mul3A_3, %add3A_629 : vector<16xi32>
        %gather3A_631 = tpu.vector_load_idx %arg5[%add3A_630] : memref<32768xf32, #tpu.memory_space<vmem>>[vector<16xi32>], vector<16xf32>,
        %add3A_632 = vector.broadcast %scan3A_628 : i32 to vector<16xi32>
        %add3A_633 = arith.addi %add3A_6, %add3A_632 : vector<16xi32>
        %gather3A_634 = tpu.vector_load_idx %arg5[%add3A_633] : memref<32768xf32, #tpu.memory_space<vmem>>[vector<16xi32>], vector<16xf32>,
        %mul3A_635 = arith.constant 32 : i32
        %mul3A_636 = arith.muli %scan3A_628, %mul3A_635 : i32
        %swap3A_637 = arith.index_cast %mul3A_636 : i32 to index
        %swap3A_638 = tpu.vector_load %arg6[%swap3A_637] {strides = array<i32>} : memref<32768xf32, #tpu.memory_space<vmem>>, vector<16xf32>,
        tpu.vector_store %arg6[%swap3A_637], %gather3A_631 {strides = array<i32>} : memref<32768xf32, #tpu.memory_space<vmem>>, vector<16xf32>,
        %mul3A_639 = arith.constant 32 : i32
        %mul3A_640 = arith.muli %scan3A_628, %mul3A_639 : i32
        %add3A_641 = arith.constant 16 : i32
        %add3A_642 = arith.addi %mul3A_640, %add3A_641 : i32
        %swap3A_643 = arith.index_cast %add3A_642 : i32 to index
        %swap3A_644 = tpu.vector_load %arg6[%swap3A_643] {strides = array<i32>} : memref<32768xf32, #tpu.memory_space<vmem>>, vector<16xf32>,
        tpu.vector_store %arg6[%swap3A_643], %gather3A_634 {strides = array<i32>} : memref<32768xf32, #tpu.memory_space<vmem>>, vector<16xf32>,
        %scan3A_645 = arith.constant 2 : i32
        %scan3A_646 = arith.addi %scan3A_612, %scan3A_645 : i32
        %add3A_647 = vector.broadcast %scan3A_646 : i32 to vector<16xi32>
        %add3A_648 = arith.addi %mul3A_3, %add3A_647 : vector<16xi32>
        %gather3A_649 = tpu.vector_load_idx %arg5[%add3A_648] : memref<32768xf32, #tpu.memory_space<vmem>>[vector<16xi32>], vector<16xf32>,
        %add3A_650 = vector.broadcast %scan3A_646 : i32 to vector<16xi32>
        %add3A_651 = arith.addi %add3A_6, %add3A_650 : vector<16xi32>
        %gather3A_652 = tpu.vector_load_idx %arg5[%add3A_651] : memref<32768xf32, #tpu.memory_space<vmem>>[vector<16xi32>], vector<16xf32>,
        %mul3A_653 = arith.constant 32 : i32
        %mul3A_654 = arith.muli %scan3A_646, %mul3A_653 : i32
        %swap3A_655 = arith.index_cast %mul3A_654 : i32 to index
        %swap3A_656 = tpu.vector_load %arg6[%swap3A_655] {strides = array<i32>} : memref<32768xf32, #tpu.memory_space<vmem>>, vector<16xf32>,
        tpu.vector_store %arg6[%swap3A_655], %gather3A_649 {strides = array<i32>} : memref<32768xf32, #tpu.memory_space<vmem>>, vector<16xf32>,
        %mul3A_657 = arith.constant 32 : i32
        %mul3A_658 = arith.muli %scan3A_646, %mul3A_657 : i32
        %add3A_659 = arith.constant 16 : i32
        %add3A_660 = arith.addi %mul3A_658, %add3A_659 : i32
        %swap3A_661 = arith.index_cast %add3A_660 : i32 to index
        %swap3A_662 = tpu.vector_load %arg6[%swap3A_661] {strides = array<i32>} : memref<32768xf32, #tpu.memory_space<vmem>>, vector<16xf32>,
        tpu.vector_store %arg6[%swap3A_661], %gather3A_652 {strides = array<i32>} : memref<32768xf32, #tpu.memory_space<vmem>>, vector<16xf32>,
        %scan3A_663 = arith.constant 3 : i32
        %scan3A_664 = arith.addi %scan3A_612, %scan3A_663 : i32
        %add3A_665 = vector.broadcast %scan3A_664 : i32 to vector<16xi32>
        %add3A_666 = arith.addi %mul3A_3, %add3A_665 : vector<16xi32>
        %gather3A_667 = tpu.vector_load_idx %arg5[%add3A_666] : memref<32768xf32, #tpu.memory_space<vmem>>[vector<16xi32>], vector<16xf32>,
        %add3A_668 = vector.broadcast %scan3A_664 : i32 to vector<16xi32>
        %add3A_669 = arith.addi %add3A_6, %add3A_668 : vector<16xi32>
        %gather3A_670 = tpu.vector_load_idx %arg5[%add3A_669] : memref<32768xf32, #tpu.memory_space<vmem>>[vector<16xi32>], vector<16xf32>,
        %mul3A_671 = arith.constant 32 : i32
        %mul3A_672 = arith.muli %scan3A_664, %mul3A_671 : i32
        %swap3A_673 = arith.index_cast %mul3A_672 : i32 to index
        %swap3A_674 = tpu.vector_load %arg6[%swap3A_673] {strides = array<i32>} : memref<32768xf32, #tpu.memory_space<vmem>>, vector<16xf32>,
        tpu.vector_store %arg6[%swap3A_673], %gather3A_667 {strides = array<i32>} : memref<32768xf32, #tpu.memory_space<vmem>>, vector<16xf32>,
        %mul3A_675 = arith.constant 32 : i32
        %mul3A_676 = arith.muli %scan3A_664, %mul3A_675 : i32
        %add3A_677 = arith.constant 16 : i32
        %add3A_678 = arith.addi %mul3A_676, %add3A_677 : i32
        %swap3A_679 = arith.index_cast %add3A_678 : i32 to index
        %swap3A_680 = tpu.vector_load %arg6[%swap3A_679] {strides = array<i32>} : memref<32768xf32, #tpu.memory_space<vmem>>, vector<16xf32>,
        tpu.vector_store %arg6[%swap3A_679], %gather3A_670 {strides = array<i32>} : memref<32768xf32, #tpu.memory_space<vmem>>, vector<16xf32>,
      }
      %scan3A_609 = arith.constant 1024 : i32
      %mul3A_610 = arith.constant 32 : i32
      %mul3A_611 = arith.muli %mul3A_29, %mul3A_610 : i32
      "tpu.region"() ({
        %run_scoped3A = tpu.sem_alloc : memref<!tpu.dma_semaphore, #tpu.memory_space<semaphore_mem>>
        %dma_start3A_612 = arith.constant 0 : i32
        %dma_start3A_613 = tpu.memref_slice %arg6[%dma_start3A_612] : memref<32768xf32, #tpu.memory_space<vmem>> -> memref<32768xf32, #tpu.memory_space<vmem>>
        %dma_start3A_614 = tpu.memref_slice %arg4[%mul3A_611] : memref<16000000xf32, #tpu.memory_space<hbm>> -> memref<32768xf32, #tpu.memory_space<hbm>>
        %dma_start3A_615 = tpu.memref_slice %arg4[%mul3A_611] : memref<16000000xf32, #tpu.memory_space<hbm>> -> memref<32768xf32, #tpu.memory_space<hbm>>
        %dma_start3A_616 = arith.constant 0 : i32
        %dma_start3A_617 = tpu.memref_slice %arg6[%dma_start3A_616] : memref<32768xf32, #tpu.memory_space<vmem>> -> memref<32768xf32, #tpu.memory_space<vmem>>
        tpu.enqueue_dma source(%dma_start3A_617 : memref<32768xf32, #tpu.memory_space<vmem>>) target(%dma_start3A_615 : memref<32768xf32, #tpu.memory_space<hbm>>) target_semaphore(%run_scoped3A : memref<!tpu.dma_semaphore, #tpu.memory_space<semaphore_mem>>)
        %dma_wait3A_618 = arith.constant 0 : i32
        %dma_wait3A_619 = tpu.memref_slice %arg6[%dma_wait3A_618] : memref<32768xf32, #tpu.memory_space<vmem>> -> memref<32768xf32, #tpu.memory_space<vmem>>
        %dma_wait3A_620 = tpu.memref_slice %arg4[%mul3A_611] : memref<16000000xf32, #tpu.memory_space<hbm>> -> memref<32768xf32, #tpu.memory_space<hbm>>
        %dma_wait3A_621 = tpu.memref_slice %arg4[%mul3A_611] : memref<16000000xf32, #tpu.memory_space<hbm>> -> memref<32768xf32, #tpu.memory_space<hbm>>
        %dma_wait3A_622 = arith.constant 0 : i32
        %dma_wait3A_623 = tpu.memref_slice %arg6[%dma_wait3A_622] : memref<32768xf32, #tpu.memory_space<vmem>> -> memref<32768xf32, #tpu.memory_space<vmem>>
        tpu.wait_dma2 semaphore(%run_scoped3A : memref<!tpu.dma_semaphore, #tpu.memory_space<semaphore_mem>>) src(%dma_wait3A_623 : memref<32768xf32, #tpu.memory_space<vmem>>) dst(%dma_wait3A_621 : memref<32768xf32, #tpu.memory_space<hbm>>)
        tpu.yield
      }) : () -> ()
    }
    %scan3A_11 = arith.constant 15 : i32
    %lt3A = arith.constant 8 : i32
    %lt3A_12 = arith.cmpi slt, %add3A, %lt3A : i32
    %convert_element_type3A = arith.extui %lt3A_12 : i1 to i32
    %cond3A = arith.constant 0 : i32
    %cond3A_13 = arith.cmpi ne, %convert_element_type3A, %cond3A : i32
    scf.if %cond3A_13 {
      %add3A_24 = arith.constant 480 : i32
      %add3A_25 = arith.addi %add3A_24, %add3A : i32
      %mul3A_26 = arith.constant 1024 : i32
      %mul3A_27 = arith.muli %add3A_25, %mul3A_26 : i32
      %dma_start3A = arith.constant 0 : i32
      %dma_start3A_28 = arith.constant 0 : i32
      %dma_start3A_29 = tpu.memref_slice %arg5[%dma_start3A_28] : memref<32768xf32, #tpu.memory_space<vmem>> -> memref<1024xf32, #tpu.memory_space<vmem>>
      %dma_start3A_30 = tpu.memref_slice %arg2[%dma_start3A, %mul3A_27] : memref<32x500000xf32, #tpu.memory_space<hbm>> -> memref<1x1024xf32, #tpu.memory_space<hbm>>
      %dma_start3A_31 = tpu.memref_squeeze %dma_start3A_30 : memref<1x1024xf32, #tpu.memory_space<hbm>> -> memref<1024xf32, #tpu.memory_space<hbm>>
      %dma_start3A_32 = arith.constant 0 : i32
      %dma_start3A_33 = tpu.memref_slice %arg5[%dma_start3A_32] : memref<32768xf32, #tpu.memory_space<vmem>> -> memref<1024xf32, #tpu.memory_space<vmem>>
      %dma_start3A_34 = tpu.memref_slice %arg2[%dma_start3A, %mul3A_27] : memref<32x500000xf32, #tpu.memory_space<hbm>> -> memref<1x1024xf32, #tpu.memory_space<hbm>>
      %dma_start3A_35 = tpu.memref_squeeze %dma_start3A_34 : memref<1x1024xf32, #tpu.memory_space<hbm>> -> memref<1024xf32, #tpu.memory_space<hbm>>
      tpu.enqueue_dma source(%dma_start3A_35 : memref<1024xf32, #tpu.memory_space<hbm>>) target(%dma_start3A_33 : memref<1024xf32, #tpu.memory_space<vmem>>) target_semaphore(%arg7 : memref<!tpu.dma_semaphore, #tpu.memory_space<semaphore_mem>>)
      %dma_start3A_36 = arith.constant 1 : i32
      %dma_start3A_37 = arith.constant 1024 : i32
      %dma_start3A_38 = tpu.memref_slice %arg5[%dma_start3A_37] : memref<32768xf32, #tpu.memory_space<vmem>> -> memref<1024xf32, #tpu.memory_space<vmem>>
      %dma_start3A_39 = tpu.memref_slice %arg2[%dma_start3A_36, %mul3A_27] : memref<32x500000xf32, #tpu.memory_space<hbm>> -> memref<1x1024xf32, #tpu.memory_space<hbm>>
      %dma_start3A_40 = tpu.memref_squeeze %dma_start3A_39 : memref<1x1024xf32, #tpu.memory_space<hbm>> -> memref<1024xf32, #tpu.memory_space<hbm>>
      %dma_start3A_41 = arith.constant 1024 : i32
      %dma_start3A_42 = tpu.memref_slice %arg5[%dma_start3A_41] : memref<32768xf32, #tpu.memory_space<vmem>> -> memref<1024xf32, #tpu.memory_space<vmem>>
      %dma_start3A_43 = tpu.memref_slice %arg2[%dma_start3A_36, %mul3A_27] : memref<32x500000xf32, #tpu.memory_space<hbm>> -> memref<1x1024xf32, #tpu.memory_space<hbm>>
      %dma_start3A_44 = tpu.memref_squeeze %dma_start3A_43 : memref<1x1024xf32, #tpu.memory_space<hbm>> -> memref<1024xf32, #tpu.memory_space<hbm>>
      tpu.enqueue_dma source(%dma_start3A_44 : memref<1024xf32, #tpu.memory_space<hbm>>) target(%dma_start3A_42 : memref<1024xf32, #tpu.memory_space<vmem>>) target_semaphore(%arg7 : memref<!tpu.dma_semaphore, #tpu.memory_space<semaphore_mem>>)
      %dma_start3A_45 = arith.constant 2 : i32
      %dma_start3A_46 = arith.constant 2048 : i32
      %dma_start3A_47 = tpu.memref_slice %arg5[%dma_start3A_46] : memref<32768xf32, #tpu.memory_space<vmem>> -> memref<1024xf32, #tpu.memory_space<vmem>>
      %dma_start3A_48 = tpu.memref_slice %arg2[%dma_start3A_45, %mul3A_27] : memref<32x500000xf32, #tpu.memory_space<hbm>> -> memref<1x1024xf32, #tpu.memory_space<hbm>>
      %dma_start3A_49 = tpu.memref_squeeze %dma_start3A_48 : memref<1x1024xf32, #tpu.memory_space<hbm>> -> memref<1024xf32, #tpu.memory_space<hbm>>
      %dma_start3A_50 = arith.constant 2048 : i32
      %dma_start3A_51 = tpu.memref_slice %arg5[%dma_start3A_50] : memref<32768xf32, #tpu.memory_space<vmem>> -> memref<1024xf32, #tpu.memory_space<vmem>>
      %dma_start3A_52 = tpu.memref_slice %arg2[%dma_start3A_45, %mul3A_27] : memref<32x500000xf32, #tpu.memory_space<hbm>> -> memref<1x1024xf32, #tpu.memory_space<hbm>>
      %dma_start3A_53 = tpu.memref_squeeze %dma_start3A_52 : memref<1x1024xf32, #tpu.memory_space<hbm>> -> memref<1024xf32, #tpu.memory_space<hbm>>
      tpu.enqueue_dma source(%dma_start3A_53 : memref<1024xf32, #tpu.memory_space<hbm>>) target(%dma_start3A_51 : memref<1024xf32, #tpu.memory_space<vmem>>) target_semaphore(%arg7 : memref<!tpu.dma_semaphore, #tpu.memory_space<semaphore_mem>>)
      %dma_start3A_54 = arith.constant 3 : i32
      %dma_start3A_55 = arith.constant 3072 : i32
      %dma_start3A_56 = tpu.memref_slice %arg5[%dma_start3A_55] : memref<32768xf32, #tpu.memory_space<vmem>> -> memref<1024xf32, #tpu.memory_space<vmem>>
      %dma_start3A_57 = tpu.memref_slice %arg2[%dma_start3A_54, %mul3A_27] : memref<32x500000xf32, #tpu.memory_space<hbm>> -> memref<1x1024xf32, #tpu.memory_space<hbm>>
      %dma_start3A_58 = tpu.memref_squeeze %dma_start3A_57 : memref<1x1024xf32, #tpu.memory_space<hbm>> -> memref<1024xf32, #tpu.memory_space<hbm>>
      %dma_start3A_59 = arith.constant 3072 : i32
      %dma_start3A_60 = tpu.memref_slice %arg5[%dma_start3A_59] : memref<32768xf32, #tpu.memory_space<vmem>> -> memref<1024xf32, #tpu.memory_space<vmem>>
      %dma_start3A_61 = tpu.memref_slice %arg2[%dma_start3A_54, %mul3A_27] : memref<32x500000xf32, #tpu.memory_space<hbm>> -> memref<1x1024xf32, #tpu.memory_space<hbm>>
      %dma_start3A_62 = tpu.memref_squeeze %dma_start3A_61 : memref<1x1024xf32, #tpu.memory_space<hbm>> -> memref<1024xf32, #tpu.memory_space<hbm>>
      tpu.enqueue_dma source(%dma_start3A_62 : memref<1024xf32, #tpu.memory_space<hbm>>) target(%dma_start3A_60 : memref<1024xf32, #tpu.memory_space<vmem>>) target_semaphore(%arg7 : memref<!tpu.dma_semaphore, #tpu.memory_space<semaphore_mem>>)
      %dma_start3A_63 = arith.constant 4 : i32
      %dma_start3A_64 = arith.constant 4096 : i32
      %dma_start3A_65 = tpu.memref_slice %arg5[%dma_start3A_64] : memref<32768xf32, #tpu.memory_space<vmem>> -> memref<1024xf32, #tpu.memory_space<vmem>>
      %dma_start3A_66 = tpu.memref_slice %arg2[%dma_start3A_63, %mul3A_27] : memref<32x500000xf32, #tpu.memory_space<hbm>> -> memref<1x1024xf32, #tpu.memory_space<hbm>>
      %dma_start3A_67 = tpu.memref_squeeze %dma_start3A_66 : memref<1x1024xf32, #tpu.memory_space<hbm>> -> memref<1024xf32, #tpu.memory_space<hbm>>
      %dma_start3A_68 = arith.constant 4096 : i32
      %dma_start3A_69 = tpu.memref_slice %arg5[%dma_start3A_68] : memref<32768xf32, #tpu.memory_space<vmem>> -> memref<1024xf32, #tpu.memory_space<vmem>>
      %dma_start3A_70 = tpu.memref_slice %arg2[%dma_start3A_63, %mul3A_27] : memref<32x500000xf32, #tpu.memory_space<hbm>> -> memref<1x1024xf32, #tpu.memory_space<hbm>>
      %dma_start3A_71 = tpu.memref_squeeze %dma_start3A_70 : memref<1x1024xf32, #tpu.memory_space<hbm>> -> memref<1024xf32, #tpu.memory_space<hbm>>
      tpu.enqueue_dma source(%dma_start3A_71 : memref<1024xf32, #tpu.memory_space<hbm>>) target(%dma_start3A_69 : memref<1024xf32, #tpu.memory_space<vmem>>) target_semaphore(%arg7 : memref<!tpu.dma_semaphore, #tpu.memory_space<semaphore_mem>>)
      %dma_start3A_72 = arith.constant 5 : i32
      %dma_start3A_73 = arith.constant 5120 : i32
      %dma_start3A_74 = tpu.memref_slice %arg5[%dma_start3A_73] : memref<32768xf32, #tpu.memory_space<vmem>> -> memref<1024xf32, #tpu.memory_space<vmem>>
      %dma_start3A_75 = tpu.memref_slice %arg2[%dma_start3A_72, %mul3A_27] : memref<32x500000xf32, #tpu.memory_space<hbm>> -> memref<1x1024xf32, #tpu.memory_space<hbm>>
      %dma_start3A_76 = tpu.memref_squeeze %dma_start3A_75 : memref<1x1024xf32, #tpu.memory_space<hbm>> -> memref<1024xf32, #tpu.memory_space<hbm>>
      %dma_start3A_77 = arith.constant 5120 : i32
      %dma_start3A_78 = tpu.memref_slice %arg5[%dma_start3A_77] : memref<32768xf32, #tpu.memory_space<vmem>> -> memref<1024xf32, #tpu.memory_space<vmem>>
      %dma_start3A_79 = tpu.memref_slice %arg2[%dma_start3A_72, %mul3A_27] : memref<32x500000xf32, #tpu.memory_space<hbm>> -> memref<1x1024xf32, #tpu.memory_space<hbm>>
      %dma_start3A_80 = tpu.memref_squeeze %dma_start3A_79 : memref<1x1024xf32, #tpu.memory_space<hbm>> -> memref<1024xf32, #tpu.memory_space<hbm>>
      tpu.enqueue_dma source(%dma_start3A_80 : memref<1024xf32, #tpu.memory_space<hbm>>) target(%dma_start3A_78 : memref<1024xf32, #tpu.memory_space<vmem>>) target_semaphore(%arg7 : memref<!tpu.dma_semaphore, #tpu.memory_space<semaphore_mem>>)
      %dma_start3A_81 = arith.constant 6 : i32
      %dma_start3A_82 = arith.constant 6144 : i32
      %dma_start3A_83 = tpu.memref_slice %arg5[%dma_start3A_82] : memref<32768xf32, #tpu.memory_space<vmem>> -> memref<1024xf32, #tpu.memory_space<vmem>>
      %dma_start3A_84 = tpu.memref_slice %arg2[%dma_start3A_81, %mul3A_27] : memref<32x500000xf32, #tpu.memory_space<hbm>> -> memref<1x1024xf32, #tpu.memory_space<hbm>>
      %dma_start3A_85 = tpu.memref_squeeze %dma_start3A_84 : memref<1x1024xf32, #tpu.memory_space<hbm>> -> memref<1024xf32, #tpu.memory_space<hbm>>
      %dma_start3A_86 = arith.constant 6144 : i32
      %dma_start3A_87 = tpu.memref_slice %arg5[%dma_start3A_86] : memref<32768xf32, #tpu.memory_space<vmem>> -> memref<1024xf32, #tpu.memory_space<vmem>>
      %dma_start3A_88 = tpu.memref_slice %arg2[%dma_start3A_81, %mul3A_27] : memref<32x500000xf32, #tpu.memory_space<hbm>> -> memref<1x1024xf32, #tpu.memory_space<hbm>>
      %dma_start3A_89 = tpu.memref_squeeze %dma_start3A_88 : memref<1x1024xf32, #tpu.memory_space<hbm>> -> memref<1024xf32, #tpu.memory_space<hbm>>
      tpu.enqueue_dma source(%dma_start3A_89 : memref<1024xf32, #tpu.memory_space<hbm>>) target(%dma_start3A_87 : memref<1024xf32, #tpu.memory_space<vmem>>) target_semaphore(%arg7 : memref<!tpu.dma_semaphore, #tpu.memory_space<semaphore_mem>>)
      %dma_start3A_90 = arith.constant 7 : i32
      %dma_start3A_91 = arith.constant 7168 : i32
      %dma_start3A_92 = tpu.memref_slice %arg5[%dma_start3A_91] : memref<32768xf32, #tpu.memory_space<vmem>> -> memref<1024xf32, #tpu.memory_space<vmem>>
      %dma_start3A_93 = tpu.memref_slice %arg2[%dma_start3A_90, %mul3A_27] : memref<32x500000xf32, #tpu.memory_space<hbm>> -> memref<1x1024xf32, #tpu.memory_space<hbm>>
      %dma_start3A_94 = tpu.memref_squeeze %dma_start3A_93 : memref<1x1024xf32, #tpu.memory_space<hbm>> -> memref<1024xf32, #tpu.memory_space<hbm>>
      %dma_start3A_95 = arith.constant 7168 : i32
      %dma_start3A_96 = tpu.memref_slice %arg5[%dma_start3A_95] : memref<32768xf32, #tpu.memory_space<vmem>> -> memref<1024xf32, #tpu.memory_space<vmem>>
      %dma_start3A_97 = tpu.memref_slice %arg2[%dma_start3A_90, %mul3A_27] : memref<32x500000xf32, #tpu.memory_space<hbm>> -> memref<1x1024xf32, #tpu.memory_space<hbm>>
      %dma_start3A_98 = tpu.memref_squeeze %dma_start3A_97 : memref<1x1024xf32, #tpu.memory_space<hbm>> -> memref<1024xf32, #tpu.memory_space<hbm>>
      tpu.enqueue_dma source(%dma_start3A_98 : memref<1024xf32, #tpu.memory_space<hbm>>) target(%dma_start3A_96 : memref<1024xf32, #tpu.memory_space<vmem>>) target_semaphore(%arg7 : memref<!tpu.dma_semaphore, #tpu.memory_space<semaphore_mem>>)
      %dma_start3A_99 = arith.constant 8 : i32
      %dma_start3A_100 = arith.constant 8192 : i32
      %dma_start3A_101 = tpu.memref_slice %arg5[%dma_start3A_100] : memref<32768xf32, #tpu.memory_space<vmem>> -> memref<1024xf32, #tpu.memory_space<vmem>>
      %dma_start3A_102 = tpu.memref_slice %arg2[%dma_start3A_99, %mul3A_27] : memref<32x500000xf32, #tpu.memory_space<hbm>> -> memref<1x1024xf32, #tpu.memory_space<hbm>>
      %dma_start3A_103 = tpu.memref_squeeze %dma_start3A_102 : memref<1x1024xf32, #tpu.memory_space<hbm>> -> memref<1024xf32, #tpu.memory_space<hbm>>
      %dma_start3A_104 = arith.constant 8192 : i32
      %dma_start3A_105 = tpu.memref_slice %arg5[%dma_start3A_104] : memref<32768xf32, #tpu.memory_space<vmem>> -> memref<1024xf32, #tpu.memory_space<vmem>>
      %dma_start3A_106 = tpu.memref_slice %arg2[%dma_start3A_99, %mul3A_27] : memref<32x500000xf32, #tpu.memory_space<hbm>> -> memref<1x1024xf32, #tpu.memory_space<hbm>>
      %dma_start3A_107 = tpu.memref_squeeze %dma_start3A_106 : memref<1x1024xf32, #tpu.memory_space<hbm>> -> memref<1024xf32, #tpu.memory_space<hbm>>
      tpu.enqueue_dma source(%dma_start3A_107 : memref<1024xf32, #tpu.memory_space<hbm>>) target(%dma_start3A_105 : memref<1024xf32, #tpu.memory_space<vmem>>) target_semaphore(%arg7 : memref<!tpu.dma_semaphore, #tpu.memory_space<semaphore_mem>>)
      %dma_start3A_108 = arith.constant 9 : i32
      %dma_start3A_109 = arith.constant 9216 : i32
      %dma_start3A_110 = tpu.memref_slice %arg5[%dma_start3A_109] : memref<32768xf32, #tpu.memory_space<vmem>> -> memref<1024xf32, #tpu.memory_space<vmem>>
      %dma_start3A_111 = tpu.memref_slice %arg2[%dma_start3A_108, %mul3A_27] : memref<32x500000xf32, #tpu.memory_space<hbm>> -> memref<1x1024xf32, #tpu.memory_space<hbm>>
      %dma_start3A_112 = tpu.memref_squeeze %dma_start3A_111 : memref<1x1024xf32, #tpu.memory_space<hbm>> -> memref<1024xf32, #tpu.memory_space<hbm>>
      %dma_start3A_113 = arith.constant 9216 : i32
      %dma_start3A_114 = tpu.memref_slice %arg5[%dma_start3A_113] : memref<32768xf32, #tpu.memory_space<vmem>> -> memref<1024xf32, #tpu.memory_space<vmem>>
      %dma_start3A_115 = tpu.memref_slice %arg2[%dma_start3A_108, %mul3A_27] : memref<32x500000xf32, #tpu.memory_space<hbm>> -> memref<1x1024xf32, #tpu.memory_space<hbm>>
      %dma_start3A_116 = tpu.memref_squeeze %dma_start3A_115 : memref<1x1024xf32, #tpu.memory_space<hbm>> -> memref<1024xf32, #tpu.memory_space<hbm>>
      tpu.enqueue_dma source(%dma_start3A_116 : memref<1024xf32, #tpu.memory_space<hbm>>) target(%dma_start3A_114 : memref<1024xf32, #tpu.memory_space<vmem>>) target_semaphore(%arg7 : memref<!tpu.dma_semaphore, #tpu.memory_space<semaphore_mem>>)
      %dma_start3A_117 = arith.constant 10 : i32
      %dma_start3A_118 = arith.constant 10240 : i32
      %dma_start3A_119 = tpu.memref_slice %arg5[%dma_start3A_118] : memref<32768xf32, #tpu.memory_space<vmem>> -> memref<1024xf32, #tpu.memory_space<vmem>>
      %dma_start3A_120 = tpu.memref_slice %arg2[%dma_start3A_117, %mul3A_27] : memref<32x500000xf32, #tpu.memory_space<hbm>> -> memref<1x1024xf32, #tpu.memory_space<hbm>>
      %dma_start3A_121 = tpu.memref_squeeze %dma_start3A_120 : memref<1x1024xf32, #tpu.memory_space<hbm>> -> memref<1024xf32, #tpu.memory_space<hbm>>
      %dma_start3A_122 = arith.constant 10240 : i32
      %dma_start3A_123 = tpu.memref_slice %arg5[%dma_start3A_122] : memref<32768xf32, #tpu.memory_space<vmem>> -> memref<1024xf32, #tpu.memory_space<vmem>>
      %dma_start3A_124 = tpu.memref_slice %arg2[%dma_start3A_117, %mul3A_27] : memref<32x500000xf32, #tpu.memory_space<hbm>> -> memref<1x1024xf32, #tpu.memory_space<hbm>>
      %dma_start3A_125 = tpu.memref_squeeze %dma_start3A_124 : memref<1x1024xf32, #tpu.memory_space<hbm>> -> memref<1024xf32, #tpu.memory_space<hbm>>
      tpu.enqueue_dma source(%dma_start3A_125 : memref<1024xf32, #tpu.memory_space<hbm>>) target(%dma_start3A_123 : memref<1024xf32, #tpu.memory_space<vmem>>) target_semaphore(%arg7 : memref<!tpu.dma_semaphore, #tpu.memory_space<semaphore_mem>>)
      %dma_start3A_126 = arith.constant 11 : i32
      %dma_start3A_127 = arith.constant 11264 : i32
      %dma_start3A_128 = tpu.memref_slice %arg5[%dma_start3A_127] : memref<32768xf32, #tpu.memory_space<vmem>> -> memref<1024xf32, #tpu.memory_space<vmem>>
      %dma_start3A_129 = tpu.memref_slice %arg2[%dma_start3A_126, %mul3A_27] : memref<32x500000xf32, #tpu.memory_space<hbm>> -> memref<1x1024xf32, #tpu.memory_space<hbm>>
      %dma_start3A_130 = tpu.memref_squeeze %dma_start3A_129 : memref<1x1024xf32, #tpu.memory_space<hbm>> -> memref<1024xf32, #tpu.memory_space<hbm>>
      %dma_start3A_131 = arith.constant 11264 : i32
      %dma_start3A_132 = tpu.memref_slice %arg5[%dma_start3A_131] : memref<32768xf32, #tpu.memory_space<vmem>> -> memref<1024xf32, #tpu.memory_space<vmem>>
      %dma_start3A_133 = tpu.memref_slice %arg2[%dma_start3A_126, %mul3A_27] : memref<32x500000xf32, #tpu.memory_space<hbm>> -> memref<1x1024xf32, #tpu.memory_space<hbm>>
      %dma_start3A_134 = tpu.memref_squeeze %dma_start3A_133 : memref<1x1024xf32, #tpu.memory_space<hbm>> -> memref<1024xf32, #tpu.memory_space<hbm>>
      tpu.enqueue_dma source(%dma_start3A_134 : memref<1024xf32, #tpu.memory_space<hbm>>) target(%dma_start3A_132 : memref<1024xf32, #tpu.memory_space<vmem>>) target_semaphore(%arg7 : memref<!tpu.dma_semaphore, #tpu.memory_space<semaphore_mem>>)
      %dma_start3A_135 = arith.constant 12 : i32
      %dma_start3A_136 = arith.constant 12288 : i32
      %dma_start3A_137 = tpu.memref_slice %arg5[%dma_start3A_136] : memref<32768xf32, #tpu.memory_space<vmem>> -> memref<1024xf32, #tpu.memory_space<vmem>>
      %dma_start3A_138 = tpu.memref_slice %arg2[%dma_start3A_135, %mul3A_27] : memref<32x500000xf32, #tpu.memory_space<hbm>> -> memref<1x1024xf32, #tpu.memory_space<hbm>>
      %dma_start3A_139 = tpu.memref_squeeze %dma_start3A_138 : memref<1x1024xf32, #tpu.memory_space<hbm>> -> memref<1024xf32, #tpu.memory_space<hbm>>
      %dma_start3A_140 = arith.constant 12288 : i32
      %dma_start3A_141 = tpu.memref_slice %arg5[%dma_start3A_140] : memref<32768xf32, #tpu.memory_space<vmem>> -> memref<1024xf32, #tpu.memory_space<vmem>>
      %dma_start3A_142 = tpu.memref_slice %arg2[%dma_start3A_135, %mul3A_27] : memref<32x500000xf32, #tpu.memory_space<hbm>> -> memref<1x1024xf32, #tpu.memory_space<hbm>>
      %dma_start3A_143 = tpu.memref_squeeze %dma_start3A_142 : memref<1x1024xf32, #tpu.memory_space<hbm>> -> memref<1024xf32, #tpu.memory_space<hbm>>
      tpu.enqueue_dma source(%dma_start3A_143 : memref<1024xf32, #tpu.memory_space<hbm>>) target(%dma_start3A_141 : memref<1024xf32, #tpu.memory_space<vmem>>) target_semaphore(%arg7 : memref<!tpu.dma_semaphore, #tpu.memory_space<semaphore_mem>>)
      %dma_start3A_144 = arith.constant 13 : i32
      %dma_start3A_145 = arith.constant 13312 : i32
      %dma_start3A_146 = tpu.memref_slice %arg5[%dma_start3A_145] : memref<32768xf32, #tpu.memory_space<vmem>> -> memref<1024xf32, #tpu.memory_space<vmem>>
      %dma_start3A_147 = tpu.memref_slice %arg2[%dma_start3A_144, %mul3A_27] : memref<32x500000xf32, #tpu.memory_space<hbm>> -> memref<1x1024xf32, #tpu.memory_space<hbm>>
      %dma_start3A_148 = tpu.memref_squeeze %dma_start3A_147 : memref<1x1024xf32, #tpu.memory_space<hbm>> -> memref<1024xf32, #tpu.memory_space<hbm>>
      %dma_start3A_149 = arith.constant 13312 : i32
      %dma_start3A_150 = tpu.memref_slice %arg5[%dma_start3A_149] : memref<32768xf32, #tpu.memory_space<vmem>> -> memref<1024xf32, #tpu.memory_space<vmem>>
      %dma_start3A_151 = tpu.memref_slice %arg2[%dma_start3A_144, %mul3A_27] : memref<32x500000xf32, #tpu.memory_space<hbm>> -> memref<1x1024xf32, #tpu.memory_space<hbm>>
      %dma_start3A_152 = tpu.memref_squeeze %dma_start3A_151 : memref<1x1024xf32, #tpu.memory_space<hbm>> -> memref<1024xf32, #tpu.memory_space<hbm>>
      tpu.enqueue_dma source(%dma_start3A_152 : memref<1024xf32, #tpu.memory_space<hbm>>) target(%dma_start3A_150 : memref<1024xf32, #tpu.memory_space<vmem>>) target_semaphore(%arg7 : memref<!tpu.dma_semaphore, #tpu.memory_space<semaphore_mem>>)
      %dma_start3A_153 = arith.constant 14 : i32
      %dma_start3A_154 = arith.constant 14336 : i32
      %dma_start3A_155 = tpu.memref_slice %arg5[%dma_start3A_154] : memref<32768xf32, #tpu.memory_space<vmem>> -> memref<1024xf32, #tpu.memory_space<vmem>>
      %dma_start3A_156 = tpu.memref_slice %arg2[%dma_start3A_153, %mul3A_27] : memref<32x500000xf32, #tpu.memory_space<hbm>> -> memref<1x1024xf32, #tpu.memory_space<hbm>>
      %dma_start3A_157 = tpu.memref_squeeze %dma_start3A_156 : memref<1x1024xf32, #tpu.memory_space<hbm>> -> memref<1024xf32, #tpu.memory_space<hbm>>
      %dma_start3A_158 = arith.constant 14336 : i32
      %dma_start3A_159 = tpu.memref_slice %arg5[%dma_start3A_158] : memref<32768xf32, #tpu.memory_space<vmem>> -> memref<1024xf32, #tpu.memory_space<vmem>>
      %dma_start3A_160 = tpu.memref_slice %arg2[%dma_start3A_153, %mul3A_27] : memref<32x500000xf32, #tpu.memory_space<hbm>> -> memref<1x1024xf32, #tpu.memory_space<hbm>>
      %dma_start3A_161 = tpu.memref_squeeze %dma_start3A_160 : memref<1x1024xf32, #tpu.memory_space<hbm>> -> memref<1024xf32, #tpu.memory_space<hbm>>
      tpu.enqueue_dma source(%dma_start3A_161 : memref<1024xf32, #tpu.memory_space<hbm>>) target(%dma_start3A_159 : memref<1024xf32, #tpu.memory_space<vmem>>) target_semaphore(%arg7 : memref<!tpu.dma_semaphore, #tpu.memory_space<semaphore_mem>>)
      %dma_start3A_162 = arith.constant 15 : i32
      %dma_start3A_163 = arith.constant 15360 : i32
      %dma_start3A_164 = tpu.memref_slice %arg5[%dma_start3A_163] : memref<32768xf32, #tpu.memory_space<vmem>> -> memref<1024xf32, #tpu.memory_space<vmem>>
      %dma_start3A_165 = tpu.memref_slice %arg2[%dma_start3A_162, %mul3A_27] : memref<32x500000xf32, #tpu.memory_space<hbm>> -> memref<1x1024xf32, #tpu.memory_space<hbm>>
      %dma_start3A_166 = tpu.memref_squeeze %dma_start3A_165 : memref<1x1024xf32, #tpu.memory_space<hbm>> -> memref<1024xf32, #tpu.memory_space<hbm>>
      %dma_start3A_167 = arith.constant 15360 : i32
      %dma_start3A_168 = tpu.memref_slice %arg5[%dma_start3A_167] : memref<32768xf32, #tpu.memory_space<vmem>> -> memref<1024xf32, #tpu.memory_space<vmem>>
      %dma_start3A_169 = tpu.memref_slice %arg2[%dma_start3A_162, %mul3A_27] : memref<32x500000xf32, #tpu.memory_space<hbm>> -> memref<1x1024xf32, #tpu.memory_space<hbm>>
      %dma_start3A_170 = tpu.memref_squeeze %dma_start3A_169 : memref<1x1024xf32, #tpu.memory_space<hbm>> -> memref<1024xf32, #tpu.memory_space<hbm>>
      tpu.enqueue_dma source(%dma_start3A_170 : memref<1024xf32, #tpu.memory_space<hbm>>) target(%dma_start3A_168 : memref<1024xf32, #tpu.memory_space<vmem>>) target_semaphore(%arg7 : memref<!tpu.dma_semaphore, #tpu.memory_space<semaphore_mem>>)
      %dma_start3A_171 = arith.constant 16 : i32
      %dma_start3A_172 = arith.constant 16384 : i32
      %dma_start3A_173 = tpu.memref_slice %arg5[%dma_start3A_172] : memref<32768xf32, #tpu.memory_space<vmem>> -> memref<1024xf32, #tpu.memory_space<vmem>>
      %dma_start3A_174 = tpu.memref_slice %arg2[%dma_start3A_171, %mul3A_27] : memref<32x500000xf32, #tpu.memory_space<hbm>> -> memref<1x1024xf32, #tpu.memory_space<hbm>>
      %dma_start3A_175 = tpu.memref_squeeze %dma_start3A_174 : memref<1x1024xf32, #tpu.memory_space<hbm>> -> memref<1024xf32, #tpu.memory_space<hbm>>
      %dma_start3A_176 = arith.constant 16384 : i32
      %dma_start3A_177 = tpu.memref_slice %arg5[%dma_start3A_176] : memref<32768xf32, #tpu.memory_space<vmem>> -> memref<1024xf32, #tpu.memory_space<vmem>>
      %dma_start3A_178 = tpu.memref_slice %arg2[%dma_start3A_171, %mul3A_27] : memref<32x500000xf32, #tpu.memory_space<hbm>> -> memref<1x1024xf32, #tpu.memory_space<hbm>>
      %dma_start3A_179 = tpu.memref_squeeze %dma_start3A_178 : memref<1x1024xf32, #tpu.memory_space<hbm>> -> memref<1024xf32, #tpu.memory_space<hbm>>
      tpu.enqueue_dma source(%dma_start3A_179 : memref<1024xf32, #tpu.memory_space<hbm>>) target(%dma_start3A_177 : memref<1024xf32, #tpu.memory_space<vmem>>) target_semaphore(%arg7 : memref<!tpu.dma_semaphore, #tpu.memory_space<semaphore_mem>>)
      %dma_start3A_180 = arith.constant 17 : i32
      %dma_start3A_181 = arith.constant 17408 : i32
      %dma_start3A_182 = tpu.memref_slice %arg5[%dma_start3A_181] : memref<32768xf32, #tpu.memory_space<vmem>> -> memref<1024xf32, #tpu.memory_space<vmem>>
      %dma_start3A_183 = tpu.memref_slice %arg2[%dma_start3A_180, %mul3A_27] : memref<32x500000xf32, #tpu.memory_space<hbm>> -> memref<1x1024xf32, #tpu.memory_space<hbm>>
      %dma_start3A_184 = tpu.memref_squeeze %dma_start3A_183 : memref<1x1024xf32, #tpu.memory_space<hbm>> -> memref<1024xf32, #tpu.memory_space<hbm>>
      %dma_start3A_185 = arith.constant 17408 : i32
      %dma_start3A_186 = tpu.memref_slice %arg5[%dma_start3A_185] : memref<32768xf32, #tpu.memory_space<vmem>> -> memref<1024xf32, #tpu.memory_space<vmem>>
      %dma_start3A_187 = tpu.memref_slice %arg2[%dma_start3A_180, %mul3A_27] : memref<32x500000xf32, #tpu.memory_space<hbm>> -> memref<1x1024xf32, #tpu.memory_space<hbm>>
      %dma_start3A_188 = tpu.memref_squeeze %dma_start3A_187 : memref<1x1024xf32, #tpu.memory_space<hbm>> -> memref<1024xf32, #tpu.memory_space<hbm>>
      tpu.enqueue_dma source(%dma_start3A_188 : memref<1024xf32, #tpu.memory_space<hbm>>) target(%dma_start3A_186 : memref<1024xf32, #tpu.memory_space<vmem>>) target_semaphore(%arg7 : memref<!tpu.dma_semaphore, #tpu.memory_space<semaphore_mem>>)
      %dma_start3A_189 = arith.constant 18 : i32
      %dma_start3A_190 = arith.constant 18432 : i32
      %dma_start3A_191 = tpu.memref_slice %arg5[%dma_start3A_190] : memref<32768xf32, #tpu.memory_space<vmem>> -> memref<1024xf32, #tpu.memory_space<vmem>>
      %dma_start3A_192 = tpu.memref_slice %arg2[%dma_start3A_189, %mul3A_27] : memref<32x500000xf32, #tpu.memory_space<hbm>> -> memref<1x1024xf32, #tpu.memory_space<hbm>>
      %dma_start3A_193 = tpu.memref_squeeze %dma_start3A_192 : memref<1x1024xf32, #tpu.memory_space<hbm>> -> memref<1024xf32, #tpu.memory_space<hbm>>
      %dma_start3A_194 = arith.constant 18432 : i32
      %dma_start3A_195 = tpu.memref_slice %arg5[%dma_start3A_194] : memref<32768xf32, #tpu.memory_space<vmem>> -> memref<1024xf32, #tpu.memory_space<vmem>>
      %dma_start3A_196 = tpu.memref_slice %arg2[%dma_start3A_189, %mul3A_27] : memref<32x500000xf32, #tpu.memory_space<hbm>> -> memref<1x1024xf32, #tpu.memory_space<hbm>>
      %dma_start3A_197 = tpu.memref_squeeze %dma_start3A_196 : memref<1x1024xf32, #tpu.memory_space<hbm>> -> memref<1024xf32, #tpu.memory_space<hbm>>
      tpu.enqueue_dma source(%dma_start3A_197 : memref<1024xf32, #tpu.memory_space<hbm>>) target(%dma_start3A_195 : memref<1024xf32, #tpu.memory_space<vmem>>) target_semaphore(%arg7 : memref<!tpu.dma_semaphore, #tpu.memory_space<semaphore_mem>>)
      %dma_start3A_198 = arith.constant 19 : i32
      %dma_start3A_199 = arith.constant 19456 : i32
      %dma_start3A_200 = tpu.memref_slice %arg5[%dma_start3A_199] : memref<32768xf32, #tpu.memory_space<vmem>> -> memref<1024xf32, #tpu.memory_space<vmem>>
      %dma_start3A_201 = tpu.memref_slice %arg2[%dma_start3A_198, %mul3A_27] : memref<32x500000xf32, #tpu.memory_space<hbm>> -> memref<1x1024xf32, #tpu.memory_space<hbm>>
      %dma_start3A_202 = tpu.memref_squeeze %dma_start3A_201 : memref<1x1024xf32, #tpu.memory_space<hbm>> -> memref<1024xf32, #tpu.memory_space<hbm>>
      %dma_start3A_203 = arith.constant 19456 : i32
      %dma_start3A_204 = tpu.memref_slice %arg5[%dma_start3A_203] : memref<32768xf32, #tpu.memory_space<vmem>> -> memref<1024xf32, #tpu.memory_space<vmem>>
      %dma_start3A_205 = tpu.memref_slice %arg2[%dma_start3A_198, %mul3A_27] : memref<32x500000xf32, #tpu.memory_space<hbm>> -> memref<1x1024xf32, #tpu.memory_space<hbm>>
      %dma_start3A_206 = tpu.memref_squeeze %dma_start3A_205 : memref<1x1024xf32, #tpu.memory_space<hbm>> -> memref<1024xf32, #tpu.memory_space<hbm>>
      tpu.enqueue_dma source(%dma_start3A_206 : memref<1024xf32, #tpu.memory_space<hbm>>) target(%dma_start3A_204 : memref<1024xf32, #tpu.memory_space<vmem>>) target_semaphore(%arg7 : memref<!tpu.dma_semaphore, #tpu.memory_space<semaphore_mem>>)
      %dma_start3A_207 = arith.constant 20 : i32
      %dma_start3A_208 = arith.constant 20480 : i32
      %dma_start3A_209 = tpu.memref_slice %arg5[%dma_start3A_208] : memref<32768xf32, #tpu.memory_space<vmem>> -> memref<1024xf32, #tpu.memory_space<vmem>>
      %dma_start3A_210 = tpu.memref_slice %arg2[%dma_start3A_207, %mul3A_27] : memref<32x500000xf32, #tpu.memory_space<hbm>> -> memref<1x1024xf32, #tpu.memory_space<hbm>>
      %dma_start3A_211 = tpu.memref_squeeze %dma_start3A_210 : memref<1x1024xf32, #tpu.memory_space<hbm>> -> memref<1024xf32, #tpu.memory_space<hbm>>
      %dma_start3A_212 = arith.constant 20480 : i32
      %dma_start3A_213 = tpu.memref_slice %arg5[%dma_start3A_212] : memref<32768xf32, #tpu.memory_space<vmem>> -> memref<1024xf32, #tpu.memory_space<vmem>>
      %dma_start3A_214 = tpu.memref_slice %arg2[%dma_start3A_207, %mul3A_27] : memref<32x500000xf32, #tpu.memory_space<hbm>> -> memref<1x1024xf32, #tpu.memory_space<hbm>>
      %dma_start3A_215 = tpu.memref_squeeze %dma_start3A_214 : memref<1x1024xf32, #tpu.memory_space<hbm>> -> memref<1024xf32, #tpu.memory_space<hbm>>
      tpu.enqueue_dma source(%dma_start3A_215 : memref<1024xf32, #tpu.memory_space<hbm>>) target(%dma_start3A_213 : memref<1024xf32, #tpu.memory_space<vmem>>) target_semaphore(%arg7 : memref<!tpu.dma_semaphore, #tpu.memory_space<semaphore_mem>>)
      %dma_start3A_216 = arith.constant 21 : i32
      %dma_start3A_217 = arith.constant 21504 : i32
      %dma_start3A_218 = tpu.memref_slice %arg5[%dma_start3A_217] : memref<32768xf32, #tpu.memory_space<vmem>> -> memref<1024xf32, #tpu.memory_space<vmem>>
      %dma_start3A_219 = tpu.memref_slice %arg2[%dma_start3A_216, %mul3A_27] : memref<32x500000xf32, #tpu.memory_space<hbm>> -> memref<1x1024xf32, #tpu.memory_space<hbm>>
      %dma_start3A_220 = tpu.memref_squeeze %dma_start3A_219 : memref<1x1024xf32, #tpu.memory_space<hbm>> -> memref<1024xf32, #tpu.memory_space<hbm>>
      %dma_start3A_221 = arith.constant 21504 : i32
      %dma_start3A_222 = tpu.memref_slice %arg5[%dma_start3A_221] : memref<32768xf32, #tpu.memory_space<vmem>> -> memref<1024xf32, #tpu.memory_space<vmem>>
      %dma_start3A_223 = tpu.memref_slice %arg2[%dma_start3A_216, %mul3A_27] : memref<32x500000xf32, #tpu.memory_space<hbm>> -> memref<1x1024xf32, #tpu.memory_space<hbm>>
      %dma_start3A_224 = tpu.memref_squeeze %dma_start3A_223 : memref<1x1024xf32, #tpu.memory_space<hbm>> -> memref<1024xf32, #tpu.memory_space<hbm>>
      tpu.enqueue_dma source(%dma_start3A_224 : memref<1024xf32, #tpu.memory_space<hbm>>) target(%dma_start3A_222 : memref<1024xf32, #tpu.memory_space<vmem>>) target_semaphore(%arg7 : memref<!tpu.dma_semaphore, #tpu.memory_space<semaphore_mem>>)
      %dma_start3A_225 = arith.constant 22 : i32
      %dma_start3A_226 = arith.constant 22528 : i32
      %dma_start3A_227 = tpu.memref_slice %arg5[%dma_start3A_226] : memref<32768xf32, #tpu.memory_space<vmem>> -> memref<1024xf32, #tpu.memory_space<vmem>>
      %dma_start3A_228 = tpu.memref_slice %arg2[%dma_start3A_225, %mul3A_27] : memref<32x500000xf32, #tpu.memory_space<hbm>> -> memref<1x1024xf32, #tpu.memory_space<hbm>>
      %dma_start3A_229 = tpu.memref_squeeze %dma_start3A_228 : memref<1x1024xf32, #tpu.memory_space<hbm>> -> memref<1024xf32, #tpu.memory_space<hbm>>
      %dma_start3A_230 = arith.constant 22528 : i32
      %dma_start3A_231 = tpu.memref_slice %arg5[%dma_start3A_230] : memref<32768xf32, #tpu.memory_space<vmem>> -> memref<1024xf32, #tpu.memory_space<vmem>>
      %dma_start3A_232 = tpu.memref_slice %arg2[%dma_start3A_225, %mul3A_27] : memref<32x500000xf32, #tpu.memory_space<hbm>> -> memref<1x1024xf32, #tpu.memory_space<hbm>>
      %dma_start3A_233 = tpu.memref_squeeze %dma_start3A_232 : memref<1x1024xf32, #tpu.memory_space<hbm>> -> memref<1024xf32, #tpu.memory_space<hbm>>
      tpu.enqueue_dma source(%dma_start3A_233 : memref<1024xf32, #tpu.memory_space<hbm>>) target(%dma_start3A_231 : memref<1024xf32, #tpu.memory_space<vmem>>) target_semaphore(%arg7 : memref<!tpu.dma_semaphore, #tpu.memory_space<semaphore_mem>>)
      %dma_start3A_234 = arith.constant 23 : i32
      %dma_start3A_235 = arith.constant 23552 : i32
      %dma_start3A_236 = tpu.memref_slice %arg5[%dma_start3A_235] : memref<32768xf32, #tpu.memory_space<vmem>> -> memref<1024xf32, #tpu.memory_space<vmem>>
      %dma_start3A_237 = tpu.memref_slice %arg2[%dma_start3A_234, %mul3A_27] : memref<32x500000xf32, #tpu.memory_space<hbm>> -> memref<1x1024xf32, #tpu.memory_space<hbm>>
      %dma_start3A_238 = tpu.memref_squeeze %dma_start3A_237 : memref<1x1024xf32, #tpu.memory_space<hbm>> -> memref<1024xf32, #tpu.memory_space<hbm>>
      %dma_start3A_239 = arith.constant 23552 : i32
      %dma_start3A_240 = tpu.memref_slice %arg5[%dma_start3A_239] : memref<32768xf32, #tpu.memory_space<vmem>> -> memref<1024xf32, #tpu.memory_space<vmem>>
      %dma_start3A_241 = tpu.memref_slice %arg2[%dma_start3A_234, %mul3A_27] : memref<32x500000xf32, #tpu.memory_space<hbm>> -> memref<1x1024xf32, #tpu.memory_space<hbm>>
      %dma_start3A_242 = tpu.memref_squeeze %dma_start3A_241 : memref<1x1024xf32, #tpu.memory_space<hbm>> -> memref<1024xf32, #tpu.memory_space<hbm>>
      tpu.enqueue_dma source(%dma_start3A_242 : memref<1024xf32, #tpu.memory_space<hbm>>) target(%dma_start3A_240 : memref<1024xf32, #tpu.memory_space<vmem>>) target_semaphore(%arg7 : memref<!tpu.dma_semaphore, #tpu.memory_space<semaphore_mem>>)
      %dma_start3A_243 = arith.constant 24 : i32
      %dma_start3A_244 = arith.constant 24576 : i32
      %dma_start3A_245 = tpu.memref_slice %arg5[%dma_start3A_244] : memref<32768xf32, #tpu.memory_space<vmem>> -> memref<1024xf32, #tpu.memory_space<vmem>>
      %dma_start3A_246 = tpu.memref_slice %arg2[%dma_start3A_243, %mul3A_27] : memref<32x500000xf32, #tpu.memory_space<hbm>> -> memref<1x1024xf32, #tpu.memory_space<hbm>>
      %dma_start3A_247 = tpu.memref_squeeze %dma_start3A_246 : memref<1x1024xf32, #tpu.memory_space<hbm>> -> memref<1024xf32, #tpu.memory_space<hbm>>
      %dma_start3A_248 = arith.constant 24576 : i32
      %dma_start3A_249 = tpu.memref_slice %arg5[%dma_start3A_248] : memref<32768xf32, #tpu.memory_space<vmem>> -> memref<1024xf32, #tpu.memory_space<vmem>>
      %dma_start3A_250 = tpu.memref_slice %arg2[%dma_start3A_243, %mul3A_27] : memref<32x500000xf32, #tpu.memory_space<hbm>> -> memref<1x1024xf32, #tpu.memory_space<hbm>>
      %dma_start3A_251 = tpu.memref_squeeze %dma_start3A_250 : memref<1x1024xf32, #tpu.memory_space<hbm>> -> memref<1024xf32, #tpu.memory_space<hbm>>
      tpu.enqueue_dma source(%dma_start3A_251 : memref<1024xf32, #tpu.memory_space<hbm>>) target(%dma_start3A_249 : memref<1024xf32, #tpu.memory_space<vmem>>) target_semaphore(%arg7 : memref<!tpu.dma_semaphore, #tpu.memory_space<semaphore_mem>>)
      %dma_start3A_252 = arith.constant 25 : i32
      %dma_start3A_253 = arith.constant 25600 : i32
      %dma_start3A_254 = tpu.memref_slice %arg5[%dma_start3A_253] : memref<32768xf32, #tpu.memory_space<vmem>> -> memref<1024xf32, #tpu.memory_space<vmem>>
      %dma_start3A_255 = tpu.memref_slice %arg2[%dma_start3A_252, %mul3A_27] : memref<32x500000xf32, #tpu.memory_space<hbm>> -> memref<1x1024xf32, #tpu.memory_space<hbm>>
      %dma_start3A_256 = tpu.memref_squeeze %dma_start3A_255 : memref<1x1024xf32, #tpu.memory_space<hbm>> -> memref<1024xf32, #tpu.memory_space<hbm>>
      %dma_start3A_257 = arith.constant 25600 : i32
      %dma_start3A_258 = tpu.memref_slice %arg5[%dma_start3A_257] : memref<32768xf32, #tpu.memory_space<vmem>> -> memref<1024xf32, #tpu.memory_space<vmem>>
      %dma_start3A_259 = tpu.memref_slice %arg2[%dma_start3A_252, %mul3A_27] : memref<32x500000xf32, #tpu.memory_space<hbm>> -> memref<1x1024xf32, #tpu.memory_space<hbm>>
      %dma_start3A_260 = tpu.memref_squeeze %dma_start3A_259 : memref<1x1024xf32, #tpu.memory_space<hbm>> -> memref<1024xf32, #tpu.memory_space<hbm>>
      tpu.enqueue_dma source(%dma_start3A_260 : memref<1024xf32, #tpu.memory_space<hbm>>) target(%dma_start3A_258 : memref<1024xf32, #tpu.memory_space<vmem>>) target_semaphore(%arg7 : memref<!tpu.dma_semaphore, #tpu.memory_space<semaphore_mem>>)
      %dma_start3A_261 = arith.constant 26 : i32
      %dma_start3A_262 = arith.constant 26624 : i32
      %dma_start3A_263 = tpu.memref_slice %arg5[%dma_start3A_262] : memref<32768xf32, #tpu.memory_space<vmem>> -> memref<1024xf32, #tpu.memory_space<vmem>>
      %dma_start3A_264 = tpu.memref_slice %arg2[%dma_start3A_261, %mul3A_27] : memref<32x500000xf32, #tpu.memory_space<hbm>> -> memref<1x1024xf32, #tpu.memory_space<hbm>>
      %dma_start3A_265 = tpu.memref_squeeze %dma_start3A_264 : memref<1x1024xf32, #tpu.memory_space<hbm>> -> memref<1024xf32, #tpu.memory_space<hbm>>
      %dma_start3A_266 = arith.constant 26624 : i32
      %dma_start3A_267 = tpu.memref_slice %arg5[%dma_start3A_266] : memref<32768xf32, #tpu.memory_space<vmem>> -> memref<1024xf32, #tpu.memory_space<vmem>>
      %dma_start3A_268 = tpu.memref_slice %arg2[%dma_start3A_261, %mul3A_27] : memref<32x500000xf32, #tpu.memory_space<hbm>> -> memref<1x1024xf32, #tpu.memory_space<hbm>>
      %dma_start3A_269 = tpu.memref_squeeze %dma_start3A_268 : memref<1x1024xf32, #tpu.memory_space<hbm>> -> memref<1024xf32, #tpu.memory_space<hbm>>
      tpu.enqueue_dma source(%dma_start3A_269 : memref<1024xf32, #tpu.memory_space<hbm>>) target(%dma_start3A_267 : memref<1024xf32, #tpu.memory_space<vmem>>) target_semaphore(%arg7 : memref<!tpu.dma_semaphore, #tpu.memory_space<semaphore_mem>>)
      %dma_start3A_270 = arith.constant 27 : i32
      %dma_start3A_271 = arith.constant 27648 : i32
      %dma_start3A_272 = tpu.memref_slice %arg5[%dma_start3A_271] : memref<32768xf32, #tpu.memory_space<vmem>> -> memref<1024xf32, #tpu.memory_space<vmem>>
      %dma_start3A_273 = tpu.memref_slice %arg2[%dma_start3A_270, %mul3A_27] : memref<32x500000xf32, #tpu.memory_space<hbm>> -> memref<1x1024xf32, #tpu.memory_space<hbm>>
      %dma_start3A_274 = tpu.memref_squeeze %dma_start3A_273 : memref<1x1024xf32, #tpu.memory_space<hbm>> -> memref<1024xf32, #tpu.memory_space<hbm>>
      %dma_start3A_275 = arith.constant 27648 : i32
      %dma_start3A_276 = tpu.memref_slice %arg5[%dma_start3A_275] : memref<32768xf32, #tpu.memory_space<vmem>> -> memref<1024xf32, #tpu.memory_space<vmem>>
      %dma_start3A_277 = tpu.memref_slice %arg2[%dma_start3A_270, %mul3A_27] : memref<32x500000xf32, #tpu.memory_space<hbm>> -> memref<1x1024xf32, #tpu.memory_space<hbm>>
      %dma_start3A_278 = tpu.memref_squeeze %dma_start3A_277 : memref<1x1024xf32, #tpu.memory_space<hbm>> -> memref<1024xf32, #tpu.memory_space<hbm>>
      tpu.enqueue_dma source(%dma_start3A_278 : memref<1024xf32, #tpu.memory_space<hbm>>) target(%dma_start3A_276 : memref<1024xf32, #tpu.memory_space<vmem>>) target_semaphore(%arg7 : memref<!tpu.dma_semaphore, #tpu.memory_space<semaphore_mem>>)
      %dma_start3A_279 = arith.constant 28 : i32
      %dma_start3A_280 = arith.constant 28672 : i32
      %dma_start3A_281 = tpu.memref_slice %arg5[%dma_start3A_280] : memref<32768xf32, #tpu.memory_space<vmem>> -> memref<1024xf32, #tpu.memory_space<vmem>>
      %dma_start3A_282 = tpu.memref_slice %arg2[%dma_start3A_279, %mul3A_27] : memref<32x500000xf32, #tpu.memory_space<hbm>> -> memref<1x1024xf32, #tpu.memory_space<hbm>>
      %dma_start3A_283 = tpu.memref_squeeze %dma_start3A_282 : memref<1x1024xf32, #tpu.memory_space<hbm>> -> memref<1024xf32, #tpu.memory_space<hbm>>
      %dma_start3A_284 = arith.constant 28672 : i32
      %dma_start3A_285 = tpu.memref_slice %arg5[%dma_start3A_284] : memref<32768xf32, #tpu.memory_space<vmem>> -> memref<1024xf32, #tpu.memory_space<vmem>>
      %dma_start3A_286 = tpu.memref_slice %arg2[%dma_start3A_279, %mul3A_27] : memref<32x500000xf32, #tpu.memory_space<hbm>> -> memref<1x1024xf32, #tpu.memory_space<hbm>>
      %dma_start3A_287 = tpu.memref_squeeze %dma_start3A_286 : memref<1x1024xf32, #tpu.memory_space<hbm>> -> memref<1024xf32, #tpu.memory_space<hbm>>
      tpu.enqueue_dma source(%dma_start3A_287 : memref<1024xf32, #tpu.memory_space<hbm>>) target(%dma_start3A_285 : memref<1024xf32, #tpu.memory_space<vmem>>) target_semaphore(%arg7 : memref<!tpu.dma_semaphore, #tpu.memory_space<semaphore_mem>>)
      %dma_start3A_288 = arith.constant 29 : i32
      %dma_start3A_289 = arith.constant 29696 : i32
      %dma_start3A_290 = tpu.memref_slice %arg5[%dma_start3A_289] : memref<32768xf32, #tpu.memory_space<vmem>> -> memref<1024xf32, #tpu.memory_space<vmem>>
      %dma_start3A_291 = tpu.memref_slice %arg2[%dma_start3A_288, %mul3A_27] : memref<32x500000xf32, #tpu.memory_space<hbm>> -> memref<1x1024xf32, #tpu.memory_space<hbm>>
      %dma_start3A_292 = tpu.memref_squeeze %dma_start3A_291 : memref<1x1024xf32, #tpu.memory_space<hbm>> -> memref<1024xf32, #tpu.memory_space<hbm>>
      %dma_start3A_293 = arith.constant 29696 : i32
      %dma_start3A_294 = tpu.memref_slice %arg5[%dma_start3A_293] : memref<32768xf32, #tpu.memory_space<vmem>> -> memref<1024xf32, #tpu.memory_space<vmem>>
      %dma_start3A_295 = tpu.memref_slice %arg2[%dma_start3A_288, %mul3A_27] : memref<32x500000xf32, #tpu.memory_space<hbm>> -> memref<1x1024xf32, #tpu.memory_space<hbm>>
      %dma_start3A_296 = tpu.memref_squeeze %dma_start3A_295 : memref<1x1024xf32, #tpu.memory_space<hbm>> -> memref<1024xf32, #tpu.memory_space<hbm>>
      tpu.enqueue_dma source(%dma_start3A_296 : memref<1024xf32, #tpu.memory_space<hbm>>) target(%dma_start3A_294 : memref<1024xf32, #tpu.memory_space<vmem>>) target_semaphore(%arg7 : memref<!tpu.dma_semaphore, #tpu.memory_space<semaphore_mem>>)
      %dma_start3A_297 = arith.constant 30 : i32
      %dma_start3A_298 = arith.constant 30720 : i32
      %dma_start3A_299 = tpu.memref_slice %arg5[%dma_start3A_298] : memref<32768xf32, #tpu.memory_space<vmem>> -> memref<1024xf32, #tpu.memory_space<vmem>>
      %dma_start3A_300 = tpu.memref_slice %arg2[%dma_start3A_297, %mul3A_27] : memref<32x500000xf32, #tpu.memory_space<hbm>> -> memref<1x1024xf32, #tpu.memory_space<hbm>>
      %dma_start3A_301 = tpu.memref_squeeze %dma_start3A_300 : memref<1x1024xf32, #tpu.memory_space<hbm>> -> memref<1024xf32, #tpu.memory_space<hbm>>
      %dma_start3A_302 = arith.constant 30720 : i32
      %dma_start3A_303 = tpu.memref_slice %arg5[%dma_start3A_302] : memref<32768xf32, #tpu.memory_space<vmem>> -> memref<1024xf32, #tpu.memory_space<vmem>>
      %dma_start3A_304 = tpu.memref_slice %arg2[%dma_start3A_297, %mul3A_27] : memref<32x500000xf32, #tpu.memory_space<hbm>> -> memref<1x1024xf32, #tpu.memory_space<hbm>>
      %dma_start3A_305 = tpu.memref_squeeze %dma_start3A_304 : memref<1x1024xf32, #tpu.memory_space<hbm>> -> memref<1024xf32, #tpu.memory_space<hbm>>
      tpu.enqueue_dma source(%dma_start3A_305 : memref<1024xf32, #tpu.memory_space<hbm>>) target(%dma_start3A_303 : memref<1024xf32, #tpu.memory_space<vmem>>) target_semaphore(%arg7 : memref<!tpu.dma_semaphore, #tpu.memory_space<semaphore_mem>>)
      %dma_start3A_306 = arith.constant 31 : i32
      %dma_start3A_307 = arith.constant 31744 : i32
      %dma_start3A_308 = tpu.memref_slice %arg5[%dma_start3A_307] : memref<32768xf32, #tpu.memory_space<vmem>> -> memref<1024xf32, #tpu.memory_space<vmem>>
      %dma_start3A_309 = tpu.memref_slice %arg2[%dma_start3A_306, %mul3A_27] : memref<32x500000xf32, #tpu.memory_space<hbm>> -> memref<1x1024xf32, #tpu.memory_space<hbm>>
      %dma_start3A_310 = tpu.memref_squeeze %dma_start3A_309 : memref<1x1024xf32, #tpu.memory_space<hbm>> -> memref<1024xf32, #tpu.memory_space<hbm>>
      %dma_start3A_311 = arith.constant 31744 : i32
      %dma_start3A_312 = tpu.memref_slice %arg5[%dma_start3A_311] : memref<32768xf32, #tpu.memory_space<vmem>> -> memref<1024xf32, #tpu.memory_space<vmem>>
      %dma_start3A_313 = tpu.memref_slice %arg2[%dma_start3A_306, %mul3A_27] : memref<32x500000xf32, #tpu.memory_space<hbm>> -> memref<1x1024xf32, #tpu.memory_space<hbm>>
      %dma_start3A_314 = tpu.memref_squeeze %dma_start3A_313 : memref<1x1024xf32, #tpu.memory_space<hbm>> -> memref<1024xf32, #tpu.memory_space<hbm>>
      tpu.enqueue_dma source(%dma_start3A_314 : memref<1024xf32, #tpu.memory_space<hbm>>) target(%dma_start3A_312 : memref<1024xf32, #tpu.memory_space<vmem>>) target_semaphore(%arg7 : memref<!tpu.dma_semaphore, #tpu.memory_space<semaphore_mem>>)
      %dma_wait3A = arith.constant 0 : i32
      %dma_wait3A_315 = arith.constant 0 : i32
      %dma_wait3A_316 = tpu.memref_slice %arg5[%dma_wait3A_315] : memref<32768xf32, #tpu.memory_space<vmem>> -> memref<1024xf32, #tpu.memory_space<vmem>>
      %dma_wait3A_317 = tpu.memref_slice %arg2[%dma_wait3A, %mul3A_27] : memref<32x500000xf32, #tpu.memory_space<hbm>> -> memref<1x1024xf32, #tpu.memory_space<hbm>>
      %dma_wait3A_318 = tpu.memref_squeeze %dma_wait3A_317 : memref<1x1024xf32, #tpu.memory_space<hbm>> -> memref<1024xf32, #tpu.memory_space<hbm>>
      %dma_wait3A_319 = arith.constant 0 : i32
      %dma_wait3A_320 = tpu.memref_slice %arg5[%dma_wait3A_319] : memref<32768xf32, #tpu.memory_space<vmem>> -> memref<1024xf32, #tpu.memory_space<vmem>>
      %dma_wait3A_321 = tpu.memref_slice %arg2[%dma_wait3A, %mul3A_27] : memref<32x500000xf32, #tpu.memory_space<hbm>> -> memref<1x1024xf32, #tpu.memory_space<hbm>>
      %dma_wait3A_322 = tpu.memref_squeeze %dma_wait3A_321 : memref<1x1024xf32, #tpu.memory_space<hbm>> -> memref<1024xf32, #tpu.memory_space<hbm>>
      tpu.wait_dma2 semaphore(%arg7 : memref<!tpu.dma_semaphore, #tpu.memory_space<semaphore_mem>>) src(%dma_wait3A_322 : memref<1024xf32, #tpu.memory_space<hbm>>) dst(%dma_wait3A_320 : memref<1024xf32, #tpu.memory_space<vmem>>)
      %dma_wait3A_323 = arith.constant 1 : i32
      %dma_wait3A_324 = arith.constant 1024 : i32
      %dma_wait3A_325 = tpu.memref_slice %arg5[%dma_wait3A_324] : memref<32768xf32, #tpu.memory_space<vmem>> -> memref<1024xf32, #tpu.memory_space<vmem>>
      %dma_wait3A_326 = tpu.memref_slice %arg2[%dma_wait3A_323, %mul3A_27] : memref<32x500000xf32, #tpu.memory_space<hbm>> -> memref<1x1024xf32, #tpu.memory_space<hbm>>
      %dma_wait3A_327 = tpu.memref_squeeze %dma_wait3A_326 : memref<1x1024xf32, #tpu.memory_space<hbm>> -> memref<1024xf32, #tpu.memory_space<hbm>>
      %dma_wait3A_328 = arith.constant 1024 : i32
      %dma_wait3A_329 = tpu.memref_slice %arg5[%dma_wait3A_328] : memref<32768xf32, #tpu.memory_space<vmem>> -> memref<1024xf32, #tpu.memory_space<vmem>>
      %dma_wait3A_330 = tpu.memref_slice %arg2[%dma_wait3A_323, %mul3A_27] : memref<32x500000xf32, #tpu.memory_space<hbm>> -> memref<1x1024xf32, #tpu.memory_space<hbm>>
      %dma_wait3A_331 = tpu.memref_squeeze %dma_wait3A_330 : memref<1x1024xf32, #tpu.memory_space<hbm>> -> memref<1024xf32, #tpu.memory_space<hbm>>
      tpu.wait_dma2 semaphore(%arg7 : memref<!tpu.dma_semaphore, #tpu.memory_space<semaphore_mem>>) src(%dma_wait3A_331 : memref<1024xf32, #tpu.memory_space<hbm>>) dst(%dma_wait3A_329 : memref<1024xf32, #tpu.memory_space<vmem>>)
      %dma_wait3A_332 = arith.constant 2 : i32
      %dma_wait3A_333 = arith.constant 2048 : i32
      %dma_wait3A_334 = tpu.memref_slice %arg5[%dma_wait3A_333] : memref<32768xf32, #tpu.memory_space<vmem>> -> memref<1024xf32, #tpu.memory_space<vmem>>
      %dma_wait3A_335 = tpu.memref_slice %arg2[%dma_wait3A_332, %mul3A_27] : memref<32x500000xf32, #tpu.memory_space<hbm>> -> memref<1x1024xf32, #tpu.memory_space<hbm>>
      %dma_wait3A_336 = tpu.memref_squeeze %dma_wait3A_335 : memref<1x1024xf32, #tpu.memory_space<hbm>> -> memref<1024xf32, #tpu.memory_space<hbm>>
      %dma_wait3A_337 = arith.constant 2048 : i32
      %dma_wait3A_338 = tpu.memref_slice %arg5[%dma_wait3A_337] : memref<32768xf32, #tpu.memory_space<vmem>> -> memref<1024xf32, #tpu.memory_space<vmem>>
      %dma_wait3A_339 = tpu.memref_slice %arg2[%dma_wait3A_332, %mul3A_27] : memref<32x500000xf32, #tpu.memory_space<hbm>> -> memref<1x1024xf32, #tpu.memory_space<hbm>>
      %dma_wait3A_340 = tpu.memref_squeeze %dma_wait3A_339 : memref<1x1024xf32, #tpu.memory_space<hbm>> -> memref<1024xf32, #tpu.memory_space<hbm>>
      tpu.wait_dma2 semaphore(%arg7 : memref<!tpu.dma_semaphore, #tpu.memory_space<semaphore_mem>>) src(%dma_wait3A_340 : memref<1024xf32, #tpu.memory_space<hbm>>) dst(%dma_wait3A_338 : memref<1024xf32, #tpu.memory_space<vmem>>)
      %dma_wait3A_341 = arith.constant 3 : i32
      %dma_wait3A_342 = arith.constant 3072 : i32
      %dma_wait3A_343 = tpu.memref_slice %arg5[%dma_wait3A_342] : memref<32768xf32, #tpu.memory_space<vmem>> -> memref<1024xf32, #tpu.memory_space<vmem>>
      %dma_wait3A_344 = tpu.memref_slice %arg2[%dma_wait3A_341, %mul3A_27] : memref<32x500000xf32, #tpu.memory_space<hbm>> -> memref<1x1024xf32, #tpu.memory_space<hbm>>
      %dma_wait3A_345 = tpu.memref_squeeze %dma_wait3A_344 : memref<1x1024xf32, #tpu.memory_space<hbm>> -> memref<1024xf32, #tpu.memory_space<hbm>>
      %dma_wait3A_346 = arith.constant 3072 : i32
      %dma_wait3A_347 = tpu.memref_slice %arg5[%dma_wait3A_346] : memref<32768xf32, #tpu.memory_space<vmem>> -> memref<1024xf32, #tpu.memory_space<vmem>>
      %dma_wait3A_348 = tpu.memref_slice %arg2[%dma_wait3A_341, %mul3A_27] : memref<32x500000xf32, #tpu.memory_space<hbm>> -> memref<1x1024xf32, #tpu.memory_space<hbm>>
      %dma_wait3A_349 = tpu.memref_squeeze %dma_wait3A_348 : memref<1x1024xf32, #tpu.memory_space<hbm>> -> memref<1024xf32, #tpu.memory_space<hbm>>
      tpu.wait_dma2 semaphore(%arg7 : memref<!tpu.dma_semaphore, #tpu.memory_space<semaphore_mem>>) src(%dma_wait3A_349 : memref<1024xf32, #tpu.memory_space<hbm>>) dst(%dma_wait3A_347 : memref<1024xf32, #tpu.memory_space<vmem>>)
      %dma_wait3A_350 = arith.constant 4 : i32
      %dma_wait3A_351 = arith.constant 4096 : i32
      %dma_wait3A_352 = tpu.memref_slice %arg5[%dma_wait3A_351] : memref<32768xf32, #tpu.memory_space<vmem>> -> memref<1024xf32, #tpu.memory_space<vmem>>
      %dma_wait3A_353 = tpu.memref_slice %arg2[%dma_wait3A_350, %mul3A_27] : memref<32x500000xf32, #tpu.memory_space<hbm>> -> memref<1x1024xf32, #tpu.memory_space<hbm>>
      %dma_wait3A_354 = tpu.memref_squeeze %dma_wait3A_353 : memref<1x1024xf32, #tpu.memory_space<hbm>> -> memref<1024xf32, #tpu.memory_space<hbm>>
      %dma_wait3A_355 = arith.constant 4096 : i32
      %dma_wait3A_356 = tpu.memref_slice %arg5[%dma_wait3A_355] : memref<32768xf32, #tpu.memory_space<vmem>> -> memref<1024xf32, #tpu.memory_space<vmem>>
      %dma_wait3A_357 = tpu.memref_slice %arg2[%dma_wait3A_350, %mul3A_27] : memref<32x500000xf32, #tpu.memory_space<hbm>> -> memref<1x1024xf32, #tpu.memory_space<hbm>>
      %dma_wait3A_358 = tpu.memref_squeeze %dma_wait3A_357 : memref<1x1024xf32, #tpu.memory_space<hbm>> -> memref<1024xf32, #tpu.memory_space<hbm>>
      tpu.wait_dma2 semaphore(%arg7 : memref<!tpu.dma_semaphore, #tpu.memory_space<semaphore_mem>>) src(%dma_wait3A_358 : memref<1024xf32, #tpu.memory_space<hbm>>) dst(%dma_wait3A_356 : memref<1024xf32, #tpu.memory_space<vmem>>)
      %dma_wait3A_359 = arith.constant 5 : i32
      %dma_wait3A_360 = arith.constant 5120 : i32
      %dma_wait3A_361 = tpu.memref_slice %arg5[%dma_wait3A_360] : memref<32768xf32, #tpu.memory_space<vmem>> -> memref<1024xf32, #tpu.memory_space<vmem>>
      %dma_wait3A_362 = tpu.memref_slice %arg2[%dma_wait3A_359, %mul3A_27] : memref<32x500000xf32, #tpu.memory_space<hbm>> -> memref<1x1024xf32, #tpu.memory_space<hbm>>
      %dma_wait3A_363 = tpu.memref_squeeze %dma_wait3A_362 : memref<1x1024xf32, #tpu.memory_space<hbm>> -> memref<1024xf32, #tpu.memory_space<hbm>>
      %dma_wait3A_364 = arith.constant 5120 : i32
      %dma_wait3A_365 = tpu.memref_slice %arg5[%dma_wait3A_364] : memref<32768xf32, #tpu.memory_space<vmem>> -> memref<1024xf32, #tpu.memory_space<vmem>>
      %dma_wait3A_366 = tpu.memref_slice %arg2[%dma_wait3A_359, %mul3A_27] : memref<32x500000xf32, #tpu.memory_space<hbm>> -> memref<1x1024xf32, #tpu.memory_space<hbm>>
      %dma_wait3A_367 = tpu.memref_squeeze %dma_wait3A_366 : memref<1x1024xf32, #tpu.memory_space<hbm>> -> memref<1024xf32, #tpu.memory_space<hbm>>
      tpu.wait_dma2 semaphore(%arg7 : memref<!tpu.dma_semaphore, #tpu.memory_space<semaphore_mem>>) src(%dma_wait3A_367 : memref<1024xf32, #tpu.memory_space<hbm>>) dst(%dma_wait3A_365 : memref<1024xf32, #tpu.memory_space<vmem>>)
      %dma_wait3A_368 = arith.constant 6 : i32
      %dma_wait3A_369 = arith.constant 6144 : i32
      %dma_wait3A_370 = tpu.memref_slice %arg5[%dma_wait3A_369] : memref<32768xf32, #tpu.memory_space<vmem>> -> memref<1024xf32, #tpu.memory_space<vmem>>
      %dma_wait3A_371 = tpu.memref_slice %arg2[%dma_wait3A_368, %mul3A_27] : memref<32x500000xf32, #tpu.memory_space<hbm>> -> memref<1x1024xf32, #tpu.memory_space<hbm>>
      %dma_wait3A_372 = tpu.memref_squeeze %dma_wait3A_371 : memref<1x1024xf32, #tpu.memory_space<hbm>> -> memref<1024xf32, #tpu.memory_space<hbm>>
      %dma_wait3A_373 = arith.constant 6144 : i32
      %dma_wait3A_374 = tpu.memref_slice %arg5[%dma_wait3A_373] : memref<32768xf32, #tpu.memory_space<vmem>> -> memref<1024xf32, #tpu.memory_space<vmem>>
      %dma_wait3A_375 = tpu.memref_slice %arg2[%dma_wait3A_368, %mul3A_27] : memref<32x500000xf32, #tpu.memory_space<hbm>> -> memref<1x1024xf32, #tpu.memory_space<hbm>>
      %dma_wait3A_376 = tpu.memref_squeeze %dma_wait3A_375 : memref<1x1024xf32, #tpu.memory_space<hbm>> -> memref<1024xf32, #tpu.memory_space<hbm>>
      tpu.wait_dma2 semaphore(%arg7 : memref<!tpu.dma_semaphore, #tpu.memory_space<semaphore_mem>>) src(%dma_wait3A_376 : memref<1024xf32, #tpu.memory_space<hbm>>) dst(%dma_wait3A_374 : memref<1024xf32, #tpu.memory_space<vmem>>)
      %dma_wait3A_377 = arith.constant 7 : i32
      %dma_wait3A_378 = arith.constant 7168 : i32
      %dma_wait3A_379 = tpu.memref_slice %arg5[%dma_wait3A_378] : memref<32768xf32, #tpu.memory_space<vmem>> -> memref<1024xf32, #tpu.memory_space<vmem>>
      %dma_wait3A_380 = tpu.memref_slice %arg2[%dma_wait3A_377, %mul3A_27] : memref<32x500000xf32, #tpu.memory_space<hbm>> -> memref<1x1024xf32, #tpu.memory_space<hbm>>
      %dma_wait3A_381 = tpu.memref_squeeze %dma_wait3A_380 : memref<1x1024xf32, #tpu.memory_space<hbm>> -> memref<1024xf32, #tpu.memory_space<hbm>>
      %dma_wait3A_382 = arith.constant 7168 : i32
      %dma_wait3A_383 = tpu.memref_slice %arg5[%dma_wait3A_382] : memref<32768xf32, #tpu.memory_space<vmem>> -> memref<1024xf32, #tpu.memory_space<vmem>>
      %dma_wait3A_384 = tpu.memref_slice %arg2[%dma_wait3A_377, %mul3A_27] : memref<32x500000xf32, #tpu.memory_space<hbm>> -> memref<1x1024xf32, #tpu.memory_space<hbm>>
      %dma_wait3A_385 = tpu.memref_squeeze %dma_wait3A_384 : memref<1x1024xf32, #tpu.memory_space<hbm>> -> memref<1024xf32, #tpu.memory_space<hbm>>
      tpu.wait_dma2 semaphore(%arg7 : memref<!tpu.dma_semaphore, #tpu.memory_space<semaphore_mem>>) src(%dma_wait3A_385 : memref<1024xf32, #tpu.memory_space<hbm>>) dst(%dma_wait3A_383 : memref<1024xf32, #tpu.memory_space<vmem>>)
      %dma_wait3A_386 = arith.constant 8 : i32
      %dma_wait3A_387 = arith.constant 8192 : i32
      %dma_wait3A_388 = tpu.memref_slice %arg5[%dma_wait3A_387] : memref<32768xf32, #tpu.memory_space<vmem>> -> memref<1024xf32, #tpu.memory_space<vmem>>
      %dma_wait3A_389 = tpu.memref_slice %arg2[%dma_wait3A_386, %mul3A_27] : memref<32x500000xf32, #tpu.memory_space<hbm>> -> memref<1x1024xf32, #tpu.memory_space<hbm>>
      %dma_wait3A_390 = tpu.memref_squeeze %dma_wait3A_389 : memref<1x1024xf32, #tpu.memory_space<hbm>> -> memref<1024xf32, #tpu.memory_space<hbm>>
      %dma_wait3A_391 = arith.constant 8192 : i32
      %dma_wait3A_392 = tpu.memref_slice %arg5[%dma_wait3A_391] : memref<32768xf32, #tpu.memory_space<vmem>> -> memref<1024xf32, #tpu.memory_space<vmem>>
      %dma_wait3A_393 = tpu.memref_slice %arg2[%dma_wait3A_386, %mul3A_27] : memref<32x500000xf32, #tpu.memory_space<hbm>> -> memref<1x1024xf32, #tpu.memory_space<hbm>>
      %dma_wait3A_394 = tpu.memref_squeeze %dma_wait3A_393 : memref<1x1024xf32, #tpu.memory_space<hbm>> -> memref<1024xf32, #tpu.memory_space<hbm>>
      tpu.wait_dma2 semaphore(%arg7 : memref<!tpu.dma_semaphore, #tpu.memory_space<semaphore_mem>>) src(%dma_wait3A_394 : memref<1024xf32, #tpu.memory_space<hbm>>) dst(%dma_wait3A_392 : memref<1024xf32, #tpu.memory_space<vmem>>)
      %dma_wait3A_395 = arith.constant 9 : i32
      %dma_wait3A_396 = arith.constant 9216 : i32
      %dma_wait3A_397 = tpu.memref_slice %arg5[%dma_wait3A_396] : memref<32768xf32, #tpu.memory_space<vmem>> -> memref<1024xf32, #tpu.memory_space<vmem>>
      %dma_wait3A_398 = tpu.memref_slice %arg2[%dma_wait3A_395, %mul3A_27] : memref<32x500000xf32, #tpu.memory_space<hbm>> -> memref<1x1024xf32, #tpu.memory_space<hbm>>
      %dma_wait3A_399 = tpu.memref_squeeze %dma_wait3A_398 : memref<1x1024xf32, #tpu.memory_space<hbm>> -> memref<1024xf32, #tpu.memory_space<hbm>>
      %dma_wait3A_400 = arith.constant 9216 : i32
      %dma_wait3A_401 = tpu.memref_slice %arg5[%dma_wait3A_400] : memref<32768xf32, #tpu.memory_space<vmem>> -> memref<1024xf32, #tpu.memory_space<vmem>>
      %dma_wait3A_402 = tpu.memref_slice %arg2[%dma_wait3A_395, %mul3A_27] : memref<32x500000xf32, #tpu.memory_space<hbm>> -> memref<1x1024xf32, #tpu.memory_space<hbm>>
      %dma_wait3A_403 = tpu.memref_squeeze %dma_wait3A_402 : memref<1x1024xf32, #tpu.memory_space<hbm>> -> memref<1024xf32, #tpu.memory_space<hbm>>
      tpu.wait_dma2 semaphore(%arg7 : memref<!tpu.dma_semaphore, #tpu.memory_space<semaphore_mem>>) src(%dma_wait3A_403 : memref<1024xf32, #tpu.memory_space<hbm>>) dst(%dma_wait3A_401 : memref<1024xf32, #tpu.memory_space<vmem>>)
      %dma_wait3A_404 = arith.constant 10 : i32
      %dma_wait3A_405 = arith.constant 10240 : i32
      %dma_wait3A_406 = tpu.memref_slice %arg5[%dma_wait3A_405] : memref<32768xf32, #tpu.memory_space<vmem>> -> memref<1024xf32, #tpu.memory_space<vmem>>
      %dma_wait3A_407 = tpu.memref_slice %arg2[%dma_wait3A_404, %mul3A_27] : memref<32x500000xf32, #tpu.memory_space<hbm>> -> memref<1x1024xf32, #tpu.memory_space<hbm>>
      %dma_wait3A_408 = tpu.memref_squeeze %dma_wait3A_407 : memref<1x1024xf32, #tpu.memory_space<hbm>> -> memref<1024xf32, #tpu.memory_space<hbm>>
      %dma_wait3A_409 = arith.constant 10240 : i32
      %dma_wait3A_410 = tpu.memref_slice %arg5[%dma_wait3A_409] : memref<32768xf32, #tpu.memory_space<vmem>> -> memref<1024xf32, #tpu.memory_space<vmem>>
      %dma_wait3A_411 = tpu.memref_slice %arg2[%dma_wait3A_404, %mul3A_27] : memref<32x500000xf32, #tpu.memory_space<hbm>> -> memref<1x1024xf32, #tpu.memory_space<hbm>>
      %dma_wait3A_412 = tpu.memref_squeeze %dma_wait3A_411 : memref<1x1024xf32, #tpu.memory_space<hbm>> -> memref<1024xf32, #tpu.memory_space<hbm>>
      tpu.wait_dma2 semaphore(%arg7 : memref<!tpu.dma_semaphore, #tpu.memory_space<semaphore_mem>>) src(%dma_wait3A_412 : memref<1024xf32, #tpu.memory_space<hbm>>) dst(%dma_wait3A_410 : memref<1024xf32, #tpu.memory_space<vmem>>)
      %dma_wait3A_413 = arith.constant 11 : i32
      %dma_wait3A_414 = arith.constant 11264 : i32
      %dma_wait3A_415 = tpu.memref_slice %arg5[%dma_wait3A_414] : memref<32768xf32, #tpu.memory_space<vmem>> -> memref<1024xf32, #tpu.memory_space<vmem>>
      %dma_wait3A_416 = tpu.memref_slice %arg2[%dma_wait3A_413, %mul3A_27] : memref<32x500000xf32, #tpu.memory_space<hbm>> -> memref<1x1024xf32, #tpu.memory_space<hbm>>
      %dma_wait3A_417 = tpu.memref_squeeze %dma_wait3A_416 : memref<1x1024xf32, #tpu.memory_space<hbm>> -> memref<1024xf32, #tpu.memory_space<hbm>>
      %dma_wait3A_418 = arith.constant 11264 : i32
      %dma_wait3A_419 = tpu.memref_slice %arg5[%dma_wait3A_418] : memref<32768xf32, #tpu.memory_space<vmem>> -> memref<1024xf32, #tpu.memory_space<vmem>>
      %dma_wait3A_420 = tpu.memref_slice %arg2[%dma_wait3A_413, %mul3A_27] : memref<32x500000xf32, #tpu.memory_space<hbm>> -> memref<1x1024xf32, #tpu.memory_space<hbm>>
      %dma_wait3A_421 = tpu.memref_squeeze %dma_wait3A_420 : memref<1x1024xf32, #tpu.memory_space<hbm>> -> memref<1024xf32, #tpu.memory_space<hbm>>
      tpu.wait_dma2 semaphore(%arg7 : memref<!tpu.dma_semaphore, #tpu.memory_space<semaphore_mem>>) src(%dma_wait3A_421 : memref<1024xf32, #tpu.memory_space<hbm>>) dst(%dma_wait3A_419 : memref<1024xf32, #tpu.memory_space<vmem>>)
      %dma_wait3A_422 = arith.constant 12 : i32
      %dma_wait3A_423 = arith.constant 12288 : i32
      %dma_wait3A_424 = tpu.memref_slice %arg5[%dma_wait3A_423] : memref<32768xf32, #tpu.memory_space<vmem>> -> memref<1024xf32, #tpu.memory_space<vmem>>
      %dma_wait3A_425 = tpu.memref_slice %arg2[%dma_wait3A_422, %mul3A_27] : memref<32x500000xf32, #tpu.memory_space<hbm>> -> memref<1x1024xf32, #tpu.memory_space<hbm>>
      %dma_wait3A_426 = tpu.memref_squeeze %dma_wait3A_425 : memref<1x1024xf32, #tpu.memory_space<hbm>> -> memref<1024xf32, #tpu.memory_space<hbm>>
      %dma_wait3A_427 = arith.constant 12288 : i32
      %dma_wait3A_428 = tpu.memref_slice %arg5[%dma_wait3A_427] : memref<32768xf32, #tpu.memory_space<vmem>> -> memref<1024xf32, #tpu.memory_space<vmem>>
      %dma_wait3A_429 = tpu.memref_slice %arg2[%dma_wait3A_422, %mul3A_27] : memref<32x500000xf32, #tpu.memory_space<hbm>> -> memref<1x1024xf32, #tpu.memory_space<hbm>>
      %dma_wait3A_430 = tpu.memref_squeeze %dma_wait3A_429 : memref<1x1024xf32, #tpu.memory_space<hbm>> -> memref<1024xf32, #tpu.memory_space<hbm>>
      tpu.wait_dma2 semaphore(%arg7 : memref<!tpu.dma_semaphore, #tpu.memory_space<semaphore_mem>>) src(%dma_wait3A_430 : memref<1024xf32, #tpu.memory_space<hbm>>) dst(%dma_wait3A_428 : memref<1024xf32, #tpu.memory_space<vmem>>)
      %dma_wait3A_431 = arith.constant 13 : i32
      %dma_wait3A_432 = arith.constant 13312 : i32
      %dma_wait3A_433 = tpu.memref_slice %arg5[%dma_wait3A_432] : memref<32768xf32, #tpu.memory_space<vmem>> -> memref<1024xf32, #tpu.memory_space<vmem>>
      %dma_wait3A_434 = tpu.memref_slice %arg2[%dma_wait3A_431, %mul3A_27] : memref<32x500000xf32, #tpu.memory_space<hbm>> -> memref<1x1024xf32, #tpu.memory_space<hbm>>
      %dma_wait3A_435 = tpu.memref_squeeze %dma_wait3A_434 : memref<1x1024xf32, #tpu.memory_space<hbm>> -> memref<1024xf32, #tpu.memory_space<hbm>>
      %dma_wait3A_436 = arith.constant 13312 : i32
      %dma_wait3A_437 = tpu.memref_slice %arg5[%dma_wait3A_436] : memref<32768xf32, #tpu.memory_space<vmem>> -> memref<1024xf32, #tpu.memory_space<vmem>>
      %dma_wait3A_438 = tpu.memref_slice %arg2[%dma_wait3A_431, %mul3A_27] : memref<32x500000xf32, #tpu.memory_space<hbm>> -> memref<1x1024xf32, #tpu.memory_space<hbm>>
      %dma_wait3A_439 = tpu.memref_squeeze %dma_wait3A_438 : memref<1x1024xf32, #tpu.memory_space<hbm>> -> memref<1024xf32, #tpu.memory_space<hbm>>
      tpu.wait_dma2 semaphore(%arg7 : memref<!tpu.dma_semaphore, #tpu.memory_space<semaphore_mem>>) src(%dma_wait3A_439 : memref<1024xf32, #tpu.memory_space<hbm>>) dst(%dma_wait3A_437 : memref<1024xf32, #tpu.memory_space<vmem>>)
      %dma_wait3A_440 = arith.constant 14 : i32
      %dma_wait3A_441 = arith.constant 14336 : i32
      %dma_wait3A_442 = tpu.memref_slice %arg5[%dma_wait3A_441] : memref<32768xf32, #tpu.memory_space<vmem>> -> memref<1024xf32, #tpu.memory_space<vmem>>
      %dma_wait3A_443 = tpu.memref_slice %arg2[%dma_wait3A_440, %mul3A_27] : memref<32x500000xf32, #tpu.memory_space<hbm>> -> memref<1x1024xf32, #tpu.memory_space<hbm>>
      %dma_wait3A_444 = tpu.memref_squeeze %dma_wait3A_443 : memref<1x1024xf32, #tpu.memory_space<hbm>> -> memref<1024xf32, #tpu.memory_space<hbm>>
      %dma_wait3A_445 = arith.constant 14336 : i32
      %dma_wait3A_446 = tpu.memref_slice %arg5[%dma_wait3A_445] : memref<32768xf32, #tpu.memory_space<vmem>> -> memref<1024xf32, #tpu.memory_space<vmem>>
      %dma_wait3A_447 = tpu.memref_slice %arg2[%dma_wait3A_440, %mul3A_27] : memref<32x500000xf32, #tpu.memory_space<hbm>> -> memref<1x1024xf32, #tpu.memory_space<hbm>>
      %dma_wait3A_448 = tpu.memref_squeeze %dma_wait3A_447 : memref<1x1024xf32, #tpu.memory_space<hbm>> -> memref<1024xf32, #tpu.memory_space<hbm>>
      tpu.wait_dma2 semaphore(%arg7 : memref<!tpu.dma_semaphore, #tpu.memory_space<semaphore_mem>>) src(%dma_wait3A_448 : memref<1024xf32, #tpu.memory_space<hbm>>) dst(%dma_wait3A_446 : memref<1024xf32, #tpu.memory_space<vmem>>)
      %dma_wait3A_449 = arith.constant 15 : i32
      %dma_wait3A_450 = arith.constant 15360 : i32
      %dma_wait3A_451 = tpu.memref_slice %arg5[%dma_wait3A_450] : memref<32768xf32, #tpu.memory_space<vmem>> -> memref<1024xf32, #tpu.memory_space<vmem>>
      %dma_wait3A_452 = tpu.memref_slice %arg2[%dma_wait3A_449, %mul3A_27] : memref<32x500000xf32, #tpu.memory_space<hbm>> -> memref<1x1024xf32, #tpu.memory_space<hbm>>
      %dma_wait3A_453 = tpu.memref_squeeze %dma_wait3A_452 : memref<1x1024xf32, #tpu.memory_space<hbm>> -> memref<1024xf32, #tpu.memory_space<hbm>>
      %dma_wait3A_454 = arith.constant 15360 : i32
      %dma_wait3A_455 = tpu.memref_slice %arg5[%dma_wait3A_454] : memref<32768xf32, #tpu.memory_space<vmem>> -> memref<1024xf32, #tpu.memory_space<vmem>>
      %dma_wait3A_456 = tpu.memref_slice %arg2[%dma_wait3A_449, %mul3A_27] : memref<32x500000xf32, #tpu.memory_space<hbm>> -> memref<1x1024xf32, #tpu.memory_space<hbm>>
      %dma_wait3A_457 = tpu.memref_squeeze %dma_wait3A_456 : memref<1x1024xf32, #tpu.memory_space<hbm>> -> memref<1024xf32, #tpu.memory_space<hbm>>
      tpu.wait_dma2 semaphore(%arg7 : memref<!tpu.dma_semaphore, #tpu.memory_space<semaphore_mem>>) src(%dma_wait3A_457 : memref<1024xf32, #tpu.memory_space<hbm>>) dst(%dma_wait3A_455 : memref<1024xf32, #tpu.memory_space<vmem>>)
      %dma_wait3A_458 = arith.constant 16 : i32
      %dma_wait3A_459 = arith.constant 16384 : i32
      %dma_wait3A_460 = tpu.memref_slice %arg5[%dma_wait3A_459] : memref<32768xf32, #tpu.memory_space<vmem>> -> memref<1024xf32, #tpu.memory_space<vmem>>
      %dma_wait3A_461 = tpu.memref_slice %arg2[%dma_wait3A_458, %mul3A_27] : memref<32x500000xf32, #tpu.memory_space<hbm>> -> memref<1x1024xf32, #tpu.memory_space<hbm>>
      %dma_wait3A_462 = tpu.memref_squeeze %dma_wait3A_461 : memref<1x1024xf32, #tpu.memory_space<hbm>> -> memref<1024xf32, #tpu.memory_space<hbm>>
      %dma_wait3A_463 = arith.constant 16384 : i32
      %dma_wait3A_464 = tpu.memref_slice %arg5[%dma_wait3A_463] : memref<32768xf32, #tpu.memory_space<vmem>> -> memref<1024xf32, #tpu.memory_space<vmem>>
      %dma_wait3A_465 = tpu.memref_slice %arg2[%dma_wait3A_458, %mul3A_27] : memref<32x500000xf32, #tpu.memory_space<hbm>> -> memref<1x1024xf32, #tpu.memory_space<hbm>>
      %dma_wait3A_466 = tpu.memref_squeeze %dma_wait3A_465 : memref<1x1024xf32, #tpu.memory_space<hbm>> -> memref<1024xf32, #tpu.memory_space<hbm>>
      tpu.wait_dma2 semaphore(%arg7 : memref<!tpu.dma_semaphore, #tpu.memory_space<semaphore_mem>>) src(%dma_wait3A_466 : memref<1024xf32, #tpu.memory_space<hbm>>) dst(%dma_wait3A_464 : memref<1024xf32, #tpu.memory_space<vmem>>)
      %dma_wait3A_467 = arith.constant 17 : i32
      %dma_wait3A_468 = arith.constant 17408 : i32
      %dma_wait3A_469 = tpu.memref_slice %arg5[%dma_wait3A_468] : memref<32768xf32, #tpu.memory_space<vmem>> -> memref<1024xf32, #tpu.memory_space<vmem>>
      %dma_wait3A_470 = tpu.memref_slice %arg2[%dma_wait3A_467, %mul3A_27] : memref<32x500000xf32, #tpu.memory_space<hbm>> -> memref<1x1024xf32, #tpu.memory_space<hbm>>
      %dma_wait3A_471 = tpu.memref_squeeze %dma_wait3A_470 : memref<1x1024xf32, #tpu.memory_space<hbm>> -> memref<1024xf32, #tpu.memory_space<hbm>>
      %dma_wait3A_472 = arith.constant 17408 : i32
      %dma_wait3A_473 = tpu.memref_slice %arg5[%dma_wait3A_472] : memref<32768xf32, #tpu.memory_space<vmem>> -> memref<1024xf32, #tpu.memory_space<vmem>>
      %dma_wait3A_474 = tpu.memref_slice %arg2[%dma_wait3A_467, %mul3A_27] : memref<32x500000xf32, #tpu.memory_space<hbm>> -> memref<1x1024xf32, #tpu.memory_space<hbm>>
      %dma_wait3A_475 = tpu.memref_squeeze %dma_wait3A_474 : memref<1x1024xf32, #tpu.memory_space<hbm>> -> memref<1024xf32, #tpu.memory_space<hbm>>
      tpu.wait_dma2 semaphore(%arg7 : memref<!tpu.dma_semaphore, #tpu.memory_space<semaphore_mem>>) src(%dma_wait3A_475 : memref<1024xf32, #tpu.memory_space<hbm>>) dst(%dma_wait3A_473 : memref<1024xf32, #tpu.memory_space<vmem>>)
      %dma_wait3A_476 = arith.constant 18 : i32
      %dma_wait3A_477 = arith.constant 18432 : i32
      %dma_wait3A_478 = tpu.memref_slice %arg5[%dma_wait3A_477] : memref<32768xf32, #tpu.memory_space<vmem>> -> memref<1024xf32, #tpu.memory_space<vmem>>
      %dma_wait3A_479 = tpu.memref_slice %arg2[%dma_wait3A_476, %mul3A_27] : memref<32x500000xf32, #tpu.memory_space<hbm>> -> memref<1x1024xf32, #tpu.memory_space<hbm>>
      %dma_wait3A_480 = tpu.memref_squeeze %dma_wait3A_479 : memref<1x1024xf32, #tpu.memory_space<hbm>> -> memref<1024xf32, #tpu.memory_space<hbm>>
      %dma_wait3A_481 = arith.constant 18432 : i32
      %dma_wait3A_482 = tpu.memref_slice %arg5[%dma_wait3A_481] : memref<32768xf32, #tpu.memory_space<vmem>> -> memref<1024xf32, #tpu.memory_space<vmem>>
      %dma_wait3A_483 = tpu.memref_slice %arg2[%dma_wait3A_476, %mul3A_27] : memref<32x500000xf32, #tpu.memory_space<hbm>> -> memref<1x1024xf32, #tpu.memory_space<hbm>>
      %dma_wait3A_484 = tpu.memref_squeeze %dma_wait3A_483 : memref<1x1024xf32, #tpu.memory_space<hbm>> -> memref<1024xf32, #tpu.memory_space<hbm>>
      tpu.wait_dma2 semaphore(%arg7 : memref<!tpu.dma_semaphore, #tpu.memory_space<semaphore_mem>>) src(%dma_wait3A_484 : memref<1024xf32, #tpu.memory_space<hbm>>) dst(%dma_wait3A_482 : memref<1024xf32, #tpu.memory_space<vmem>>)
      %dma_wait3A_485 = arith.constant 19 : i32
      %dma_wait3A_486 = arith.constant 19456 : i32
      %dma_wait3A_487 = tpu.memref_slice %arg5[%dma_wait3A_486] : memref<32768xf32, #tpu.memory_space<vmem>> -> memref<1024xf32, #tpu.memory_space<vmem>>
      %dma_wait3A_488 = tpu.memref_slice %arg2[%dma_wait3A_485, %mul3A_27] : memref<32x500000xf32, #tpu.memory_space<hbm>> -> memref<1x1024xf32, #tpu.memory_space<hbm>>
      %dma_wait3A_489 = tpu.memref_squeeze %dma_wait3A_488 : memref<1x1024xf32, #tpu.memory_space<hbm>> -> memref<1024xf32, #tpu.memory_space<hbm>>
      %dma_wait3A_490 = arith.constant 19456 : i32
      %dma_wait3A_491 = tpu.memref_slice %arg5[%dma_wait3A_490] : memref<32768xf32, #tpu.memory_space<vmem>> -> memref<1024xf32, #tpu.memory_space<vmem>>
      %dma_wait3A_492 = tpu.memref_slice %arg2[%dma_wait3A_485, %mul3A_27] : memref<32x500000xf32, #tpu.memory_space<hbm>> -> memref<1x1024xf32, #tpu.memory_space<hbm>>
      %dma_wait3A_493 = tpu.memref_squeeze %dma_wait3A_492 : memref<1x1024xf32, #tpu.memory_space<hbm>> -> memref<1024xf32, #tpu.memory_space<hbm>>
      tpu.wait_dma2 semaphore(%arg7 : memref<!tpu.dma_semaphore, #tpu.memory_space<semaphore_mem>>) src(%dma_wait3A_493 : memref<1024xf32, #tpu.memory_space<hbm>>) dst(%dma_wait3A_491 : memref<1024xf32, #tpu.memory_space<vmem>>)
      %dma_wait3A_494 = arith.constant 20 : i32
      %dma_wait3A_495 = arith.constant 20480 : i32
      %dma_wait3A_496 = tpu.memref_slice %arg5[%dma_wait3A_495] : memref<32768xf32, #tpu.memory_space<vmem>> -> memref<1024xf32, #tpu.memory_space<vmem>>
      %dma_wait3A_497 = tpu.memref_slice %arg2[%dma_wait3A_494, %mul3A_27] : memref<32x500000xf32, #tpu.memory_space<hbm>> -> memref<1x1024xf32, #tpu.memory_space<hbm>>
      %dma_wait3A_498 = tpu.memref_squeeze %dma_wait3A_497 : memref<1x1024xf32, #tpu.memory_space<hbm>> -> memref<1024xf32, #tpu.memory_space<hbm>>
      %dma_wait3A_499 = arith.constant 20480 : i32
      %dma_wait3A_500 = tpu.memref_slice %arg5[%dma_wait3A_499] : memref<32768xf32, #tpu.memory_space<vmem>> -> memref<1024xf32, #tpu.memory_space<vmem>>
      %dma_wait3A_501 = tpu.memref_slice %arg2[%dma_wait3A_494, %mul3A_27] : memref<32x500000xf32, #tpu.memory_space<hbm>> -> memref<1x1024xf32, #tpu.memory_space<hbm>>
      %dma_wait3A_502 = tpu.memref_squeeze %dma_wait3A_501 : memref<1x1024xf32, #tpu.memory_space<hbm>> -> memref<1024xf32, #tpu.memory_space<hbm>>
      tpu.wait_dma2 semaphore(%arg7 : memref<!tpu.dma_semaphore, #tpu.memory_space<semaphore_mem>>) src(%dma_wait3A_502 : memref<1024xf32, #tpu.memory_space<hbm>>) dst(%dma_wait3A_500 : memref<1024xf32, #tpu.memory_space<vmem>>)
      %dma_wait3A_503 = arith.constant 21 : i32
      %dma_wait3A_504 = arith.constant 21504 : i32
      %dma_wait3A_505 = tpu.memref_slice %arg5[%dma_wait3A_504] : memref<32768xf32, #tpu.memory_space<vmem>> -> memref<1024xf32, #tpu.memory_space<vmem>>
      %dma_wait3A_506 = tpu.memref_slice %arg2[%dma_wait3A_503, %mul3A_27] : memref<32x500000xf32, #tpu.memory_space<hbm>> -> memref<1x1024xf32, #tpu.memory_space<hbm>>
      %dma_wait3A_507 = tpu.memref_squeeze %dma_wait3A_506 : memref<1x1024xf32, #tpu.memory_space<hbm>> -> memref<1024xf32, #tpu.memory_space<hbm>>
      %dma_wait3A_508 = arith.constant 21504 : i32
      %dma_wait3A_509 = tpu.memref_slice %arg5[%dma_wait3A_508] : memref<32768xf32, #tpu.memory_space<vmem>> -> memref<1024xf32, #tpu.memory_space<vmem>>
      %dma_wait3A_510 = tpu.memref_slice %arg2[%dma_wait3A_503, %mul3A_27] : memref<32x500000xf32, #tpu.memory_space<hbm>> -> memref<1x1024xf32, #tpu.memory_space<hbm>>
      %dma_wait3A_511 = tpu.memref_squeeze %dma_wait3A_510 : memref<1x1024xf32, #tpu.memory_space<hbm>> -> memref<1024xf32, #tpu.memory_space<hbm>>
      tpu.wait_dma2 semaphore(%arg7 : memref<!tpu.dma_semaphore, #tpu.memory_space<semaphore_mem>>) src(%dma_wait3A_511 : memref<1024xf32, #tpu.memory_space<hbm>>) dst(%dma_wait3A_509 : memref<1024xf32, #tpu.memory_space<vmem>>)
      %dma_wait3A_512 = arith.constant 22 : i32
      %dma_wait3A_513 = arith.constant 22528 : i32
      %dma_wait3A_514 = tpu.memref_slice %arg5[%dma_wait3A_513] : memref<32768xf32, #tpu.memory_space<vmem>> -> memref<1024xf32, #tpu.memory_space<vmem>>
      %dma_wait3A_515 = tpu.memref_slice %arg2[%dma_wait3A_512, %mul3A_27] : memref<32x500000xf32, #tpu.memory_space<hbm>> -> memref<1x1024xf32, #tpu.memory_space<hbm>>
      %dma_wait3A_516 = tpu.memref_squeeze %dma_wait3A_515 : memref<1x1024xf32, #tpu.memory_space<hbm>> -> memref<1024xf32, #tpu.memory_space<hbm>>
      %dma_wait3A_517 = arith.constant 22528 : i32
      %dma_wait3A_518 = tpu.memref_slice %arg5[%dma_wait3A_517] : memref<32768xf32, #tpu.memory_space<vmem>> -> memref<1024xf32, #tpu.memory_space<vmem>>
      %dma_wait3A_519 = tpu.memref_slice %arg2[%dma_wait3A_512, %mul3A_27] : memref<32x500000xf32, #tpu.memory_space<hbm>> -> memref<1x1024xf32, #tpu.memory_space<hbm>>
      %dma_wait3A_520 = tpu.memref_squeeze %dma_wait3A_519 : memref<1x1024xf32, #tpu.memory_space<hbm>> -> memref<1024xf32, #tpu.memory_space<hbm>>
      tpu.wait_dma2 semaphore(%arg7 : memref<!tpu.dma_semaphore, #tpu.memory_space<semaphore_mem>>) src(%dma_wait3A_520 : memref<1024xf32, #tpu.memory_space<hbm>>) dst(%dma_wait3A_518 : memref<1024xf32, #tpu.memory_space<vmem>>)
      %dma_wait3A_521 = arith.constant 23 : i32
      %dma_wait3A_522 = arith.constant 23552 : i32
      %dma_wait3A_523 = tpu.memref_slice %arg5[%dma_wait3A_522] : memref<32768xf32, #tpu.memory_space<vmem>> -> memref<1024xf32, #tpu.memory_space<vmem>>
      %dma_wait3A_524 = tpu.memref_slice %arg2[%dma_wait3A_521, %mul3A_27] : memref<32x500000xf32, #tpu.memory_space<hbm>> -> memref<1x1024xf32, #tpu.memory_space<hbm>>
      %dma_wait3A_525 = tpu.memref_squeeze %dma_wait3A_524 : memref<1x1024xf32, #tpu.memory_space<hbm>> -> memref<1024xf32, #tpu.memory_space<hbm>>
      %dma_wait3A_526 = arith.constant 23552 : i32
      %dma_wait3A_527 = tpu.memref_slice %arg5[%dma_wait3A_526] : memref<32768xf32, #tpu.memory_space<vmem>> -> memref<1024xf32, #tpu.memory_space<vmem>>
      %dma_wait3A_528 = tpu.memref_slice %arg2[%dma_wait3A_521, %mul3A_27] : memref<32x500000xf32, #tpu.memory_space<hbm>> -> memref<1x1024xf32, #tpu.memory_space<hbm>>
      %dma_wait3A_529 = tpu.memref_squeeze %dma_wait3A_528 : memref<1x1024xf32, #tpu.memory_space<hbm>> -> memref<1024xf32, #tpu.memory_space<hbm>>
      tpu.wait_dma2 semaphore(%arg7 : memref<!tpu.dma_semaphore, #tpu.memory_space<semaphore_mem>>) src(%dma_wait3A_529 : memref<1024xf32, #tpu.memory_space<hbm>>) dst(%dma_wait3A_527 : memref<1024xf32, #tpu.memory_space<vmem>>)
      %dma_wait3A_530 = arith.constant 24 : i32
      %dma_wait3A_531 = arith.constant 24576 : i32
      %dma_wait3A_532 = tpu.memref_slice %arg5[%dma_wait3A_531] : memref<32768xf32, #tpu.memory_space<vmem>> -> memref<1024xf32, #tpu.memory_space<vmem>>
      %dma_wait3A_533 = tpu.memref_slice %arg2[%dma_wait3A_530, %mul3A_27] : memref<32x500000xf32, #tpu.memory_space<hbm>> -> memref<1x1024xf32, #tpu.memory_space<hbm>>
      %dma_wait3A_534 = tpu.memref_squeeze %dma_wait3A_533 : memref<1x1024xf32, #tpu.memory_space<hbm>> -> memref<1024xf32, #tpu.memory_space<hbm>>
      %dma_wait3A_535 = arith.constant 24576 : i32
      %dma_wait3A_536 = tpu.memref_slice %arg5[%dma_wait3A_535] : memref<32768xf32, #tpu.memory_space<vmem>> -> memref<1024xf32, #tpu.memory_space<vmem>>
      %dma_wait3A_537 = tpu.memref_slice %arg2[%dma_wait3A_530, %mul3A_27] : memref<32x500000xf32, #tpu.memory_space<hbm>> -> memref<1x1024xf32, #tpu.memory_space<hbm>>
      %dma_wait3A_538 = tpu.memref_squeeze %dma_wait3A_537 : memref<1x1024xf32, #tpu.memory_space<hbm>> -> memref<1024xf32, #tpu.memory_space<hbm>>
      tpu.wait_dma2 semaphore(%arg7 : memref<!tpu.dma_semaphore, #tpu.memory_space<semaphore_mem>>) src(%dma_wait3A_538 : memref<1024xf32, #tpu.memory_space<hbm>>) dst(%dma_wait3A_536 : memref<1024xf32, #tpu.memory_space<vmem>>)
      %dma_wait3A_539 = arith.constant 25 : i32
      %dma_wait3A_540 = arith.constant 25600 : i32
      %dma_wait3A_541 = tpu.memref_slice %arg5[%dma_wait3A_540] : memref<32768xf32, #tpu.memory_space<vmem>> -> memref<1024xf32, #tpu.memory_space<vmem>>
      %dma_wait3A_542 = tpu.memref_slice %arg2[%dma_wait3A_539, %mul3A_27] : memref<32x500000xf32, #tpu.memory_space<hbm>> -> memref<1x1024xf32, #tpu.memory_space<hbm>>
      %dma_wait3A_543 = tpu.memref_squeeze %dma_wait3A_542 : memref<1x1024xf32, #tpu.memory_space<hbm>> -> memref<1024xf32, #tpu.memory_space<hbm>>
      %dma_wait3A_544 = arith.constant 25600 : i32
      %dma_wait3A_545 = tpu.memref_slice %arg5[%dma_wait3A_544] : memref<32768xf32, #tpu.memory_space<vmem>> -> memref<1024xf32, #tpu.memory_space<vmem>>
      %dma_wait3A_546 = tpu.memref_slice %arg2[%dma_wait3A_539, %mul3A_27] : memref<32x500000xf32, #tpu.memory_space<hbm>> -> memref<1x1024xf32, #tpu.memory_space<hbm>>
      %dma_wait3A_547 = tpu.memref_squeeze %dma_wait3A_546 : memref<1x1024xf32, #tpu.memory_space<hbm>> -> memref<1024xf32, #tpu.memory_space<hbm>>
      tpu.wait_dma2 semaphore(%arg7 : memref<!tpu.dma_semaphore, #tpu.memory_space<semaphore_mem>>) src(%dma_wait3A_547 : memref<1024xf32, #tpu.memory_space<hbm>>) dst(%dma_wait3A_545 : memref<1024xf32, #tpu.memory_space<vmem>>)
      %dma_wait3A_548 = arith.constant 26 : i32
      %dma_wait3A_549 = arith.constant 26624 : i32
      %dma_wait3A_550 = tpu.memref_slice %arg5[%dma_wait3A_549] : memref<32768xf32, #tpu.memory_space<vmem>> -> memref<1024xf32, #tpu.memory_space<vmem>>
      %dma_wait3A_551 = tpu.memref_slice %arg2[%dma_wait3A_548, %mul3A_27] : memref<32x500000xf32, #tpu.memory_space<hbm>> -> memref<1x1024xf32, #tpu.memory_space<hbm>>
      %dma_wait3A_552 = tpu.memref_squeeze %dma_wait3A_551 : memref<1x1024xf32, #tpu.memory_space<hbm>> -> memref<1024xf32, #tpu.memory_space<hbm>>
      %dma_wait3A_553 = arith.constant 26624 : i32
      %dma_wait3A_554 = tpu.memref_slice %arg5[%dma_wait3A_553] : memref<32768xf32, #tpu.memory_space<vmem>> -> memref<1024xf32, #tpu.memory_space<vmem>>
      %dma_wait3A_555 = tpu.memref_slice %arg2[%dma_wait3A_548, %mul3A_27] : memref<32x500000xf32, #tpu.memory_space<hbm>> -> memref<1x1024xf32, #tpu.memory_space<hbm>>
      %dma_wait3A_556 = tpu.memref_squeeze %dma_wait3A_555 : memref<1x1024xf32, #tpu.memory_space<hbm>> -> memref<1024xf32, #tpu.memory_space<hbm>>
      tpu.wait_dma2 semaphore(%arg7 : memref<!tpu.dma_semaphore, #tpu.memory_space<semaphore_mem>>) src(%dma_wait3A_556 : memref<1024xf32, #tpu.memory_space<hbm>>) dst(%dma_wait3A_554 : memref<1024xf32, #tpu.memory_space<vmem>>)
      %dma_wait3A_557 = arith.constant 27 : i32
      %dma_wait3A_558 = arith.constant 27648 : i32
      %dma_wait3A_559 = tpu.memref_slice %arg5[%dma_wait3A_558] : memref<32768xf32, #tpu.memory_space<vmem>> -> memref<1024xf32, #tpu.memory_space<vmem>>
      %dma_wait3A_560 = tpu.memref_slice %arg2[%dma_wait3A_557, %mul3A_27] : memref<32x500000xf32, #tpu.memory_space<hbm>> -> memref<1x1024xf32, #tpu.memory_space<hbm>>
      %dma_wait3A_561 = tpu.memref_squeeze %dma_wait3A_560 : memref<1x1024xf32, #tpu.memory_space<hbm>> -> memref<1024xf32, #tpu.memory_space<hbm>>
      %dma_wait3A_562 = arith.constant 27648 : i32
      %dma_wait3A_563 = tpu.memref_slice %arg5[%dma_wait3A_562] : memref<32768xf32, #tpu.memory_space<vmem>> -> memref<1024xf32, #tpu.memory_space<vmem>>
      %dma_wait3A_564 = tpu.memref_slice %arg2[%dma_wait3A_557, %mul3A_27] : memref<32x500000xf32, #tpu.memory_space<hbm>> -> memref<1x1024xf32, #tpu.memory_space<hbm>>
      %dma_wait3A_565 = tpu.memref_squeeze %dma_wait3A_564 : memref<1x1024xf32, #tpu.memory_space<hbm>> -> memref<1024xf32, #tpu.memory_space<hbm>>
      tpu.wait_dma2 semaphore(%arg7 : memref<!tpu.dma_semaphore, #tpu.memory_space<semaphore_mem>>) src(%dma_wait3A_565 : memref<1024xf32, #tpu.memory_space<hbm>>) dst(%dma_wait3A_563 : memref<1024xf32, #tpu.memory_space<vmem>>)
      %dma_wait3A_566 = arith.constant 28 : i32
      %dma_wait3A_567 = arith.constant 28672 : i32
      %dma_wait3A_568 = tpu.memref_slice %arg5[%dma_wait3A_567] : memref<32768xf32, #tpu.memory_space<vmem>> -> memref<1024xf32, #tpu.memory_space<vmem>>
      %dma_wait3A_569 = tpu.memref_slice %arg2[%dma_wait3A_566, %mul3A_27] : memref<32x500000xf32, #tpu.memory_space<hbm>> -> memref<1x1024xf32, #tpu.memory_space<hbm>>
      %dma_wait3A_570 = tpu.memref_squeeze %dma_wait3A_569 : memref<1x1024xf32, #tpu.memory_space<hbm>> -> memref<1024xf32, #tpu.memory_space<hbm>>
      %dma_wait3A_571 = arith.constant 28672 : i32
      %dma_wait3A_572 = tpu.memref_slice %arg5[%dma_wait3A_571] : memref<32768xf32, #tpu.memory_space<vmem>> -> memref<1024xf32, #tpu.memory_space<vmem>>
      %dma_wait3A_573 = tpu.memref_slice %arg2[%dma_wait3A_566, %mul3A_27] : memref<32x500000xf32, #tpu.memory_space<hbm>> -> memref<1x1024xf32, #tpu.memory_space<hbm>>
      %dma_wait3A_574 = tpu.memref_squeeze %dma_wait3A_573 : memref<1x1024xf32, #tpu.memory_space<hbm>> -> memref<1024xf32, #tpu.memory_space<hbm>>
      tpu.wait_dma2 semaphore(%arg7 : memref<!tpu.dma_semaphore, #tpu.memory_space<semaphore_mem>>) src(%dma_wait3A_574 : memref<1024xf32, #tpu.memory_space<hbm>>) dst(%dma_wait3A_572 : memref<1024xf32, #tpu.memory_space<vmem>>)
      %dma_wait3A_575 = arith.constant 29 : i32
      %dma_wait3A_576 = arith.constant 29696 : i32
      %dma_wait3A_577 = tpu.memref_slice %arg5[%dma_wait3A_576] : memref<32768xf32, #tpu.memory_space<vmem>> -> memref<1024xf32, #tpu.memory_space<vmem>>
      %dma_wait3A_578 = tpu.memref_slice %arg2[%dma_wait3A_575, %mul3A_27] : memref<32x500000xf32, #tpu.memory_space<hbm>> -> memref<1x1024xf32, #tpu.memory_space<hbm>>
      %dma_wait3A_579 = tpu.memref_squeeze %dma_wait3A_578 : memref<1x1024xf32, #tpu.memory_space<hbm>> -> memref<1024xf32, #tpu.memory_space<hbm>>
      %dma_wait3A_580 = arith.constant 29696 : i32
      %dma_wait3A_581 = tpu.memref_slice %arg5[%dma_wait3A_580] : memref<32768xf32, #tpu.memory_space<vmem>> -> memref<1024xf32, #tpu.memory_space<vmem>>
      %dma_wait3A_582 = tpu.memref_slice %arg2[%dma_wait3A_575, %mul3A_27] : memref<32x500000xf32, #tpu.memory_space<hbm>> -> memref<1x1024xf32, #tpu.memory_space<hbm>>
      %dma_wait3A_583 = tpu.memref_squeeze %dma_wait3A_582 : memref<1x1024xf32, #tpu.memory_space<hbm>> -> memref<1024xf32, #tpu.memory_space<hbm>>
      tpu.wait_dma2 semaphore(%arg7 : memref<!tpu.dma_semaphore, #tpu.memory_space<semaphore_mem>>) src(%dma_wait3A_583 : memref<1024xf32, #tpu.memory_space<hbm>>) dst(%dma_wait3A_581 : memref<1024xf32, #tpu.memory_space<vmem>>)
      %dma_wait3A_584 = arith.constant 30 : i32
      %dma_wait3A_585 = arith.constant 30720 : i32
      %dma_wait3A_586 = tpu.memref_slice %arg5[%dma_wait3A_585] : memref<32768xf32, #tpu.memory_space<vmem>> -> memref<1024xf32, #tpu.memory_space<vmem>>
      %dma_wait3A_587 = tpu.memref_slice %arg2[%dma_wait3A_584, %mul3A_27] : memref<32x500000xf32, #tpu.memory_space<hbm>> -> memref<1x1024xf32, #tpu.memory_space<hbm>>
      %dma_wait3A_588 = tpu.memref_squeeze %dma_wait3A_587 : memref<1x1024xf32, #tpu.memory_space<hbm>> -> memref<1024xf32, #tpu.memory_space<hbm>>
      %dma_wait3A_589 = arith.constant 30720 : i32
      %dma_wait3A_590 = tpu.memref_slice %arg5[%dma_wait3A_589] : memref<32768xf32, #tpu.memory_space<vmem>> -> memref<1024xf32, #tpu.memory_space<vmem>>
      %dma_wait3A_591 = tpu.memref_slice %arg2[%dma_wait3A_584, %mul3A_27] : memref<32x500000xf32, #tpu.memory_space<hbm>> -> memref<1x1024xf32, #tpu.memory_space<hbm>>
      %dma_wait3A_592 = tpu.memref_squeeze %dma_wait3A_591 : memref<1x1024xf32, #tpu.memory_space<hbm>> -> memref<1024xf32, #tpu.memory_space<hbm>>
      tpu.wait_dma2 semaphore(%arg7 : memref<!tpu.dma_semaphore, #tpu.memory_space<semaphore_mem>>) src(%dma_wait3A_592 : memref<1024xf32, #tpu.memory_space<hbm>>) dst(%dma_wait3A_590 : memref<1024xf32, #tpu.memory_space<vmem>>)
      %dma_wait3A_593 = arith.constant 31 : i32
      %dma_wait3A_594 = arith.constant 31744 : i32
      %dma_wait3A_595 = tpu.memref_slice %arg5[%dma_wait3A_594] : memref<32768xf32, #tpu.memory_space<vmem>> -> memref<1024xf32, #tpu.memory_space<vmem>>
      %dma_wait3A_596 = tpu.memref_slice %arg2[%dma_wait3A_593, %mul3A_27] : memref<32x500000xf32, #tpu.memory_space<hbm>> -> memref<1x1024xf32, #tpu.memory_space<hbm>>
      %dma_wait3A_597 = tpu.memref_squeeze %dma_wait3A_596 : memref<1x1024xf32, #tpu.memory_space<hbm>> -> memref<1024xf32, #tpu.memory_space<hbm>>
      %dma_wait3A_598 = arith.constant 31744 : i32
      %dma_wait3A_599 = tpu.memref_slice %arg5[%dma_wait3A_598] : memref<32768xf32, #tpu.memory_space<vmem>> -> memref<1024xf32, #tpu.memory_space<vmem>>
      %dma_wait3A_600 = tpu.memref_slice %arg2[%dma_wait3A_593, %mul3A_27] : memref<32x500000xf32, #tpu.memory_space<hbm>> -> memref<1x1024xf32, #tpu.memory_space<hbm>>
      %dma_wait3A_601 = tpu.memref_squeeze %dma_wait3A_600 : memref<1x1024xf32, #tpu.memory_space<hbm>> -> memref<1024xf32, #tpu.memory_space<hbm>>
      tpu.wait_dma2 semaphore(%arg7 : memref<!tpu.dma_semaphore, #tpu.memory_space<semaphore_mem>>) src(%dma_wait3A_601 : memref<1024xf32, #tpu.memory_space<hbm>>) dst(%dma_wait3A_599 : memref<1024xf32, #tpu.memory_space<vmem>>)
      %scan3A_602 = arith.constant 0 : i32
      %scan3A_603 = arith.constant 0 : i32
      %scan3A_604 = arith.constant 1024 : i32
      %scan3A_605 = arith.addi %scan3A_603, %scan3A_604 : i32
      %scan3A_606 = arith.constant 4 : i32
      scf.for %scan3A_610 = %scan3A_603 to %scan3A_605 step %scan3A_606  : i32 {
        %add3A_611 = vector.broadcast %scan3A_610 : i32 to vector<16xi32>
        %add3A_612 = arith.addi %mul3A_3, %add3A_611 : vector<16xi32>
        %gather3A = tpu.vector_load_idx %arg5[%add3A_612] : memref<32768xf32, #tpu.memory_space<vmem>>[vector<16xi32>], vector<16xf32>,
        %add3A_613 = vector.broadcast %scan3A_610 : i32 to vector<16xi32>
        %add3A_614 = arith.addi %add3A_6, %add3A_613 : vector<16xi32>
        %gather3A_615 = tpu.vector_load_idx %arg5[%add3A_614] : memref<32768xf32, #tpu.memory_space<vmem>>[vector<16xi32>], vector<16xf32>,
        %mul3A_616 = arith.constant 32 : i32
        %mul3A_617 = arith.muli %scan3A_610, %mul3A_616 : i32
        %swap3A = arith.index_cast %mul3A_617 : i32 to index
        %swap3A_618 = tpu.vector_load %arg6[%swap3A] {strides = array<i32>} : memref<32768xf32, #tpu.memory_space<vmem>>, vector<16xf32>,
        tpu.vector_store %arg6[%swap3A], %gather3A {strides = array<i32>} : memref<32768xf32, #tpu.memory_space<vmem>>, vector<16xf32>,
        %mul3A_619 = arith.constant 32 : i32
        %mul3A_620 = arith.muli %scan3A_610, %mul3A_619 : i32
        %add3A_621 = arith.constant 16 : i32
        %add3A_622 = arith.addi %mul3A_620, %add3A_621 : i32
        %swap3A_623 = arith.index_cast %add3A_622 : i32 to index
        %swap3A_624 = tpu.vector_load %arg6[%swap3A_623] {strides = array<i32>} : memref<32768xf32, #tpu.memory_space<vmem>>, vector<16xf32>,
        tpu.vector_store %arg6[%swap3A_623], %gather3A_615 {strides = array<i32>} : memref<32768xf32, #tpu.memory_space<vmem>>, vector<16xf32>,
        %scan3A_625 = arith.constant 1 : i32
        %scan3A_626 = arith.addi %scan3A_610, %scan3A_625 : i32
        %add3A_627 = vector.broadcast %scan3A_626 : i32 to vector<16xi32>
        %add3A_628 = arith.addi %mul3A_3, %add3A_627 : vector<16xi32>
        %gather3A_629 = tpu.vector_load_idx %arg5[%add3A_628] : memref<32768xf32, #tpu.memory_space<vmem>>[vector<16xi32>], vector<16xf32>,
        %add3A_630 = vector.broadcast %scan3A_626 : i32 to vector<16xi32>
        %add3A_631 = arith.addi %add3A_6, %add3A_630 : vector<16xi32>
        %gather3A_632 = tpu.vector_load_idx %arg5[%add3A_631] : memref<32768xf32, #tpu.memory_space<vmem>>[vector<16xi32>], vector<16xf32>,
        %mul3A_633 = arith.constant 32 : i32
        %mul3A_634 = arith.muli %scan3A_626, %mul3A_633 : i32
        %swap3A_635 = arith.index_cast %mul3A_634 : i32 to index
        %swap3A_636 = tpu.vector_load %arg6[%swap3A_635] {strides = array<i32>} : memref<32768xf32, #tpu.memory_space<vmem>>, vector<16xf32>,
        tpu.vector_store %arg6[%swap3A_635], %gather3A_629 {strides = array<i32>} : memref<32768xf32, #tpu.memory_space<vmem>>, vector<16xf32>,
        %mul3A_637 = arith.constant 32 : i32
        %mul3A_638 = arith.muli %scan3A_626, %mul3A_637 : i32
        %add3A_639 = arith.constant 16 : i32
        %add3A_640 = arith.addi %mul3A_638, %add3A_639 : i32
        %swap3A_641 = arith.index_cast %add3A_640 : i32 to index
        %swap3A_642 = tpu.vector_load %arg6[%swap3A_641] {strides = array<i32>} : memref<32768xf32, #tpu.memory_space<vmem>>, vector<16xf32>,
        tpu.vector_store %arg6[%swap3A_641], %gather3A_632 {strides = array<i32>} : memref<32768xf32, #tpu.memory_space<vmem>>, vector<16xf32>,
        %scan3A_643 = arith.constant 2 : i32
        %scan3A_644 = arith.addi %scan3A_610, %scan3A_643 : i32
        %add3A_645 = vector.broadcast %scan3A_644 : i32 to vector<16xi32>
        %add3A_646 = arith.addi %mul3A_3, %add3A_645 : vector<16xi32>
        %gather3A_647 = tpu.vector_load_idx %arg5[%add3A_646] : memref<32768xf32, #tpu.memory_space<vmem>>[vector<16xi32>], vector<16xf32>,
        %add3A_648 = vector.broadcast %scan3A_644 : i32 to vector<16xi32>
        %add3A_649 = arith.addi %add3A_6, %add3A_648 : vector<16xi32>
        %gather3A_650 = tpu.vector_load_idx %arg5[%add3A_649] : memref<32768xf32, #tpu.memory_space<vmem>>[vector<16xi32>], vector<16xf32>,
        %mul3A_651 = arith.constant 32 : i32
        %mul3A_652 = arith.muli %scan3A_644, %mul3A_651 : i32
        %swap3A_653 = arith.index_cast %mul3A_652 : i32 to index
        %swap3A_654 = tpu.vector_load %arg6[%swap3A_653] {strides = array<i32>} : memref<32768xf32, #tpu.memory_space<vmem>>, vector<16xf32>,
        tpu.vector_store %arg6[%swap3A_653], %gather3A_647 {strides = array<i32>} : memref<32768xf32, #tpu.memory_space<vmem>>, vector<16xf32>,
        %mul3A_655 = arith.constant 32 : i32
        %mul3A_656 = arith.muli %scan3A_644, %mul3A_655 : i32
        %add3A_657 = arith.constant 16 : i32
        %add3A_658 = arith.addi %mul3A_656, %add3A_657 : i32
        %swap3A_659 = arith.index_cast %add3A_658 : i32 to index
        %swap3A_660 = tpu.vector_load %arg6[%swap3A_659] {strides = array<i32>} : memref<32768xf32, #tpu.memory_space<vmem>>, vector<16xf32>,
        tpu.vector_store %arg6[%swap3A_659], %gather3A_650 {strides = array<i32>} : memref<32768xf32, #tpu.memory_space<vmem>>, vector<16xf32>,
        %scan3A_661 = arith.constant 3 : i32
        %scan3A_662 = arith.addi %scan3A_610, %scan3A_661 : i32
        %add3A_663 = vector.broadcast %scan3A_662 : i32 to vector<16xi32>
        %add3A_664 = arith.addi %mul3A_3, %add3A_663 : vector<16xi32>
        %gather3A_665 = tpu.vector_load_idx %arg5[%add3A_664] : memref<32768xf32, #tpu.memory_space<vmem>>[vector<16xi32>], vector<16xf32>,
        %add3A_666 = vector.broadcast %scan3A_662 : i32 to vector<16xi32>
        %add3A_667 = arith.addi %add3A_6, %add3A_666 : vector<16xi32>
        %gather3A_668 = tpu.vector_load_idx %arg5[%add3A_667] : memref<32768xf32, #tpu.memory_space<vmem>>[vector<16xi32>], vector<16xf32>,
        %mul3A_669 = arith.constant 32 : i32
        %mul3A_670 = arith.muli %scan3A_662, %mul3A_669 : i32
        %swap3A_671 = arith.index_cast %mul3A_670 : i32 to index
        %swap3A_672 = tpu.vector_load %arg6[%swap3A_671] {strides = array<i32>} : memref<32768xf32, #tpu.memory_space<vmem>>, vector<16xf32>,
        tpu.vector_store %arg6[%swap3A_671], %gather3A_665 {strides = array<i32>} : memref<32768xf32, #tpu.memory_space<vmem>>, vector<16xf32>,
        %mul3A_673 = arith.constant 32 : i32
        %mul3A_674 = arith.muli %scan3A_662, %mul3A_673 : i32
        %add3A_675 = arith.constant 16 : i32
        %add3A_676 = arith.addi %mul3A_674, %add3A_675 : i32
        %swap3A_677 = arith.index_cast %add3A_676 : i32 to index
        %swap3A_678 = tpu.vector_load %arg6[%swap3A_677] {strides = array<i32>} : memref<32768xf32, #tpu.memory_space<vmem>>, vector<16xf32>,
        tpu.vector_store %arg6[%swap3A_677], %gather3A_668 {strides = array<i32>} : memref<32768xf32, #tpu.memory_space<vmem>>, vector<16xf32>,
      }
      %scan3A_607 = arith.constant 1024 : i32
      %mul3A_608 = arith.constant 32 : i32
      %mul3A_609 = arith.muli %mul3A_27, %mul3A_608 : i32
      "tpu.region"() ({
        %run_scoped3A = tpu.sem_alloc : memref<!tpu.dma_semaphore, #tpu.memory_space<semaphore_mem>>
        %dma_start3A_610 = arith.constant 0 : i32
        %dma_start3A_611 = tpu.memref_slice %arg6[%dma_start3A_610] : memref<32768xf32, #tpu.memory_space<vmem>> -> memref<32768xf32, #tpu.memory_space<vmem>>
        %dma_start3A_612 = tpu.memref_slice %arg4[%mul3A_609] : memref<16000000xf32, #tpu.memory_space<hbm>> -> memref<32768xf32, #tpu.memory_space<hbm>>
        %dma_start3A_613 = tpu.memref_slice %arg4[%mul3A_609] : memref<16000000xf32, #tpu.memory_space<hbm>> -> memref<32768xf32, #tpu.memory_space<hbm>>
        %dma_start3A_614 = arith.constant 0 : i32
        %dma_start3A_615 = tpu.memref_slice %arg6[%dma_start3A_614] : memref<32768xf32, #tpu.memory_space<vmem>> -> memref<32768xf32, #tpu.memory_space<vmem>>
        tpu.enqueue_dma source(%dma_start3A_615 : memref<32768xf32, #tpu.memory_space<vmem>>) target(%dma_start3A_613 : memref<32768xf32, #tpu.memory_space<hbm>>) target_semaphore(%run_scoped3A : memref<!tpu.dma_semaphore, #tpu.memory_space<semaphore_mem>>)
        %dma_wait3A_616 = arith.constant 0 : i32
        %dma_wait3A_617 = tpu.memref_slice %arg6[%dma_wait3A_616] : memref<32768xf32, #tpu.memory_space<vmem>> -> memref<32768xf32, #tpu.memory_space<vmem>>
        %dma_wait3A_618 = tpu.memref_slice %arg4[%mul3A_609] : memref<16000000xf32, #tpu.memory_space<hbm>> -> memref<32768xf32, #tpu.memory_space<hbm>>
        %dma_wait3A_619 = tpu.memref_slice %arg4[%mul3A_609] : memref<16000000xf32, #tpu.memory_space<hbm>> -> memref<32768xf32, #tpu.memory_space<hbm>>
        %dma_wait3A_620 = arith.constant 0 : i32
        %dma_wait3A_621 = tpu.memref_slice %arg6[%dma_wait3A_620] : memref<32768xf32, #tpu.memory_space<vmem>> -> memref<32768xf32, #tpu.memory_space<vmem>>
        tpu.wait_dma2 semaphore(%run_scoped3A : memref<!tpu.dma_semaphore, #tpu.memory_space<semaphore_mem>>) src(%dma_wait3A_621 : memref<32768xf32, #tpu.memory_space<vmem>>) dst(%dma_wait3A_619 : memref<32768xf32, #tpu.memory_space<hbm>>)
        tpu.yield
      }) : () -> ()
    } else {
    }
    %ge3A = arith.constant 8 : i32
    %ge3A_14 = arith.cmpi sge, %add3A, %ge3A : i32
    %lt3A_15 = arith.constant 10 : i32
    %lt3A_16 = arith.cmpi slt, %add3A, %lt3A_15 : i32
    %and3A = arith.andi %ge3A_14, %lt3A_16 : i1
    %convert_element_type3A_17 = arith.extui %and3A : i1 to i32
    %cond3A_18 = arith.constant 0 : i32
    %cond3A_19 = arith.cmpi ne, %convert_element_type3A_17, %cond3A_18 : i32
    scf.if %cond3A_19 {
      %sub3A = arith.constant 8 : i32
      %sub3A_24 = arith.subi %add3A, %sub3A : i32
      %mul3A_25 = arith.constant 128 : i32
      %mul3A_26 = arith.muli %sub3A_24, %mul3A_25 : i32
      %add3A_27 = arith.constant 499712 : i32
      %add3A_28 = arith.addi %add3A_27, %mul3A_26 : i32
      %dma_start3A = arith.constant 0 : i32
      %dma_start3A_29 = arith.constant 0 : i32
      %dma_start3A_30 = tpu.memref_slice %arg5[%dma_start3A_29] : memref<32768xf32, #tpu.memory_space<vmem>> -> memref<128xf32, #tpu.memory_space<vmem>>
      %dma_start3A_31 = tpu.memref_slice %arg2[%dma_start3A, %add3A_28] : memref<32x500000xf32, #tpu.memory_space<hbm>> -> memref<1x128xf32, #tpu.memory_space<hbm>>
      %dma_start3A_32 = tpu.memref_squeeze %dma_start3A_31 : memref<1x128xf32, #tpu.memory_space<hbm>> -> memref<128xf32, #tpu.memory_space<hbm>>
      %dma_start3A_33 = arith.constant 0 : i32
      %dma_start3A_34 = tpu.memref_slice %arg5[%dma_start3A_33] : memref<32768xf32, #tpu.memory_space<vmem>> -> memref<128xf32, #tpu.memory_space<vmem>>
      %dma_start3A_35 = tpu.memref_slice %arg2[%dma_start3A, %add3A_28] : memref<32x500000xf32, #tpu.memory_space<hbm>> -> memref<1x128xf32, #tpu.memory_space<hbm>>
      %dma_start3A_36 = tpu.memref_squeeze %dma_start3A_35 : memref<1x128xf32, #tpu.memory_space<hbm>> -> memref<128xf32, #tpu.memory_space<hbm>>
      tpu.enqueue_dma source(%dma_start3A_36 : memref<128xf32, #tpu.memory_space<hbm>>) target(%dma_start3A_34 : memref<128xf32, #tpu.memory_space<vmem>>) target_semaphore(%arg7 : memref<!tpu.dma_semaphore, #tpu.memory_space<semaphore_mem>>)
      %dma_start3A_37 = arith.constant 1 : i32
      %dma_start3A_38 = arith.constant 1024 : i32
      %dma_start3A_39 = tpu.memref_slice %arg5[%dma_start3A_38] : memref<32768xf32, #tpu.memory_space<vmem>> -> memref<128xf32, #tpu.memory_space<vmem>>
      %dma_start3A_40 = tpu.memref_slice %arg2[%dma_start3A_37, %add3A_28] : memref<32x500000xf32, #tpu.memory_space<hbm>> -> memref<1x128xf32, #tpu.memory_space<hbm>>
      %dma_start3A_41 = tpu.memref_squeeze %dma_start3A_40 : memref<1x128xf32, #tpu.memory_space<hbm>> -> memref<128xf32, #tpu.memory_space<hbm>>
      %dma_start3A_42 = arith.constant 1024 : i32
      %dma_start3A_43 = tpu.memref_slice %arg5[%dma_start3A_42] : memref<32768xf32, #tpu.memory_space<vmem>> -> memref<128xf32, #tpu.memory_space<vmem>>
      %dma_start3A_44 = tpu.memref_slice %arg2[%dma_start3A_37, %add3A_28] : memref<32x500000xf32, #tpu.memory_space<hbm>> -> memref<1x128xf32, #tpu.memory_space<hbm>>
      %dma_start3A_45 = tpu.memref_squeeze %dma_start3A_44 : memref<1x128xf32, #tpu.memory_space<hbm>> -> memref<128xf32, #tpu.memory_space<hbm>>
      tpu.enqueue_dma source(%dma_start3A_45 : memref<128xf32, #tpu.memory_space<hbm>>) target(%dma_start3A_43 : memref<128xf32, #tpu.memory_space<vmem>>) target_semaphore(%arg7 : memref<!tpu.dma_semaphore, #tpu.memory_space<semaphore_mem>>)
      %dma_start3A_46 = arith.constant 2 : i32
      %dma_start3A_47 = arith.constant 2048 : i32
      %dma_start3A_48 = tpu.memref_slice %arg5[%dma_start3A_47] : memref<32768xf32, #tpu.memory_space<vmem>> -> memref<128xf32, #tpu.memory_space<vmem>>
      %dma_start3A_49 = tpu.memref_slice %arg2[%dma_start3A_46, %add3A_28] : memref<32x500000xf32, #tpu.memory_space<hbm>> -> memref<1x128xf32, #tpu.memory_space<hbm>>
      %dma_start3A_50 = tpu.memref_squeeze %dma_start3A_49 : memref<1x128xf32, #tpu.memory_space<hbm>> -> memref<128xf32, #tpu.memory_space<hbm>>
      %dma_start3A_51 = arith.constant 2048 : i32
      %dma_start3A_52 = tpu.memref_slice %arg5[%dma_start3A_51] : memref<32768xf32, #tpu.memory_space<vmem>> -> memref<128xf32, #tpu.memory_space<vmem>>
      %dma_start3A_53 = tpu.memref_slice %arg2[%dma_start3A_46, %add3A_28] : memref<32x500000xf32, #tpu.memory_space<hbm>> -> memref<1x128xf32, #tpu.memory_space<hbm>>
      %dma_start3A_54 = tpu.memref_squeeze %dma_start3A_53 : memref<1x128xf32, #tpu.memory_space<hbm>> -> memref<128xf32, #tpu.memory_space<hbm>>
      tpu.enqueue_dma source(%dma_start3A_54 : memref<128xf32, #tpu.memory_space<hbm>>) target(%dma_start3A_52 : memref<128xf32, #tpu.memory_space<vmem>>) target_semaphore(%arg7 : memref<!tpu.dma_semaphore, #tpu.memory_space<semaphore_mem>>)
      %dma_start3A_55 = arith.constant 3 : i32
      %dma_start3A_56 = arith.constant 3072 : i32
      %dma_start3A_57 = tpu.memref_slice %arg5[%dma_start3A_56] : memref<32768xf32, #tpu.memory_space<vmem>> -> memref<128xf32, #tpu.memory_space<vmem>>
      %dma_start3A_58 = tpu.memref_slice %arg2[%dma_start3A_55, %add3A_28] : memref<32x500000xf32, #tpu.memory_space<hbm>> -> memref<1x128xf32, #tpu.memory_space<hbm>>
      %dma_start3A_59 = tpu.memref_squeeze %dma_start3A_58 : memref<1x128xf32, #tpu.memory_space<hbm>> -> memref<128xf32, #tpu.memory_space<hbm>>
      %dma_start3A_60 = arith.constant 3072 : i32
      %dma_start3A_61 = tpu.memref_slice %arg5[%dma_start3A_60] : memref<32768xf32, #tpu.memory_space<vmem>> -> memref<128xf32, #tpu.memory_space<vmem>>
      %dma_start3A_62 = tpu.memref_slice %arg2[%dma_start3A_55, %add3A_28] : memref<32x500000xf32, #tpu.memory_space<hbm>> -> memref<1x128xf32, #tpu.memory_space<hbm>>
      %dma_start3A_63 = tpu.memref_squeeze %dma_start3A_62 : memref<1x128xf32, #tpu.memory_space<hbm>> -> memref<128xf32, #tpu.memory_space<hbm>>
      tpu.enqueue_dma source(%dma_start3A_63 : memref<128xf32, #tpu.memory_space<hbm>>) target(%dma_start3A_61 : memref<128xf32, #tpu.memory_space<vmem>>) target_semaphore(%arg7 : memref<!tpu.dma_semaphore, #tpu.memory_space<semaphore_mem>>)
      %dma_start3A_64 = arith.constant 4 : i32
      %dma_start3A_65 = arith.constant 4096 : i32
      %dma_start3A_66 = tpu.memref_slice %arg5[%dma_start3A_65] : memref<32768xf32, #tpu.memory_space<vmem>> -> memref<128xf32, #tpu.memory_space<vmem>>
      %dma_start3A_67 = tpu.memref_slice %arg2[%dma_start3A_64, %add3A_28] : memref<32x500000xf32, #tpu.memory_space<hbm>> -> memref<1x128xf32, #tpu.memory_space<hbm>>
      %dma_start3A_68 = tpu.memref_squeeze %dma_start3A_67 : memref<1x128xf32, #tpu.memory_space<hbm>> -> memref<128xf32, #tpu.memory_space<hbm>>
      %dma_start3A_69 = arith.constant 4096 : i32
      %dma_start3A_70 = tpu.memref_slice %arg5[%dma_start3A_69] : memref<32768xf32, #tpu.memory_space<vmem>> -> memref<128xf32, #tpu.memory_space<vmem>>
      %dma_start3A_71 = tpu.memref_slice %arg2[%dma_start3A_64, %add3A_28] : memref<32x500000xf32, #tpu.memory_space<hbm>> -> memref<1x128xf32, #tpu.memory_space<hbm>>
      %dma_start3A_72 = tpu.memref_squeeze %dma_start3A_71 : memref<1x128xf32, #tpu.memory_space<hbm>> -> memref<128xf32, #tpu.memory_space<hbm>>
      tpu.enqueue_dma source(%dma_start3A_72 : memref<128xf32, #tpu.memory_space<hbm>>) target(%dma_start3A_70 : memref<128xf32, #tpu.memory_space<vmem>>) target_semaphore(%arg7 : memref<!tpu.dma_semaphore, #tpu.memory_space<semaphore_mem>>)
      %dma_start3A_73 = arith.constant 5 : i32
      %dma_start3A_74 = arith.constant 5120 : i32
      %dma_start3A_75 = tpu.memref_slice %arg5[%dma_start3A_74] : memref<32768xf32, #tpu.memory_space<vmem>> -> memref<128xf32, #tpu.memory_space<vmem>>
      %dma_start3A_76 = tpu.memref_slice %arg2[%dma_start3A_73, %add3A_28] : memref<32x500000xf32, #tpu.memory_space<hbm>> -> memref<1x128xf32, #tpu.memory_space<hbm>>
      %dma_start3A_77 = tpu.memref_squeeze %dma_start3A_76 : memref<1x128xf32, #tpu.memory_space<hbm>> -> memref<128xf32, #tpu.memory_space<hbm>>
      %dma_start3A_78 = arith.constant 5120 : i32
      %dma_start3A_79 = tpu.memref_slice %arg5[%dma_start3A_78] : memref<32768xf32, #tpu.memory_space<vmem>> -> memref<128xf32, #tpu.memory_space<vmem>>
      %dma_start3A_80 = tpu.memref_slice %arg2[%dma_start3A_73, %add3A_28] : memref<32x500000xf32, #tpu.memory_space<hbm>> -> memref<1x128xf32, #tpu.memory_space<hbm>>
      %dma_start3A_81 = tpu.memref_squeeze %dma_start3A_80 : memref<1x128xf32, #tpu.memory_space<hbm>> -> memref<128xf32, #tpu.memory_space<hbm>>
      tpu.enqueue_dma source(%dma_start3A_81 : memref<128xf32, #tpu.memory_space<hbm>>) target(%dma_start3A_79 : memref<128xf32, #tpu.memory_space<vmem>>) target_semaphore(%arg7 : memref<!tpu.dma_semaphore, #tpu.memory_space<semaphore_mem>>)
      %dma_start3A_82 = arith.constant 6 : i32
      %dma_start3A_83 = arith.constant 6144 : i32
      %dma_start3A_84 = tpu.memref_slice %arg5[%dma_start3A_83] : memref<32768xf32, #tpu.memory_space<vmem>> -> memref<128xf32, #tpu.memory_space<vmem>>
      %dma_start3A_85 = tpu.memref_slice %arg2[%dma_start3A_82, %add3A_28] : memref<32x500000xf32, #tpu.memory_space<hbm>> -> memref<1x128xf32, #tpu.memory_space<hbm>>
      %dma_start3A_86 = tpu.memref_squeeze %dma_start3A_85 : memref<1x128xf32, #tpu.memory_space<hbm>> -> memref<128xf32, #tpu.memory_space<hbm>>
      %dma_start3A_87 = arith.constant 6144 : i32
      %dma_start3A_88 = tpu.memref_slice %arg5[%dma_start3A_87] : memref<32768xf32, #tpu.memory_space<vmem>> -> memref<128xf32, #tpu.memory_space<vmem>>
      %dma_start3A_89 = tpu.memref_slice %arg2[%dma_start3A_82, %add3A_28] : memref<32x500000xf32, #tpu.memory_space<hbm>> -> memref<1x128xf32, #tpu.memory_space<hbm>>
      %dma_start3A_90 = tpu.memref_squeeze %dma_start3A_89 : memref<1x128xf32, #tpu.memory_space<hbm>> -> memref<128xf32, #tpu.memory_space<hbm>>
      tpu.enqueue_dma source(%dma_start3A_90 : memref<128xf32, #tpu.memory_space<hbm>>) target(%dma_start3A_88 : memref<128xf32, #tpu.memory_space<vmem>>) target_semaphore(%arg7 : memref<!tpu.dma_semaphore, #tpu.memory_space<semaphore_mem>>)
      %dma_start3A_91 = arith.constant 7 : i32
      %dma_start3A_92 = arith.constant 7168 : i32
      %dma_start3A_93 = tpu.memref_slice %arg5[%dma_start3A_92] : memref<32768xf32, #tpu.memory_space<vmem>> -> memref<128xf32, #tpu.memory_space<vmem>>
      %dma_start3A_94 = tpu.memref_slice %arg2[%dma_start3A_91, %add3A_28] : memref<32x500000xf32, #tpu.memory_space<hbm>> -> memref<1x128xf32, #tpu.memory_space<hbm>>
      %dma_start3A_95 = tpu.memref_squeeze %dma_start3A_94 : memref<1x128xf32, #tpu.memory_space<hbm>> -> memref<128xf32, #tpu.memory_space<hbm>>
      %dma_start3A_96 = arith.constant 7168 : i32
      %dma_start3A_97 = tpu.memref_slice %arg5[%dma_start3A_96] : memref<32768xf32, #tpu.memory_space<vmem>> -> memref<128xf32, #tpu.memory_space<vmem>>
      %dma_start3A_98 = tpu.memref_slice %arg2[%dma_start3A_91, %add3A_28] : memref<32x500000xf32, #tpu.memory_space<hbm>> -> memref<1x128xf32, #tpu.memory_space<hbm>>
      %dma_start3A_99 = tpu.memref_squeeze %dma_start3A_98 : memref<1x128xf32, #tpu.memory_space<hbm>> -> memref<128xf32, #tpu.memory_space<hbm>>
      tpu.enqueue_dma source(%dma_start3A_99 : memref<128xf32, #tpu.memory_space<hbm>>) target(%dma_start3A_97 : memref<128xf32, #tpu.memory_space<vmem>>) target_semaphore(%arg7 : memref<!tpu.dma_semaphore, #tpu.memory_space<semaphore_mem>>)
      %dma_start3A_100 = arith.constant 8 : i32
      %dma_start3A_101 = arith.constant 8192 : i32
      %dma_start3A_102 = tpu.memref_slice %arg5[%dma_start3A_101] : memref<32768xf32, #tpu.memory_space<vmem>> -> memref<128xf32, #tpu.memory_space<vmem>>
      %dma_start3A_103 = tpu.memref_slice %arg2[%dma_start3A_100, %add3A_28] : memref<32x500000xf32, #tpu.memory_space<hbm>> -> memref<1x128xf32, #tpu.memory_space<hbm>>
      %dma_start3A_104 = tpu.memref_squeeze %dma_start3A_103 : memref<1x128xf32, #tpu.memory_space<hbm>> -> memref<128xf32, #tpu.memory_space<hbm>>
      %dma_start3A_105 = arith.constant 8192 : i32
      %dma_start3A_106 = tpu.memref_slice %arg5[%dma_start3A_105] : memref<32768xf32, #tpu.memory_space<vmem>> -> memref<128xf32, #tpu.memory_space<vmem>>
      %dma_start3A_107 = tpu.memref_slice %arg2[%dma_start3A_100, %add3A_28] : memref<32x500000xf32, #tpu.memory_space<hbm>> -> memref<1x128xf32, #tpu.memory_space<hbm>>
      %dma_start3A_108 = tpu.memref_squeeze %dma_start3A_107 : memref<1x128xf32, #tpu.memory_space<hbm>> -> memref<128xf32, #tpu.memory_space<hbm>>
      tpu.enqueue_dma source(%dma_start3A_108 : memref<128xf32, #tpu.memory_space<hbm>>) target(%dma_start3A_106 : memref<128xf32, #tpu.memory_space<vmem>>) target_semaphore(%arg7 : memref<!tpu.dma_semaphore, #tpu.memory_space<semaphore_mem>>)
      %dma_start3A_109 = arith.constant 9 : i32
      %dma_start3A_110 = arith.constant 9216 : i32
      %dma_start3A_111 = tpu.memref_slice %arg5[%dma_start3A_110] : memref<32768xf32, #tpu.memory_space<vmem>> -> memref<128xf32, #tpu.memory_space<vmem>>
      %dma_start3A_112 = tpu.memref_slice %arg2[%dma_start3A_109, %add3A_28] : memref<32x500000xf32, #tpu.memory_space<hbm>> -> memref<1x128xf32, #tpu.memory_space<hbm>>
      %dma_start3A_113 = tpu.memref_squeeze %dma_start3A_112 : memref<1x128xf32, #tpu.memory_space<hbm>> -> memref<128xf32, #tpu.memory_space<hbm>>
      %dma_start3A_114 = arith.constant 9216 : i32
      %dma_start3A_115 = tpu.memref_slice %arg5[%dma_start3A_114] : memref<32768xf32, #tpu.memory_space<vmem>> -> memref<128xf32, #tpu.memory_space<vmem>>
      %dma_start3A_116 = tpu.memref_slice %arg2[%dma_start3A_109, %add3A_28] : memref<32x500000xf32, #tpu.memory_space<hbm>> -> memref<1x128xf32, #tpu.memory_space<hbm>>
      %dma_start3A_117 = tpu.memref_squeeze %dma_start3A_116 : memref<1x128xf32, #tpu.memory_space<hbm>> -> memref<128xf32, #tpu.memory_space<hbm>>
      tpu.enqueue_dma source(%dma_start3A_117 : memref<128xf32, #tpu.memory_space<hbm>>) target(%dma_start3A_115 : memref<128xf32, #tpu.memory_space<vmem>>) target_semaphore(%arg7 : memref<!tpu.dma_semaphore, #tpu.memory_space<semaphore_mem>>)
      %dma_start3A_118 = arith.constant 10 : i32
      %dma_start3A_119 = arith.constant 10240 : i32
      %dma_start3A_120 = tpu.memref_slice %arg5[%dma_start3A_119] : memref<32768xf32, #tpu.memory_space<vmem>> -> memref<128xf32, #tpu.memory_space<vmem>>
      %dma_start3A_121 = tpu.memref_slice %arg2[%dma_start3A_118, %add3A_28] : memref<32x500000xf32, #tpu.memory_space<hbm>> -> memref<1x128xf32, #tpu.memory_space<hbm>>
      %dma_start3A_122 = tpu.memref_squeeze %dma_start3A_121 : memref<1x128xf32, #tpu.memory_space<hbm>> -> memref<128xf32, #tpu.memory_space<hbm>>
      %dma_start3A_123 = arith.constant 10240 : i32
      %dma_start3A_124 = tpu.memref_slice %arg5[%dma_start3A_123] : memref<32768xf32, #tpu.memory_space<vmem>> -> memref<128xf32, #tpu.memory_space<vmem>>
      %dma_start3A_125 = tpu.memref_slice %arg2[%dma_start3A_118, %add3A_28] : memref<32x500000xf32, #tpu.memory_space<hbm>> -> memref<1x128xf32, #tpu.memory_space<hbm>>
      %dma_start3A_126 = tpu.memref_squeeze %dma_start3A_125 : memref<1x128xf32, #tpu.memory_space<hbm>> -> memref<128xf32, #tpu.memory_space<hbm>>
      tpu.enqueue_dma source(%dma_start3A_126 : memref<128xf32, #tpu.memory_space<hbm>>) target(%dma_start3A_124 : memref<128xf32, #tpu.memory_space<vmem>>) target_semaphore(%arg7 : memref<!tpu.dma_semaphore, #tpu.memory_space<semaphore_mem>>)
      %dma_start3A_127 = arith.constant 11 : i32
      %dma_start3A_128 = arith.constant 11264 : i32
      %dma_start3A_129 = tpu.memref_slice %arg5[%dma_start3A_128] : memref<32768xf32, #tpu.memory_space<vmem>> -> memref<128xf32, #tpu.memory_space<vmem>>
      %dma_start3A_130 = tpu.memref_slice %arg2[%dma_start3A_127, %add3A_28] : memref<32x500000xf32, #tpu.memory_space<hbm>> -> memref<1x128xf32, #tpu.memory_space<hbm>>
      %dma_start3A_131 = tpu.memref_squeeze %dma_start3A_130 : memref<1x128xf32, #tpu.memory_space<hbm>> -> memref<128xf32, #tpu.memory_space<hbm>>
      %dma_start3A_132 = arith.constant 11264 : i32
      %dma_start3A_133 = tpu.memref_slice %arg5[%dma_start3A_132] : memref<32768xf32, #tpu.memory_space<vmem>> -> memref<128xf32, #tpu.memory_space<vmem>>
      %dma_start3A_134 = tpu.memref_slice %arg2[%dma_start3A_127, %add3A_28] : memref<32x500000xf32, #tpu.memory_space<hbm>> -> memref<1x128xf32, #tpu.memory_space<hbm>>
      %dma_start3A_135 = tpu.memref_squeeze %dma_start3A_134 : memref<1x128xf32, #tpu.memory_space<hbm>> -> memref<128xf32, #tpu.memory_space<hbm>>
      tpu.enqueue_dma source(%dma_start3A_135 : memref<128xf32, #tpu.memory_space<hbm>>) target(%dma_start3A_133 : memref<128xf32, #tpu.memory_space<vmem>>) target_semaphore(%arg7 : memref<!tpu.dma_semaphore, #tpu.memory_space<semaphore_mem>>)
      %dma_start3A_136 = arith.constant 12 : i32
      %dma_start3A_137 = arith.constant 12288 : i32
      %dma_start3A_138 = tpu.memref_slice %arg5[%dma_start3A_137] : memref<32768xf32, #tpu.memory_space<vmem>> -> memref<128xf32, #tpu.memory_space<vmem>>
      %dma_start3A_139 = tpu.memref_slice %arg2[%dma_start3A_136, %add3A_28] : memref<32x500000xf32, #tpu.memory_space<hbm>> -> memref<1x128xf32, #tpu.memory_space<hbm>>
      %dma_start3A_140 = tpu.memref_squeeze %dma_start3A_139 : memref<1x128xf32, #tpu.memory_space<hbm>> -> memref<128xf32, #tpu.memory_space<hbm>>
      %dma_start3A_141 = arith.constant 12288 : i32
      %dma_start3A_142 = tpu.memref_slice %arg5[%dma_start3A_141] : memref<32768xf32, #tpu.memory_space<vmem>> -> memref<128xf32, #tpu.memory_space<vmem>>
      %dma_start3A_143 = tpu.memref_slice %arg2[%dma_start3A_136, %add3A_28] : memref<32x500000xf32, #tpu.memory_space<hbm>> -> memref<1x128xf32, #tpu.memory_space<hbm>>
      %dma_start3A_144 = tpu.memref_squeeze %dma_start3A_143 : memref<1x128xf32, #tpu.memory_space<hbm>> -> memref<128xf32, #tpu.memory_space<hbm>>
      tpu.enqueue_dma source(%dma_start3A_144 : memref<128xf32, #tpu.memory_space<hbm>>) target(%dma_start3A_142 : memref<128xf32, #tpu.memory_space<vmem>>) target_semaphore(%arg7 : memref<!tpu.dma_semaphore, #tpu.memory_space<semaphore_mem>>)
      %dma_start3A_145 = arith.constant 13 : i32
      %dma_start3A_146 = arith.constant 13312 : i32
      %dma_start3A_147 = tpu.memref_slice %arg5[%dma_start3A_146] : memref<32768xf32, #tpu.memory_space<vmem>> -> memref<128xf32, #tpu.memory_space<vmem>>
      %dma_start3A_148 = tpu.memref_slice %arg2[%dma_start3A_145, %add3A_28] : memref<32x500000xf32, #tpu.memory_space<hbm>> -> memref<1x128xf32, #tpu.memory_space<hbm>>
      %dma_start3A_149 = tpu.memref_squeeze %dma_start3A_148 : memref<1x128xf32, #tpu.memory_space<hbm>> -> memref<128xf32, #tpu.memory_space<hbm>>
      %dma_start3A_150 = arith.constant 13312 : i32
      %dma_start3A_151 = tpu.memref_slice %arg5[%dma_start3A_150] : memref<32768xf32, #tpu.memory_space<vmem>> -> memref<128xf32, #tpu.memory_space<vmem>>
      %dma_start3A_152 = tpu.memref_slice %arg2[%dma_start3A_145, %add3A_28] : memref<32x500000xf32, #tpu.memory_space<hbm>> -> memref<1x128xf32, #tpu.memory_space<hbm>>
      %dma_start3A_153 = tpu.memref_squeeze %dma_start3A_152 : memref<1x128xf32, #tpu.memory_space<hbm>> -> memref<128xf32, #tpu.memory_space<hbm>>
      tpu.enqueue_dma source(%dma_start3A_153 : memref<128xf32, #tpu.memory_space<hbm>>) target(%dma_start3A_151 : memref<128xf32, #tpu.memory_space<vmem>>) target_semaphore(%arg7 : memref<!tpu.dma_semaphore, #tpu.memory_space<semaphore_mem>>)
      %dma_start3A_154 = arith.constant 14 : i32
      %dma_start3A_155 = arith.constant 14336 : i32
      %dma_start3A_156 = tpu.memref_slice %arg5[%dma_start3A_155] : memref<32768xf32, #tpu.memory_space<vmem>> -> memref<128xf32, #tpu.memory_space<vmem>>
      %dma_start3A_157 = tpu.memref_slice %arg2[%dma_start3A_154, %add3A_28] : memref<32x500000xf32, #tpu.memory_space<hbm>> -> memref<1x128xf32, #tpu.memory_space<hbm>>
      %dma_start3A_158 = tpu.memref_squeeze %dma_start3A_157 : memref<1x128xf32, #tpu.memory_space<hbm>> -> memref<128xf32, #tpu.memory_space<hbm>>
      %dma_start3A_159 = arith.constant 14336 : i32
      %dma_start3A_160 = tpu.memref_slice %arg5[%dma_start3A_159] : memref<32768xf32, #tpu.memory_space<vmem>> -> memref<128xf32, #tpu.memory_space<vmem>>
      %dma_start3A_161 = tpu.memref_slice %arg2[%dma_start3A_154, %add3A_28] : memref<32x500000xf32, #tpu.memory_space<hbm>> -> memref<1x128xf32, #tpu.memory_space<hbm>>
      %dma_start3A_162 = tpu.memref_squeeze %dma_start3A_161 : memref<1x128xf32, #tpu.memory_space<hbm>> -> memref<128xf32, #tpu.memory_space<hbm>>
      tpu.enqueue_dma source(%dma_start3A_162 : memref<128xf32, #tpu.memory_space<hbm>>) target(%dma_start3A_160 : memref<128xf32, #tpu.memory_space<vmem>>) target_semaphore(%arg7 : memref<!tpu.dma_semaphore, #tpu.memory_space<semaphore_mem>>)
      %dma_start3A_163 = arith.constant 15 : i32
      %dma_start3A_164 = arith.constant 15360 : i32
      %dma_start3A_165 = tpu.memref_slice %arg5[%dma_start3A_164] : memref<32768xf32, #tpu.memory_space<vmem>> -> memref<128xf32, #tpu.memory_space<vmem>>
      %dma_start3A_166 = tpu.memref_slice %arg2[%dma_start3A_163, %add3A_28] : memref<32x500000xf32, #tpu.memory_space<hbm>> -> memref<1x128xf32, #tpu.memory_space<hbm>>
      %dma_start3A_167 = tpu.memref_squeeze %dma_start3A_166 : memref<1x128xf32, #tpu.memory_space<hbm>> -> memref<128xf32, #tpu.memory_space<hbm>>
      %dma_start3A_168 = arith.constant 15360 : i32
      %dma_start3A_169 = tpu.memref_slice %arg5[%dma_start3A_168] : memref<32768xf32, #tpu.memory_space<vmem>> -> memref<128xf32, #tpu.memory_space<vmem>>
      %dma_start3A_170 = tpu.memref_slice %arg2[%dma_start3A_163, %add3A_28] : memref<32x500000xf32, #tpu.memory_space<hbm>> -> memref<1x128xf32, #tpu.memory_space<hbm>>
      %dma_start3A_171 = tpu.memref_squeeze %dma_start3A_170 : memref<1x128xf32, #tpu.memory_space<hbm>> -> memref<128xf32, #tpu.memory_space<hbm>>
      tpu.enqueue_dma source(%dma_start3A_171 : memref<128xf32, #tpu.memory_space<hbm>>) target(%dma_start3A_169 : memref<128xf32, #tpu.memory_space<vmem>>) target_semaphore(%arg7 : memref<!tpu.dma_semaphore, #tpu.memory_space<semaphore_mem>>)
      %dma_start3A_172 = arith.constant 16 : i32
      %dma_start3A_173 = arith.constant 16384 : i32
      %dma_start3A_174 = tpu.memref_slice %arg5[%dma_start3A_173] : memref<32768xf32, #tpu.memory_space<vmem>> -> memref<128xf32, #tpu.memory_space<vmem>>
      %dma_start3A_175 = tpu.memref_slice %arg2[%dma_start3A_172, %add3A_28] : memref<32x500000xf32, #tpu.memory_space<hbm>> -> memref<1x128xf32, #tpu.memory_space<hbm>>
      %dma_start3A_176 = tpu.memref_squeeze %dma_start3A_175 : memref<1x128xf32, #tpu.memory_space<hbm>> -> memref<128xf32, #tpu.memory_space<hbm>>
      %dma_start3A_177 = arith.constant 16384 : i32
      %dma_start3A_178 = tpu.memref_slice %arg5[%dma_start3A_177] : memref<32768xf32, #tpu.memory_space<vmem>> -> memref<128xf32, #tpu.memory_space<vmem>>
      %dma_start3A_179 = tpu.memref_slice %arg2[%dma_start3A_172, %add3A_28] : memref<32x500000xf32, #tpu.memory_space<hbm>> -> memref<1x128xf32, #tpu.memory_space<hbm>>
      %dma_start3A_180 = tpu.memref_squeeze %dma_start3A_179 : memref<1x128xf32, #tpu.memory_space<hbm>> -> memref<128xf32, #tpu.memory_space<hbm>>
      tpu.enqueue_dma source(%dma_start3A_180 : memref<128xf32, #tpu.memory_space<hbm>>) target(%dma_start3A_178 : memref<128xf32, #tpu.memory_space<vmem>>) target_semaphore(%arg7 : memref<!tpu.dma_semaphore, #tpu.memory_space<semaphore_mem>>)
      %dma_start3A_181 = arith.constant 17 : i32
      %dma_start3A_182 = arith.constant 17408 : i32
      %dma_start3A_183 = tpu.memref_slice %arg5[%dma_start3A_182] : memref<32768xf32, #tpu.memory_space<vmem>> -> memref<128xf32, #tpu.memory_space<vmem>>
      %dma_start3A_184 = tpu.memref_slice %arg2[%dma_start3A_181, %add3A_28] : memref<32x500000xf32, #tpu.memory_space<hbm>> -> memref<1x128xf32, #tpu.memory_space<hbm>>
      %dma_start3A_185 = tpu.memref_squeeze %dma_start3A_184 : memref<1x128xf32, #tpu.memory_space<hbm>> -> memref<128xf32, #tpu.memory_space<hbm>>
      %dma_start3A_186 = arith.constant 17408 : i32
      %dma_start3A_187 = tpu.memref_slice %arg5[%dma_start3A_186] : memref<32768xf32, #tpu.memory_space<vmem>> -> memref<128xf32, #tpu.memory_space<vmem>>
      %dma_start3A_188 = tpu.memref_slice %arg2[%dma_start3A_181, %add3A_28] : memref<32x500000xf32, #tpu.memory_space<hbm>> -> memref<1x128xf32, #tpu.memory_space<hbm>>
      %dma_start3A_189 = tpu.memref_squeeze %dma_start3A_188 : memref<1x128xf32, #tpu.memory_space<hbm>> -> memref<128xf32, #tpu.memory_space<hbm>>
      tpu.enqueue_dma source(%dma_start3A_189 : memref<128xf32, #tpu.memory_space<hbm>>) target(%dma_start3A_187 : memref<128xf32, #tpu.memory_space<vmem>>) target_semaphore(%arg7 : memref<!tpu.dma_semaphore, #tpu.memory_space<semaphore_mem>>)
      %dma_start3A_190 = arith.constant 18 : i32
      %dma_start3A_191 = arith.constant 18432 : i32
      %dma_start3A_192 = tpu.memref_slice %arg5[%dma_start3A_191] : memref<32768xf32, #tpu.memory_space<vmem>> -> memref<128xf32, #tpu.memory_space<vmem>>
      %dma_start3A_193 = tpu.memref_slice %arg2[%dma_start3A_190, %add3A_28] : memref<32x500000xf32, #tpu.memory_space<hbm>> -> memref<1x128xf32, #tpu.memory_space<hbm>>
      %dma_start3A_194 = tpu.memref_squeeze %dma_start3A_193 : memref<1x128xf32, #tpu.memory_space<hbm>> -> memref<128xf32, #tpu.memory_space<hbm>>
      %dma_start3A_195 = arith.constant 18432 : i32
      %dma_start3A_196 = tpu.memref_slice %arg5[%dma_start3A_195] : memref<32768xf32, #tpu.memory_space<vmem>> -> memref<128xf32, #tpu.memory_space<vmem>>
      %dma_start3A_197 = tpu.memref_slice %arg2[%dma_start3A_190, %add3A_28] : memref<32x500000xf32, #tpu.memory_space<hbm>> -> memref<1x128xf32, #tpu.memory_space<hbm>>
      %dma_start3A_198 = tpu.memref_squeeze %dma_start3A_197 : memref<1x128xf32, #tpu.memory_space<hbm>> -> memref<128xf32, #tpu.memory_space<hbm>>
      tpu.enqueue_dma source(%dma_start3A_198 : memref<128xf32, #tpu.memory_space<hbm>>) target(%dma_start3A_196 : memref<128xf32, #tpu.memory_space<vmem>>) target_semaphore(%arg7 : memref<!tpu.dma_semaphore, #tpu.memory_space<semaphore_mem>>)
      %dma_start3A_199 = arith.constant 19 : i32
      %dma_start3A_200 = arith.constant 19456 : i32
      %dma_start3A_201 = tpu.memref_slice %arg5[%dma_start3A_200] : memref<32768xf32, #tpu.memory_space<vmem>> -> memref<128xf32, #tpu.memory_space<vmem>>
      %dma_start3A_202 = tpu.memref_slice %arg2[%dma_start3A_199, %add3A_28] : memref<32x500000xf32, #tpu.memory_space<hbm>> -> memref<1x128xf32, #tpu.memory_space<hbm>>
      %dma_start3A_203 = tpu.memref_squeeze %dma_start3A_202 : memref<1x128xf32, #tpu.memory_space<hbm>> -> memref<128xf32, #tpu.memory_space<hbm>>
      %dma_start3A_204 = arith.constant 19456 : i32
      %dma_start3A_205 = tpu.memref_slice %arg5[%dma_start3A_204] : memref<32768xf32, #tpu.memory_space<vmem>> -> memref<128xf32, #tpu.memory_space<vmem>>
      %dma_start3A_206 = tpu.memref_slice %arg2[%dma_start3A_199, %add3A_28] : memref<32x500000xf32, #tpu.memory_space<hbm>> -> memref<1x128xf32, #tpu.memory_space<hbm>>
      %dma_start3A_207 = tpu.memref_squeeze %dma_start3A_206 : memref<1x128xf32, #tpu.memory_space<hbm>> -> memref<128xf32, #tpu.memory_space<hbm>>
      tpu.enqueue_dma source(%dma_start3A_207 : memref<128xf32, #tpu.memory_space<hbm>>) target(%dma_start3A_205 : memref<128xf32, #tpu.memory_space<vmem>>) target_semaphore(%arg7 : memref<!tpu.dma_semaphore, #tpu.memory_space<semaphore_mem>>)
      %dma_start3A_208 = arith.constant 20 : i32
      %dma_start3A_209 = arith.constant 20480 : i32
      %dma_start3A_210 = tpu.memref_slice %arg5[%dma_start3A_209] : memref<32768xf32, #tpu.memory_space<vmem>> -> memref<128xf32, #tpu.memory_space<vmem>>
      %dma_start3A_211 = tpu.memref_slice %arg2[%dma_start3A_208, %add3A_28] : memref<32x500000xf32, #tpu.memory_space<hbm>> -> memref<1x128xf32, #tpu.memory_space<hbm>>
      %dma_start3A_212 = tpu.memref_squeeze %dma_start3A_211 : memref<1x128xf32, #tpu.memory_space<hbm>> -> memref<128xf32, #tpu.memory_space<hbm>>
      %dma_start3A_213 = arith.constant 20480 : i32
      %dma_start3A_214 = tpu.memref_slice %arg5[%dma_start3A_213] : memref<32768xf32, #tpu.memory_space<vmem>> -> memref<128xf32, #tpu.memory_space<vmem>>
      %dma_start3A_215 = tpu.memref_slice %arg2[%dma_start3A_208, %add3A_28] : memref<32x500000xf32, #tpu.memory_space<hbm>> -> memref<1x128xf32, #tpu.memory_space<hbm>>
      %dma_start3A_216 = tpu.memref_squeeze %dma_start3A_215 : memref<1x128xf32, #tpu.memory_space<hbm>> -> memref<128xf32, #tpu.memory_space<hbm>>
      tpu.enqueue_dma source(%dma_start3A_216 : memref<128xf32, #tpu.memory_space<hbm>>) target(%dma_start3A_214 : memref<128xf32, #tpu.memory_space<vmem>>) target_semaphore(%arg7 : memref<!tpu.dma_semaphore, #tpu.memory_space<semaphore_mem>>)
      %dma_start3A_217 = arith.constant 21 : i32
      %dma_start3A_218 = arith.constant 21504 : i32
      %dma_start3A_219 = tpu.memref_slice %arg5[%dma_start3A_218] : memref<32768xf32, #tpu.memory_space<vmem>> -> memref<128xf32, #tpu.memory_space<vmem>>
      %dma_start3A_220 = tpu.memref_slice %arg2[%dma_start3A_217, %add3A_28] : memref<32x500000xf32, #tpu.memory_space<hbm>> -> memref<1x128xf32, #tpu.memory_space<hbm>>
      %dma_start3A_221 = tpu.memref_squeeze %dma_start3A_220 : memref<1x128xf32, #tpu.memory_space<hbm>> -> memref<128xf32, #tpu.memory_space<hbm>>
      %dma_start3A_222 = arith.constant 21504 : i32
      %dma_start3A_223 = tpu.memref_slice %arg5[%dma_start3A_222] : memref<32768xf32, #tpu.memory_space<vmem>> -> memref<128xf32, #tpu.memory_space<vmem>>
      %dma_start3A_224 = tpu.memref_slice %arg2[%dma_start3A_217, %add3A_28] : memref<32x500000xf32, #tpu.memory_space<hbm>> -> memref<1x128xf32, #tpu.memory_space<hbm>>
      %dma_start3A_225 = tpu.memref_squeeze %dma_start3A_224 : memref<1x128xf32, #tpu.memory_space<hbm>> -> memref<128xf32, #tpu.memory_space<hbm>>
      tpu.enqueue_dma source(%dma_start3A_225 : memref<128xf32, #tpu.memory_space<hbm>>) target(%dma_start3A_223 : memref<128xf32, #tpu.memory_space<vmem>>) target_semaphore(%arg7 : memref<!tpu.dma_semaphore, #tpu.memory_space<semaphore_mem>>)
      %dma_start3A_226 = arith.constant 22 : i32
      %dma_start3A_227 = arith.constant 22528 : i32
      %dma_start3A_228 = tpu.memref_slice %arg5[%dma_start3A_227] : memref<32768xf32, #tpu.memory_space<vmem>> -> memref<128xf32, #tpu.memory_space<vmem>>
      %dma_start3A_229 = tpu.memref_slice %arg2[%dma_start3A_226, %add3A_28] : memref<32x500000xf32, #tpu.memory_space<hbm>> -> memref<1x128xf32, #tpu.memory_space<hbm>>
      %dma_start3A_230 = tpu.memref_squeeze %dma_start3A_229 : memref<1x128xf32, #tpu.memory_space<hbm>> -> memref<128xf32, #tpu.memory_space<hbm>>
      %dma_start3A_231 = arith.constant 22528 : i32
      %dma_start3A_232 = tpu.memref_slice %arg5[%dma_start3A_231] : memref<32768xf32, #tpu.memory_space<vmem>> -> memref<128xf32, #tpu.memory_space<vmem>>
      %dma_start3A_233 = tpu.memref_slice %arg2[%dma_start3A_226, %add3A_28] : memref<32x500000xf32, #tpu.memory_space<hbm>> -> memref<1x128xf32, #tpu.memory_space<hbm>>
      %dma_start3A_234 = tpu.memref_squeeze %dma_start3A_233 : memref<1x128xf32, #tpu.memory_space<hbm>> -> memref<128xf32, #tpu.memory_space<hbm>>
      tpu.enqueue_dma source(%dma_start3A_234 : memref<128xf32, #tpu.memory_space<hbm>>) target(%dma_start3A_232 : memref<128xf32, #tpu.memory_space<vmem>>) target_semaphore(%arg7 : memref<!tpu.dma_semaphore, #tpu.memory_space<semaphore_mem>>)
      %dma_start3A_235 = arith.constant 23 : i32
      %dma_start3A_236 = arith.constant 23552 : i32
      %dma_start3A_237 = tpu.memref_slice %arg5[%dma_start3A_236] : memref<32768xf32, #tpu.memory_space<vmem>> -> memref<128xf32, #tpu.memory_space<vmem>>
      %dma_start3A_238 = tpu.memref_slice %arg2[%dma_start3A_235, %add3A_28] : memref<32x500000xf32, #tpu.memory_space<hbm>> -> memref<1x128xf32, #tpu.memory_space<hbm>>
      %dma_start3A_239 = tpu.memref_squeeze %dma_start3A_238 : memref<1x128xf32, #tpu.memory_space<hbm>> -> memref<128xf32, #tpu.memory_space<hbm>>
      %dma_start3A_240 = arith.constant 23552 : i32
      %dma_start3A_241 = tpu.memref_slice %arg5[%dma_start3A_240] : memref<32768xf32, #tpu.memory_space<vmem>> -> memref<128xf32, #tpu.memory_space<vmem>>
      %dma_start3A_242 = tpu.memref_slice %arg2[%dma_start3A_235, %add3A_28] : memref<32x500000xf32, #tpu.memory_space<hbm>> -> memref<1x128xf32, #tpu.memory_space<hbm>>
      %dma_start3A_243 = tpu.memref_squeeze %dma_start3A_242 : memref<1x128xf32, #tpu.memory_space<hbm>> -> memref<128xf32, #tpu.memory_space<hbm>>
      tpu.enqueue_dma source(%dma_start3A_243 : memref<128xf32, #tpu.memory_space<hbm>>) target(%dma_start3A_241 : memref<128xf32, #tpu.memory_space<vmem>>) target_semaphore(%arg7 : memref<!tpu.dma_semaphore, #tpu.memory_space<semaphore_mem>>)
      %dma_start3A_244 = arith.constant 24 : i32
      %dma_start3A_245 = arith.constant 24576 : i32
      %dma_start3A_246 = tpu.memref_slice %arg5[%dma_start3A_245] : memref<32768xf32, #tpu.memory_space<vmem>> -> memref<128xf32, #tpu.memory_space<vmem>>
      %dma_start3A_247 = tpu.memref_slice %arg2[%dma_start3A_244, %add3A_28] : memref<32x500000xf32, #tpu.memory_space<hbm>> -> memref<1x128xf32, #tpu.memory_space<hbm>>
      %dma_start3A_248 = tpu.memref_squeeze %dma_start3A_247 : memref<1x128xf32, #tpu.memory_space<hbm>> -> memref<128xf32, #tpu.memory_space<hbm>>
      %dma_start3A_249 = arith.constant 24576 : i32
      %dma_start3A_250 = tpu.memref_slice %arg5[%dma_start3A_249] : memref<32768xf32, #tpu.memory_space<vmem>> -> memref<128xf32, #tpu.memory_space<vmem>>
      %dma_start3A_251 = tpu.memref_slice %arg2[%dma_start3A_244, %add3A_28] : memref<32x500000xf32, #tpu.memory_space<hbm>> -> memref<1x128xf32, #tpu.memory_space<hbm>>
      %dma_start3A_252 = tpu.memref_squeeze %dma_start3A_251 : memref<1x128xf32, #tpu.memory_space<hbm>> -> memref<128xf32, #tpu.memory_space<hbm>>
      tpu.enqueue_dma source(%dma_start3A_252 : memref<128xf32, #tpu.memory_space<hbm>>) target(%dma_start3A_250 : memref<128xf32, #tpu.memory_space<vmem>>) target_semaphore(%arg7 : memref<!tpu.dma_semaphore, #tpu.memory_space<semaphore_mem>>)
      %dma_start3A_253 = arith.constant 25 : i32
      %dma_start3A_254 = arith.constant 25600 : i32
      %dma_start3A_255 = tpu.memref_slice %arg5[%dma_start3A_254] : memref<32768xf32, #tpu.memory_space<vmem>> -> memref<128xf32, #tpu.memory_space<vmem>>
      %dma_start3A_256 = tpu.memref_slice %arg2[%dma_start3A_253, %add3A_28] : memref<32x500000xf32, #tpu.memory_space<hbm>> -> memref<1x128xf32, #tpu.memory_space<hbm>>
      %dma_start3A_257 = tpu.memref_squeeze %dma_start3A_256 : memref<1x128xf32, #tpu.memory_space<hbm>> -> memref<128xf32, #tpu.memory_space<hbm>>
      %dma_start3A_258 = arith.constant 25600 : i32
      %dma_start3A_259 = tpu.memref_slice %arg5[%dma_start3A_258] : memref<32768xf32, #tpu.memory_space<vmem>> -> memref<128xf32, #tpu.memory_space<vmem>>
      %dma_start3A_260 = tpu.memref_slice %arg2[%dma_start3A_253, %add3A_28] : memref<32x500000xf32, #tpu.memory_space<hbm>> -> memref<1x128xf32, #tpu.memory_space<hbm>>
      %dma_start3A_261 = tpu.memref_squeeze %dma_start3A_260 : memref<1x128xf32, #tpu.memory_space<hbm>> -> memref<128xf32, #tpu.memory_space<hbm>>
      tpu.enqueue_dma source(%dma_start3A_261 : memref<128xf32, #tpu.memory_space<hbm>>) target(%dma_start3A_259 : memref<128xf32, #tpu.memory_space<vmem>>) target_semaphore(%arg7 : memref<!tpu.dma_semaphore, #tpu.memory_space<semaphore_mem>>)
      %dma_start3A_262 = arith.constant 26 : i32
      %dma_start3A_263 = arith.constant 26624 : i32
      %dma_start3A_264 = tpu.memref_slice %arg5[%dma_start3A_263] : memref<32768xf32, #tpu.memory_space<vmem>> -> memref<128xf32, #tpu.memory_space<vmem>>
      %dma_start3A_265 = tpu.memref_slice %arg2[%dma_start3A_262, %add3A_28] : memref<32x500000xf32, #tpu.memory_space<hbm>> -> memref<1x128xf32, #tpu.memory_space<hbm>>
      %dma_start3A_266 = tpu.memref_squeeze %dma_start3A_265 : memref<1x128xf32, #tpu.memory_space<hbm>> -> memref<128xf32, #tpu.memory_space<hbm>>
      %dma_start3A_267 = arith.constant 26624 : i32
      %dma_start3A_268 = tpu.memref_slice %arg5[%dma_start3A_267] : memref<32768xf32, #tpu.memory_space<vmem>> -> memref<128xf32, #tpu.memory_space<vmem>>
      %dma_start3A_269 = tpu.memref_slice %arg2[%dma_start3A_262, %add3A_28] : memref<32x500000xf32, #tpu.memory_space<hbm>> -> memref<1x128xf32, #tpu.memory_space<hbm>>
      %dma_start3A_270 = tpu.memref_squeeze %dma_start3A_269 : memref<1x128xf32, #tpu.memory_space<hbm>> -> memref<128xf32, #tpu.memory_space<hbm>>
      tpu.enqueue_dma source(%dma_start3A_270 : memref<128xf32, #tpu.memory_space<hbm>>) target(%dma_start3A_268 : memref<128xf32, #tpu.memory_space<vmem>>) target_semaphore(%arg7 : memref<!tpu.dma_semaphore, #tpu.memory_space<semaphore_mem>>)
      %dma_start3A_271 = arith.constant 27 : i32
      %dma_start3A_272 = arith.constant 27648 : i32
      %dma_start3A_273 = tpu.memref_slice %arg5[%dma_start3A_272] : memref<32768xf32, #tpu.memory_space<vmem>> -> memref<128xf32, #tpu.memory_space<vmem>>
      %dma_start3A_274 = tpu.memref_slice %arg2[%dma_start3A_271, %add3A_28] : memref<32x500000xf32, #tpu.memory_space<hbm>> -> memref<1x128xf32, #tpu.memory_space<hbm>>
      %dma_start3A_275 = tpu.memref_squeeze %dma_start3A_274 : memref<1x128xf32, #tpu.memory_space<hbm>> -> memref<128xf32, #tpu.memory_space<hbm>>
      %dma_start3A_276 = arith.constant 27648 : i32
      %dma_start3A_277 = tpu.memref_slice %arg5[%dma_start3A_276] : memref<32768xf32, #tpu.memory_space<vmem>> -> memref<128xf32, #tpu.memory_space<vmem>>
      %dma_start3A_278 = tpu.memref_slice %arg2[%dma_start3A_271, %add3A_28] : memref<32x500000xf32, #tpu.memory_space<hbm>> -> memref<1x128xf32, #tpu.memory_space<hbm>>
      %dma_start3A_279 = tpu.memref_squeeze %dma_start3A_278 : memref<1x128xf32, #tpu.memory_space<hbm>> -> memref<128xf32, #tpu.memory_space<hbm>>
      tpu.enqueue_dma source(%dma_start3A_279 : memref<128xf32, #tpu.memory_space<hbm>>) target(%dma_start3A_277 : memref<128xf32, #tpu.memory_space<vmem>>) target_semaphore(%arg7 : memref<!tpu.dma_semaphore, #tpu.memory_space<semaphore_mem>>)
      %dma_start3A_280 = arith.constant 28 : i32
      %dma_start3A_281 = arith.constant 28672 : i32
      %dma_start3A_282 = tpu.memref_slice %arg5[%dma_start3A_281] : memref<32768xf32, #tpu.memory_space<vmem>> -> memref<128xf32, #tpu.memory_space<vmem>>
      %dma_start3A_283 = tpu.memref_slice %arg2[%dma_start3A_280, %add3A_28] : memref<32x500000xf32, #tpu.memory_space<hbm>> -> memref<1x128xf32, #tpu.memory_space<hbm>>
      %dma_start3A_284 = tpu.memref_squeeze %dma_start3A_283 : memref<1x128xf32, #tpu.memory_space<hbm>> -> memref<128xf32, #tpu.memory_space<hbm>>
      %dma_start3A_285 = arith.constant 28672 : i32
      %dma_start3A_286 = tpu.memref_slice %arg5[%dma_start3A_285] : memref<32768xf32, #tpu.memory_space<vmem>> -> memref<128xf32, #tpu.memory_space<vmem>>
      %dma_start3A_287 = tpu.memref_slice %arg2[%dma_start3A_280, %add3A_28] : memref<32x500000xf32, #tpu.memory_space<hbm>> -> memref<1x128xf32, #tpu.memory_space<hbm>>
      %dma_start3A_288 = tpu.memref_squeeze %dma_start3A_287 : memref<1x128xf32, #tpu.memory_space<hbm>> -> memref<128xf32, #tpu.memory_space<hbm>>
      tpu.enqueue_dma source(%dma_start3A_288 : memref<128xf32, #tpu.memory_space<hbm>>) target(%dma_start3A_286 : memref<128xf32, #tpu.memory_space<vmem>>) target_semaphore(%arg7 : memref<!tpu.dma_semaphore, #tpu.memory_space<semaphore_mem>>)
      %dma_start3A_289 = arith.constant 29 : i32
      %dma_start3A_290 = arith.constant 29696 : i32
      %dma_start3A_291 = tpu.memref_slice %arg5[%dma_start3A_290] : memref<32768xf32, #tpu.memory_space<vmem>> -> memref<128xf32, #tpu.memory_space<vmem>>
      %dma_start3A_292 = tpu.memref_slice %arg2[%dma_start3A_289, %add3A_28] : memref<32x500000xf32, #tpu.memory_space<hbm>> -> memref<1x128xf32, #tpu.memory_space<hbm>>
      %dma_start3A_293 = tpu.memref_squeeze %dma_start3A_292 : memref<1x128xf32, #tpu.memory_space<hbm>> -> memref<128xf32, #tpu.memory_space<hbm>>
      %dma_start3A_294 = arith.constant 29696 : i32
      %dma_start3A_295 = tpu.memref_slice %arg5[%dma_start3A_294] : memref<32768xf32, #tpu.memory_space<vmem>> -> memref<128xf32, #tpu.memory_space<vmem>>
      %dma_start3A_296 = tpu.memref_slice %arg2[%dma_start3A_289, %add3A_28] : memref<32x500000xf32, #tpu.memory_space<hbm>> -> memref<1x128xf32, #tpu.memory_space<hbm>>
      %dma_start3A_297 = tpu.memref_squeeze %dma_start3A_296 : memref<1x128xf32, #tpu.memory_space<hbm>> -> memref<128xf32, #tpu.memory_space<hbm>>
      tpu.enqueue_dma source(%dma_start3A_297 : memref<128xf32, #tpu.memory_space<hbm>>) target(%dma_start3A_295 : memref<128xf32, #tpu.memory_space<vmem>>) target_semaphore(%arg7 : memref<!tpu.dma_semaphore, #tpu.memory_space<semaphore_mem>>)
      %dma_start3A_298 = arith.constant 30 : i32
      %dma_start3A_299 = arith.constant 30720 : i32
      %dma_start3A_300 = tpu.memref_slice %arg5[%dma_start3A_299] : memref<32768xf32, #tpu.memory_space<vmem>> -> memref<128xf32, #tpu.memory_space<vmem>>
      %dma_start3A_301 = tpu.memref_slice %arg2[%dma_start3A_298, %add3A_28] : memref<32x500000xf32, #tpu.memory_space<hbm>> -> memref<1x128xf32, #tpu.memory_space<hbm>>
      %dma_start3A_302 = tpu.memref_squeeze %dma_start3A_301 : memref<1x128xf32, #tpu.memory_space<hbm>> -> memref<128xf32, #tpu.memory_space<hbm>>
      %dma_start3A_303 = arith.constant 30720 : i32
      %dma_start3A_304 = tpu.memref_slice %arg5[%dma_start3A_303] : memref<32768xf32, #tpu.memory_space<vmem>> -> memref<128xf32, #tpu.memory_space<vmem>>
      %dma_start3A_305 = tpu.memref_slice %arg2[%dma_start3A_298, %add3A_28] : memref<32x500000xf32, #tpu.memory_space<hbm>> -> memref<1x128xf32, #tpu.memory_space<hbm>>
      %dma_start3A_306 = tpu.memref_squeeze %dma_start3A_305 : memref<1x128xf32, #tpu.memory_space<hbm>> -> memref<128xf32, #tpu.memory_space<hbm>>
      tpu.enqueue_dma source(%dma_start3A_306 : memref<128xf32, #tpu.memory_space<hbm>>) target(%dma_start3A_304 : memref<128xf32, #tpu.memory_space<vmem>>) target_semaphore(%arg7 : memref<!tpu.dma_semaphore, #tpu.memory_space<semaphore_mem>>)
      %dma_start3A_307 = arith.constant 31 : i32
      %dma_start3A_308 = arith.constant 31744 : i32
      %dma_start3A_309 = tpu.memref_slice %arg5[%dma_start3A_308] : memref<32768xf32, #tpu.memory_space<vmem>> -> memref<128xf32, #tpu.memory_space<vmem>>
      %dma_start3A_310 = tpu.memref_slice %arg2[%dma_start3A_307, %add3A_28] : memref<32x500000xf32, #tpu.memory_space<hbm>> -> memref<1x128xf32, #tpu.memory_space<hbm>>
      %dma_start3A_311 = tpu.memref_squeeze %dma_start3A_310 : memref<1x128xf32, #tpu.memory_space<hbm>> -> memref<128xf32, #tpu.memory_space<hbm>>
      %dma_start3A_312 = arith.constant 31744 : i32
      %dma_start3A_313 = tpu.memref_slice %arg5[%dma_start3A_312] : memref<32768xf32, #tpu.memory_space<vmem>> -> memref<128xf32, #tpu.memory_space<vmem>>
      %dma_start3A_314 = tpu.memref_slice %arg2[%dma_start3A_307, %add3A_28] : memref<32x500000xf32, #tpu.memory_space<hbm>> -> memref<1x128xf32, #tpu.memory_space<hbm>>
      %dma_start3A_315 = tpu.memref_squeeze %dma_start3A_314 : memref<1x128xf32, #tpu.memory_space<hbm>> -> memref<128xf32, #tpu.memory_space<hbm>>
      tpu.enqueue_dma source(%dma_start3A_315 : memref<128xf32, #tpu.memory_space<hbm>>) target(%dma_start3A_313 : memref<128xf32, #tpu.memory_space<vmem>>) target_semaphore(%arg7 : memref<!tpu.dma_semaphore, #tpu.memory_space<semaphore_mem>>)
      %dma_wait3A = arith.constant 0 : i32
      %dma_wait3A_316 = arith.constant 0 : i32
      %dma_wait3A_317 = tpu.memref_slice %arg5[%dma_wait3A_316] : memref<32768xf32, #tpu.memory_space<vmem>> -> memref<128xf32, #tpu.memory_space<vmem>>
      %dma_wait3A_318 = tpu.memref_slice %arg2[%dma_wait3A, %add3A_28] : memref<32x500000xf32, #tpu.memory_space<hbm>> -> memref<1x128xf32, #tpu.memory_space<hbm>>
      %dma_wait3A_319 = tpu.memref_squeeze %dma_wait3A_318 : memref<1x128xf32, #tpu.memory_space<hbm>> -> memref<128xf32, #tpu.memory_space<hbm>>
      %dma_wait3A_320 = arith.constant 0 : i32
      %dma_wait3A_321 = tpu.memref_slice %arg5[%dma_wait3A_320] : memref<32768xf32, #tpu.memory_space<vmem>> -> memref<128xf32, #tpu.memory_space<vmem>>
      %dma_wait3A_322 = tpu.memref_slice %arg2[%dma_wait3A, %add3A_28] : memref<32x500000xf32, #tpu.memory_space<hbm>> -> memref<1x128xf32, #tpu.memory_space<hbm>>
      %dma_wait3A_323 = tpu.memref_squeeze %dma_wait3A_322 : memref<1x128xf32, #tpu.memory_space<hbm>> -> memref<128xf32, #tpu.memory_space<hbm>>
      tpu.wait_dma2 semaphore(%arg7 : memref<!tpu.dma_semaphore, #tpu.memory_space<semaphore_mem>>) src(%dma_wait3A_323 : memref<128xf32, #tpu.memory_space<hbm>>) dst(%dma_wait3A_321 : memref<128xf32, #tpu.memory_space<vmem>>)
      %dma_wait3A_324 = arith.constant 1 : i32
      %dma_wait3A_325 = arith.constant 1024 : i32
      %dma_wait3A_326 = tpu.memref_slice %arg5[%dma_wait3A_325] : memref<32768xf32, #tpu.memory_space<vmem>> -> memref<128xf32, #tpu.memory_space<vmem>>
      %dma_wait3A_327 = tpu.memref_slice %arg2[%dma_wait3A_324, %add3A_28] : memref<32x500000xf32, #tpu.memory_space<hbm>> -> memref<1x128xf32, #tpu.memory_space<hbm>>
      %dma_wait3A_328 = tpu.memref_squeeze %dma_wait3A_327 : memref<1x128xf32, #tpu.memory_space<hbm>> -> memref<128xf32, #tpu.memory_space<hbm>>
      %dma_wait3A_329 = arith.constant 1024 : i32
      %dma_wait3A_330 = tpu.memref_slice %arg5[%dma_wait3A_329] : memref<32768xf32, #tpu.memory_space<vmem>> -> memref<128xf32, #tpu.memory_space<vmem>>
      %dma_wait3A_331 = tpu.memref_slice %arg2[%dma_wait3A_324, %add3A_28] : memref<32x500000xf32, #tpu.memory_space<hbm>> -> memref<1x128xf32, #tpu.memory_space<hbm>>
      %dma_wait3A_332 = tpu.memref_squeeze %dma_wait3A_331 : memref<1x128xf32, #tpu.memory_space<hbm>> -> memref<128xf32, #tpu.memory_space<hbm>>
      tpu.wait_dma2 semaphore(%arg7 : memref<!tpu.dma_semaphore, #tpu.memory_space<semaphore_mem>>) src(%dma_wait3A_332 : memref<128xf32, #tpu.memory_space<hbm>>) dst(%dma_wait3A_330 : memref<128xf32, #tpu.memory_space<vmem>>)
      %dma_wait3A_333 = arith.constant 2 : i32
      %dma_wait3A_334 = arith.constant 2048 : i32
      %dma_wait3A_335 = tpu.memref_slice %arg5[%dma_wait3A_334] : memref<32768xf32, #tpu.memory_space<vmem>> -> memref<128xf32, #tpu.memory_space<vmem>>
      %dma_wait3A_336 = tpu.memref_slice %arg2[%dma_wait3A_333, %add3A_28] : memref<32x500000xf32, #tpu.memory_space<hbm>> -> memref<1x128xf32, #tpu.memory_space<hbm>>
      %dma_wait3A_337 = tpu.memref_squeeze %dma_wait3A_336 : memref<1x128xf32, #tpu.memory_space<hbm>> -> memref<128xf32, #tpu.memory_space<hbm>>
      %dma_wait3A_338 = arith.constant 2048 : i32
      %dma_wait3A_339 = tpu.memref_slice %arg5[%dma_wait3A_338] : memref<32768xf32, #tpu.memory_space<vmem>> -> memref<128xf32, #tpu.memory_space<vmem>>
      %dma_wait3A_340 = tpu.memref_slice %arg2[%dma_wait3A_333, %add3A_28] : memref<32x500000xf32, #tpu.memory_space<hbm>> -> memref<1x128xf32, #tpu.memory_space<hbm>>
      %dma_wait3A_341 = tpu.memref_squeeze %dma_wait3A_340 : memref<1x128xf32, #tpu.memory_space<hbm>> -> memref<128xf32, #tpu.memory_space<hbm>>
      tpu.wait_dma2 semaphore(%arg7 : memref<!tpu.dma_semaphore, #tpu.memory_space<semaphore_mem>>) src(%dma_wait3A_341 : memref<128xf32, #tpu.memory_space<hbm>>) dst(%dma_wait3A_339 : memref<128xf32, #tpu.memory_space<vmem>>)
      %dma_wait3A_342 = arith.constant 3 : i32
      %dma_wait3A_343 = arith.constant 3072 : i32
      %dma_wait3A_344 = tpu.memref_slice %arg5[%dma_wait3A_343] : memref<32768xf32, #tpu.memory_space<vmem>> -> memref<128xf32, #tpu.memory_space<vmem>>
      %dma_wait3A_345 = tpu.memref_slice %arg2[%dma_wait3A_342, %add3A_28] : memref<32x500000xf32, #tpu.memory_space<hbm>> -> memref<1x128xf32, #tpu.memory_space<hbm>>
      %dma_wait3A_346 = tpu.memref_squeeze %dma_wait3A_345 : memref<1x128xf32, #tpu.memory_space<hbm>> -> memref<128xf32, #tpu.memory_space<hbm>>
      %dma_wait3A_347 = arith.constant 3072 : i32
      %dma_wait3A_348 = tpu.memref_slice %arg5[%dma_wait3A_347] : memref<32768xf32, #tpu.memory_space<vmem>> -> memref<128xf32, #tpu.memory_space<vmem>>
      %dma_wait3A_349 = tpu.memref_slice %arg2[%dma_wait3A_342, %add3A_28] : memref<32x500000xf32, #tpu.memory_space<hbm>> -> memref<1x128xf32, #tpu.memory_space<hbm>>
      %dma_wait3A_350 = tpu.memref_squeeze %dma_wait3A_349 : memref<1x128xf32, #tpu.memory_space<hbm>> -> memref<128xf32, #tpu.memory_space<hbm>>
      tpu.wait_dma2 semaphore(%arg7 : memref<!tpu.dma_semaphore, #tpu.memory_space<semaphore_mem>>) src(%dma_wait3A_350 : memref<128xf32, #tpu.memory_space<hbm>>) dst(%dma_wait3A_348 : memref<128xf32, #tpu.memory_space<vmem>>)
      %dma_wait3A_351 = arith.constant 4 : i32
      %dma_wait3A_352 = arith.constant 4096 : i32
      %dma_wait3A_353 = tpu.memref_slice %arg5[%dma_wait3A_352] : memref<32768xf32, #tpu.memory_space<vmem>> -> memref<128xf32, #tpu.memory_space<vmem>>
      %dma_wait3A_354 = tpu.memref_slice %arg2[%dma_wait3A_351, %add3A_28] : memref<32x500000xf32, #tpu.memory_space<hbm>> -> memref<1x128xf32, #tpu.memory_space<hbm>>
      %dma_wait3A_355 = tpu.memref_squeeze %dma_wait3A_354 : memref<1x128xf32, #tpu.memory_space<hbm>> -> memref<128xf32, #tpu.memory_space<hbm>>
      %dma_wait3A_356 = arith.constant 4096 : i32
      %dma_wait3A_357 = tpu.memref_slice %arg5[%dma_wait3A_356] : memref<32768xf32, #tpu.memory_space<vmem>> -> memref<128xf32, #tpu.memory_space<vmem>>
      %dma_wait3A_358 = tpu.memref_slice %arg2[%dma_wait3A_351, %add3A_28] : memref<32x500000xf32, #tpu.memory_space<hbm>> -> memref<1x128xf32, #tpu.memory_space<hbm>>
      %dma_wait3A_359 = tpu.memref_squeeze %dma_wait3A_358 : memref<1x128xf32, #tpu.memory_space<hbm>> -> memref<128xf32, #tpu.memory_space<hbm>>
      tpu.wait_dma2 semaphore(%arg7 : memref<!tpu.dma_semaphore, #tpu.memory_space<semaphore_mem>>) src(%dma_wait3A_359 : memref<128xf32, #tpu.memory_space<hbm>>) dst(%dma_wait3A_357 : memref<128xf32, #tpu.memory_space<vmem>>)
      %dma_wait3A_360 = arith.constant 5 : i32
      %dma_wait3A_361 = arith.constant 5120 : i32
      %dma_wait3A_362 = tpu.memref_slice %arg5[%dma_wait3A_361] : memref<32768xf32, #tpu.memory_space<vmem>> -> memref<128xf32, #tpu.memory_space<vmem>>
      %dma_wait3A_363 = tpu.memref_slice %arg2[%dma_wait3A_360, %add3A_28] : memref<32x500000xf32, #tpu.memory_space<hbm>> -> memref<1x128xf32, #tpu.memory_space<hbm>>
      %dma_wait3A_364 = tpu.memref_squeeze %dma_wait3A_363 : memref<1x128xf32, #tpu.memory_space<hbm>> -> memref<128xf32, #tpu.memory_space<hbm>>
      %dma_wait3A_365 = arith.constant 5120 : i32
      %dma_wait3A_366 = tpu.memref_slice %arg5[%dma_wait3A_365] : memref<32768xf32, #tpu.memory_space<vmem>> -> memref<128xf32, #tpu.memory_space<vmem>>
      %dma_wait3A_367 = tpu.memref_slice %arg2[%dma_wait3A_360, %add3A_28] : memref<32x500000xf32, #tpu.memory_space<hbm>> -> memref<1x128xf32, #tpu.memory_space<hbm>>
      %dma_wait3A_368 = tpu.memref_squeeze %dma_wait3A_367 : memref<1x128xf32, #tpu.memory_space<hbm>> -> memref<128xf32, #tpu.memory_space<hbm>>
      tpu.wait_dma2 semaphore(%arg7 : memref<!tpu.dma_semaphore, #tpu.memory_space<semaphore_mem>>) src(%dma_wait3A_368 : memref<128xf32, #tpu.memory_space<hbm>>) dst(%dma_wait3A_366 : memref<128xf32, #tpu.memory_space<vmem>>)
      %dma_wait3A_369 = arith.constant 6 : i32
      %dma_wait3A_370 = arith.constant 6144 : i32
      %dma_wait3A_371 = tpu.memref_slice %arg5[%dma_wait3A_370] : memref<32768xf32, #tpu.memory_space<vmem>> -> memref<128xf32, #tpu.memory_space<vmem>>
      %dma_wait3A_372 = tpu.memref_slice %arg2[%dma_wait3A_369, %add3A_28] : memref<32x500000xf32, #tpu.memory_space<hbm>> -> memref<1x128xf32, #tpu.memory_space<hbm>>
      %dma_wait3A_373 = tpu.memref_squeeze %dma_wait3A_372 : memref<1x128xf32, #tpu.memory_space<hbm>> -> memref<128xf32, #tpu.memory_space<hbm>>
      %dma_wait3A_374 = arith.constant 6144 : i32
      %dma_wait3A_375 = tpu.memref_slice %arg5[%dma_wait3A_374] : memref<32768xf32, #tpu.memory_space<vmem>> -> memref<128xf32, #tpu.memory_space<vmem>>
      %dma_wait3A_376 = tpu.memref_slice %arg2[%dma_wait3A_369, %add3A_28] : memref<32x500000xf32, #tpu.memory_space<hbm>> -> memref<1x128xf32, #tpu.memory_space<hbm>>
      %dma_wait3A_377 = tpu.memref_squeeze %dma_wait3A_376 : memref<1x128xf32, #tpu.memory_space<hbm>> -> memref<128xf32, #tpu.memory_space<hbm>>
      tpu.wait_dma2 semaphore(%arg7 : memref<!tpu.dma_semaphore, #tpu.memory_space<semaphore_mem>>) src(%dma_wait3A_377 : memref<128xf32, #tpu.memory_space<hbm>>) dst(%dma_wait3A_375 : memref<128xf32, #tpu.memory_space<vmem>>)
      %dma_wait3A_378 = arith.constant 7 : i32
      %dma_wait3A_379 = arith.constant 7168 : i32
      %dma_wait3A_380 = tpu.memref_slice %arg5[%dma_wait3A_379] : memref<32768xf32, #tpu.memory_space<vmem>> -> memref<128xf32, #tpu.memory_space<vmem>>
      %dma_wait3A_381 = tpu.memref_slice %arg2[%dma_wait3A_378, %add3A_28] : memref<32x500000xf32, #tpu.memory_space<hbm>> -> memref<1x128xf32, #tpu.memory_space<hbm>>
      %dma_wait3A_382 = tpu.memref_squeeze %dma_wait3A_381 : memref<1x128xf32, #tpu.memory_space<hbm>> -> memref<128xf32, #tpu.memory_space<hbm>>
      %dma_wait3A_383 = arith.constant 7168 : i32
      %dma_wait3A_384 = tpu.memref_slice %arg5[%dma_wait3A_383] : memref<32768xf32, #tpu.memory_space<vmem>> -> memref<128xf32, #tpu.memory_space<vmem>>
      %dma_wait3A_385 = tpu.memref_slice %arg2[%dma_wait3A_378, %add3A_28] : memref<32x500000xf32, #tpu.memory_space<hbm>> -> memref<1x128xf32, #tpu.memory_space<hbm>>
      %dma_wait3A_386 = tpu.memref_squeeze %dma_wait3A_385 : memref<1x128xf32, #tpu.memory_space<hbm>> -> memref<128xf32, #tpu.memory_space<hbm>>
      tpu.wait_dma2 semaphore(%arg7 : memref<!tpu.dma_semaphore, #tpu.memory_space<semaphore_mem>>) src(%dma_wait3A_386 : memref<128xf32, #tpu.memory_space<hbm>>) dst(%dma_wait3A_384 : memref<128xf32, #tpu.memory_space<vmem>>)
      %dma_wait3A_387 = arith.constant 8 : i32
      %dma_wait3A_388 = arith.constant 8192 : i32
      %dma_wait3A_389 = tpu.memref_slice %arg5[%dma_wait3A_388] : memref<32768xf32, #tpu.memory_space<vmem>> -> memref<128xf32, #tpu.memory_space<vmem>>
      %dma_wait3A_390 = tpu.memref_slice %arg2[%dma_wait3A_387, %add3A_28] : memref<32x500000xf32, #tpu.memory_space<hbm>> -> memref<1x128xf32, #tpu.memory_space<hbm>>
      %dma_wait3A_391 = tpu.memref_squeeze %dma_wait3A_390 : memref<1x128xf32, #tpu.memory_space<hbm>> -> memref<128xf32, #tpu.memory_space<hbm>>
      %dma_wait3A_392 = arith.constant 8192 : i32
      %dma_wait3A_393 = tpu.memref_slice %arg5[%dma_wait3A_392] : memref<32768xf32, #tpu.memory_space<vmem>> -> memref<128xf32, #tpu.memory_space<vmem>>
      %dma_wait3A_394 = tpu.memref_slice %arg2[%dma_wait3A_387, %add3A_28] : memref<32x500000xf32, #tpu.memory_space<hbm>> -> memref<1x128xf32, #tpu.memory_space<hbm>>
      %dma_wait3A_395 = tpu.memref_squeeze %dma_wait3A_394 : memref<1x128xf32, #tpu.memory_space<hbm>> -> memref<128xf32, #tpu.memory_space<hbm>>
      tpu.wait_dma2 semaphore(%arg7 : memref<!tpu.dma_semaphore, #tpu.memory_space<semaphore_mem>>) src(%dma_wait3A_395 : memref<128xf32, #tpu.memory_space<hbm>>) dst(%dma_wait3A_393 : memref<128xf32, #tpu.memory_space<vmem>>)
      %dma_wait3A_396 = arith.constant 9 : i32
      %dma_wait3A_397 = arith.constant 9216 : i32
      %dma_wait3A_398 = tpu.memref_slice %arg5[%dma_wait3A_397] : memref<32768xf32, #tpu.memory_space<vmem>> -> memref<128xf32, #tpu.memory_space<vmem>>
      %dma_wait3A_399 = tpu.memref_slice %arg2[%dma_wait3A_396, %add3A_28] : memref<32x500000xf32, #tpu.memory_space<hbm>> -> memref<1x128xf32, #tpu.memory_space<hbm>>
      %dma_wait3A_400 = tpu.memref_squeeze %dma_wait3A_399 : memref<1x128xf32, #tpu.memory_space<hbm>> -> memref<128xf32, #tpu.memory_space<hbm>>
      %dma_wait3A_401 = arith.constant 9216 : i32
      %dma_wait3A_402 = tpu.memref_slice %arg5[%dma_wait3A_401] : memref<32768xf32, #tpu.memory_space<vmem>> -> memref<128xf32, #tpu.memory_space<vmem>>
      %dma_wait3A_403 = tpu.memref_slice %arg2[%dma_wait3A_396, %add3A_28] : memref<32x500000xf32, #tpu.memory_space<hbm>> -> memref<1x128xf32, #tpu.memory_space<hbm>>
      %dma_wait3A_404 = tpu.memref_squeeze %dma_wait3A_403 : memref<1x128xf32, #tpu.memory_space<hbm>> -> memref<128xf32, #tpu.memory_space<hbm>>
      tpu.wait_dma2 semaphore(%arg7 : memref<!tpu.dma_semaphore, #tpu.memory_space<semaphore_mem>>) src(%dma_wait3A_404 : memref<128xf32, #tpu.memory_space<hbm>>) dst(%dma_wait3A_402 : memref<128xf32, #tpu.memory_space<vmem>>)
      %dma_wait3A_405 = arith.constant 10 : i32
      %dma_wait3A_406 = arith.constant 10240 : i32
      %dma_wait3A_407 = tpu.memref_slice %arg5[%dma_wait3A_406] : memref<32768xf32, #tpu.memory_space<vmem>> -> memref<128xf32, #tpu.memory_space<vmem>>
      %dma_wait3A_408 = tpu.memref_slice %arg2[%dma_wait3A_405, %add3A_28] : memref<32x500000xf32, #tpu.memory_space<hbm>> -> memref<1x128xf32, #tpu.memory_space<hbm>>
      %dma_wait3A_409 = tpu.memref_squeeze %dma_wait3A_408 : memref<1x128xf32, #tpu.memory_space<hbm>> -> memref<128xf32, #tpu.memory_space<hbm>>
      %dma_wait3A_410 = arith.constant 10240 : i32
      %dma_wait3A_411 = tpu.memref_slice %arg5[%dma_wait3A_410] : memref<32768xf32, #tpu.memory_space<vmem>> -> memref<128xf32, #tpu.memory_space<vmem>>
      %dma_wait3A_412 = tpu.memref_slice %arg2[%dma_wait3A_405, %add3A_28] : memref<32x500000xf32, #tpu.memory_space<hbm>> -> memref<1x128xf32, #tpu.memory_space<hbm>>
      %dma_wait3A_413 = tpu.memref_squeeze %dma_wait3A_412 : memref<1x128xf32, #tpu.memory_space<hbm>> -> memref<128xf32, #tpu.memory_space<hbm>>
      tpu.wait_dma2 semaphore(%arg7 : memref<!tpu.dma_semaphore, #tpu.memory_space<semaphore_mem>>) src(%dma_wait3A_413 : memref<128xf32, #tpu.memory_space<hbm>>) dst(%dma_wait3A_411 : memref<128xf32, #tpu.memory_space<vmem>>)
      %dma_wait3A_414 = arith.constant 11 : i32
      %dma_wait3A_415 = arith.constant 11264 : i32
      %dma_wait3A_416 = tpu.memref_slice %arg5[%dma_wait3A_415] : memref<32768xf32, #tpu.memory_space<vmem>> -> memref<128xf32, #tpu.memory_space<vmem>>
      %dma_wait3A_417 = tpu.memref_slice %arg2[%dma_wait3A_414, %add3A_28] : memref<32x500000xf32, #tpu.memory_space<hbm>> -> memref<1x128xf32, #tpu.memory_space<hbm>>
      %dma_wait3A_418 = tpu.memref_squeeze %dma_wait3A_417 : memref<1x128xf32, #tpu.memory_space<hbm>> -> memref<128xf32, #tpu.memory_space<hbm>>
      %dma_wait3A_419 = arith.constant 11264 : i32
      %dma_wait3A_420 = tpu.memref_slice %arg5[%dma_wait3A_419] : memref<32768xf32, #tpu.memory_space<vmem>> -> memref<128xf32, #tpu.memory_space<vmem>>
      %dma_wait3A_421 = tpu.memref_slice %arg2[%dma_wait3A_414, %add3A_28] : memref<32x500000xf32, #tpu.memory_space<hbm>> -> memref<1x128xf32, #tpu.memory_space<hbm>>
      %dma_wait3A_422 = tpu.memref_squeeze %dma_wait3A_421 : memref<1x128xf32, #tpu.memory_space<hbm>> -> memref<128xf32, #tpu.memory_space<hbm>>
      tpu.wait_dma2 semaphore(%arg7 : memref<!tpu.dma_semaphore, #tpu.memory_space<semaphore_mem>>) src(%dma_wait3A_422 : memref<128xf32, #tpu.memory_space<hbm>>) dst(%dma_wait3A_420 : memref<128xf32, #tpu.memory_space<vmem>>)
      %dma_wait3A_423 = arith.constant 12 : i32
      %dma_wait3A_424 = arith.constant 12288 : i32
      %dma_wait3A_425 = tpu.memref_slice %arg5[%dma_wait3A_424] : memref<32768xf32, #tpu.memory_space<vmem>> -> memref<128xf32, #tpu.memory_space<vmem>>
      %dma_wait3A_426 = tpu.memref_slice %arg2[%dma_wait3A_423, %add3A_28] : memref<32x500000xf32, #tpu.memory_space<hbm>> -> memref<1x128xf32, #tpu.memory_space<hbm>>
      %dma_wait3A_427 = tpu.memref_squeeze %dma_wait3A_426 : memref<1x128xf32, #tpu.memory_space<hbm>> -> memref<128xf32, #tpu.memory_space<hbm>>
      %dma_wait3A_428 = arith.constant 12288 : i32
      %dma_wait3A_429 = tpu.memref_slice %arg5[%dma_wait3A_428] : memref<32768xf32, #tpu.memory_space<vmem>> -> memref<128xf32, #tpu.memory_space<vmem>>
      %dma_wait3A_430 = tpu.memref_slice %arg2[%dma_wait3A_423, %add3A_28] : memref<32x500000xf32, #tpu.memory_space<hbm>> -> memref<1x128xf32, #tpu.memory_space<hbm>>
      %dma_wait3A_431 = tpu.memref_squeeze %dma_wait3A_430 : memref<1x128xf32, #tpu.memory_space<hbm>> -> memref<128xf32, #tpu.memory_space<hbm>>
      tpu.wait_dma2 semaphore(%arg7 : memref<!tpu.dma_semaphore, #tpu.memory_space<semaphore_mem>>) src(%dma_wait3A_431 : memref<128xf32, #tpu.memory_space<hbm>>) dst(%dma_wait3A_429 : memref<128xf32, #tpu.memory_space<vmem>>)
      %dma_wait3A_432 = arith.constant 13 : i32
      %dma_wait3A_433 = arith.constant 13312 : i32
      %dma_wait3A_434 = tpu.memref_slice %arg5[%dma_wait3A_433] : memref<32768xf32, #tpu.memory_space<vmem>> -> memref<128xf32, #tpu.memory_space<vmem>>
      %dma_wait3A_435 = tpu.memref_slice %arg2[%dma_wait3A_432, %add3A_28] : memref<32x500000xf32, #tpu.memory_space<hbm>> -> memref<1x128xf32, #tpu.memory_space<hbm>>
      %dma_wait3A_436 = tpu.memref_squeeze %dma_wait3A_435 : memref<1x128xf32, #tpu.memory_space<hbm>> -> memref<128xf32, #tpu.memory_space<hbm>>
      %dma_wait3A_437 = arith.constant 13312 : i32
      %dma_wait3A_438 = tpu.memref_slice %arg5[%dma_wait3A_437] : memref<32768xf32, #tpu.memory_space<vmem>> -> memref<128xf32, #tpu.memory_space<vmem>>
      %dma_wait3A_439 = tpu.memref_slice %arg2[%dma_wait3A_432, %add3A_28] : memref<32x500000xf32, #tpu.memory_space<hbm>> -> memref<1x128xf32, #tpu.memory_space<hbm>>
      %dma_wait3A_440 = tpu.memref_squeeze %dma_wait3A_439 : memref<1x128xf32, #tpu.memory_space<hbm>> -> memref<128xf32, #tpu.memory_space<hbm>>
      tpu.wait_dma2 semaphore(%arg7 : memref<!tpu.dma_semaphore, #tpu.memory_space<semaphore_mem>>) src(%dma_wait3A_440 : memref<128xf32, #tpu.memory_space<hbm>>) dst(%dma_wait3A_438 : memref<128xf32, #tpu.memory_space<vmem>>)
      %dma_wait3A_441 = arith.constant 14 : i32
      %dma_wait3A_442 = arith.constant 14336 : i32
      %dma_wait3A_443 = tpu.memref_slice %arg5[%dma_wait3A_442] : memref<32768xf32, #tpu.memory_space<vmem>> -> memref<128xf32, #tpu.memory_space<vmem>>
      %dma_wait3A_444 = tpu.memref_slice %arg2[%dma_wait3A_441, %add3A_28] : memref<32x500000xf32, #tpu.memory_space<hbm>> -> memref<1x128xf32, #tpu.memory_space<hbm>>
      %dma_wait3A_445 = tpu.memref_squeeze %dma_wait3A_444 : memref<1x128xf32, #tpu.memory_space<hbm>> -> memref<128xf32, #tpu.memory_space<hbm>>
      %dma_wait3A_446 = arith.constant 14336 : i32
      %dma_wait3A_447 = tpu.memref_slice %arg5[%dma_wait3A_446] : memref<32768xf32, #tpu.memory_space<vmem>> -> memref<128xf32, #tpu.memory_space<vmem>>
      %dma_wait3A_448 = tpu.memref_slice %arg2[%dma_wait3A_441, %add3A_28] : memref<32x500000xf32, #tpu.memory_space<hbm>> -> memref<1x128xf32, #tpu.memory_space<hbm>>
      %dma_wait3A_449 = tpu.memref_squeeze %dma_wait3A_448 : memref<1x128xf32, #tpu.memory_space<hbm>> -> memref<128xf32, #tpu.memory_space<hbm>>
      tpu.wait_dma2 semaphore(%arg7 : memref<!tpu.dma_semaphore, #tpu.memory_space<semaphore_mem>>) src(%dma_wait3A_449 : memref<128xf32, #tpu.memory_space<hbm>>) dst(%dma_wait3A_447 : memref<128xf32, #tpu.memory_space<vmem>>)
      %dma_wait3A_450 = arith.constant 15 : i32
      %dma_wait3A_451 = arith.constant 15360 : i32
      %dma_wait3A_452 = tpu.memref_slice %arg5[%dma_wait3A_451] : memref<32768xf32, #tpu.memory_space<vmem>> -> memref<128xf32, #tpu.memory_space<vmem>>
      %dma_wait3A_453 = tpu.memref_slice %arg2[%dma_wait3A_450, %add3A_28] : memref<32x500000xf32, #tpu.memory_space<hbm>> -> memref<1x128xf32, #tpu.memory_space<hbm>>
      %dma_wait3A_454 = tpu.memref_squeeze %dma_wait3A_453 : memref<1x128xf32, #tpu.memory_space<hbm>> -> memref<128xf32, #tpu.memory_space<hbm>>
      %dma_wait3A_455 = arith.constant 15360 : i32
      %dma_wait3A_456 = tpu.memref_slice %arg5[%dma_wait3A_455] : memref<32768xf32, #tpu.memory_space<vmem>> -> memref<128xf32, #tpu.memory_space<vmem>>
      %dma_wait3A_457 = tpu.memref_slice %arg2[%dma_wait3A_450, %add3A_28] : memref<32x500000xf32, #tpu.memory_space<hbm>> -> memref<1x128xf32, #tpu.memory_space<hbm>>
      %dma_wait3A_458 = tpu.memref_squeeze %dma_wait3A_457 : memref<1x128xf32, #tpu.memory_space<hbm>> -> memref<128xf32, #tpu.memory_space<hbm>>
      tpu.wait_dma2 semaphore(%arg7 : memref<!tpu.dma_semaphore, #tpu.memory_space<semaphore_mem>>) src(%dma_wait3A_458 : memref<128xf32, #tpu.memory_space<hbm>>) dst(%dma_wait3A_456 : memref<128xf32, #tpu.memory_space<vmem>>)
      %dma_wait3A_459 = arith.constant 16 : i32
      %dma_wait3A_460 = arith.constant 16384 : i32
      %dma_wait3A_461 = tpu.memref_slice %arg5[%dma_wait3A_460] : memref<32768xf32, #tpu.memory_space<vmem>> -> memref<128xf32, #tpu.memory_space<vmem>>
      %dma_wait3A_462 = tpu.memref_slice %arg2[%dma_wait3A_459, %add3A_28] : memref<32x500000xf32, #tpu.memory_space<hbm>> -> memref<1x128xf32, #tpu.memory_space<hbm>>
      %dma_wait3A_463 = tpu.memref_squeeze %dma_wait3A_462 : memref<1x128xf32, #tpu.memory_space<hbm>> -> memref<128xf32, #tpu.memory_space<hbm>>
      %dma_wait3A_464 = arith.constant 16384 : i32
      %dma_wait3A_465 = tpu.memref_slice %arg5[%dma_wait3A_464] : memref<32768xf32, #tpu.memory_space<vmem>> -> memref<128xf32, #tpu.memory_space<vmem>>
      %dma_wait3A_466 = tpu.memref_slice %arg2[%dma_wait3A_459, %add3A_28] : memref<32x500000xf32, #tpu.memory_space<hbm>> -> memref<1x128xf32, #tpu.memory_space<hbm>>
      %dma_wait3A_467 = tpu.memref_squeeze %dma_wait3A_466 : memref<1x128xf32, #tpu.memory_space<hbm>> -> memref<128xf32, #tpu.memory_space<hbm>>
      tpu.wait_dma2 semaphore(%arg7 : memref<!tpu.dma_semaphore, #tpu.memory_space<semaphore_mem>>) src(%dma_wait3A_467 : memref<128xf32, #tpu.memory_space<hbm>>) dst(%dma_wait3A_465 : memref<128xf32, #tpu.memory_space<vmem>>)
      %dma_wait3A_468 = arith.constant 17 : i32
      %dma_wait3A_469 = arith.constant 17408 : i32
      %dma_wait3A_470 = tpu.memref_slice %arg5[%dma_wait3A_469] : memref<32768xf32, #tpu.memory_space<vmem>> -> memref<128xf32, #tpu.memory_space<vmem>>
      %dma_wait3A_471 = tpu.memref_slice %arg2[%dma_wait3A_468, %add3A_28] : memref<32x500000xf32, #tpu.memory_space<hbm>> -> memref<1x128xf32, #tpu.memory_space<hbm>>
      %dma_wait3A_472 = tpu.memref_squeeze %dma_wait3A_471 : memref<1x128xf32, #tpu.memory_space<hbm>> -> memref<128xf32, #tpu.memory_space<hbm>>
      %dma_wait3A_473 = arith.constant 17408 : i32
      %dma_wait3A_474 = tpu.memref_slice %arg5[%dma_wait3A_473] : memref<32768xf32, #tpu.memory_space<vmem>> -> memref<128xf32, #tpu.memory_space<vmem>>
      %dma_wait3A_475 = tpu.memref_slice %arg2[%dma_wait3A_468, %add3A_28] : memref<32x500000xf32, #tpu.memory_space<hbm>> -> memref<1x128xf32, #tpu.memory_space<hbm>>
      %dma_wait3A_476 = tpu.memref_squeeze %dma_wait3A_475 : memref<1x128xf32, #tpu.memory_space<hbm>> -> memref<128xf32, #tpu.memory_space<hbm>>
      tpu.wait_dma2 semaphore(%arg7 : memref<!tpu.dma_semaphore, #tpu.memory_space<semaphore_mem>>) src(%dma_wait3A_476 : memref<128xf32, #tpu.memory_space<hbm>>) dst(%dma_wait3A_474 : memref<128xf32, #tpu.memory_space<vmem>>)
      %dma_wait3A_477 = arith.constant 18 : i32
      %dma_wait3A_478 = arith.constant 18432 : i32
      %dma_wait3A_479 = tpu.memref_slice %arg5[%dma_wait3A_478] : memref<32768xf32, #tpu.memory_space<vmem>> -> memref<128xf32, #tpu.memory_space<vmem>>
      %dma_wait3A_480 = tpu.memref_slice %arg2[%dma_wait3A_477, %add3A_28] : memref<32x500000xf32, #tpu.memory_space<hbm>> -> memref<1x128xf32, #tpu.memory_space<hbm>>
      %dma_wait3A_481 = tpu.memref_squeeze %dma_wait3A_480 : memref<1x128xf32, #tpu.memory_space<hbm>> -> memref<128xf32, #tpu.memory_space<hbm>>
      %dma_wait3A_482 = arith.constant 18432 : i32
      %dma_wait3A_483 = tpu.memref_slice %arg5[%dma_wait3A_482] : memref<32768xf32, #tpu.memory_space<vmem>> -> memref<128xf32, #tpu.memory_space<vmem>>
      %dma_wait3A_484 = tpu.memref_slice %arg2[%dma_wait3A_477, %add3A_28] : memref<32x500000xf32, #tpu.memory_space<hbm>> -> memref<1x128xf32, #tpu.memory_space<hbm>>
      %dma_wait3A_485 = tpu.memref_squeeze %dma_wait3A_484 : memref<1x128xf32, #tpu.memory_space<hbm>> -> memref<128xf32, #tpu.memory_space<hbm>>
      tpu.wait_dma2 semaphore(%arg7 : memref<!tpu.dma_semaphore, #tpu.memory_space<semaphore_mem>>) src(%dma_wait3A_485 : memref<128xf32, #tpu.memory_space<hbm>>) dst(%dma_wait3A_483 : memref<128xf32, #tpu.memory_space<vmem>>)
      %dma_wait3A_486 = arith.constant 19 : i32
      %dma_wait3A_487 = arith.constant 19456 : i32
      %dma_wait3A_488 = tpu.memref_slice %arg5[%dma_wait3A_487] : memref<32768xf32, #tpu.memory_space<vmem>> -> memref<128xf32, #tpu.memory_space<vmem>>
      %dma_wait3A_489 = tpu.memref_slice %arg2[%dma_wait3A_486, %add3A_28] : memref<32x500000xf32, #tpu.memory_space<hbm>> -> memref<1x128xf32, #tpu.memory_space<hbm>>
      %dma_wait3A_490 = tpu.memref_squeeze %dma_wait3A_489 : memref<1x128xf32, #tpu.memory_space<hbm>> -> memref<128xf32, #tpu.memory_space<hbm>>
      %dma_wait3A_491 = arith.constant 19456 : i32
      %dma_wait3A_492 = tpu.memref_slice %arg5[%dma_wait3A_491] : memref<32768xf32, #tpu.memory_space<vmem>> -> memref<128xf32, #tpu.memory_space<vmem>>
      %dma_wait3A_493 = tpu.memref_slice %arg2[%dma_wait3A_486, %add3A_28] : memref<32x500000xf32, #tpu.memory_space<hbm>> -> memref<1x128xf32, #tpu.memory_space<hbm>>
      %dma_wait3A_494 = tpu.memref_squeeze %dma_wait3A_493 : memref<1x128xf32, #tpu.memory_space<hbm>> -> memref<128xf32, #tpu.memory_space<hbm>>
      tpu.wait_dma2 semaphore(%arg7 : memref<!tpu.dma_semaphore, #tpu.memory_space<semaphore_mem>>) src(%dma_wait3A_494 : memref<128xf32, #tpu.memory_space<hbm>>) dst(%dma_wait3A_492 : memref<128xf32, #tpu.memory_space<vmem>>)
      %dma_wait3A_495 = arith.constant 20 : i32
      %dma_wait3A_496 = arith.constant 20480 : i32
      %dma_wait3A_497 = tpu.memref_slice %arg5[%dma_wait3A_496] : memref<32768xf32, #tpu.memory_space<vmem>> -> memref<128xf32, #tpu.memory_space<vmem>>
      %dma_wait3A_498 = tpu.memref_slice %arg2[%dma_wait3A_495, %add3A_28] : memref<32x500000xf32, #tpu.memory_space<hbm>> -> memref<1x128xf32, #tpu.memory_space<hbm>>
      %dma_wait3A_499 = tpu.memref_squeeze %dma_wait3A_498 : memref<1x128xf32, #tpu.memory_space<hbm>> -> memref<128xf32, #tpu.memory_space<hbm>>
      %dma_wait3A_500 = arith.constant 20480 : i32
      %dma_wait3A_501 = tpu.memref_slice %arg5[%dma_wait3A_500] : memref<32768xf32, #tpu.memory_space<vmem>> -> memref<128xf32, #tpu.memory_space<vmem>>
      %dma_wait3A_502 = tpu.memref_slice %arg2[%dma_wait3A_495, %add3A_28] : memref<32x500000xf32, #tpu.memory_space<hbm>> -> memref<1x128xf32, #tpu.memory_space<hbm>>
      %dma_wait3A_503 = tpu.memref_squeeze %dma_wait3A_502 : memref<1x128xf32, #tpu.memory_space<hbm>> -> memref<128xf32, #tpu.memory_space<hbm>>
      tpu.wait_dma2 semaphore(%arg7 : memref<!tpu.dma_semaphore, #tpu.memory_space<semaphore_mem>>) src(%dma_wait3A_503 : memref<128xf32, #tpu.memory_space<hbm>>) dst(%dma_wait3A_501 : memref<128xf32, #tpu.memory_space<vmem>>)
      %dma_wait3A_504 = arith.constant 21 : i32
      %dma_wait3A_505 = arith.constant 21504 : i32
      %dma_wait3A_506 = tpu.memref_slice %arg5[%dma_wait3A_505] : memref<32768xf32, #tpu.memory_space<vmem>> -> memref<128xf32, #tpu.memory_space<vmem>>
      %dma_wait3A_507 = tpu.memref_slice %arg2[%dma_wait3A_504, %add3A_28] : memref<32x500000xf32, #tpu.memory_space<hbm>> -> memref<1x128xf32, #tpu.memory_space<hbm>>
      %dma_wait3A_508 = tpu.memref_squeeze %dma_wait3A_507 : memref<1x128xf32, #tpu.memory_space<hbm>> -> memref<128xf32, #tpu.memory_space<hbm>>
      %dma_wait3A_509 = arith.constant 21504 : i32
      %dma_wait3A_510 = tpu.memref_slice %arg5[%dma_wait3A_509] : memref<32768xf32, #tpu.memory_space<vmem>> -> memref<128xf32, #tpu.memory_space<vmem>>
      %dma_wait3A_511 = tpu.memref_slice %arg2[%dma_wait3A_504, %add3A_28] : memref<32x500000xf32, #tpu.memory_space<hbm>> -> memref<1x128xf32, #tpu.memory_space<hbm>>
      %dma_wait3A_512 = tpu.memref_squeeze %dma_wait3A_511 : memref<1x128xf32, #tpu.memory_space<hbm>> -> memref<128xf32, #tpu.memory_space<hbm>>
      tpu.wait_dma2 semaphore(%arg7 : memref<!tpu.dma_semaphore, #tpu.memory_space<semaphore_mem>>) src(%dma_wait3A_512 : memref<128xf32, #tpu.memory_space<hbm>>) dst(%dma_wait3A_510 : memref<128xf32, #tpu.memory_space<vmem>>)
      %dma_wait3A_513 = arith.constant 22 : i32
      %dma_wait3A_514 = arith.constant 22528 : i32
      %dma_wait3A_515 = tpu.memref_slice %arg5[%dma_wait3A_514] : memref<32768xf32, #tpu.memory_space<vmem>> -> memref<128xf32, #tpu.memory_space<vmem>>
      %dma_wait3A_516 = tpu.memref_slice %arg2[%dma_wait3A_513, %add3A_28] : memref<32x500000xf32, #tpu.memory_space<hbm>> -> memref<1x128xf32, #tpu.memory_space<hbm>>
      %dma_wait3A_517 = tpu.memref_squeeze %dma_wait3A_516 : memref<1x128xf32, #tpu.memory_space<hbm>> -> memref<128xf32, #tpu.memory_space<hbm>>
      %dma_wait3A_518 = arith.constant 22528 : i32
      %dma_wait3A_519 = tpu.memref_slice %arg5[%dma_wait3A_518] : memref<32768xf32, #tpu.memory_space<vmem>> -> memref<128xf32, #tpu.memory_space<vmem>>
      %dma_wait3A_520 = tpu.memref_slice %arg2[%dma_wait3A_513, %add3A_28] : memref<32x500000xf32, #tpu.memory_space<hbm>> -> memref<1x128xf32, #tpu.memory_space<hbm>>
      %dma_wait3A_521 = tpu.memref_squeeze %dma_wait3A_520 : memref<1x128xf32, #tpu.memory_space<hbm>> -> memref<128xf32, #tpu.memory_space<hbm>>
      tpu.wait_dma2 semaphore(%arg7 : memref<!tpu.dma_semaphore, #tpu.memory_space<semaphore_mem>>) src(%dma_wait3A_521 : memref<128xf32, #tpu.memory_space<hbm>>) dst(%dma_wait3A_519 : memref<128xf32, #tpu.memory_space<vmem>>)
      %dma_wait3A_522 = arith.constant 23 : i32
      %dma_wait3A_523 = arith.constant 23552 : i32
      %dma_wait3A_524 = tpu.memref_slice %arg5[%dma_wait3A_523] : memref<32768xf32, #tpu.memory_space<vmem>> -> memref<128xf32, #tpu.memory_space<vmem>>
      %dma_wait3A_525 = tpu.memref_slice %arg2[%dma_wait3A_522, %add3A_28] : memref<32x500000xf32, #tpu.memory_space<hbm>> -> memref<1x128xf32, #tpu.memory_space<hbm>>
      %dma_wait3A_526 = tpu.memref_squeeze %dma_wait3A_525 : memref<1x128xf32, #tpu.memory_space<hbm>> -> memref<128xf32, #tpu.memory_space<hbm>>
      %dma_wait3A_527 = arith.constant 23552 : i32
      %dma_wait3A_528 = tpu.memref_slice %arg5[%dma_wait3A_527] : memref<32768xf32, #tpu.memory_space<vmem>> -> memref<128xf32, #tpu.memory_space<vmem>>
      %dma_wait3A_529 = tpu.memref_slice %arg2[%dma_wait3A_522, %add3A_28] : memref<32x500000xf32, #tpu.memory_space<hbm>> -> memref<1x128xf32, #tpu.memory_space<hbm>>
      %dma_wait3A_530 = tpu.memref_squeeze %dma_wait3A_529 : memref<1x128xf32, #tpu.memory_space<hbm>> -> memref<128xf32, #tpu.memory_space<hbm>>
      tpu.wait_dma2 semaphore(%arg7 : memref<!tpu.dma_semaphore, #tpu.memory_space<semaphore_mem>>) src(%dma_wait3A_530 : memref<128xf32, #tpu.memory_space<hbm>>) dst(%dma_wait3A_528 : memref<128xf32, #tpu.memory_space<vmem>>)
      %dma_wait3A_531 = arith.constant 24 : i32
      %dma_wait3A_532 = arith.constant 24576 : i32
      %dma_wait3A_533 = tpu.memref_slice %arg5[%dma_wait3A_532] : memref<32768xf32, #tpu.memory_space<vmem>> -> memref<128xf32, #tpu.memory_space<vmem>>
      %dma_wait3A_534 = tpu.memref_slice %arg2[%dma_wait3A_531, %add3A_28] : memref<32x500000xf32, #tpu.memory_space<hbm>> -> memref<1x128xf32, #tpu.memory_space<hbm>>
      %dma_wait3A_535 = tpu.memref_squeeze %dma_wait3A_534 : memref<1x128xf32, #tpu.memory_space<hbm>> -> memref<128xf32, #tpu.memory_space<hbm>>
      %dma_wait3A_536 = arith.constant 24576 : i32
      %dma_wait3A_537 = tpu.memref_slice %arg5[%dma_wait3A_536] : memref<32768xf32, #tpu.memory_space<vmem>> -> memref<128xf32, #tpu.memory_space<vmem>>
      %dma_wait3A_538 = tpu.memref_slice %arg2[%dma_wait3A_531, %add3A_28] : memref<32x500000xf32, #tpu.memory_space<hbm>> -> memref<1x128xf32, #tpu.memory_space<hbm>>
      %dma_wait3A_539 = tpu.memref_squeeze %dma_wait3A_538 : memref<1x128xf32, #tpu.memory_space<hbm>> -> memref<128xf32, #tpu.memory_space<hbm>>
      tpu.wait_dma2 semaphore(%arg7 : memref<!tpu.dma_semaphore, #tpu.memory_space<semaphore_mem>>) src(%dma_wait3A_539 : memref<128xf32, #tpu.memory_space<hbm>>) dst(%dma_wait3A_537 : memref<128xf32, #tpu.memory_space<vmem>>)
      %dma_wait3A_540 = arith.constant 25 : i32
      %dma_wait3A_541 = arith.constant 25600 : i32
      %dma_wait3A_542 = tpu.memref_slice %arg5[%dma_wait3A_541] : memref<32768xf32, #tpu.memory_space<vmem>> -> memref<128xf32, #tpu.memory_space<vmem>>
      %dma_wait3A_543 = tpu.memref_slice %arg2[%dma_wait3A_540, %add3A_28] : memref<32x500000xf32, #tpu.memory_space<hbm>> -> memref<1x128xf32, #tpu.memory_space<hbm>>
      %dma_wait3A_544 = tpu.memref_squeeze %dma_wait3A_543 : memref<1x128xf32, #tpu.memory_space<hbm>> -> memref<128xf32, #tpu.memory_space<hbm>>
      %dma_wait3A_545 = arith.constant 25600 : i32
      %dma_wait3A_546 = tpu.memref_slice %arg5[%dma_wait3A_545] : memref<32768xf32, #tpu.memory_space<vmem>> -> memref<128xf32, #tpu.memory_space<vmem>>
      %dma_wait3A_547 = tpu.memref_slice %arg2[%dma_wait3A_540, %add3A_28] : memref<32x500000xf32, #tpu.memory_space<hbm>> -> memref<1x128xf32, #tpu.memory_space<hbm>>
      %dma_wait3A_548 = tpu.memref_squeeze %dma_wait3A_547 : memref<1x128xf32, #tpu.memory_space<hbm>> -> memref<128xf32, #tpu.memory_space<hbm>>
      tpu.wait_dma2 semaphore(%arg7 : memref<!tpu.dma_semaphore, #tpu.memory_space<semaphore_mem>>) src(%dma_wait3A_548 : memref<128xf32, #tpu.memory_space<hbm>>) dst(%dma_wait3A_546 : memref<128xf32, #tpu.memory_space<vmem>>)
      %dma_wait3A_549 = arith.constant 26 : i32
      %dma_wait3A_550 = arith.constant 26624 : i32
      %dma_wait3A_551 = tpu.memref_slice %arg5[%dma_wait3A_550] : memref<32768xf32, #tpu.memory_space<vmem>> -> memref<128xf32, #tpu.memory_space<vmem>>
      %dma_wait3A_552 = tpu.memref_slice %arg2[%dma_wait3A_549, %add3A_28] : memref<32x500000xf32, #tpu.memory_space<hbm>> -> memref<1x128xf32, #tpu.memory_space<hbm>>
      %dma_wait3A_553 = tpu.memref_squeeze %dma_wait3A_552 : memref<1x128xf32, #tpu.memory_space<hbm>> -> memref<128xf32, #tpu.memory_space<hbm>>
      %dma_wait3A_554 = arith.constant 26624 : i32
      %dma_wait3A_555 = tpu.memref_slice %arg5[%dma_wait3A_554] : memref<32768xf32, #tpu.memory_space<vmem>> -> memref<128xf32, #tpu.memory_space<vmem>>
      %dma_wait3A_556 = tpu.memref_slice %arg2[%dma_wait3A_549, %add3A_28] : memref<32x500000xf32, #tpu.memory_space<hbm>> -> memref<1x128xf32, #tpu.memory_space<hbm>>
      %dma_wait3A_557 = tpu.memref_squeeze %dma_wait3A_556 : memref<1x128xf32, #tpu.memory_space<hbm>> -> memref<128xf32, #tpu.memory_space<hbm>>
      tpu.wait_dma2 semaphore(%arg7 : memref<!tpu.dma_semaphore, #tpu.memory_space<semaphore_mem>>) src(%dma_wait3A_557 : memref<128xf32, #tpu.memory_space<hbm>>) dst(%dma_wait3A_555 : memref<128xf32, #tpu.memory_space<vmem>>)
      %dma_wait3A_558 = arith.constant 27 : i32
      %dma_wait3A_559 = arith.constant 27648 : i32
      %dma_wait3A_560 = tpu.memref_slice %arg5[%dma_wait3A_559] : memref<32768xf32, #tpu.memory_space<vmem>> -> memref<128xf32, #tpu.memory_space<vmem>>
      %dma_wait3A_561 = tpu.memref_slice %arg2[%dma_wait3A_558, %add3A_28] : memref<32x500000xf32, #tpu.memory_space<hbm>> -> memref<1x128xf32, #tpu.memory_space<hbm>>
      %dma_wait3A_562 = tpu.memref_squeeze %dma_wait3A_561 : memref<1x128xf32, #tpu.memory_space<hbm>> -> memref<128xf32, #tpu.memory_space<hbm>>
      %dma_wait3A_563 = arith.constant 27648 : i32
      %dma_wait3A_564 = tpu.memref_slice %arg5[%dma_wait3A_563] : memref<32768xf32, #tpu.memory_space<vmem>> -> memref<128xf32, #tpu.memory_space<vmem>>
      %dma_wait3A_565 = tpu.memref_slice %arg2[%dma_wait3A_558, %add3A_28] : memref<32x500000xf32, #tpu.memory_space<hbm>> -> memref<1x128xf32, #tpu.memory_space<hbm>>
      %dma_wait3A_566 = tpu.memref_squeeze %dma_wait3A_565 : memref<1x128xf32, #tpu.memory_space<hbm>> -> memref<128xf32, #tpu.memory_space<hbm>>
      tpu.wait_dma2 semaphore(%arg7 : memref<!tpu.dma_semaphore, #tpu.memory_space<semaphore_mem>>) src(%dma_wait3A_566 : memref<128xf32, #tpu.memory_space<hbm>>) dst(%dma_wait3A_564 : memref<128xf32, #tpu.memory_space<vmem>>)
      %dma_wait3A_567 = arith.constant 28 : i32
      %dma_wait3A_568 = arith.constant 28672 : i32
      %dma_wait3A_569 = tpu.memref_slice %arg5[%dma_wait3A_568] : memref<32768xf32, #tpu.memory_space<vmem>> -> memref<128xf32, #tpu.memory_space<vmem>>
      %dma_wait3A_570 = tpu.memref_slice %arg2[%dma_wait3A_567, %add3A_28] : memref<32x500000xf32, #tpu.memory_space<hbm>> -> memref<1x128xf32, #tpu.memory_space<hbm>>
      %dma_wait3A_571 = tpu.memref_squeeze %dma_wait3A_570 : memref<1x128xf32, #tpu.memory_space<hbm>> -> memref<128xf32, #tpu.memory_space<hbm>>
      %dma_wait3A_572 = arith.constant 28672 : i32
      %dma_wait3A_573 = tpu.memref_slice %arg5[%dma_wait3A_572] : memref<32768xf32, #tpu.memory_space<vmem>> -> memref<128xf32, #tpu.memory_space<vmem>>
      %dma_wait3A_574 = tpu.memref_slice %arg2[%dma_wait3A_567, %add3A_28] : memref<32x500000xf32, #tpu.memory_space<hbm>> -> memref<1x128xf32, #tpu.memory_space<hbm>>
      %dma_wait3A_575 = tpu.memref_squeeze %dma_wait3A_574 : memref<1x128xf32, #tpu.memory_space<hbm>> -> memref<128xf32, #tpu.memory_space<hbm>>
      tpu.wait_dma2 semaphore(%arg7 : memref<!tpu.dma_semaphore, #tpu.memory_space<semaphore_mem>>) src(%dma_wait3A_575 : memref<128xf32, #tpu.memory_space<hbm>>) dst(%dma_wait3A_573 : memref<128xf32, #tpu.memory_space<vmem>>)
      %dma_wait3A_576 = arith.constant 29 : i32
      %dma_wait3A_577 = arith.constant 29696 : i32
      %dma_wait3A_578 = tpu.memref_slice %arg5[%dma_wait3A_577] : memref<32768xf32, #tpu.memory_space<vmem>> -> memref<128xf32, #tpu.memory_space<vmem>>
      %dma_wait3A_579 = tpu.memref_slice %arg2[%dma_wait3A_576, %add3A_28] : memref<32x500000xf32, #tpu.memory_space<hbm>> -> memref<1x128xf32, #tpu.memory_space<hbm>>
      %dma_wait3A_580 = tpu.memref_squeeze %dma_wait3A_579 : memref<1x128xf32, #tpu.memory_space<hbm>> -> memref<128xf32, #tpu.memory_space<hbm>>
      %dma_wait3A_581 = arith.constant 29696 : i32
      %dma_wait3A_582 = tpu.memref_slice %arg5[%dma_wait3A_581] : memref<32768xf32, #tpu.memory_space<vmem>> -> memref<128xf32, #tpu.memory_space<vmem>>
      %dma_wait3A_583 = tpu.memref_slice %arg2[%dma_wait3A_576, %add3A_28] : memref<32x500000xf32, #tpu.memory_space<hbm>> -> memref<1x128xf32, #tpu.memory_space<hbm>>
      %dma_wait3A_584 = tpu.memref_squeeze %dma_wait3A_583 : memref<1x128xf32, #tpu.memory_space<hbm>> -> memref<128xf32, #tpu.memory_space<hbm>>
      tpu.wait_dma2 semaphore(%arg7 : memref<!tpu.dma_semaphore, #tpu.memory_space<semaphore_mem>>) src(%dma_wait3A_584 : memref<128xf32, #tpu.memory_space<hbm>>) dst(%dma_wait3A_582 : memref<128xf32, #tpu.memory_space<vmem>>)
      %dma_wait3A_585 = arith.constant 30 : i32
      %dma_wait3A_586 = arith.constant 30720 : i32
      %dma_wait3A_587 = tpu.memref_slice %arg5[%dma_wait3A_586] : memref<32768xf32, #tpu.memory_space<vmem>> -> memref<128xf32, #tpu.memory_space<vmem>>
      %dma_wait3A_588 = tpu.memref_slice %arg2[%dma_wait3A_585, %add3A_28] : memref<32x500000xf32, #tpu.memory_space<hbm>> -> memref<1x128xf32, #tpu.memory_space<hbm>>
      %dma_wait3A_589 = tpu.memref_squeeze %dma_wait3A_588 : memref<1x128xf32, #tpu.memory_space<hbm>> -> memref<128xf32, #tpu.memory_space<hbm>>
      %dma_wait3A_590 = arith.constant 30720 : i32
      %dma_wait3A_591 = tpu.memref_slice %arg5[%dma_wait3A_590] : memref<32768xf32, #tpu.memory_space<vmem>> -> memref<128xf32, #tpu.memory_space<vmem>>
      %dma_wait3A_592 = tpu.memref_slice %arg2[%dma_wait3A_585, %add3A_28] : memref<32x500000xf32, #tpu.memory_space<hbm>> -> memref<1x128xf32, #tpu.memory_space<hbm>>
      %dma_wait3A_593 = tpu.memref_squeeze %dma_wait3A_592 : memref<1x128xf32, #tpu.memory_space<hbm>> -> memref<128xf32, #tpu.memory_space<hbm>>
      tpu.wait_dma2 semaphore(%arg7 : memref<!tpu.dma_semaphore, #tpu.memory_space<semaphore_mem>>) src(%dma_wait3A_593 : memref<128xf32, #tpu.memory_space<hbm>>) dst(%dma_wait3A_591 : memref<128xf32, #tpu.memory_space<vmem>>)
      %dma_wait3A_594 = arith.constant 31 : i32
      %dma_wait3A_595 = arith.constant 31744 : i32
      %dma_wait3A_596 = tpu.memref_slice %arg5[%dma_wait3A_595] : memref<32768xf32, #tpu.memory_space<vmem>> -> memref<128xf32, #tpu.memory_space<vmem>>
      %dma_wait3A_597 = tpu.memref_slice %arg2[%dma_wait3A_594, %add3A_28] : memref<32x500000xf32, #tpu.memory_space<hbm>> -> memref<1x128xf32, #tpu.memory_space<hbm>>
      %dma_wait3A_598 = tpu.memref_squeeze %dma_wait3A_597 : memref<1x128xf32, #tpu.memory_space<hbm>> -> memref<128xf32, #tpu.memory_space<hbm>>
      %dma_wait3A_599 = arith.constant 31744 : i32
      %dma_wait3A_600 = tpu.memref_slice %arg5[%dma_wait3A_599] : memref<32768xf32, #tpu.memory_space<vmem>> -> memref<128xf32, #tpu.memory_space<vmem>>
      %dma_wait3A_601 = tpu.memref_slice %arg2[%dma_wait3A_594, %add3A_28] : memref<32x500000xf32, #tpu.memory_space<hbm>> -> memref<1x128xf32, #tpu.memory_space<hbm>>
      %dma_wait3A_602 = tpu.memref_squeeze %dma_wait3A_601 : memref<1x128xf32, #tpu.memory_space<hbm>> -> memref<128xf32, #tpu.memory_space<hbm>>
      tpu.wait_dma2 semaphore(%arg7 : memref<!tpu.dma_semaphore, #tpu.memory_space<semaphore_mem>>) src(%dma_wait3A_602 : memref<128xf32, #tpu.memory_space<hbm>>) dst(%dma_wait3A_600 : memref<128xf32, #tpu.memory_space<vmem>>)
      %scan3A_603 = arith.constant 0 : i32
      %scan3A_604 = arith.constant 0 : i32
      %scan3A_605 = arith.constant 128 : i32
      %scan3A_606 = arith.addi %scan3A_604, %scan3A_605 : i32
      %scan3A_607 = arith.constant 4 : i32
      scf.for %scan3A_611 = %scan3A_604 to %scan3A_606 step %scan3A_607  : i32 {
        %add3A_612 = vector.broadcast %scan3A_611 : i32 to vector<16xi32>
        %add3A_613 = arith.addi %mul3A_3, %add3A_612 : vector<16xi32>
        %gather3A = tpu.vector_load_idx %arg5[%add3A_613] : memref<32768xf32, #tpu.memory_space<vmem>>[vector<16xi32>], vector<16xf32>,
        %add3A_614 = vector.broadcast %scan3A_611 : i32 to vector<16xi32>
        %add3A_615 = arith.addi %add3A_6, %add3A_614 : vector<16xi32>
        %gather3A_616 = tpu.vector_load_idx %arg5[%add3A_615] : memref<32768xf32, #tpu.memory_space<vmem>>[vector<16xi32>], vector<16xf32>,
        %mul3A_617 = arith.constant 32 : i32
        %mul3A_618 = arith.muli %scan3A_611, %mul3A_617 : i32
        %swap3A = arith.index_cast %mul3A_618 : i32 to index
        %swap3A_619 = tpu.vector_load %arg6[%swap3A] {strides = array<i32>} : memref<32768xf32, #tpu.memory_space<vmem>>, vector<16xf32>,
        tpu.vector_store %arg6[%swap3A], %gather3A {strides = array<i32>} : memref<32768xf32, #tpu.memory_space<vmem>>, vector<16xf32>,
        %mul3A_620 = arith.constant 32 : i32
        %mul3A_621 = arith.muli %scan3A_611, %mul3A_620 : i32
        %add3A_622 = arith.constant 16 : i32
        %add3A_623 = arith.addi %mul3A_621, %add3A_622 : i32
        %swap3A_624 = arith.index_cast %add3A_623 : i32 to index
        %swap3A_625 = tpu.vector_load %arg6[%swap3A_624] {strides = array<i32>} : memref<32768xf32, #tpu.memory_space<vmem>>, vector<16xf32>,
        tpu.vector_store %arg6[%swap3A_624], %gather3A_616 {strides = array<i32>} : memref<32768xf32, #tpu.memory_space<vmem>>, vector<16xf32>,
        %scan3A_626 = arith.constant 1 : i32
        %scan3A_627 = arith.addi %scan3A_611, %scan3A_626 : i32
        %add3A_628 = vector.broadcast %scan3A_627 : i32 to vector<16xi32>
        %add3A_629 = arith.addi %mul3A_3, %add3A_628 : vector<16xi32>
        %gather3A_630 = tpu.vector_load_idx %arg5[%add3A_629] : memref<32768xf32, #tpu.memory_space<vmem>>[vector<16xi32>], vector<16xf32>,
        %add3A_631 = vector.broadcast %scan3A_627 : i32 to vector<16xi32>
        %add3A_632 = arith.addi %add3A_6, %add3A_631 : vector<16xi32>
        %gather3A_633 = tpu.vector_load_idx %arg5[%add3A_632] : memref<32768xf32, #tpu.memory_space<vmem>>[vector<16xi32>], vector<16xf32>,
        %mul3A_634 = arith.constant 32 : i32
        %mul3A_635 = arith.muli %scan3A_627, %mul3A_634 : i32
        %swap3A_636 = arith.index_cast %mul3A_635 : i32 to index
        %swap3A_637 = tpu.vector_load %arg6[%swap3A_636] {strides = array<i32>} : memref<32768xf32, #tpu.memory_space<vmem>>, vector<16xf32>,
        tpu.vector_store %arg6[%swap3A_636], %gather3A_630 {strides = array<i32>} : memref<32768xf32, #tpu.memory_space<vmem>>, vector<16xf32>,
        %mul3A_638 = arith.constant 32 : i32
        %mul3A_639 = arith.muli %scan3A_627, %mul3A_638 : i32
        %add3A_640 = arith.constant 16 : i32
        %add3A_641 = arith.addi %mul3A_639, %add3A_640 : i32
        %swap3A_642 = arith.index_cast %add3A_641 : i32 to index
        %swap3A_643 = tpu.vector_load %arg6[%swap3A_642] {strides = array<i32>} : memref<32768xf32, #tpu.memory_space<vmem>>, vector<16xf32>,
        tpu.vector_store %arg6[%swap3A_642], %gather3A_633 {strides = array<i32>} : memref<32768xf32, #tpu.memory_space<vmem>>, vector<16xf32>,
        %scan3A_644 = arith.constant 2 : i32
        %scan3A_645 = arith.addi %scan3A_611, %scan3A_644 : i32
        %add3A_646 = vector.broadcast %scan3A_645 : i32 to vector<16xi32>
        %add3A_647 = arith.addi %mul3A_3, %add3A_646 : vector<16xi32>
        %gather3A_648 = tpu.vector_load_idx %arg5[%add3A_647] : memref<32768xf32, #tpu.memory_space<vmem>>[vector<16xi32>], vector<16xf32>,
        %add3A_649 = vector.broadcast %scan3A_645 : i32 to vector<16xi32>
        %add3A_650 = arith.addi %add3A_6, %add3A_649 : vector<16xi32>
        %gather3A_651 = tpu.vector_load_idx %arg5[%add3A_650] : memref<32768xf32, #tpu.memory_space<vmem>>[vector<16xi32>], vector<16xf32>,
        %mul3A_652 = arith.constant 32 : i32
        %mul3A_653 = arith.muli %scan3A_645, %mul3A_652 : i32
        %swap3A_654 = arith.index_cast %mul3A_653 : i32 to index
        %swap3A_655 = tpu.vector_load %arg6[%swap3A_654] {strides = array<i32>} : memref<32768xf32, #tpu.memory_space<vmem>>, vector<16xf32>,
        tpu.vector_store %arg6[%swap3A_654], %gather3A_648 {strides = array<i32>} : memref<32768xf32, #tpu.memory_space<vmem>>, vector<16xf32>,
        %mul3A_656 = arith.constant 32 : i32
        %mul3A_657 = arith.muli %scan3A_645, %mul3A_656 : i32
        %add3A_658 = arith.constant 16 : i32
        %add3A_659 = arith.addi %mul3A_657, %add3A_658 : i32
        %swap3A_660 = arith.index_cast %add3A_659 : i32 to index
        %swap3A_661 = tpu.vector_load %arg6[%swap3A_660] {strides = array<i32>} : memref<32768xf32, #tpu.memory_space<vmem>>, vector<16xf32>,
        tpu.vector_store %arg6[%swap3A_660], %gather3A_651 {strides = array<i32>} : memref<32768xf32, #tpu.memory_space<vmem>>, vector<16xf32>,
        %scan3A_662 = arith.constant 3 : i32
        %scan3A_663 = arith.addi %scan3A_611, %scan3A_662 : i32
        %add3A_664 = vector.broadcast %scan3A_663 : i32 to vector<16xi32>
        %add3A_665 = arith.addi %mul3A_3, %add3A_664 : vector<16xi32>
        %gather3A_666 = tpu.vector_load_idx %arg5[%add3A_665] : memref<32768xf32, #tpu.memory_space<vmem>>[vector<16xi32>], vector<16xf32>,
        %add3A_667 = vector.broadcast %scan3A_663 : i32 to vector<16xi32>
        %add3A_668 = arith.addi %add3A_6, %add3A_667 : vector<16xi32>
        %gather3A_669 = tpu.vector_load_idx %arg5[%add3A_668] : memref<32768xf32, #tpu.memory_space<vmem>>[vector<16xi32>], vector<16xf32>,
        %mul3A_670 = arith.constant 32 : i32
        %mul3A_671 = arith.muli %scan3A_663, %mul3A_670 : i32
        %swap3A_672 = arith.index_cast %mul3A_671 : i32 to index
        %swap3A_673 = tpu.vector_load %arg6[%swap3A_672] {strides = array<i32>} : memref<32768xf32, #tpu.memory_space<vmem>>, vector<16xf32>,
        tpu.vector_store %arg6[%swap3A_672], %gather3A_666 {strides = array<i32>} : memref<32768xf32, #tpu.memory_space<vmem>>, vector<16xf32>,
        %mul3A_674 = arith.constant 32 : i32
        %mul3A_675 = arith.muli %scan3A_663, %mul3A_674 : i32
        %add3A_676 = arith.constant 16 : i32
        %add3A_677 = arith.addi %mul3A_675, %add3A_676 : i32
        %swap3A_678 = arith.index_cast %add3A_677 : i32 to index
        %swap3A_679 = tpu.vector_load %arg6[%swap3A_678] {strides = array<i32>} : memref<32768xf32, #tpu.memory_space<vmem>>, vector<16xf32>,
        tpu.vector_store %arg6[%swap3A_678], %gather3A_669 {strides = array<i32>} : memref<32768xf32, #tpu.memory_space<vmem>>, vector<16xf32>,
      }
      %scan3A_608 = arith.constant 128 : i32
      %mul3A_609 = arith.constant 32 : i32
      %mul3A_610 = arith.muli %add3A_28, %mul3A_609 : i32
      "tpu.region"() ({
        %run_scoped3A = tpu.sem_alloc : memref<!tpu.dma_semaphore, #tpu.memory_space<semaphore_mem>>
        %dma_start3A_611 = arith.constant 0 : i32
        %dma_start3A_612 = tpu.memref_slice %arg6[%dma_start3A_611] : memref<32768xf32, #tpu.memory_space<vmem>> -> memref<4096xf32, #tpu.memory_space<vmem>>
        %dma_start3A_613 = tpu.memref_slice %arg4[%mul3A_610] : memref<16000000xf32, #tpu.memory_space<hbm>> -> memref<4096xf32, #tpu.memory_space<hbm>>
        %dma_start3A_614 = tpu.memref_slice %arg4[%mul3A_610] : memref<16000000xf32, #tpu.memory_space<hbm>> -> memref<4096xf32, #tpu.memory_space<hbm>>
        %dma_start3A_615 = arith.constant 0 : i32
        %dma_start3A_616 = tpu.memref_slice %arg6[%dma_start3A_615] : memref<32768xf32, #tpu.memory_space<vmem>> -> memref<4096xf32, #tpu.memory_space<vmem>>
        tpu.enqueue_dma source(%dma_start3A_616 : memref<4096xf32, #tpu.memory_space<vmem>>) target(%dma_start3A_614 : memref<4096xf32, #tpu.memory_space<hbm>>) target_semaphore(%run_scoped3A : memref<!tpu.dma_semaphore, #tpu.memory_space<semaphore_mem>>)
        %dma_wait3A_617 = arith.constant 0 : i32
        %dma_wait3A_618 = tpu.memref_slice %arg6[%dma_wait3A_617] : memref<32768xf32, #tpu.memory_space<vmem>> -> memref<4096xf32, #tpu.memory_space<vmem>>
        %dma_wait3A_619 = tpu.memref_slice %arg4[%mul3A_610] : memref<16000000xf32, #tpu.memory_space<hbm>> -> memref<4096xf32, #tpu.memory_space<hbm>>
        %dma_wait3A_620 = tpu.memref_slice %arg4[%mul3A_610] : memref<16000000xf32, #tpu.memory_space<hbm>> -> memref<4096xf32, #tpu.memory_space<hbm>>
        %dma_wait3A_621 = arith.constant 0 : i32
        %dma_wait3A_622 = tpu.memref_slice %arg6[%dma_wait3A_621] : memref<32768xf32, #tpu.memory_space<vmem>> -> memref<4096xf32, #tpu.memory_space<vmem>>
        tpu.wait_dma2 semaphore(%run_scoped3A : memref<!tpu.dma_semaphore, #tpu.memory_space<semaphore_mem>>) src(%dma_wait3A_622 : memref<4096xf32, #tpu.memory_space<vmem>>) dst(%dma_wait3A_620 : memref<4096xf32, #tpu.memory_space<hbm>>)
        tpu.yield
      }) : () -> ()
    } else {
    }
    %eq3A = arith.constant 31 : i32
    %eq3A_20 = arith.cmpi eq, %add3A, %eq3A : i32
    %convert_element_type3A_21 = arith.extui %eq3A_20 : i1 to i32
    %cond3A_22 = arith.constant 0 : i32
    %cond3A_23 = arith.cmpi ne, %convert_element_type3A_21, %cond3A_22 : i32
    scf.if %cond3A_23 {
      %dma_start3A = arith.constant 0 : i32
      %dma_start3A_24 = arith.constant 0 : i32
      %dma_start3A_25 = tpu.memref_slice %arg5[%dma_start3A_24] : memref<32768xf32, #tpu.memory_space<vmem>> -> memref<128xf32, #tpu.memory_space<vmem>>
      %dma_start3A_26 = arith.constant 0 : i32
      %dma_start3A_27 = tpu.memref_slice %arg3[%dma_start3A, %dma_start3A_26] : memref<32x128xf32, #tpu.memory_space<hbm>> -> memref<1x128xf32, #tpu.memory_space<hbm>>
      %dma_start3A_28 = tpu.memref_squeeze %dma_start3A_27 : memref<1x128xf32, #tpu.memory_space<hbm>> -> memref<128xf32, #tpu.memory_space<hbm>>
      %dma_start3A_29 = arith.constant 0 : i32
      %dma_start3A_30 = tpu.memref_slice %arg5[%dma_start3A_29] : memref<32768xf32, #tpu.memory_space<vmem>> -> memref<128xf32, #tpu.memory_space<vmem>>
      %dma_start3A_31 = arith.constant 0 : i32
      %dma_start3A_32 = tpu.memref_slice %arg3[%dma_start3A, %dma_start3A_31] : memref<32x128xf32, #tpu.memory_space<hbm>> -> memref<1x128xf32, #tpu.memory_space<hbm>>
      %dma_start3A_33 = tpu.memref_squeeze %dma_start3A_32 : memref<1x128xf32, #tpu.memory_space<hbm>> -> memref<128xf32, #tpu.memory_space<hbm>>
      tpu.enqueue_dma source(%dma_start3A_33 : memref<128xf32, #tpu.memory_space<hbm>>) target(%dma_start3A_30 : memref<128xf32, #tpu.memory_space<vmem>>) target_semaphore(%arg7 : memref<!tpu.dma_semaphore, #tpu.memory_space<semaphore_mem>>)
      %dma_start3A_34 = arith.constant 1 : i32
      %dma_start3A_35 = arith.constant 1024 : i32
      %dma_start3A_36 = tpu.memref_slice %arg5[%dma_start3A_35] : memref<32768xf32, #tpu.memory_space<vmem>> -> memref<128xf32, #tpu.memory_space<vmem>>
      %dma_start3A_37 = arith.constant 0 : i32
      %dma_start3A_38 = tpu.memref_slice %arg3[%dma_start3A_34, %dma_start3A_37] : memref<32x128xf32, #tpu.memory_space<hbm>> -> memref<1x128xf32, #tpu.memory_space<hbm>>
      %dma_start3A_39 = tpu.memref_squeeze %dma_start3A_38 : memref<1x128xf32, #tpu.memory_space<hbm>> -> memref<128xf32, #tpu.memory_space<hbm>>
      %dma_start3A_40 = arith.constant 1024 : i32
      %dma_start3A_41 = tpu.memref_slice %arg5[%dma_start3A_40] : memref<32768xf32, #tpu.memory_space<vmem>> -> memref<128xf32, #tpu.memory_space<vmem>>
      %dma_start3A_42 = arith.constant 0 : i32
      %dma_start3A_43 = tpu.memref_slice %arg3[%dma_start3A_34, %dma_start3A_42] : memref<32x128xf32, #tpu.memory_space<hbm>> -> memref<1x128xf32, #tpu.memory_space<hbm>>
      %dma_start3A_44 = tpu.memref_squeeze %dma_start3A_43 : memref<1x128xf32, #tpu.memory_space<hbm>> -> memref<128xf32, #tpu.memory_space<hbm>>
      tpu.enqueue_dma source(%dma_start3A_44 : memref<128xf32, #tpu.memory_space<hbm>>) target(%dma_start3A_41 : memref<128xf32, #tpu.memory_space<vmem>>) target_semaphore(%arg7 : memref<!tpu.dma_semaphore, #tpu.memory_space<semaphore_mem>>)
      %dma_start3A_45 = arith.constant 2 : i32
      %dma_start3A_46 = arith.constant 2048 : i32
      %dma_start3A_47 = tpu.memref_slice %arg5[%dma_start3A_46] : memref<32768xf32, #tpu.memory_space<vmem>> -> memref<128xf32, #tpu.memory_space<vmem>>
      %dma_start3A_48 = arith.constant 0 : i32
      %dma_start3A_49 = tpu.memref_slice %arg3[%dma_start3A_45, %dma_start3A_48] : memref<32x128xf32, #tpu.memory_space<hbm>> -> memref<1x128xf32, #tpu.memory_space<hbm>>
      %dma_start3A_50 = tpu.memref_squeeze %dma_start3A_49 : memref<1x128xf32, #tpu.memory_space<hbm>> -> memref<128xf32, #tpu.memory_space<hbm>>
      %dma_start3A_51 = arith.constant 2048 : i32
      %dma_start3A_52 = tpu.memref_slice %arg5[%dma_start3A_51] : memref<32768xf32, #tpu.memory_space<vmem>> -> memref<128xf32, #tpu.memory_space<vmem>>
      %dma_start3A_53 = arith.constant 0 : i32
      %dma_start3A_54 = tpu.memref_slice %arg3[%dma_start3A_45, %dma_start3A_53] : memref<32x128xf32, #tpu.memory_space<hbm>> -> memref<1x128xf32, #tpu.memory_space<hbm>>
      %dma_start3A_55 = tpu.memref_squeeze %dma_start3A_54 : memref<1x128xf32, #tpu.memory_space<hbm>> -> memref<128xf32, #tpu.memory_space<hbm>>
      tpu.enqueue_dma source(%dma_start3A_55 : memref<128xf32, #tpu.memory_space<hbm>>) target(%dma_start3A_52 : memref<128xf32, #tpu.memory_space<vmem>>) target_semaphore(%arg7 : memref<!tpu.dma_semaphore, #tpu.memory_space<semaphore_mem>>)
      %dma_start3A_56 = arith.constant 3 : i32
      %dma_start3A_57 = arith.constant 3072 : i32
      %dma_start3A_58 = tpu.memref_slice %arg5[%dma_start3A_57] : memref<32768xf32, #tpu.memory_space<vmem>> -> memref<128xf32, #tpu.memory_space<vmem>>
      %dma_start3A_59 = arith.constant 0 : i32
      %dma_start3A_60 = tpu.memref_slice %arg3[%dma_start3A_56, %dma_start3A_59] : memref<32x128xf32, #tpu.memory_space<hbm>> -> memref<1x128xf32, #tpu.memory_space<hbm>>
      %dma_start3A_61 = tpu.memref_squeeze %dma_start3A_60 : memref<1x128xf32, #tpu.memory_space<hbm>> -> memref<128xf32, #tpu.memory_space<hbm>>
      %dma_start3A_62 = arith.constant 3072 : i32
      %dma_start3A_63 = tpu.memref_slice %arg5[%dma_start3A_62] : memref<32768xf32, #tpu.memory_space<vmem>> -> memref<128xf32, #tpu.memory_space<vmem>>
      %dma_start3A_64 = arith.constant 0 : i32
      %dma_start3A_65 = tpu.memref_slice %arg3[%dma_start3A_56, %dma_start3A_64] : memref<32x128xf32, #tpu.memory_space<hbm>> -> memref<1x128xf32, #tpu.memory_space<hbm>>
      %dma_start3A_66 = tpu.memref_squeeze %dma_start3A_65 : memref<1x128xf32, #tpu.memory_space<hbm>> -> memref<128xf32, #tpu.memory_space<hbm>>
      tpu.enqueue_dma source(%dma_start3A_66 : memref<128xf32, #tpu.memory_space<hbm>>) target(%dma_start3A_63 : memref<128xf32, #tpu.memory_space<vmem>>) target_semaphore(%arg7 : memref<!tpu.dma_semaphore, #tpu.memory_space<semaphore_mem>>)
      %dma_start3A_67 = arith.constant 4 : i32
      %dma_start3A_68 = arith.constant 4096 : i32
      %dma_start3A_69 = tpu.memref_slice %arg5[%dma_start3A_68] : memref<32768xf32, #tpu.memory_space<vmem>> -> memref<128xf32, #tpu.memory_space<vmem>>
      %dma_start3A_70 = arith.constant 0 : i32
      %dma_start3A_71 = tpu.memref_slice %arg3[%dma_start3A_67, %dma_start3A_70] : memref<32x128xf32, #tpu.memory_space<hbm>> -> memref<1x128xf32, #tpu.memory_space<hbm>>
      %dma_start3A_72 = tpu.memref_squeeze %dma_start3A_71 : memref<1x128xf32, #tpu.memory_space<hbm>> -> memref<128xf32, #tpu.memory_space<hbm>>
      %dma_start3A_73 = arith.constant 4096 : i32
      %dma_start3A_74 = tpu.memref_slice %arg5[%dma_start3A_73] : memref<32768xf32, #tpu.memory_space<vmem>> -> memref<128xf32, #tpu.memory_space<vmem>>
      %dma_start3A_75 = arith.constant 0 : i32
      %dma_start3A_76 = tpu.memref_slice %arg3[%dma_start3A_67, %dma_start3A_75] : memref<32x128xf32, #tpu.memory_space<hbm>> -> memref<1x128xf32, #tpu.memory_space<hbm>>
      %dma_start3A_77 = tpu.memref_squeeze %dma_start3A_76 : memref<1x128xf32, #tpu.memory_space<hbm>> -> memref<128xf32, #tpu.memory_space<hbm>>
      tpu.enqueue_dma source(%dma_start3A_77 : memref<128xf32, #tpu.memory_space<hbm>>) target(%dma_start3A_74 : memref<128xf32, #tpu.memory_space<vmem>>) target_semaphore(%arg7 : memref<!tpu.dma_semaphore, #tpu.memory_space<semaphore_mem>>)
      %dma_start3A_78 = arith.constant 5 : i32
      %dma_start3A_79 = arith.constant 5120 : i32
      %dma_start3A_80 = tpu.memref_slice %arg5[%dma_start3A_79] : memref<32768xf32, #tpu.memory_space<vmem>> -> memref<128xf32, #tpu.memory_space<vmem>>
      %dma_start3A_81 = arith.constant 0 : i32
      %dma_start3A_82 = tpu.memref_slice %arg3[%dma_start3A_78, %dma_start3A_81] : memref<32x128xf32, #tpu.memory_space<hbm>> -> memref<1x128xf32, #tpu.memory_space<hbm>>
      %dma_start3A_83 = tpu.memref_squeeze %dma_start3A_82 : memref<1x128xf32, #tpu.memory_space<hbm>> -> memref<128xf32, #tpu.memory_space<hbm>>
      %dma_start3A_84 = arith.constant 5120 : i32
      %dma_start3A_85 = tpu.memref_slice %arg5[%dma_start3A_84] : memref<32768xf32, #tpu.memory_space<vmem>> -> memref<128xf32, #tpu.memory_space<vmem>>
      %dma_start3A_86 = arith.constant 0 : i32
      %dma_start3A_87 = tpu.memref_slice %arg3[%dma_start3A_78, %dma_start3A_86] : memref<32x128xf32, #tpu.memory_space<hbm>> -> memref<1x128xf32, #tpu.memory_space<hbm>>
      %dma_start3A_88 = tpu.memref_squeeze %dma_start3A_87 : memref<1x128xf32, #tpu.memory_space<hbm>> -> memref<128xf32, #tpu.memory_space<hbm>>
      tpu.enqueue_dma source(%dma_start3A_88 : memref<128xf32, #tpu.memory_space<hbm>>) target(%dma_start3A_85 : memref<128xf32, #tpu.memory_space<vmem>>) target_semaphore(%arg7 : memref<!tpu.dma_semaphore, #tpu.memory_space<semaphore_mem>>)
      %dma_start3A_89 = arith.constant 6 : i32
      %dma_start3A_90 = arith.constant 6144 : i32
      %dma_start3A_91 = tpu.memref_slice %arg5[%dma_start3A_90] : memref<32768xf32, #tpu.memory_space<vmem>> -> memref<128xf32, #tpu.memory_space<vmem>>
      %dma_start3A_92 = arith.constant 0 : i32
      %dma_start3A_93 = tpu.memref_slice %arg3[%dma_start3A_89, %dma_start3A_92] : memref<32x128xf32, #tpu.memory_space<hbm>> -> memref<1x128xf32, #tpu.memory_space<hbm>>
      %dma_start3A_94 = tpu.memref_squeeze %dma_start3A_93 : memref<1x128xf32, #tpu.memory_space<hbm>> -> memref<128xf32, #tpu.memory_space<hbm>>
      %dma_start3A_95 = arith.constant 6144 : i32
      %dma_start3A_96 = tpu.memref_slice %arg5[%dma_start3A_95] : memref<32768xf32, #tpu.memory_space<vmem>> -> memref<128xf32, #tpu.memory_space<vmem>>
      %dma_start3A_97 = arith.constant 0 : i32
      %dma_start3A_98 = tpu.memref_slice %arg3[%dma_start3A_89, %dma_start3A_97] : memref<32x128xf32, #tpu.memory_space<hbm>> -> memref<1x128xf32, #tpu.memory_space<hbm>>
      %dma_start3A_99 = tpu.memref_squeeze %dma_start3A_98 : memref<1x128xf32, #tpu.memory_space<hbm>> -> memref<128xf32, #tpu.memory_space<hbm>>
      tpu.enqueue_dma source(%dma_start3A_99 : memref<128xf32, #tpu.memory_space<hbm>>) target(%dma_start3A_96 : memref<128xf32, #tpu.memory_space<vmem>>) target_semaphore(%arg7 : memref<!tpu.dma_semaphore, #tpu.memory_space<semaphore_mem>>)
      %dma_start3A_100 = arith.constant 7 : i32
      %dma_start3A_101 = arith.constant 7168 : i32
      %dma_start3A_102 = tpu.memref_slice %arg5[%dma_start3A_101] : memref<32768xf32, #tpu.memory_space<vmem>> -> memref<128xf32, #tpu.memory_space<vmem>>
      %dma_start3A_103 = arith.constant 0 : i32
      %dma_start3A_104 = tpu.memref_slice %arg3[%dma_start3A_100, %dma_start3A_103] : memref<32x128xf32, #tpu.memory_space<hbm>> -> memref<1x128xf32, #tpu.memory_space<hbm>>
      %dma_start3A_105 = tpu.memref_squeeze %dma_start3A_104 : memref<1x128xf32, #tpu.memory_space<hbm>> -> memref<128xf32, #tpu.memory_space<hbm>>
      %dma_start3A_106 = arith.constant 7168 : i32
      %dma_start3A_107 = tpu.memref_slice %arg5[%dma_start3A_106] : memref<32768xf32, #tpu.memory_space<vmem>> -> memref<128xf32, #tpu.memory_space<vmem>>
      %dma_start3A_108 = arith.constant 0 : i32
      %dma_start3A_109 = tpu.memref_slice %arg3[%dma_start3A_100, %dma_start3A_108] : memref<32x128xf32, #tpu.memory_space<hbm>> -> memref<1x128xf32, #tpu.memory_space<hbm>>
      %dma_start3A_110 = tpu.memref_squeeze %dma_start3A_109 : memref<1x128xf32, #tpu.memory_space<hbm>> -> memref<128xf32, #tpu.memory_space<hbm>>
      tpu.enqueue_dma source(%dma_start3A_110 : memref<128xf32, #tpu.memory_space<hbm>>) target(%dma_start3A_107 : memref<128xf32, #tpu.memory_space<vmem>>) target_semaphore(%arg7 : memref<!tpu.dma_semaphore, #tpu.memory_space<semaphore_mem>>)
      %dma_start3A_111 = arith.constant 8 : i32
      %dma_start3A_112 = arith.constant 8192 : i32
      %dma_start3A_113 = tpu.memref_slice %arg5[%dma_start3A_112] : memref<32768xf32, #tpu.memory_space<vmem>> -> memref<128xf32, #tpu.memory_space<vmem>>
      %dma_start3A_114 = arith.constant 0 : i32
      %dma_start3A_115 = tpu.memref_slice %arg3[%dma_start3A_111, %dma_start3A_114] : memref<32x128xf32, #tpu.memory_space<hbm>> -> memref<1x128xf32, #tpu.memory_space<hbm>>
      %dma_start3A_116 = tpu.memref_squeeze %dma_start3A_115 : memref<1x128xf32, #tpu.memory_space<hbm>> -> memref<128xf32, #tpu.memory_space<hbm>>
      %dma_start3A_117 = arith.constant 8192 : i32
      %dma_start3A_118 = tpu.memref_slice %arg5[%dma_start3A_117] : memref<32768xf32, #tpu.memory_space<vmem>> -> memref<128xf32, #tpu.memory_space<vmem>>
      %dma_start3A_119 = arith.constant 0 : i32
      %dma_start3A_120 = tpu.memref_slice %arg3[%dma_start3A_111, %dma_start3A_119] : memref<32x128xf32, #tpu.memory_space<hbm>> -> memref<1x128xf32, #tpu.memory_space<hbm>>
      %dma_start3A_121 = tpu.memref_squeeze %dma_start3A_120 : memref<1x128xf32, #tpu.memory_space<hbm>> -> memref<128xf32, #tpu.memory_space<hbm>>
      tpu.enqueue_dma source(%dma_start3A_121 : memref<128xf32, #tpu.memory_space<hbm>>) target(%dma_start3A_118 : memref<128xf32, #tpu.memory_space<vmem>>) target_semaphore(%arg7 : memref<!tpu.dma_semaphore, #tpu.memory_space<semaphore_mem>>)
      %dma_start3A_122 = arith.constant 9 : i32
      %dma_start3A_123 = arith.constant 9216 : i32
      %dma_start3A_124 = tpu.memref_slice %arg5[%dma_start3A_123] : memref<32768xf32, #tpu.memory_space<vmem>> -> memref<128xf32, #tpu.memory_space<vmem>>
      %dma_start3A_125 = arith.constant 0 : i32
      %dma_start3A_126 = tpu.memref_slice %arg3[%dma_start3A_122, %dma_start3A_125] : memref<32x128xf32, #tpu.memory_space<hbm>> -> memref<1x128xf32, #tpu.memory_space<hbm>>
      %dma_start3A_127 = tpu.memref_squeeze %dma_start3A_126 : memref<1x128xf32, #tpu.memory_space<hbm>> -> memref<128xf32, #tpu.memory_space<hbm>>
      %dma_start3A_128 = arith.constant 9216 : i32
      %dma_start3A_129 = tpu.memref_slice %arg5[%dma_start3A_128] : memref<32768xf32, #tpu.memory_space<vmem>> -> memref<128xf32, #tpu.memory_space<vmem>>
      %dma_start3A_130 = arith.constant 0 : i32
      %dma_start3A_131 = tpu.memref_slice %arg3[%dma_start3A_122, %dma_start3A_130] : memref<32x128xf32, #tpu.memory_space<hbm>> -> memref<1x128xf32, #tpu.memory_space<hbm>>
      %dma_start3A_132 = tpu.memref_squeeze %dma_start3A_131 : memref<1x128xf32, #tpu.memory_space<hbm>> -> memref<128xf32, #tpu.memory_space<hbm>>
      tpu.enqueue_dma source(%dma_start3A_132 : memref<128xf32, #tpu.memory_space<hbm>>) target(%dma_start3A_129 : memref<128xf32, #tpu.memory_space<vmem>>) target_semaphore(%arg7 : memref<!tpu.dma_semaphore, #tpu.memory_space<semaphore_mem>>)
      %dma_start3A_133 = arith.constant 10 : i32
      %dma_start3A_134 = arith.constant 10240 : i32
      %dma_start3A_135 = tpu.memref_slice %arg5[%dma_start3A_134] : memref<32768xf32, #tpu.memory_space<vmem>> -> memref<128xf32, #tpu.memory_space<vmem>>
      %dma_start3A_136 = arith.constant 0 : i32
      %dma_start3A_137 = tpu.memref_slice %arg3[%dma_start3A_133, %dma_start3A_136] : memref<32x128xf32, #tpu.memory_space<hbm>> -> memref<1x128xf32, #tpu.memory_space<hbm>>
      %dma_start3A_138 = tpu.memref_squeeze %dma_start3A_137 : memref<1x128xf32, #tpu.memory_space<hbm>> -> memref<128xf32, #tpu.memory_space<hbm>>
      %dma_start3A_139 = arith.constant 10240 : i32
      %dma_start3A_140 = tpu.memref_slice %arg5[%dma_start3A_139] : memref<32768xf32, #tpu.memory_space<vmem>> -> memref<128xf32, #tpu.memory_space<vmem>>
      %dma_start3A_141 = arith.constant 0 : i32
      %dma_start3A_142 = tpu.memref_slice %arg3[%dma_start3A_133, %dma_start3A_141] : memref<32x128xf32, #tpu.memory_space<hbm>> -> memref<1x128xf32, #tpu.memory_space<hbm>>
      %dma_start3A_143 = tpu.memref_squeeze %dma_start3A_142 : memref<1x128xf32, #tpu.memory_space<hbm>> -> memref<128xf32, #tpu.memory_space<hbm>>
      tpu.enqueue_dma source(%dma_start3A_143 : memref<128xf32, #tpu.memory_space<hbm>>) target(%dma_start3A_140 : memref<128xf32, #tpu.memory_space<vmem>>) target_semaphore(%arg7 : memref<!tpu.dma_semaphore, #tpu.memory_space<semaphore_mem>>)
      %dma_start3A_144 = arith.constant 11 : i32
      %dma_start3A_145 = arith.constant 11264 : i32
      %dma_start3A_146 = tpu.memref_slice %arg5[%dma_start3A_145] : memref<32768xf32, #tpu.memory_space<vmem>> -> memref<128xf32, #tpu.memory_space<vmem>>
      %dma_start3A_147 = arith.constant 0 : i32
      %dma_start3A_148 = tpu.memref_slice %arg3[%dma_start3A_144, %dma_start3A_147] : memref<32x128xf32, #tpu.memory_space<hbm>> -> memref<1x128xf32, #tpu.memory_space<hbm>>
      %dma_start3A_149 = tpu.memref_squeeze %dma_start3A_148 : memref<1x128xf32, #tpu.memory_space<hbm>> -> memref<128xf32, #tpu.memory_space<hbm>>
      %dma_start3A_150 = arith.constant 11264 : i32
      %dma_start3A_151 = tpu.memref_slice %arg5[%dma_start3A_150] : memref<32768xf32, #tpu.memory_space<vmem>> -> memref<128xf32, #tpu.memory_space<vmem>>
      %dma_start3A_152 = arith.constant 0 : i32
      %dma_start3A_153 = tpu.memref_slice %arg3[%dma_start3A_144, %dma_start3A_152] : memref<32x128xf32, #tpu.memory_space<hbm>> -> memref<1x128xf32, #tpu.memory_space<hbm>>
      %dma_start3A_154 = tpu.memref_squeeze %dma_start3A_153 : memref<1x128xf32, #tpu.memory_space<hbm>> -> memref<128xf32, #tpu.memory_space<hbm>>
      tpu.enqueue_dma source(%dma_start3A_154 : memref<128xf32, #tpu.memory_space<hbm>>) target(%dma_start3A_151 : memref<128xf32, #tpu.memory_space<vmem>>) target_semaphore(%arg7 : memref<!tpu.dma_semaphore, #tpu.memory_space<semaphore_mem>>)
      %dma_start3A_155 = arith.constant 12 : i32
      %dma_start3A_156 = arith.constant 12288 : i32
      %dma_start3A_157 = tpu.memref_slice %arg5[%dma_start3A_156] : memref<32768xf32, #tpu.memory_space<vmem>> -> memref<128xf32, #tpu.memory_space<vmem>>
      %dma_start3A_158 = arith.constant 0 : i32
      %dma_start3A_159 = tpu.memref_slice %arg3[%dma_start3A_155, %dma_start3A_158] : memref<32x128xf32, #tpu.memory_space<hbm>> -> memref<1x128xf32, #tpu.memory_space<hbm>>
      %dma_start3A_160 = tpu.memref_squeeze %dma_start3A_159 : memref<1x128xf32, #tpu.memory_space<hbm>> -> memref<128xf32, #tpu.memory_space<hbm>>
      %dma_start3A_161 = arith.constant 12288 : i32
      %dma_start3A_162 = tpu.memref_slice %arg5[%dma_start3A_161] : memref<32768xf32, #tpu.memory_space<vmem>> -> memref<128xf32, #tpu.memory_space<vmem>>
      %dma_start3A_163 = arith.constant 0 : i32
      %dma_start3A_164 = tpu.memref_slice %arg3[%dma_start3A_155, %dma_start3A_163] : memref<32x128xf32, #tpu.memory_space<hbm>> -> memref<1x128xf32, #tpu.memory_space<hbm>>
      %dma_start3A_165 = tpu.memref_squeeze %dma_start3A_164 : memref<1x128xf32, #tpu.memory_space<hbm>> -> memref<128xf32, #tpu.memory_space<hbm>>
      tpu.enqueue_dma source(%dma_start3A_165 : memref<128xf32, #tpu.memory_space<hbm>>) target(%dma_start3A_162 : memref<128xf32, #tpu.memory_space<vmem>>) target_semaphore(%arg7 : memref<!tpu.dma_semaphore, #tpu.memory_space<semaphore_mem>>)
      %dma_start3A_166 = arith.constant 13 : i32
      %dma_start3A_167 = arith.constant 13312 : i32
      %dma_start3A_168 = tpu.memref_slice %arg5[%dma_start3A_167] : memref<32768xf32, #tpu.memory_space<vmem>> -> memref<128xf32, #tpu.memory_space<vmem>>
      %dma_start3A_169 = arith.constant 0 : i32
      %dma_start3A_170 = tpu.memref_slice %arg3[%dma_start3A_166, %dma_start3A_169] : memref<32x128xf32, #tpu.memory_space<hbm>> -> memref<1x128xf32, #tpu.memory_space<hbm>>
      %dma_start3A_171 = tpu.memref_squeeze %dma_start3A_170 : memref<1x128xf32, #tpu.memory_space<hbm>> -> memref<128xf32, #tpu.memory_space<hbm>>
      %dma_start3A_172 = arith.constant 13312 : i32
      %dma_start3A_173 = tpu.memref_slice %arg5[%dma_start3A_172] : memref<32768xf32, #tpu.memory_space<vmem>> -> memref<128xf32, #tpu.memory_space<vmem>>
      %dma_start3A_174 = arith.constant 0 : i32
      %dma_start3A_175 = tpu.memref_slice %arg3[%dma_start3A_166, %dma_start3A_174] : memref<32x128xf32, #tpu.memory_space<hbm>> -> memref<1x128xf32, #tpu.memory_space<hbm>>
      %dma_start3A_176 = tpu.memref_squeeze %dma_start3A_175 : memref<1x128xf32, #tpu.memory_space<hbm>> -> memref<128xf32, #tpu.memory_space<hbm>>
      tpu.enqueue_dma source(%dma_start3A_176 : memref<128xf32, #tpu.memory_space<hbm>>) target(%dma_start3A_173 : memref<128xf32, #tpu.memory_space<vmem>>) target_semaphore(%arg7 : memref<!tpu.dma_semaphore, #tpu.memory_space<semaphore_mem>>)
      %dma_start3A_177 = arith.constant 14 : i32
      %dma_start3A_178 = arith.constant 14336 : i32
      %dma_start3A_179 = tpu.memref_slice %arg5[%dma_start3A_178] : memref<32768xf32, #tpu.memory_space<vmem>> -> memref<128xf32, #tpu.memory_space<vmem>>
      %dma_start3A_180 = arith.constant 0 : i32
      %dma_start3A_181 = tpu.memref_slice %arg3[%dma_start3A_177, %dma_start3A_180] : memref<32x128xf32, #tpu.memory_space<hbm>> -> memref<1x128xf32, #tpu.memory_space<hbm>>
      %dma_start3A_182 = tpu.memref_squeeze %dma_start3A_181 : memref<1x128xf32, #tpu.memory_space<hbm>> -> memref<128xf32, #tpu.memory_space<hbm>>
      %dma_start3A_183 = arith.constant 14336 : i32
      %dma_start3A_184 = tpu.memref_slice %arg5[%dma_start3A_183] : memref<32768xf32, #tpu.memory_space<vmem>> -> memref<128xf32, #tpu.memory_space<vmem>>
      %dma_start3A_185 = arith.constant 0 : i32
      %dma_start3A_186 = tpu.memref_slice %arg3[%dma_start3A_177, %dma_start3A_185] : memref<32x128xf32, #tpu.memory_space<hbm>> -> memref<1x128xf32, #tpu.memory_space<hbm>>
      %dma_start3A_187 = tpu.memref_squeeze %dma_start3A_186 : memref<1x128xf32, #tpu.memory_space<hbm>> -> memref<128xf32, #tpu.memory_space<hbm>>
      tpu.enqueue_dma source(%dma_start3A_187 : memref<128xf32, #tpu.memory_space<hbm>>) target(%dma_start3A_184 : memref<128xf32, #tpu.memory_space<vmem>>) target_semaphore(%arg7 : memref<!tpu.dma_semaphore, #tpu.memory_space<semaphore_mem>>)
      %dma_start3A_188 = arith.constant 15 : i32
      %dma_start3A_189 = arith.constant 15360 : i32
      %dma_start3A_190 = tpu.memref_slice %arg5[%dma_start3A_189] : memref<32768xf32, #tpu.memory_space<vmem>> -> memref<128xf32, #tpu.memory_space<vmem>>
      %dma_start3A_191 = arith.constant 0 : i32
      %dma_start3A_192 = tpu.memref_slice %arg3[%dma_start3A_188, %dma_start3A_191] : memref<32x128xf32, #tpu.memory_space<hbm>> -> memref<1x128xf32, #tpu.memory_space<hbm>>
      %dma_start3A_193 = tpu.memref_squeeze %dma_start3A_192 : memref<1x128xf32, #tpu.memory_space<hbm>> -> memref<128xf32, #tpu.memory_space<hbm>>
      %dma_start3A_194 = arith.constant 15360 : i32
      %dma_start3A_195 = tpu.memref_slice %arg5[%dma_start3A_194] : memref<32768xf32, #tpu.memory_space<vmem>> -> memref<128xf32, #tpu.memory_space<vmem>>
      %dma_start3A_196 = arith.constant 0 : i32
      %dma_start3A_197 = tpu.memref_slice %arg3[%dma_start3A_188, %dma_start3A_196] : memref<32x128xf32, #tpu.memory_space<hbm>> -> memref<1x128xf32, #tpu.memory_space<hbm>>
      %dma_start3A_198 = tpu.memref_squeeze %dma_start3A_197 : memref<1x128xf32, #tpu.memory_space<hbm>> -> memref<128xf32, #tpu.memory_space<hbm>>
      tpu.enqueue_dma source(%dma_start3A_198 : memref<128xf32, #tpu.memory_space<hbm>>) target(%dma_start3A_195 : memref<128xf32, #tpu.memory_space<vmem>>) target_semaphore(%arg7 : memref<!tpu.dma_semaphore, #tpu.memory_space<semaphore_mem>>)
      %dma_start3A_199 = arith.constant 16 : i32
      %dma_start3A_200 = arith.constant 16384 : i32
      %dma_start3A_201 = tpu.memref_slice %arg5[%dma_start3A_200] : memref<32768xf32, #tpu.memory_space<vmem>> -> memref<128xf32, #tpu.memory_space<vmem>>
      %dma_start3A_202 = arith.constant 0 : i32
      %dma_start3A_203 = tpu.memref_slice %arg3[%dma_start3A_199, %dma_start3A_202] : memref<32x128xf32, #tpu.memory_space<hbm>> -> memref<1x128xf32, #tpu.memory_space<hbm>>
      %dma_start3A_204 = tpu.memref_squeeze %dma_start3A_203 : memref<1x128xf32, #tpu.memory_space<hbm>> -> memref<128xf32, #tpu.memory_space<hbm>>
      %dma_start3A_205 = arith.constant 16384 : i32
      %dma_start3A_206 = tpu.memref_slice %arg5[%dma_start3A_205] : memref<32768xf32, #tpu.memory_space<vmem>> -> memref<128xf32, #tpu.memory_space<vmem>>
      %dma_start3A_207 = arith.constant 0 : i32
      %dma_start3A_208 = tpu.memref_slice %arg3[%dma_start3A_199, %dma_start3A_207] : memref<32x128xf32, #tpu.memory_space<hbm>> -> memref<1x128xf32, #tpu.memory_space<hbm>>
      %dma_start3A_209 = tpu.memref_squeeze %dma_start3A_208 : memref<1x128xf32, #tpu.memory_space<hbm>> -> memref<128xf32, #tpu.memory_space<hbm>>
      tpu.enqueue_dma source(%dma_start3A_209 : memref<128xf32, #tpu.memory_space<hbm>>) target(%dma_start3A_206 : memref<128xf32, #tpu.memory_space<vmem>>) target_semaphore(%arg7 : memref<!tpu.dma_semaphore, #tpu.memory_space<semaphore_mem>>)
      %dma_start3A_210 = arith.constant 17 : i32
      %dma_start3A_211 = arith.constant 17408 : i32
      %dma_start3A_212 = tpu.memref_slice %arg5[%dma_start3A_211] : memref<32768xf32, #tpu.memory_space<vmem>> -> memref<128xf32, #tpu.memory_space<vmem>>
      %dma_start3A_213 = arith.constant 0 : i32
      %dma_start3A_214 = tpu.memref_slice %arg3[%dma_start3A_210, %dma_start3A_213] : memref<32x128xf32, #tpu.memory_space<hbm>> -> memref<1x128xf32, #tpu.memory_space<hbm>>
      %dma_start3A_215 = tpu.memref_squeeze %dma_start3A_214 : memref<1x128xf32, #tpu.memory_space<hbm>> -> memref<128xf32, #tpu.memory_space<hbm>>
      %dma_start3A_216 = arith.constant 17408 : i32
      %dma_start3A_217 = tpu.memref_slice %arg5[%dma_start3A_216] : memref<32768xf32, #tpu.memory_space<vmem>> -> memref<128xf32, #tpu.memory_space<vmem>>
      %dma_start3A_218 = arith.constant 0 : i32
      %dma_start3A_219 = tpu.memref_slice %arg3[%dma_start3A_210, %dma_start3A_218] : memref<32x128xf32, #tpu.memory_space<hbm>> -> memref<1x128xf32, #tpu.memory_space<hbm>>
      %dma_start3A_220 = tpu.memref_squeeze %dma_start3A_219 : memref<1x128xf32, #tpu.memory_space<hbm>> -> memref<128xf32, #tpu.memory_space<hbm>>
      tpu.enqueue_dma source(%dma_start3A_220 : memref<128xf32, #tpu.memory_space<hbm>>) target(%dma_start3A_217 : memref<128xf32, #tpu.memory_space<vmem>>) target_semaphore(%arg7 : memref<!tpu.dma_semaphore, #tpu.memory_space<semaphore_mem>>)
      %dma_start3A_221 = arith.constant 18 : i32
      %dma_start3A_222 = arith.constant 18432 : i32
      %dma_start3A_223 = tpu.memref_slice %arg5[%dma_start3A_222] : memref<32768xf32, #tpu.memory_space<vmem>> -> memref<128xf32, #tpu.memory_space<vmem>>
      %dma_start3A_224 = arith.constant 0 : i32
      %dma_start3A_225 = tpu.memref_slice %arg3[%dma_start3A_221, %dma_start3A_224] : memref<32x128xf32, #tpu.memory_space<hbm>> -> memref<1x128xf32, #tpu.memory_space<hbm>>
      %dma_start3A_226 = tpu.memref_squeeze %dma_start3A_225 : memref<1x128xf32, #tpu.memory_space<hbm>> -> memref<128xf32, #tpu.memory_space<hbm>>
      %dma_start3A_227 = arith.constant 18432 : i32
      %dma_start3A_228 = tpu.memref_slice %arg5[%dma_start3A_227] : memref<32768xf32, #tpu.memory_space<vmem>> -> memref<128xf32, #tpu.memory_space<vmem>>
      %dma_start3A_229 = arith.constant 0 : i32
      %dma_start3A_230 = tpu.memref_slice %arg3[%dma_start3A_221, %dma_start3A_229] : memref<32x128xf32, #tpu.memory_space<hbm>> -> memref<1x128xf32, #tpu.memory_space<hbm>>
      %dma_start3A_231 = tpu.memref_squeeze %dma_start3A_230 : memref<1x128xf32, #tpu.memory_space<hbm>> -> memref<128xf32, #tpu.memory_space<hbm>>
      tpu.enqueue_dma source(%dma_start3A_231 : memref<128xf32, #tpu.memory_space<hbm>>) target(%dma_start3A_228 : memref<128xf32, #tpu.memory_space<vmem>>) target_semaphore(%arg7 : memref<!tpu.dma_semaphore, #tpu.memory_space<semaphore_mem>>)
      %dma_start3A_232 = arith.constant 19 : i32
      %dma_start3A_233 = arith.constant 19456 : i32
      %dma_start3A_234 = tpu.memref_slice %arg5[%dma_start3A_233] : memref<32768xf32, #tpu.memory_space<vmem>> -> memref<128xf32, #tpu.memory_space<vmem>>
      %dma_start3A_235 = arith.constant 0 : i32
      %dma_start3A_236 = tpu.memref_slice %arg3[%dma_start3A_232, %dma_start3A_235] : memref<32x128xf32, #tpu.memory_space<hbm>> -> memref<1x128xf32, #tpu.memory_space<hbm>>
      %dma_start3A_237 = tpu.memref_squeeze %dma_start3A_236 : memref<1x128xf32, #tpu.memory_space<hbm>> -> memref<128xf32, #tpu.memory_space<hbm>>
      %dma_start3A_238 = arith.constant 19456 : i32
      %dma_start3A_239 = tpu.memref_slice %arg5[%dma_start3A_238] : memref<32768xf32, #tpu.memory_space<vmem>> -> memref<128xf32, #tpu.memory_space<vmem>>
      %dma_start3A_240 = arith.constant 0 : i32
      %dma_start3A_241 = tpu.memref_slice %arg3[%dma_start3A_232, %dma_start3A_240] : memref<32x128xf32, #tpu.memory_space<hbm>> -> memref<1x128xf32, #tpu.memory_space<hbm>>
      %dma_start3A_242 = tpu.memref_squeeze %dma_start3A_241 : memref<1x128xf32, #tpu.memory_space<hbm>> -> memref<128xf32, #tpu.memory_space<hbm>>
      tpu.enqueue_dma source(%dma_start3A_242 : memref<128xf32, #tpu.memory_space<hbm>>) target(%dma_start3A_239 : memref<128xf32, #tpu.memory_space<vmem>>) target_semaphore(%arg7 : memref<!tpu.dma_semaphore, #tpu.memory_space<semaphore_mem>>)
      %dma_start3A_243 = arith.constant 20 : i32
      %dma_start3A_244 = arith.constant 20480 : i32
      %dma_start3A_245 = tpu.memref_slice %arg5[%dma_start3A_244] : memref<32768xf32, #tpu.memory_space<vmem>> -> memref<128xf32, #tpu.memory_space<vmem>>
      %dma_start3A_246 = arith.constant 0 : i32
      %dma_start3A_247 = tpu.memref_slice %arg3[%dma_start3A_243, %dma_start3A_246] : memref<32x128xf32, #tpu.memory_space<hbm>> -> memref<1x128xf32, #tpu.memory_space<hbm>>
      %dma_start3A_248 = tpu.memref_squeeze %dma_start3A_247 : memref<1x128xf32, #tpu.memory_space<hbm>> -> memref<128xf32, #tpu.memory_space<hbm>>
      %dma_start3A_249 = arith.constant 20480 : i32
      %dma_start3A_250 = tpu.memref_slice %arg5[%dma_start3A_249] : memref<32768xf32, #tpu.memory_space<vmem>> -> memref<128xf32, #tpu.memory_space<vmem>>
      %dma_start3A_251 = arith.constant 0 : i32
      %dma_start3A_252 = tpu.memref_slice %arg3[%dma_start3A_243, %dma_start3A_251] : memref<32x128xf32, #tpu.memory_space<hbm>> -> memref<1x128xf32, #tpu.memory_space<hbm>>
      %dma_start3A_253 = tpu.memref_squeeze %dma_start3A_252 : memref<1x128xf32, #tpu.memory_space<hbm>> -> memref<128xf32, #tpu.memory_space<hbm>>
      tpu.enqueue_dma source(%dma_start3A_253 : memref<128xf32, #tpu.memory_space<hbm>>) target(%dma_start3A_250 : memref<128xf32, #tpu.memory_space<vmem>>) target_semaphore(%arg7 : memref<!tpu.dma_semaphore, #tpu.memory_space<semaphore_mem>>)
      %dma_start3A_254 = arith.constant 21 : i32
      %dma_start3A_255 = arith.constant 21504 : i32
      %dma_start3A_256 = tpu.memref_slice %arg5[%dma_start3A_255] : memref<32768xf32, #tpu.memory_space<vmem>> -> memref<128xf32, #tpu.memory_space<vmem>>
      %dma_start3A_257 = arith.constant 0 : i32
      %dma_start3A_258 = tpu.memref_slice %arg3[%dma_start3A_254, %dma_start3A_257] : memref<32x128xf32, #tpu.memory_space<hbm>> -> memref<1x128xf32, #tpu.memory_space<hbm>>
      %dma_start3A_259 = tpu.memref_squeeze %dma_start3A_258 : memref<1x128xf32, #tpu.memory_space<hbm>> -> memref<128xf32, #tpu.memory_space<hbm>>
      %dma_start3A_260 = arith.constant 21504 : i32
      %dma_start3A_261 = tpu.memref_slice %arg5[%dma_start3A_260] : memref<32768xf32, #tpu.memory_space<vmem>> -> memref<128xf32, #tpu.memory_space<vmem>>
      %dma_start3A_262 = arith.constant 0 : i32
      %dma_start3A_263 = tpu.memref_slice %arg3[%dma_start3A_254, %dma_start3A_262] : memref<32x128xf32, #tpu.memory_space<hbm>> -> memref<1x128xf32, #tpu.memory_space<hbm>>
      %dma_start3A_264 = tpu.memref_squeeze %dma_start3A_263 : memref<1x128xf32, #tpu.memory_space<hbm>> -> memref<128xf32, #tpu.memory_space<hbm>>
      tpu.enqueue_dma source(%dma_start3A_264 : memref<128xf32, #tpu.memory_space<hbm>>) target(%dma_start3A_261 : memref<128xf32, #tpu.memory_space<vmem>>) target_semaphore(%arg7 : memref<!tpu.dma_semaphore, #tpu.memory_space<semaphore_mem>>)
      %dma_start3A_265 = arith.constant 22 : i32
      %dma_start3A_266 = arith.constant 22528 : i32
      %dma_start3A_267 = tpu.memref_slice %arg5[%dma_start3A_266] : memref<32768xf32, #tpu.memory_space<vmem>> -> memref<128xf32, #tpu.memory_space<vmem>>
      %dma_start3A_268 = arith.constant 0 : i32
      %dma_start3A_269 = tpu.memref_slice %arg3[%dma_start3A_265, %dma_start3A_268] : memref<32x128xf32, #tpu.memory_space<hbm>> -> memref<1x128xf32, #tpu.memory_space<hbm>>
      %dma_start3A_270 = tpu.memref_squeeze %dma_start3A_269 : memref<1x128xf32, #tpu.memory_space<hbm>> -> memref<128xf32, #tpu.memory_space<hbm>>
      %dma_start3A_271 = arith.constant 22528 : i32
      %dma_start3A_272 = tpu.memref_slice %arg5[%dma_start3A_271] : memref<32768xf32, #tpu.memory_space<vmem>> -> memref<128xf32, #tpu.memory_space<vmem>>
      %dma_start3A_273 = arith.constant 0 : i32
      %dma_start3A_274 = tpu.memref_slice %arg3[%dma_start3A_265, %dma_start3A_273] : memref<32x128xf32, #tpu.memory_space<hbm>> -> memref<1x128xf32, #tpu.memory_space<hbm>>
      %dma_start3A_275 = tpu.memref_squeeze %dma_start3A_274 : memref<1x128xf32, #tpu.memory_space<hbm>> -> memref<128xf32, #tpu.memory_space<hbm>>
      tpu.enqueue_dma source(%dma_start3A_275 : memref<128xf32, #tpu.memory_space<hbm>>) target(%dma_start3A_272 : memref<128xf32, #tpu.memory_space<vmem>>) target_semaphore(%arg7 : memref<!tpu.dma_semaphore, #tpu.memory_space<semaphore_mem>>)
      %dma_start3A_276 = arith.constant 23 : i32
      %dma_start3A_277 = arith.constant 23552 : i32
      %dma_start3A_278 = tpu.memref_slice %arg5[%dma_start3A_277] : memref<32768xf32, #tpu.memory_space<vmem>> -> memref<128xf32, #tpu.memory_space<vmem>>
      %dma_start3A_279 = arith.constant 0 : i32
      %dma_start3A_280 = tpu.memref_slice %arg3[%dma_start3A_276, %dma_start3A_279] : memref<32x128xf32, #tpu.memory_space<hbm>> -> memref<1x128xf32, #tpu.memory_space<hbm>>
      %dma_start3A_281 = tpu.memref_squeeze %dma_start3A_280 : memref<1x128xf32, #tpu.memory_space<hbm>> -> memref<128xf32, #tpu.memory_space<hbm>>
      %dma_start3A_282 = arith.constant 23552 : i32
      %dma_start3A_283 = tpu.memref_slice %arg5[%dma_start3A_282] : memref<32768xf32, #tpu.memory_space<vmem>> -> memref<128xf32, #tpu.memory_space<vmem>>
      %dma_start3A_284 = arith.constant 0 : i32
      %dma_start3A_285 = tpu.memref_slice %arg3[%dma_start3A_276, %dma_start3A_284] : memref<32x128xf32, #tpu.memory_space<hbm>> -> memref<1x128xf32, #tpu.memory_space<hbm>>
      %dma_start3A_286 = tpu.memref_squeeze %dma_start3A_285 : memref<1x128xf32, #tpu.memory_space<hbm>> -> memref<128xf32, #tpu.memory_space<hbm>>
      tpu.enqueue_dma source(%dma_start3A_286 : memref<128xf32, #tpu.memory_space<hbm>>) target(%dma_start3A_283 : memref<128xf32, #tpu.memory_space<vmem>>) target_semaphore(%arg7 : memref<!tpu.dma_semaphore, #tpu.memory_space<semaphore_mem>>)
      %dma_start3A_287 = arith.constant 24 : i32
      %dma_start3A_288 = arith.constant 24576 : i32
      %dma_start3A_289 = tpu.memref_slice %arg5[%dma_start3A_288] : memref<32768xf32, #tpu.memory_space<vmem>> -> memref<128xf32, #tpu.memory_space<vmem>>
      %dma_start3A_290 = arith.constant 0 : i32
      %dma_start3A_291 = tpu.memref_slice %arg3[%dma_start3A_287, %dma_start3A_290] : memref<32x128xf32, #tpu.memory_space<hbm>> -> memref<1x128xf32, #tpu.memory_space<hbm>>
      %dma_start3A_292 = tpu.memref_squeeze %dma_start3A_291 : memref<1x128xf32, #tpu.memory_space<hbm>> -> memref<128xf32, #tpu.memory_space<hbm>>
      %dma_start3A_293 = arith.constant 24576 : i32
      %dma_start3A_294 = tpu.memref_slice %arg5[%dma_start3A_293] : memref<32768xf32, #tpu.memory_space<vmem>> -> memref<128xf32, #tpu.memory_space<vmem>>
      %dma_start3A_295 = arith.constant 0 : i32
      %dma_start3A_296 = tpu.memref_slice %arg3[%dma_start3A_287, %dma_start3A_295] : memref<32x128xf32, #tpu.memory_space<hbm>> -> memref<1x128xf32, #tpu.memory_space<hbm>>
      %dma_start3A_297 = tpu.memref_squeeze %dma_start3A_296 : memref<1x128xf32, #tpu.memory_space<hbm>> -> memref<128xf32, #tpu.memory_space<hbm>>
      tpu.enqueue_dma source(%dma_start3A_297 : memref<128xf32, #tpu.memory_space<hbm>>) target(%dma_start3A_294 : memref<128xf32, #tpu.memory_space<vmem>>) target_semaphore(%arg7 : memref<!tpu.dma_semaphore, #tpu.memory_space<semaphore_mem>>)
      %dma_start3A_298 = arith.constant 25 : i32
      %dma_start3A_299 = arith.constant 25600 : i32
      %dma_start3A_300 = tpu.memref_slice %arg5[%dma_start3A_299] : memref<32768xf32, #tpu.memory_space<vmem>> -> memref<128xf32, #tpu.memory_space<vmem>>
      %dma_start3A_301 = arith.constant 0 : i32
      %dma_start3A_302 = tpu.memref_slice %arg3[%dma_start3A_298, %dma_start3A_301] : memref<32x128xf32, #tpu.memory_space<hbm>> -> memref<1x128xf32, #tpu.memory_space<hbm>>
      %dma_start3A_303 = tpu.memref_squeeze %dma_start3A_302 : memref<1x128xf32, #tpu.memory_space<hbm>> -> memref<128xf32, #tpu.memory_space<hbm>>
      %dma_start3A_304 = arith.constant 25600 : i32
      %dma_start3A_305 = tpu.memref_slice %arg5[%dma_start3A_304] : memref<32768xf32, #tpu.memory_space<vmem>> -> memref<128xf32, #tpu.memory_space<vmem>>
      %dma_start3A_306 = arith.constant 0 : i32
      %dma_start3A_307 = tpu.memref_slice %arg3[%dma_start3A_298, %dma_start3A_306] : memref<32x128xf32, #tpu.memory_space<hbm>> -> memref<1x128xf32, #tpu.memory_space<hbm>>
      %dma_start3A_308 = tpu.memref_squeeze %dma_start3A_307 : memref<1x128xf32, #tpu.memory_space<hbm>> -> memref<128xf32, #tpu.memory_space<hbm>>
      tpu.enqueue_dma source(%dma_start3A_308 : memref<128xf32, #tpu.memory_space<hbm>>) target(%dma_start3A_305 : memref<128xf32, #tpu.memory_space<vmem>>) target_semaphore(%arg7 : memref<!tpu.dma_semaphore, #tpu.memory_space<semaphore_mem>>)
      %dma_start3A_309 = arith.constant 26 : i32
      %dma_start3A_310 = arith.constant 26624 : i32
      %dma_start3A_311 = tpu.memref_slice %arg5[%dma_start3A_310] : memref<32768xf32, #tpu.memory_space<vmem>> -> memref<128xf32, #tpu.memory_space<vmem>>
      %dma_start3A_312 = arith.constant 0 : i32
      %dma_start3A_313 = tpu.memref_slice %arg3[%dma_start3A_309, %dma_start3A_312] : memref<32x128xf32, #tpu.memory_space<hbm>> -> memref<1x128xf32, #tpu.memory_space<hbm>>
      %dma_start3A_314 = tpu.memref_squeeze %dma_start3A_313 : memref<1x128xf32, #tpu.memory_space<hbm>> -> memref<128xf32, #tpu.memory_space<hbm>>
      %dma_start3A_315 = arith.constant 26624 : i32
      %dma_start3A_316 = tpu.memref_slice %arg5[%dma_start3A_315] : memref<32768xf32, #tpu.memory_space<vmem>> -> memref<128xf32, #tpu.memory_space<vmem>>
      %dma_start3A_317 = arith.constant 0 : i32
      %dma_start3A_318 = tpu.memref_slice %arg3[%dma_start3A_309, %dma_start3A_317] : memref<32x128xf32, #tpu.memory_space<hbm>> -> memref<1x128xf32, #tpu.memory_space<hbm>>
      %dma_start3A_319 = tpu.memref_squeeze %dma_start3A_318 : memref<1x128xf32, #tpu.memory_space<hbm>> -> memref<128xf32, #tpu.memory_space<hbm>>
      tpu.enqueue_dma source(%dma_start3A_319 : memref<128xf32, #tpu.memory_space<hbm>>) target(%dma_start3A_316 : memref<128xf32, #tpu.memory_space<vmem>>) target_semaphore(%arg7 : memref<!tpu.dma_semaphore, #tpu.memory_space<semaphore_mem>>)
      %dma_start3A_320 = arith.constant 27 : i32
      %dma_start3A_321 = arith.constant 27648 : i32
      %dma_start3A_322 = tpu.memref_slice %arg5[%dma_start3A_321] : memref<32768xf32, #tpu.memory_space<vmem>> -> memref<128xf32, #tpu.memory_space<vmem>>
      %dma_start3A_323 = arith.constant 0 : i32
      %dma_start3A_324 = tpu.memref_slice %arg3[%dma_start3A_320, %dma_start3A_323] : memref<32x128xf32, #tpu.memory_space<hbm>> -> memref<1x128xf32, #tpu.memory_space<hbm>>
      %dma_start3A_325 = tpu.memref_squeeze %dma_start3A_324 : memref<1x128xf32, #tpu.memory_space<hbm>> -> memref<128xf32, #tpu.memory_space<hbm>>
      %dma_start3A_326 = arith.constant 27648 : i32
      %dma_start3A_327 = tpu.memref_slice %arg5[%dma_start3A_326] : memref<32768xf32, #tpu.memory_space<vmem>> -> memref<128xf32, #tpu.memory_space<vmem>>
      %dma_start3A_328 = arith.constant 0 : i32
      %dma_start3A_329 = tpu.memref_slice %arg3[%dma_start3A_320, %dma_start3A_328] : memref<32x128xf32, #tpu.memory_space<hbm>> -> memref<1x128xf32, #tpu.memory_space<hbm>>
      %dma_start3A_330 = tpu.memref_squeeze %dma_start3A_329 : memref<1x128xf32, #tpu.memory_space<hbm>> -> memref<128xf32, #tpu.memory_space<hbm>>
      tpu.enqueue_dma source(%dma_start3A_330 : memref<128xf32, #tpu.memory_space<hbm>>) target(%dma_start3A_327 : memref<128xf32, #tpu.memory_space<vmem>>) target_semaphore(%arg7 : memref<!tpu.dma_semaphore, #tpu.memory_space<semaphore_mem>>)
      %dma_start3A_331 = arith.constant 28 : i32
      %dma_start3A_332 = arith.constant 28672 : i32
      %dma_start3A_333 = tpu.memref_slice %arg5[%dma_start3A_332] : memref<32768xf32, #tpu.memory_space<vmem>> -> memref<128xf32, #tpu.memory_space<vmem>>
      %dma_start3A_334 = arith.constant 0 : i32
      %dma_start3A_335 = tpu.memref_slice %arg3[%dma_start3A_331, %dma_start3A_334] : memref<32x128xf32, #tpu.memory_space<hbm>> -> memref<1x128xf32, #tpu.memory_space<hbm>>
      %dma_start3A_336 = tpu.memref_squeeze %dma_start3A_335 : memref<1x128xf32, #tpu.memory_space<hbm>> -> memref<128xf32, #tpu.memory_space<hbm>>
      %dma_start3A_337 = arith.constant 28672 : i32
      %dma_start3A_338 = tpu.memref_slice %arg5[%dma_start3A_337] : memref<32768xf32, #tpu.memory_space<vmem>> -> memref<128xf32, #tpu.memory_space<vmem>>
      %dma_start3A_339 = arith.constant 0 : i32
      %dma_start3A_340 = tpu.memref_slice %arg3[%dma_start3A_331, %dma_start3A_339] : memref<32x128xf32, #tpu.memory_space<hbm>> -> memref<1x128xf32, #tpu.memory_space<hbm>>
      %dma_start3A_341 = tpu.memref_squeeze %dma_start3A_340 : memref<1x128xf32, #tpu.memory_space<hbm>> -> memref<128xf32, #tpu.memory_space<hbm>>
      tpu.enqueue_dma source(%dma_start3A_341 : memref<128xf32, #tpu.memory_space<hbm>>) target(%dma_start3A_338 : memref<128xf32, #tpu.memory_space<vmem>>) target_semaphore(%arg7 : memref<!tpu.dma_semaphore, #tpu.memory_space<semaphore_mem>>)
      %dma_start3A_342 = arith.constant 29 : i32
      %dma_start3A_343 = arith.constant 29696 : i32
      %dma_start3A_344 = tpu.memref_slice %arg5[%dma_start3A_343] : memref<32768xf32, #tpu.memory_space<vmem>> -> memref<128xf32, #tpu.memory_space<vmem>>
      %dma_start3A_345 = arith.constant 0 : i32
      %dma_start3A_346 = tpu.memref_slice %arg3[%dma_start3A_342, %dma_start3A_345] : memref<32x128xf32, #tpu.memory_space<hbm>> -> memref<1x128xf32, #tpu.memory_space<hbm>>
      %dma_start3A_347 = tpu.memref_squeeze %dma_start3A_346 : memref<1x128xf32, #tpu.memory_space<hbm>> -> memref<128xf32, #tpu.memory_space<hbm>>
      %dma_start3A_348 = arith.constant 29696 : i32
      %dma_start3A_349 = tpu.memref_slice %arg5[%dma_start3A_348] : memref<32768xf32, #tpu.memory_space<vmem>> -> memref<128xf32, #tpu.memory_space<vmem>>
      %dma_start3A_350 = arith.constant 0 : i32
      %dma_start3A_351 = tpu.memref_slice %arg3[%dma_start3A_342, %dma_start3A_350] : memref<32x128xf32, #tpu.memory_space<hbm>> -> memref<1x128xf32, #tpu.memory_space<hbm>>
      %dma_start3A_352 = tpu.memref_squeeze %dma_start3A_351 : memref<1x128xf32, #tpu.memory_space<hbm>> -> memref<128xf32, #tpu.memory_space<hbm>>
      tpu.enqueue_dma source(%dma_start3A_352 : memref<128xf32, #tpu.memory_space<hbm>>) target(%dma_start3A_349 : memref<128xf32, #tpu.memory_space<vmem>>) target_semaphore(%arg7 : memref<!tpu.dma_semaphore, #tpu.memory_space<semaphore_mem>>)
      %dma_start3A_353 = arith.constant 30 : i32
      %dma_start3A_354 = arith.constant 30720 : i32
      %dma_start3A_355 = tpu.memref_slice %arg5[%dma_start3A_354] : memref<32768xf32, #tpu.memory_space<vmem>> -> memref<128xf32, #tpu.memory_space<vmem>>
      %dma_start3A_356 = arith.constant 0 : i32
      %dma_start3A_357 = tpu.memref_slice %arg3[%dma_start3A_353, %dma_start3A_356] : memref<32x128xf32, #tpu.memory_space<hbm>> -> memref<1x128xf32, #tpu.memory_space<hbm>>
      %dma_start3A_358 = tpu.memref_squeeze %dma_start3A_357 : memref<1x128xf32, #tpu.memory_space<hbm>> -> memref<128xf32, #tpu.memory_space<hbm>>
      %dma_start3A_359 = arith.constant 30720 : i32
      %dma_start3A_360 = tpu.memref_slice %arg5[%dma_start3A_359] : memref<32768xf32, #tpu.memory_space<vmem>> -> memref<128xf32, #tpu.memory_space<vmem>>
      %dma_start3A_361 = arith.constant 0 : i32
      %dma_start3A_362 = tpu.memref_slice %arg3[%dma_start3A_353, %dma_start3A_361] : memref<32x128xf32, #tpu.memory_space<hbm>> -> memref<1x128xf32, #tpu.memory_space<hbm>>
      %dma_start3A_363 = tpu.memref_squeeze %dma_start3A_362 : memref<1x128xf32, #tpu.memory_space<hbm>> -> memref<128xf32, #tpu.memory_space<hbm>>
      tpu.enqueue_dma source(%dma_start3A_363 : memref<128xf32, #tpu.memory_space<hbm>>) target(%dma_start3A_360 : memref<128xf32, #tpu.memory_space<vmem>>) target_semaphore(%arg7 : memref<!tpu.dma_semaphore, #tpu.memory_space<semaphore_mem>>)
      %dma_start3A_364 = arith.constant 31 : i32
      %dma_start3A_365 = arith.constant 31744 : i32
      %dma_start3A_366 = tpu.memref_slice %arg5[%dma_start3A_365] : memref<32768xf32, #tpu.memory_space<vmem>> -> memref<128xf32, #tpu.memory_space<vmem>>
      %dma_start3A_367 = arith.constant 0 : i32
      %dma_start3A_368 = tpu.memref_slice %arg3[%dma_start3A_364, %dma_start3A_367] : memref<32x128xf32, #tpu.memory_space<hbm>> -> memref<1x128xf32, #tpu.memory_space<hbm>>
      %dma_start3A_369 = tpu.memref_squeeze %dma_start3A_368 : memref<1x128xf32, #tpu.memory_space<hbm>> -> memref<128xf32, #tpu.memory_space<hbm>>
      %dma_start3A_370 = arith.constant 31744 : i32
      %dma_start3A_371 = tpu.memref_slice %arg5[%dma_start3A_370] : memref<32768xf32, #tpu.memory_space<vmem>> -> memref<128xf32, #tpu.memory_space<vmem>>
      %dma_start3A_372 = arith.constant 0 : i32
      %dma_start3A_373 = tpu.memref_slice %arg3[%dma_start3A_364, %dma_start3A_372] : memref<32x128xf32, #tpu.memory_space<hbm>> -> memref<1x128xf32, #tpu.memory_space<hbm>>
      %dma_start3A_374 = tpu.memref_squeeze %dma_start3A_373 : memref<1x128xf32, #tpu.memory_space<hbm>> -> memref<128xf32, #tpu.memory_space<hbm>>
      tpu.enqueue_dma source(%dma_start3A_374 : memref<128xf32, #tpu.memory_space<hbm>>) target(%dma_start3A_371 : memref<128xf32, #tpu.memory_space<vmem>>) target_semaphore(%arg7 : memref<!tpu.dma_semaphore, #tpu.memory_space<semaphore_mem>>)
      %dma_wait3A = arith.constant 0 : i32
      %dma_wait3A_375 = arith.constant 0 : i32
      %dma_wait3A_376 = tpu.memref_slice %arg5[%dma_wait3A_375] : memref<32768xf32, #tpu.memory_space<vmem>> -> memref<128xf32, #tpu.memory_space<vmem>>
      %dma_wait3A_377 = arith.constant 0 : i32
      %dma_wait3A_378 = tpu.memref_slice %arg3[%dma_wait3A, %dma_wait3A_377] : memref<32x128xf32, #tpu.memory_space<hbm>> -> memref<1x128xf32, #tpu.memory_space<hbm>>
      %dma_wait3A_379 = tpu.memref_squeeze %dma_wait3A_378 : memref<1x128xf32, #tpu.memory_space<hbm>> -> memref<128xf32, #tpu.memory_space<hbm>>
      %dma_wait3A_380 = arith.constant 0 : i32
      %dma_wait3A_381 = tpu.memref_slice %arg5[%dma_wait3A_380] : memref<32768xf32, #tpu.memory_space<vmem>> -> memref<128xf32, #tpu.memory_space<vmem>>
      %dma_wait3A_382 = arith.constant 0 : i32
      %dma_wait3A_383 = tpu.memref_slice %arg3[%dma_wait3A, %dma_wait3A_382] : memref<32x128xf32, #tpu.memory_space<hbm>> -> memref<1x128xf32, #tpu.memory_space<hbm>>
      %dma_wait3A_384 = tpu.memref_squeeze %dma_wait3A_383 : memref<1x128xf32, #tpu.memory_space<hbm>> -> memref<128xf32, #tpu.memory_space<hbm>>
      tpu.wait_dma2 semaphore(%arg7 : memref<!tpu.dma_semaphore, #tpu.memory_space<semaphore_mem>>) src(%dma_wait3A_384 : memref<128xf32, #tpu.memory_space<hbm>>) dst(%dma_wait3A_381 : memref<128xf32, #tpu.memory_space<vmem>>)
      %dma_wait3A_385 = arith.constant 1 : i32
      %dma_wait3A_386 = arith.constant 1024 : i32
      %dma_wait3A_387 = tpu.memref_slice %arg5[%dma_wait3A_386] : memref<32768xf32, #tpu.memory_space<vmem>> -> memref<128xf32, #tpu.memory_space<vmem>>
      %dma_wait3A_388 = arith.constant 0 : i32
      %dma_wait3A_389 = tpu.memref_slice %arg3[%dma_wait3A_385, %dma_wait3A_388] : memref<32x128xf32, #tpu.memory_space<hbm>> -> memref<1x128xf32, #tpu.memory_space<hbm>>
      %dma_wait3A_390 = tpu.memref_squeeze %dma_wait3A_389 : memref<1x128xf32, #tpu.memory_space<hbm>> -> memref<128xf32, #tpu.memory_space<hbm>>
      %dma_wait3A_391 = arith.constant 1024 : i32
      %dma_wait3A_392 = tpu.memref_slice %arg5[%dma_wait3A_391] : memref<32768xf32, #tpu.memory_space<vmem>> -> memref<128xf32, #tpu.memory_space<vmem>>
      %dma_wait3A_393 = arith.constant 0 : i32
      %dma_wait3A_394 = tpu.memref_slice %arg3[%dma_wait3A_385, %dma_wait3A_393] : memref<32x128xf32, #tpu.memory_space<hbm>> -> memref<1x128xf32, #tpu.memory_space<hbm>>
      %dma_wait3A_395 = tpu.memref_squeeze %dma_wait3A_394 : memref<1x128xf32, #tpu.memory_space<hbm>> -> memref<128xf32, #tpu.memory_space<hbm>>
      tpu.wait_dma2 semaphore(%arg7 : memref<!tpu.dma_semaphore, #tpu.memory_space<semaphore_mem>>) src(%dma_wait3A_395 : memref<128xf32, #tpu.memory_space<hbm>>) dst(%dma_wait3A_392 : memref<128xf32, #tpu.memory_space<vmem>>)
      %dma_wait3A_396 = arith.constant 2 : i32
      %dma_wait3A_397 = arith.constant 2048 : i32
      %dma_wait3A_398 = tpu.memref_slice %arg5[%dma_wait3A_397] : memref<32768xf32, #tpu.memory_space<vmem>> -> memref<128xf32, #tpu.memory_space<vmem>>
      %dma_wait3A_399 = arith.constant 0 : i32
      %dma_wait3A_400 = tpu.memref_slice %arg3[%dma_wait3A_396, %dma_wait3A_399] : memref<32x128xf32, #tpu.memory_space<hbm>> -> memref<1x128xf32, #tpu.memory_space<hbm>>
      %dma_wait3A_401 = tpu.memref_squeeze %dma_wait3A_400 : memref<1x128xf32, #tpu.memory_space<hbm>> -> memref<128xf32, #tpu.memory_space<hbm>>
      %dma_wait3A_402 = arith.constant 2048 : i32
      %dma_wait3A_403 = tpu.memref_slice %arg5[%dma_wait3A_402] : memref<32768xf32, #tpu.memory_space<vmem>> -> memref<128xf32, #tpu.memory_space<vmem>>
      %dma_wait3A_404 = arith.constant 0 : i32
      %dma_wait3A_405 = tpu.memref_slice %arg3[%dma_wait3A_396, %dma_wait3A_404] : memref<32x128xf32, #tpu.memory_space<hbm>> -> memref<1x128xf32, #tpu.memory_space<hbm>>
      %dma_wait3A_406 = tpu.memref_squeeze %dma_wait3A_405 : memref<1x128xf32, #tpu.memory_space<hbm>> -> memref<128xf32, #tpu.memory_space<hbm>>
      tpu.wait_dma2 semaphore(%arg7 : memref<!tpu.dma_semaphore, #tpu.memory_space<semaphore_mem>>) src(%dma_wait3A_406 : memref<128xf32, #tpu.memory_space<hbm>>) dst(%dma_wait3A_403 : memref<128xf32, #tpu.memory_space<vmem>>)
      %dma_wait3A_407 = arith.constant 3 : i32
      %dma_wait3A_408 = arith.constant 3072 : i32
      %dma_wait3A_409 = tpu.memref_slice %arg5[%dma_wait3A_408] : memref<32768xf32, #tpu.memory_space<vmem>> -> memref<128xf32, #tpu.memory_space<vmem>>
      %dma_wait3A_410 = arith.constant 0 : i32
      %dma_wait3A_411 = tpu.memref_slice %arg3[%dma_wait3A_407, %dma_wait3A_410] : memref<32x128xf32, #tpu.memory_space<hbm>> -> memref<1x128xf32, #tpu.memory_space<hbm>>
      %dma_wait3A_412 = tpu.memref_squeeze %dma_wait3A_411 : memref<1x128xf32, #tpu.memory_space<hbm>> -> memref<128xf32, #tpu.memory_space<hbm>>
      %dma_wait3A_413 = arith.constant 3072 : i32
      %dma_wait3A_414 = tpu.memref_slice %arg5[%dma_wait3A_413] : memref<32768xf32, #tpu.memory_space<vmem>> -> memref<128xf32, #tpu.memory_space<vmem>>
      %dma_wait3A_415 = arith.constant 0 : i32
      %dma_wait3A_416 = tpu.memref_slice %arg3[%dma_wait3A_407, %dma_wait3A_415] : memref<32x128xf32, #tpu.memory_space<hbm>> -> memref<1x128xf32, #tpu.memory_space<hbm>>
      %dma_wait3A_417 = tpu.memref_squeeze %dma_wait3A_416 : memref<1x128xf32, #tpu.memory_space<hbm>> -> memref<128xf32, #tpu.memory_space<hbm>>
      tpu.wait_dma2 semaphore(%arg7 : memref<!tpu.dma_semaphore, #tpu.memory_space<semaphore_mem>>) src(%dma_wait3A_417 : memref<128xf32, #tpu.memory_space<hbm>>) dst(%dma_wait3A_414 : memref<128xf32, #tpu.memory_space<vmem>>)
      %dma_wait3A_418 = arith.constant 4 : i32
      %dma_wait3A_419 = arith.constant 4096 : i32
      %dma_wait3A_420 = tpu.memref_slice %arg5[%dma_wait3A_419] : memref<32768xf32, #tpu.memory_space<vmem>> -> memref<128xf32, #tpu.memory_space<vmem>>
      %dma_wait3A_421 = arith.constant 0 : i32
      %dma_wait3A_422 = tpu.memref_slice %arg3[%dma_wait3A_418, %dma_wait3A_421] : memref<32x128xf32, #tpu.memory_space<hbm>> -> memref<1x128xf32, #tpu.memory_space<hbm>>
      %dma_wait3A_423 = tpu.memref_squeeze %dma_wait3A_422 : memref<1x128xf32, #tpu.memory_space<hbm>> -> memref<128xf32, #tpu.memory_space<hbm>>
      %dma_wait3A_424 = arith.constant 4096 : i32
      %dma_wait3A_425 = tpu.memref_slice %arg5[%dma_wait3A_424] : memref<32768xf32, #tpu.memory_space<vmem>> -> memref<128xf32, #tpu.memory_space<vmem>>
      %dma_wait3A_426 = arith.constant 0 : i32
      %dma_wait3A_427 = tpu.memref_slice %arg3[%dma_wait3A_418, %dma_wait3A_426] : memref<32x128xf32, #tpu.memory_space<hbm>> -> memref<1x128xf32, #tpu.memory_space<hbm>>
      %dma_wait3A_428 = tpu.memref_squeeze %dma_wait3A_427 : memref<1x128xf32, #tpu.memory_space<hbm>> -> memref<128xf32, #tpu.memory_space<hbm>>
      tpu.wait_dma2 semaphore(%arg7 : memref<!tpu.dma_semaphore, #tpu.memory_space<semaphore_mem>>) src(%dma_wait3A_428 : memref<128xf32, #tpu.memory_space<hbm>>) dst(%dma_wait3A_425 : memref<128xf32, #tpu.memory_space<vmem>>)
      %dma_wait3A_429 = arith.constant 5 : i32
      %dma_wait3A_430 = arith.constant 5120 : i32
      %dma_wait3A_431 = tpu.memref_slice %arg5[%dma_wait3A_430] : memref<32768xf32, #tpu.memory_space<vmem>> -> memref<128xf32, #tpu.memory_space<vmem>>
      %dma_wait3A_432 = arith.constant 0 : i32
      %dma_wait3A_433 = tpu.memref_slice %arg3[%dma_wait3A_429, %dma_wait3A_432] : memref<32x128xf32, #tpu.memory_space<hbm>> -> memref<1x128xf32, #tpu.memory_space<hbm>>
      %dma_wait3A_434 = tpu.memref_squeeze %dma_wait3A_433 : memref<1x128xf32, #tpu.memory_space<hbm>> -> memref<128xf32, #tpu.memory_space<hbm>>
      %dma_wait3A_435 = arith.constant 5120 : i32
      %dma_wait3A_436 = tpu.memref_slice %arg5[%dma_wait3A_435] : memref<32768xf32, #tpu.memory_space<vmem>> -> memref<128xf32, #tpu.memory_space<vmem>>
      %dma_wait3A_437 = arith.constant 0 : i32
      %dma_wait3A_438 = tpu.memref_slice %arg3[%dma_wait3A_429, %dma_wait3A_437] : memref<32x128xf32, #tpu.memory_space<hbm>> -> memref<1x128xf32, #tpu.memory_space<hbm>>
      %dma_wait3A_439 = tpu.memref_squeeze %dma_wait3A_438 : memref<1x128xf32, #tpu.memory_space<hbm>> -> memref<128xf32, #tpu.memory_space<hbm>>
      tpu.wait_dma2 semaphore(%arg7 : memref<!tpu.dma_semaphore, #tpu.memory_space<semaphore_mem>>) src(%dma_wait3A_439 : memref<128xf32, #tpu.memory_space<hbm>>) dst(%dma_wait3A_436 : memref<128xf32, #tpu.memory_space<vmem>>)
      %dma_wait3A_440 = arith.constant 6 : i32
      %dma_wait3A_441 = arith.constant 6144 : i32
      %dma_wait3A_442 = tpu.memref_slice %arg5[%dma_wait3A_441] : memref<32768xf32, #tpu.memory_space<vmem>> -> memref<128xf32, #tpu.memory_space<vmem>>
      %dma_wait3A_443 = arith.constant 0 : i32
      %dma_wait3A_444 = tpu.memref_slice %arg3[%dma_wait3A_440, %dma_wait3A_443] : memref<32x128xf32, #tpu.memory_space<hbm>> -> memref<1x128xf32, #tpu.memory_space<hbm>>
      %dma_wait3A_445 = tpu.memref_squeeze %dma_wait3A_444 : memref<1x128xf32, #tpu.memory_space<hbm>> -> memref<128xf32, #tpu.memory_space<hbm>>
      %dma_wait3A_446 = arith.constant 6144 : i32
      %dma_wait3A_447 = tpu.memref_slice %arg5[%dma_wait3A_446] : memref<32768xf32, #tpu.memory_space<vmem>> -> memref<128xf32, #tpu.memory_space<vmem>>
      %dma_wait3A_448 = arith.constant 0 : i32
      %dma_wait3A_449 = tpu.memref_slice %arg3[%dma_wait3A_440, %dma_wait3A_448] : memref<32x128xf32, #tpu.memory_space<hbm>> -> memref<1x128xf32, #tpu.memory_space<hbm>>
      %dma_wait3A_450 = tpu.memref_squeeze %dma_wait3A_449 : memref<1x128xf32, #tpu.memory_space<hbm>> -> memref<128xf32, #tpu.memory_space<hbm>>
      tpu.wait_dma2 semaphore(%arg7 : memref<!tpu.dma_semaphore, #tpu.memory_space<semaphore_mem>>) src(%dma_wait3A_450 : memref<128xf32, #tpu.memory_space<hbm>>) dst(%dma_wait3A_447 : memref<128xf32, #tpu.memory_space<vmem>>)
      %dma_wait3A_451 = arith.constant 7 : i32
      %dma_wait3A_452 = arith.constant 7168 : i32
      %dma_wait3A_453 = tpu.memref_slice %arg5[%dma_wait3A_452] : memref<32768xf32, #tpu.memory_space<vmem>> -> memref<128xf32, #tpu.memory_space<vmem>>
      %dma_wait3A_454 = arith.constant 0 : i32
      %dma_wait3A_455 = tpu.memref_slice %arg3[%dma_wait3A_451, %dma_wait3A_454] : memref<32x128xf32, #tpu.memory_space<hbm>> -> memref<1x128xf32, #tpu.memory_space<hbm>>
      %dma_wait3A_456 = tpu.memref_squeeze %dma_wait3A_455 : memref<1x128xf32, #tpu.memory_space<hbm>> -> memref<128xf32, #tpu.memory_space<hbm>>
      %dma_wait3A_457 = arith.constant 7168 : i32
      %dma_wait3A_458 = tpu.memref_slice %arg5[%dma_wait3A_457] : memref<32768xf32, #tpu.memory_space<vmem>> -> memref<128xf32, #tpu.memory_space<vmem>>
      %dma_wait3A_459 = arith.constant 0 : i32
      %dma_wait3A_460 = tpu.memref_slice %arg3[%dma_wait3A_451, %dma_wait3A_459] : memref<32x128xf32, #tpu.memory_space<hbm>> -> memref<1x128xf32, #tpu.memory_space<hbm>>
      %dma_wait3A_461 = tpu.memref_squeeze %dma_wait3A_460 : memref<1x128xf32, #tpu.memory_space<hbm>> -> memref<128xf32, #tpu.memory_space<hbm>>
      tpu.wait_dma2 semaphore(%arg7 : memref<!tpu.dma_semaphore, #tpu.memory_space<semaphore_mem>>) src(%dma_wait3A_461 : memref<128xf32, #tpu.memory_space<hbm>>) dst(%dma_wait3A_458 : memref<128xf32, #tpu.memory_space<vmem>>)
      %dma_wait3A_462 = arith.constant 8 : i32
      %dma_wait3A_463 = arith.constant 8192 : i32
      %dma_wait3A_464 = tpu.memref_slice %arg5[%dma_wait3A_463] : memref<32768xf32, #tpu.memory_space<vmem>> -> memref<128xf32, #tpu.memory_space<vmem>>
      %dma_wait3A_465 = arith.constant 0 : i32
      %dma_wait3A_466 = tpu.memref_slice %arg3[%dma_wait3A_462, %dma_wait3A_465] : memref<32x128xf32, #tpu.memory_space<hbm>> -> memref<1x128xf32, #tpu.memory_space<hbm>>
      %dma_wait3A_467 = tpu.memref_squeeze %dma_wait3A_466 : memref<1x128xf32, #tpu.memory_space<hbm>> -> memref<128xf32, #tpu.memory_space<hbm>>
      %dma_wait3A_468 = arith.constant 8192 : i32
      %dma_wait3A_469 = tpu.memref_slice %arg5[%dma_wait3A_468] : memref<32768xf32, #tpu.memory_space<vmem>> -> memref<128xf32, #tpu.memory_space<vmem>>
      %dma_wait3A_470 = arith.constant 0 : i32
      %dma_wait3A_471 = tpu.memref_slice %arg3[%dma_wait3A_462, %dma_wait3A_470] : memref<32x128xf32, #tpu.memory_space<hbm>> -> memref<1x128xf32, #tpu.memory_space<hbm>>
      %dma_wait3A_472 = tpu.memref_squeeze %dma_wait3A_471 : memref<1x128xf32, #tpu.memory_space<hbm>> -> memref<128xf32, #tpu.memory_space<hbm>>
      tpu.wait_dma2 semaphore(%arg7 : memref<!tpu.dma_semaphore, #tpu.memory_space<semaphore_mem>>) src(%dma_wait3A_472 : memref<128xf32, #tpu.memory_space<hbm>>) dst(%dma_wait3A_469 : memref<128xf32, #tpu.memory_space<vmem>>)
      %dma_wait3A_473 = arith.constant 9 : i32
      %dma_wait3A_474 = arith.constant 9216 : i32
      %dma_wait3A_475 = tpu.memref_slice %arg5[%dma_wait3A_474] : memref<32768xf32, #tpu.memory_space<vmem>> -> memref<128xf32, #tpu.memory_space<vmem>>
      %dma_wait3A_476 = arith.constant 0 : i32
      %dma_wait3A_477 = tpu.memref_slice %arg3[%dma_wait3A_473, %dma_wait3A_476] : memref<32x128xf32, #tpu.memory_space<hbm>> -> memref<1x128xf32, #tpu.memory_space<hbm>>
      %dma_wait3A_478 = tpu.memref_squeeze %dma_wait3A_477 : memref<1x128xf32, #tpu.memory_space<hbm>> -> memref<128xf32, #tpu.memory_space<hbm>>
      %dma_wait3A_479 = arith.constant 9216 : i32
      %dma_wait3A_480 = tpu.memref_slice %arg5[%dma_wait3A_479] : memref<32768xf32, #tpu.memory_space<vmem>> -> memref<128xf32, #tpu.memory_space<vmem>>
      %dma_wait3A_481 = arith.constant 0 : i32
      %dma_wait3A_482 = tpu.memref_slice %arg3[%dma_wait3A_473, %dma_wait3A_481] : memref<32x128xf32, #tpu.memory_space<hbm>> -> memref<1x128xf32, #tpu.memory_space<hbm>>
      %dma_wait3A_483 = tpu.memref_squeeze %dma_wait3A_482 : memref<1x128xf32, #tpu.memory_space<hbm>> -> memref<128xf32, #tpu.memory_space<hbm>>
      tpu.wait_dma2 semaphore(%arg7 : memref<!tpu.dma_semaphore, #tpu.memory_space<semaphore_mem>>) src(%dma_wait3A_483 : memref<128xf32, #tpu.memory_space<hbm>>) dst(%dma_wait3A_480 : memref<128xf32, #tpu.memory_space<vmem>>)
      %dma_wait3A_484 = arith.constant 10 : i32
      %dma_wait3A_485 = arith.constant 10240 : i32
      %dma_wait3A_486 = tpu.memref_slice %arg5[%dma_wait3A_485] : memref<32768xf32, #tpu.memory_space<vmem>> -> memref<128xf32, #tpu.memory_space<vmem>>
      %dma_wait3A_487 = arith.constant 0 : i32
      %dma_wait3A_488 = tpu.memref_slice %arg3[%dma_wait3A_484, %dma_wait3A_487] : memref<32x128xf32, #tpu.memory_space<hbm>> -> memref<1x128xf32, #tpu.memory_space<hbm>>
      %dma_wait3A_489 = tpu.memref_squeeze %dma_wait3A_488 : memref<1x128xf32, #tpu.memory_space<hbm>> -> memref<128xf32, #tpu.memory_space<hbm>>
      %dma_wait3A_490 = arith.constant 10240 : i32
      %dma_wait3A_491 = tpu.memref_slice %arg5[%dma_wait3A_490] : memref<32768xf32, #tpu.memory_space<vmem>> -> memref<128xf32, #tpu.memory_space<vmem>>
      %dma_wait3A_492 = arith.constant 0 : i32
      %dma_wait3A_493 = tpu.memref_slice %arg3[%dma_wait3A_484, %dma_wait3A_492] : memref<32x128xf32, #tpu.memory_space<hbm>> -> memref<1x128xf32, #tpu.memory_space<hbm>>
      %dma_wait3A_494 = tpu.memref_squeeze %dma_wait3A_493 : memref<1x128xf32, #tpu.memory_space<hbm>> -> memref<128xf32, #tpu.memory_space<hbm>>
      tpu.wait_dma2 semaphore(%arg7 : memref<!tpu.dma_semaphore, #tpu.memory_space<semaphore_mem>>) src(%dma_wait3A_494 : memref<128xf32, #tpu.memory_space<hbm>>) dst(%dma_wait3A_491 : memref<128xf32, #tpu.memory_space<vmem>>)
      %dma_wait3A_495 = arith.constant 11 : i32
      %dma_wait3A_496 = arith.constant 11264 : i32
      %dma_wait3A_497 = tpu.memref_slice %arg5[%dma_wait3A_496] : memref<32768xf32, #tpu.memory_space<vmem>> -> memref<128xf32, #tpu.memory_space<vmem>>
      %dma_wait3A_498 = arith.constant 0 : i32
      %dma_wait3A_499 = tpu.memref_slice %arg3[%dma_wait3A_495, %dma_wait3A_498] : memref<32x128xf32, #tpu.memory_space<hbm>> -> memref<1x128xf32, #tpu.memory_space<hbm>>
      %dma_wait3A_500 = tpu.memref_squeeze %dma_wait3A_499 : memref<1x128xf32, #tpu.memory_space<hbm>> -> memref<128xf32, #tpu.memory_space<hbm>>
      %dma_wait3A_501 = arith.constant 11264 : i32
      %dma_wait3A_502 = tpu.memref_slice %arg5[%dma_wait3A_501] : memref<32768xf32, #tpu.memory_space<vmem>> -> memref<128xf32, #tpu.memory_space<vmem>>
      %dma_wait3A_503 = arith.constant 0 : i32
      %dma_wait3A_504 = tpu.memref_slice %arg3[%dma_wait3A_495, %dma_wait3A_503] : memref<32x128xf32, #tpu.memory_space<hbm>> -> memref<1x128xf32, #tpu.memory_space<hbm>>
      %dma_wait3A_505 = tpu.memref_squeeze %dma_wait3A_504 : memref<1x128xf32, #tpu.memory_space<hbm>> -> memref<128xf32, #tpu.memory_space<hbm>>
      tpu.wait_dma2 semaphore(%arg7 : memref<!tpu.dma_semaphore, #tpu.memory_space<semaphore_mem>>) src(%dma_wait3A_505 : memref<128xf32, #tpu.memory_space<hbm>>) dst(%dma_wait3A_502 : memref<128xf32, #tpu.memory_space<vmem>>)
      %dma_wait3A_506 = arith.constant 12 : i32
      %dma_wait3A_507 = arith.constant 12288 : i32
      %dma_wait3A_508 = tpu.memref_slice %arg5[%dma_wait3A_507] : memref<32768xf32, #tpu.memory_space<vmem>> -> memref<128xf32, #tpu.memory_space<vmem>>
      %dma_wait3A_509 = arith.constant 0 : i32
      %dma_wait3A_510 = tpu.memref_slice %arg3[%dma_wait3A_506, %dma_wait3A_509] : memref<32x128xf32, #tpu.memory_space<hbm>> -> memref<1x128xf32, #tpu.memory_space<hbm>>
      %dma_wait3A_511 = tpu.memref_squeeze %dma_wait3A_510 : memref<1x128xf32, #tpu.memory_space<hbm>> -> memref<128xf32, #tpu.memory_space<hbm>>
      %dma_wait3A_512 = arith.constant 12288 : i32
      %dma_wait3A_513 = tpu.memref_slice %arg5[%dma_wait3A_512] : memref<32768xf32, #tpu.memory_space<vmem>> -> memref<128xf32, #tpu.memory_space<vmem>>
      %dma_wait3A_514 = arith.constant 0 : i32
      %dma_wait3A_515 = tpu.memref_slice %arg3[%dma_wait3A_506, %dma_wait3A_514] : memref<32x128xf32, #tpu.memory_space<hbm>> -> memref<1x128xf32, #tpu.memory_space<hbm>>
      %dma_wait3A_516 = tpu.memref_squeeze %dma_wait3A_515 : memref<1x128xf32, #tpu.memory_space<hbm>> -> memref<128xf32, #tpu.memory_space<hbm>>
      tpu.wait_dma2 semaphore(%arg7 : memref<!tpu.dma_semaphore, #tpu.memory_space<semaphore_mem>>) src(%dma_wait3A_516 : memref<128xf32, #tpu.memory_space<hbm>>) dst(%dma_wait3A_513 : memref<128xf32, #tpu.memory_space<vmem>>)
      %dma_wait3A_517 = arith.constant 13 : i32
      %dma_wait3A_518 = arith.constant 13312 : i32
      %dma_wait3A_519 = tpu.memref_slice %arg5[%dma_wait3A_518] : memref<32768xf32, #tpu.memory_space<vmem>> -> memref<128xf32, #tpu.memory_space<vmem>>
      %dma_wait3A_520 = arith.constant 0 : i32
      %dma_wait3A_521 = tpu.memref_slice %arg3[%dma_wait3A_517, %dma_wait3A_520] : memref<32x128xf32, #tpu.memory_space<hbm>> -> memref<1x128xf32, #tpu.memory_space<hbm>>
      %dma_wait3A_522 = tpu.memref_squeeze %dma_wait3A_521 : memref<1x128xf32, #tpu.memory_space<hbm>> -> memref<128xf32, #tpu.memory_space<hbm>>
      %dma_wait3A_523 = arith.constant 13312 : i32
      %dma_wait3A_524 = tpu.memref_slice %arg5[%dma_wait3A_523] : memref<32768xf32, #tpu.memory_space<vmem>> -> memref<128xf32, #tpu.memory_space<vmem>>
      %dma_wait3A_525 = arith.constant 0 : i32
      %dma_wait3A_526 = tpu.memref_slice %arg3[%dma_wait3A_517, %dma_wait3A_525] : memref<32x128xf32, #tpu.memory_space<hbm>> -> memref<1x128xf32, #tpu.memory_space<hbm>>
      %dma_wait3A_527 = tpu.memref_squeeze %dma_wait3A_526 : memref<1x128xf32, #tpu.memory_space<hbm>> -> memref<128xf32, #tpu.memory_space<hbm>>
      tpu.wait_dma2 semaphore(%arg7 : memref<!tpu.dma_semaphore, #tpu.memory_space<semaphore_mem>>) src(%dma_wait3A_527 : memref<128xf32, #tpu.memory_space<hbm>>) dst(%dma_wait3A_524 : memref<128xf32, #tpu.memory_space<vmem>>)
      %dma_wait3A_528 = arith.constant 14 : i32
      %dma_wait3A_529 = arith.constant 14336 : i32
      %dma_wait3A_530 = tpu.memref_slice %arg5[%dma_wait3A_529] : memref<32768xf32, #tpu.memory_space<vmem>> -> memref<128xf32, #tpu.memory_space<vmem>>
      %dma_wait3A_531 = arith.constant 0 : i32
      %dma_wait3A_532 = tpu.memref_slice %arg3[%dma_wait3A_528, %dma_wait3A_531] : memref<32x128xf32, #tpu.memory_space<hbm>> -> memref<1x128xf32, #tpu.memory_space<hbm>>
      %dma_wait3A_533 = tpu.memref_squeeze %dma_wait3A_532 : memref<1x128xf32, #tpu.memory_space<hbm>> -> memref<128xf32, #tpu.memory_space<hbm>>
      %dma_wait3A_534 = arith.constant 14336 : i32
      %dma_wait3A_535 = tpu.memref_slice %arg5[%dma_wait3A_534] : memref<32768xf32, #tpu.memory_space<vmem>> -> memref<128xf32, #tpu.memory_space<vmem>>
      %dma_wait3A_536 = arith.constant 0 : i32
      %dma_wait3A_537 = tpu.memref_slice %arg3[%dma_wait3A_528, %dma_wait3A_536] : memref<32x128xf32, #tpu.memory_space<hbm>> -> memref<1x128xf32, #tpu.memory_space<hbm>>
      %dma_wait3A_538 = tpu.memref_squeeze %dma_wait3A_537 : memref<1x128xf32, #tpu.memory_space<hbm>> -> memref<128xf32, #tpu.memory_space<hbm>>
      tpu.wait_dma2 semaphore(%arg7 : memref<!tpu.dma_semaphore, #tpu.memory_space<semaphore_mem>>) src(%dma_wait3A_538 : memref<128xf32, #tpu.memory_space<hbm>>) dst(%dma_wait3A_535 : memref<128xf32, #tpu.memory_space<vmem>>)
      %dma_wait3A_539 = arith.constant 15 : i32
      %dma_wait3A_540 = arith.constant 15360 : i32
      %dma_wait3A_541 = tpu.memref_slice %arg5[%dma_wait3A_540] : memref<32768xf32, #tpu.memory_space<vmem>> -> memref<128xf32, #tpu.memory_space<vmem>>
      %dma_wait3A_542 = arith.constant 0 : i32
      %dma_wait3A_543 = tpu.memref_slice %arg3[%dma_wait3A_539, %dma_wait3A_542] : memref<32x128xf32, #tpu.memory_space<hbm>> -> memref<1x128xf32, #tpu.memory_space<hbm>>
      %dma_wait3A_544 = tpu.memref_squeeze %dma_wait3A_543 : memref<1x128xf32, #tpu.memory_space<hbm>> -> memref<128xf32, #tpu.memory_space<hbm>>
      %dma_wait3A_545 = arith.constant 15360 : i32
      %dma_wait3A_546 = tpu.memref_slice %arg5[%dma_wait3A_545] : memref<32768xf32, #tpu.memory_space<vmem>> -> memref<128xf32, #tpu.memory_space<vmem>>
      %dma_wait3A_547 = arith.constant 0 : i32
      %dma_wait3A_548 = tpu.memref_slice %arg3[%dma_wait3A_539, %dma_wait3A_547] : memref<32x128xf32, #tpu.memory_space<hbm>> -> memref<1x128xf32, #tpu.memory_space<hbm>>
      %dma_wait3A_549 = tpu.memref_squeeze %dma_wait3A_548 : memref<1x128xf32, #tpu.memory_space<hbm>> -> memref<128xf32, #tpu.memory_space<hbm>>
      tpu.wait_dma2 semaphore(%arg7 : memref<!tpu.dma_semaphore, #tpu.memory_space<semaphore_mem>>) src(%dma_wait3A_549 : memref<128xf32, #tpu.memory_space<hbm>>) dst(%dma_wait3A_546 : memref<128xf32, #tpu.memory_space<vmem>>)
      %dma_wait3A_550 = arith.constant 16 : i32
      %dma_wait3A_551 = arith.constant 16384 : i32
      %dma_wait3A_552 = tpu.memref_slice %arg5[%dma_wait3A_551] : memref<32768xf32, #tpu.memory_space<vmem>> -> memref<128xf32, #tpu.memory_space<vmem>>
      %dma_wait3A_553 = arith.constant 0 : i32
      %dma_wait3A_554 = tpu.memref_slice %arg3[%dma_wait3A_550, %dma_wait3A_553] : memref<32x128xf32, #tpu.memory_space<hbm>> -> memref<1x128xf32, #tpu.memory_space<hbm>>
      %dma_wait3A_555 = tpu.memref_squeeze %dma_wait3A_554 : memref<1x128xf32, #tpu.memory_space<hbm>> -> memref<128xf32, #tpu.memory_space<hbm>>
      %dma_wait3A_556 = arith.constant 16384 : i32
      %dma_wait3A_557 = tpu.memref_slice %arg5[%dma_wait3A_556] : memref<32768xf32, #tpu.memory_space<vmem>> -> memref<128xf32, #tpu.memory_space<vmem>>
      %dma_wait3A_558 = arith.constant 0 : i32
      %dma_wait3A_559 = tpu.memref_slice %arg3[%dma_wait3A_550, %dma_wait3A_558] : memref<32x128xf32, #tpu.memory_space<hbm>> -> memref<1x128xf32, #tpu.memory_space<hbm>>
      %dma_wait3A_560 = tpu.memref_squeeze %dma_wait3A_559 : memref<1x128xf32, #tpu.memory_space<hbm>> -> memref<128xf32, #tpu.memory_space<hbm>>
      tpu.wait_dma2 semaphore(%arg7 : memref<!tpu.dma_semaphore, #tpu.memory_space<semaphore_mem>>) src(%dma_wait3A_560 : memref<128xf32, #tpu.memory_space<hbm>>) dst(%dma_wait3A_557 : memref<128xf32, #tpu.memory_space<vmem>>)
      %dma_wait3A_561 = arith.constant 17 : i32
      %dma_wait3A_562 = arith.constant 17408 : i32
      %dma_wait3A_563 = tpu.memref_slice %arg5[%dma_wait3A_562] : memref<32768xf32, #tpu.memory_space<vmem>> -> memref<128xf32, #tpu.memory_space<vmem>>
      %dma_wait3A_564 = arith.constant 0 : i32
      %dma_wait3A_565 = tpu.memref_slice %arg3[%dma_wait3A_561, %dma_wait3A_564] : memref<32x128xf32, #tpu.memory_space<hbm>> -> memref<1x128xf32, #tpu.memory_space<hbm>>
      %dma_wait3A_566 = tpu.memref_squeeze %dma_wait3A_565 : memref<1x128xf32, #tpu.memory_space<hbm>> -> memref<128xf32, #tpu.memory_space<hbm>>
      %dma_wait3A_567 = arith.constant 17408 : i32
      %dma_wait3A_568 = tpu.memref_slice %arg5[%dma_wait3A_567] : memref<32768xf32, #tpu.memory_space<vmem>> -> memref<128xf32, #tpu.memory_space<vmem>>
      %dma_wait3A_569 = arith.constant 0 : i32
      %dma_wait3A_570 = tpu.memref_slice %arg3[%dma_wait3A_561, %dma_wait3A_569] : memref<32x128xf32, #tpu.memory_space<hbm>> -> memref<1x128xf32, #tpu.memory_space<hbm>>
      %dma_wait3A_571 = tpu.memref_squeeze %dma_wait3A_570 : memref<1x128xf32, #tpu.memory_space<hbm>> -> memref<128xf32, #tpu.memory_space<hbm>>
      tpu.wait_dma2 semaphore(%arg7 : memref<!tpu.dma_semaphore, #tpu.memory_space<semaphore_mem>>) src(%dma_wait3A_571 : memref<128xf32, #tpu.memory_space<hbm>>) dst(%dma_wait3A_568 : memref<128xf32, #tpu.memory_space<vmem>>)
      %dma_wait3A_572 = arith.constant 18 : i32
      %dma_wait3A_573 = arith.constant 18432 : i32
      %dma_wait3A_574 = tpu.memref_slice %arg5[%dma_wait3A_573] : memref<32768xf32, #tpu.memory_space<vmem>> -> memref<128xf32, #tpu.memory_space<vmem>>
      %dma_wait3A_575 = arith.constant 0 : i32
      %dma_wait3A_576 = tpu.memref_slice %arg3[%dma_wait3A_572, %dma_wait3A_575] : memref<32x128xf32, #tpu.memory_space<hbm>> -> memref<1x128xf32, #tpu.memory_space<hbm>>
      %dma_wait3A_577 = tpu.memref_squeeze %dma_wait3A_576 : memref<1x128xf32, #tpu.memory_space<hbm>> -> memref<128xf32, #tpu.memory_space<hbm>>
      %dma_wait3A_578 = arith.constant 18432 : i32
      %dma_wait3A_579 = tpu.memref_slice %arg5[%dma_wait3A_578] : memref<32768xf32, #tpu.memory_space<vmem>> -> memref<128xf32, #tpu.memory_space<vmem>>
      %dma_wait3A_580 = arith.constant 0 : i32
      %dma_wait3A_581 = tpu.memref_slice %arg3[%dma_wait3A_572, %dma_wait3A_580] : memref<32x128xf32, #tpu.memory_space<hbm>> -> memref<1x128xf32, #tpu.memory_space<hbm>>
      %dma_wait3A_582 = tpu.memref_squeeze %dma_wait3A_581 : memref<1x128xf32, #tpu.memory_space<hbm>> -> memref<128xf32, #tpu.memory_space<hbm>>
      tpu.wait_dma2 semaphore(%arg7 : memref<!tpu.dma_semaphore, #tpu.memory_space<semaphore_mem>>) src(%dma_wait3A_582 : memref<128xf32, #tpu.memory_space<hbm>>) dst(%dma_wait3A_579 : memref<128xf32, #tpu.memory_space<vmem>>)
      %dma_wait3A_583 = arith.constant 19 : i32
      %dma_wait3A_584 = arith.constant 19456 : i32
      %dma_wait3A_585 = tpu.memref_slice %arg5[%dma_wait3A_584] : memref<32768xf32, #tpu.memory_space<vmem>> -> memref<128xf32, #tpu.memory_space<vmem>>
      %dma_wait3A_586 = arith.constant 0 : i32
      %dma_wait3A_587 = tpu.memref_slice %arg3[%dma_wait3A_583, %dma_wait3A_586] : memref<32x128xf32, #tpu.memory_space<hbm>> -> memref<1x128xf32, #tpu.memory_space<hbm>>
      %dma_wait3A_588 = tpu.memref_squeeze %dma_wait3A_587 : memref<1x128xf32, #tpu.memory_space<hbm>> -> memref<128xf32, #tpu.memory_space<hbm>>
      %dma_wait3A_589 = arith.constant 19456 : i32
      %dma_wait3A_590 = tpu.memref_slice %arg5[%dma_wait3A_589] : memref<32768xf32, #tpu.memory_space<vmem>> -> memref<128xf32, #tpu.memory_space<vmem>>
      %dma_wait3A_591 = arith.constant 0 : i32
      %dma_wait3A_592 = tpu.memref_slice %arg3[%dma_wait3A_583, %dma_wait3A_591] : memref<32x128xf32, #tpu.memory_space<hbm>> -> memref<1x128xf32, #tpu.memory_space<hbm>>
      %dma_wait3A_593 = tpu.memref_squeeze %dma_wait3A_592 : memref<1x128xf32, #tpu.memory_space<hbm>> -> memref<128xf32, #tpu.memory_space<hbm>>
      tpu.wait_dma2 semaphore(%arg7 : memref<!tpu.dma_semaphore, #tpu.memory_space<semaphore_mem>>) src(%dma_wait3A_593 : memref<128xf32, #tpu.memory_space<hbm>>) dst(%dma_wait3A_590 : memref<128xf32, #tpu.memory_space<vmem>>)
      %dma_wait3A_594 = arith.constant 20 : i32
      %dma_wait3A_595 = arith.constant 20480 : i32
      %dma_wait3A_596 = tpu.memref_slice %arg5[%dma_wait3A_595] : memref<32768xf32, #tpu.memory_space<vmem>> -> memref<128xf32, #tpu.memory_space<vmem>>
      %dma_wait3A_597 = arith.constant 0 : i32
      %dma_wait3A_598 = tpu.memref_slice %arg3[%dma_wait3A_594, %dma_wait3A_597] : memref<32x128xf32, #tpu.memory_space<hbm>> -> memref<1x128xf32, #tpu.memory_space<hbm>>
      %dma_wait3A_599 = tpu.memref_squeeze %dma_wait3A_598 : memref<1x128xf32, #tpu.memory_space<hbm>> -> memref<128xf32, #tpu.memory_space<hbm>>
      %dma_wait3A_600 = arith.constant 20480 : i32
      %dma_wait3A_601 = tpu.memref_slice %arg5[%dma_wait3A_600] : memref<32768xf32, #tpu.memory_space<vmem>> -> memref<128xf32, #tpu.memory_space<vmem>>
      %dma_wait3A_602 = arith.constant 0 : i32
      %dma_wait3A_603 = tpu.memref_slice %arg3[%dma_wait3A_594, %dma_wait3A_602] : memref<32x128xf32, #tpu.memory_space<hbm>> -> memref<1x128xf32, #tpu.memory_space<hbm>>
      %dma_wait3A_604 = tpu.memref_squeeze %dma_wait3A_603 : memref<1x128xf32, #tpu.memory_space<hbm>> -> memref<128xf32, #tpu.memory_space<hbm>>
      tpu.wait_dma2 semaphore(%arg7 : memref<!tpu.dma_semaphore, #tpu.memory_space<semaphore_mem>>) src(%dma_wait3A_604 : memref<128xf32, #tpu.memory_space<hbm>>) dst(%dma_wait3A_601 : memref<128xf32, #tpu.memory_space<vmem>>)
      %dma_wait3A_605 = arith.constant 21 : i32
      %dma_wait3A_606 = arith.constant 21504 : i32
      %dma_wait3A_607 = tpu.memref_slice %arg5[%dma_wait3A_606] : memref<32768xf32, #tpu.memory_space<vmem>> -> memref<128xf32, #tpu.memory_space<vmem>>
      %dma_wait3A_608 = arith.constant 0 : i32
      %dma_wait3A_609 = tpu.memref_slice %arg3[%dma_wait3A_605, %dma_wait3A_608] : memref<32x128xf32, #tpu.memory_space<hbm>> -> memref<1x128xf32, #tpu.memory_space<hbm>>
      %dma_wait3A_610 = tpu.memref_squeeze %dma_wait3A_609 : memref<1x128xf32, #tpu.memory_space<hbm>> -> memref<128xf32, #tpu.memory_space<hbm>>
      %dma_wait3A_611 = arith.constant 21504 : i32
      %dma_wait3A_612 = tpu.memref_slice %arg5[%dma_wait3A_611] : memref<32768xf32, #tpu.memory_space<vmem>> -> memref<128xf32, #tpu.memory_space<vmem>>
      %dma_wait3A_613 = arith.constant 0 : i32
      %dma_wait3A_614 = tpu.memref_slice %arg3[%dma_wait3A_605, %dma_wait3A_613] : memref<32x128xf32, #tpu.memory_space<hbm>> -> memref<1x128xf32, #tpu.memory_space<hbm>>
      %dma_wait3A_615 = tpu.memref_squeeze %dma_wait3A_614 : memref<1x128xf32, #tpu.memory_space<hbm>> -> memref<128xf32, #tpu.memory_space<hbm>>
      tpu.wait_dma2 semaphore(%arg7 : memref<!tpu.dma_semaphore, #tpu.memory_space<semaphore_mem>>) src(%dma_wait3A_615 : memref<128xf32, #tpu.memory_space<hbm>>) dst(%dma_wait3A_612 : memref<128xf32, #tpu.memory_space<vmem>>)
      %dma_wait3A_616 = arith.constant 22 : i32
      %dma_wait3A_617 = arith.constant 22528 : i32
      %dma_wait3A_618 = tpu.memref_slice %arg5[%dma_wait3A_617] : memref<32768xf32, #tpu.memory_space<vmem>> -> memref<128xf32, #tpu.memory_space<vmem>>
      %dma_wait3A_619 = arith.constant 0 : i32
      %dma_wait3A_620 = tpu.memref_slice %arg3[%dma_wait3A_616, %dma_wait3A_619] : memref<32x128xf32, #tpu.memory_space<hbm>> -> memref<1x128xf32, #tpu.memory_space<hbm>>
      %dma_wait3A_621 = tpu.memref_squeeze %dma_wait3A_620 : memref<1x128xf32, #tpu.memory_space<hbm>> -> memref<128xf32, #tpu.memory_space<hbm>>
      %dma_wait3A_622 = arith.constant 22528 : i32
      %dma_wait3A_623 = tpu.memref_slice %arg5[%dma_wait3A_622] : memref<32768xf32, #tpu.memory_space<vmem>> -> memref<128xf32, #tpu.memory_space<vmem>>
      %dma_wait3A_624 = arith.constant 0 : i32
      %dma_wait3A_625 = tpu.memref_slice %arg3[%dma_wait3A_616, %dma_wait3A_624] : memref<32x128xf32, #tpu.memory_space<hbm>> -> memref<1x128xf32, #tpu.memory_space<hbm>>
      %dma_wait3A_626 = tpu.memref_squeeze %dma_wait3A_625 : memref<1x128xf32, #tpu.memory_space<hbm>> -> memref<128xf32, #tpu.memory_space<hbm>>
      tpu.wait_dma2 semaphore(%arg7 : memref<!tpu.dma_semaphore, #tpu.memory_space<semaphore_mem>>) src(%dma_wait3A_626 : memref<128xf32, #tpu.memory_space<hbm>>) dst(%dma_wait3A_623 : memref<128xf32, #tpu.memory_space<vmem>>)
      %dma_wait3A_627 = arith.constant 23 : i32
      %dma_wait3A_628 = arith.constant 23552 : i32
      %dma_wait3A_629 = tpu.memref_slice %arg5[%dma_wait3A_628] : memref<32768xf32, #tpu.memory_space<vmem>> -> memref<128xf32, #tpu.memory_space<vmem>>
      %dma_wait3A_630 = arith.constant 0 : i32
      %dma_wait3A_631 = tpu.memref_slice %arg3[%dma_wait3A_627, %dma_wait3A_630] : memref<32x128xf32, #tpu.memory_space<hbm>> -> memref<1x128xf32, #tpu.memory_space<hbm>>
      %dma_wait3A_632 = tpu.memref_squeeze %dma_wait3A_631 : memref<1x128xf32, #tpu.memory_space<hbm>> -> memref<128xf32, #tpu.memory_space<hbm>>
      %dma_wait3A_633 = arith.constant 23552 : i32
      %dma_wait3A_634 = tpu.memref_slice %arg5[%dma_wait3A_633] : memref<32768xf32, #tpu.memory_space<vmem>> -> memref<128xf32, #tpu.memory_space<vmem>>
      %dma_wait3A_635 = arith.constant 0 : i32
      %dma_wait3A_636 = tpu.memref_slice %arg3[%dma_wait3A_627, %dma_wait3A_635] : memref<32x128xf32, #tpu.memory_space<hbm>> -> memref<1x128xf32, #tpu.memory_space<hbm>>
      %dma_wait3A_637 = tpu.memref_squeeze %dma_wait3A_636 : memref<1x128xf32, #tpu.memory_space<hbm>> -> memref<128xf32, #tpu.memory_space<hbm>>
      tpu.wait_dma2 semaphore(%arg7 : memref<!tpu.dma_semaphore, #tpu.memory_space<semaphore_mem>>) src(%dma_wait3A_637 : memref<128xf32, #tpu.memory_space<hbm>>) dst(%dma_wait3A_634 : memref<128xf32, #tpu.memory_space<vmem>>)
      %dma_wait3A_638 = arith.constant 24 : i32
      %dma_wait3A_639 = arith.constant 24576 : i32
      %dma_wait3A_640 = tpu.memref_slice %arg5[%dma_wait3A_639] : memref<32768xf32, #tpu.memory_space<vmem>> -> memref<128xf32, #tpu.memory_space<vmem>>
      %dma_wait3A_641 = arith.constant 0 : i32
      %dma_wait3A_642 = tpu.memref_slice %arg3[%dma_wait3A_638, %dma_wait3A_641] : memref<32x128xf32, #tpu.memory_space<hbm>> -> memref<1x128xf32, #tpu.memory_space<hbm>>
      %dma_wait3A_643 = tpu.memref_squeeze %dma_wait3A_642 : memref<1x128xf32, #tpu.memory_space<hbm>> -> memref<128xf32, #tpu.memory_space<hbm>>
      %dma_wait3A_644 = arith.constant 24576 : i32
      %dma_wait3A_645 = tpu.memref_slice %arg5[%dma_wait3A_644] : memref<32768xf32, #tpu.memory_space<vmem>> -> memref<128xf32, #tpu.memory_space<vmem>>
      %dma_wait3A_646 = arith.constant 0 : i32
      %dma_wait3A_647 = tpu.memref_slice %arg3[%dma_wait3A_638, %dma_wait3A_646] : memref<32x128xf32, #tpu.memory_space<hbm>> -> memref<1x128xf32, #tpu.memory_space<hbm>>
      %dma_wait3A_648 = tpu.memref_squeeze %dma_wait3A_647 : memref<1x128xf32, #tpu.memory_space<hbm>> -> memref<128xf32, #tpu.memory_space<hbm>>
      tpu.wait_dma2 semaphore(%arg7 : memref<!tpu.dma_semaphore, #tpu.memory_space<semaphore_mem>>) src(%dma_wait3A_648 : memref<128xf32, #tpu.memory_space<hbm>>) dst(%dma_wait3A_645 : memref<128xf32, #tpu.memory_space<vmem>>)
      %dma_wait3A_649 = arith.constant 25 : i32
      %dma_wait3A_650 = arith.constant 25600 : i32
      %dma_wait3A_651 = tpu.memref_slice %arg5[%dma_wait3A_650] : memref<32768xf32, #tpu.memory_space<vmem>> -> memref<128xf32, #tpu.memory_space<vmem>>
      %dma_wait3A_652 = arith.constant 0 : i32
      %dma_wait3A_653 = tpu.memref_slice %arg3[%dma_wait3A_649, %dma_wait3A_652] : memref<32x128xf32, #tpu.memory_space<hbm>> -> memref<1x128xf32, #tpu.memory_space<hbm>>
      %dma_wait3A_654 = tpu.memref_squeeze %dma_wait3A_653 : memref<1x128xf32, #tpu.memory_space<hbm>> -> memref<128xf32, #tpu.memory_space<hbm>>
      %dma_wait3A_655 = arith.constant 25600 : i32
      %dma_wait3A_656 = tpu.memref_slice %arg5[%dma_wait3A_655] : memref<32768xf32, #tpu.memory_space<vmem>> -> memref<128xf32, #tpu.memory_space<vmem>>
      %dma_wait3A_657 = arith.constant 0 : i32
      %dma_wait3A_658 = tpu.memref_slice %arg3[%dma_wait3A_649, %dma_wait3A_657] : memref<32x128xf32, #tpu.memory_space<hbm>> -> memref<1x128xf32, #tpu.memory_space<hbm>>
      %dma_wait3A_659 = tpu.memref_squeeze %dma_wait3A_658 : memref<1x128xf32, #tpu.memory_space<hbm>> -> memref<128xf32, #tpu.memory_space<hbm>>
      tpu.wait_dma2 semaphore(%arg7 : memref<!tpu.dma_semaphore, #tpu.memory_space<semaphore_mem>>) src(%dma_wait3A_659 : memref<128xf32, #tpu.memory_space<hbm>>) dst(%dma_wait3A_656 : memref<128xf32, #tpu.memory_space<vmem>>)
      %dma_wait3A_660 = arith.constant 26 : i32
      %dma_wait3A_661 = arith.constant 26624 : i32
      %dma_wait3A_662 = tpu.memref_slice %arg5[%dma_wait3A_661] : memref<32768xf32, #tpu.memory_space<vmem>> -> memref<128xf32, #tpu.memory_space<vmem>>
      %dma_wait3A_663 = arith.constant 0 : i32
      %dma_wait3A_664 = tpu.memref_slice %arg3[%dma_wait3A_660, %dma_wait3A_663] : memref<32x128xf32, #tpu.memory_space<hbm>> -> memref<1x128xf32, #tpu.memory_space<hbm>>
      %dma_wait3A_665 = tpu.memref_squeeze %dma_wait3A_664 : memref<1x128xf32, #tpu.memory_space<hbm>> -> memref<128xf32, #tpu.memory_space<hbm>>
      %dma_wait3A_666 = arith.constant 26624 : i32
      %dma_wait3A_667 = tpu.memref_slice %arg5[%dma_wait3A_666] : memref<32768xf32, #tpu.memory_space<vmem>> -> memref<128xf32, #tpu.memory_space<vmem>>
      %dma_wait3A_668 = arith.constant 0 : i32
      %dma_wait3A_669 = tpu.memref_slice %arg3[%dma_wait3A_660, %dma_wait3A_668] : memref<32x128xf32, #tpu.memory_space<hbm>> -> memref<1x128xf32, #tpu.memory_space<hbm>>
      %dma_wait3A_670 = tpu.memref_squeeze %dma_wait3A_669 : memref<1x128xf32, #tpu.memory_space<hbm>> -> memref<128xf32, #tpu.memory_space<hbm>>
      tpu.wait_dma2 semaphore(%arg7 : memref<!tpu.dma_semaphore, #tpu.memory_space<semaphore_mem>>) src(%dma_wait3A_670 : memref<128xf32, #tpu.memory_space<hbm>>) dst(%dma_wait3A_667 : memref<128xf32, #tpu.memory_space<vmem>>)
      %dma_wait3A_671 = arith.constant 27 : i32
      %dma_wait3A_672 = arith.constant 27648 : i32
      %dma_wait3A_673 = tpu.memref_slice %arg5[%dma_wait3A_672] : memref<32768xf32, #tpu.memory_space<vmem>> -> memref<128xf32, #tpu.memory_space<vmem>>
      %dma_wait3A_674 = arith.constant 0 : i32
      %dma_wait3A_675 = tpu.memref_slice %arg3[%dma_wait3A_671, %dma_wait3A_674] : memref<32x128xf32, #tpu.memory_space<hbm>> -> memref<1x128xf32, #tpu.memory_space<hbm>>
      %dma_wait3A_676 = tpu.memref_squeeze %dma_wait3A_675 : memref<1x128xf32, #tpu.memory_space<hbm>> -> memref<128xf32, #tpu.memory_space<hbm>>
      %dma_wait3A_677 = arith.constant 27648 : i32
      %dma_wait3A_678 = tpu.memref_slice %arg5[%dma_wait3A_677] : memref<32768xf32, #tpu.memory_space<vmem>> -> memref<128xf32, #tpu.memory_space<vmem>>
      %dma_wait3A_679 = arith.constant 0 : i32
      %dma_wait3A_680 = tpu.memref_slice %arg3[%dma_wait3A_671, %dma_wait3A_679] : memref<32x128xf32, #tpu.memory_space<hbm>> -> memref<1x128xf32, #tpu.memory_space<hbm>>
      %dma_wait3A_681 = tpu.memref_squeeze %dma_wait3A_680 : memref<1x128xf32, #tpu.memory_space<hbm>> -> memref<128xf32, #tpu.memory_space<hbm>>
      tpu.wait_dma2 semaphore(%arg7 : memref<!tpu.dma_semaphore, #tpu.memory_space<semaphore_mem>>) src(%dma_wait3A_681 : memref<128xf32, #tpu.memory_space<hbm>>) dst(%dma_wait3A_678 : memref<128xf32, #tpu.memory_space<vmem>>)
      %dma_wait3A_682 = arith.constant 28 : i32
      %dma_wait3A_683 = arith.constant 28672 : i32
      %dma_wait3A_684 = tpu.memref_slice %arg5[%dma_wait3A_683] : memref<32768xf32, #tpu.memory_space<vmem>> -> memref<128xf32, #tpu.memory_space<vmem>>
      %dma_wait3A_685 = arith.constant 0 : i32
      %dma_wait3A_686 = tpu.memref_slice %arg3[%dma_wait3A_682, %dma_wait3A_685] : memref<32x128xf32, #tpu.memory_space<hbm>> -> memref<1x128xf32, #tpu.memory_space<hbm>>
      %dma_wait3A_687 = tpu.memref_squeeze %dma_wait3A_686 : memref<1x128xf32, #tpu.memory_space<hbm>> -> memref<128xf32, #tpu.memory_space<hbm>>
      %dma_wait3A_688 = arith.constant 28672 : i32
      %dma_wait3A_689 = tpu.memref_slice %arg5[%dma_wait3A_688] : memref<32768xf32, #tpu.memory_space<vmem>> -> memref<128xf32, #tpu.memory_space<vmem>>
      %dma_wait3A_690 = arith.constant 0 : i32
      %dma_wait3A_691 = tpu.memref_slice %arg3[%dma_wait3A_682, %dma_wait3A_690] : memref<32x128xf32, #tpu.memory_space<hbm>> -> memref<1x128xf32, #tpu.memory_space<hbm>>
      %dma_wait3A_692 = tpu.memref_squeeze %dma_wait3A_691 : memref<1x128xf32, #tpu.memory_space<hbm>> -> memref<128xf32, #tpu.memory_space<hbm>>
      tpu.wait_dma2 semaphore(%arg7 : memref<!tpu.dma_semaphore, #tpu.memory_space<semaphore_mem>>) src(%dma_wait3A_692 : memref<128xf32, #tpu.memory_space<hbm>>) dst(%dma_wait3A_689 : memref<128xf32, #tpu.memory_space<vmem>>)
      %dma_wait3A_693 = arith.constant 29 : i32
      %dma_wait3A_694 = arith.constant 29696 : i32
      %dma_wait3A_695 = tpu.memref_slice %arg5[%dma_wait3A_694] : memref<32768xf32, #tpu.memory_space<vmem>> -> memref<128xf32, #tpu.memory_space<vmem>>
      %dma_wait3A_696 = arith.constant 0 : i32
      %dma_wait3A_697 = tpu.memref_slice %arg3[%dma_wait3A_693, %dma_wait3A_696] : memref<32x128xf32, #tpu.memory_space<hbm>> -> memref<1x128xf32, #tpu.memory_space<hbm>>
      %dma_wait3A_698 = tpu.memref_squeeze %dma_wait3A_697 : memref<1x128xf32, #tpu.memory_space<hbm>> -> memref<128xf32, #tpu.memory_space<hbm>>
      %dma_wait3A_699 = arith.constant 29696 : i32
      %dma_wait3A_700 = tpu.memref_slice %arg5[%dma_wait3A_699] : memref<32768xf32, #tpu.memory_space<vmem>> -> memref<128xf32, #tpu.memory_space<vmem>>
      %dma_wait3A_701 = arith.constant 0 : i32
      %dma_wait3A_702 = tpu.memref_slice %arg3[%dma_wait3A_693, %dma_wait3A_701] : memref<32x128xf32, #tpu.memory_space<hbm>> -> memref<1x128xf32, #tpu.memory_space<hbm>>
      %dma_wait3A_703 = tpu.memref_squeeze %dma_wait3A_702 : memref<1x128xf32, #tpu.memory_space<hbm>> -> memref<128xf32, #tpu.memory_space<hbm>>
      tpu.wait_dma2 semaphore(%arg7 : memref<!tpu.dma_semaphore, #tpu.memory_space<semaphore_mem>>) src(%dma_wait3A_703 : memref<128xf32, #tpu.memory_space<hbm>>) dst(%dma_wait3A_700 : memref<128xf32, #tpu.memory_space<vmem>>)
      %dma_wait3A_704 = arith.constant 30 : i32
      %dma_wait3A_705 = arith.constant 30720 : i32
      %dma_wait3A_706 = tpu.memref_slice %arg5[%dma_wait3A_705] : memref<32768xf32, #tpu.memory_space<vmem>> -> memref<128xf32, #tpu.memory_space<vmem>>
      %dma_wait3A_707 = arith.constant 0 : i32
      %dma_wait3A_708 = tpu.memref_slice %arg3[%dma_wait3A_704, %dma_wait3A_707] : memref<32x128xf32, #tpu.memory_space<hbm>> -> memref<1x128xf32, #tpu.memory_space<hbm>>
      %dma_wait3A_709 = tpu.memref_squeeze %dma_wait3A_708 : memref<1x128xf32, #tpu.memory_space<hbm>> -> memref<128xf32, #tpu.memory_space<hbm>>
      %dma_wait3A_710 = arith.constant 30720 : i32
      %dma_wait3A_711 = tpu.memref_slice %arg5[%dma_wait3A_710] : memref<32768xf32, #tpu.memory_space<vmem>> -> memref<128xf32, #tpu.memory_space<vmem>>
      %dma_wait3A_712 = arith.constant 0 : i32
      %dma_wait3A_713 = tpu.memref_slice %arg3[%dma_wait3A_704, %dma_wait3A_712] : memref<32x128xf32, #tpu.memory_space<hbm>> -> memref<1x128xf32, #tpu.memory_space<hbm>>
      %dma_wait3A_714 = tpu.memref_squeeze %dma_wait3A_713 : memref<1x128xf32, #tpu.memory_space<hbm>> -> memref<128xf32, #tpu.memory_space<hbm>>
      tpu.wait_dma2 semaphore(%arg7 : memref<!tpu.dma_semaphore, #tpu.memory_space<semaphore_mem>>) src(%dma_wait3A_714 : memref<128xf32, #tpu.memory_space<hbm>>) dst(%dma_wait3A_711 : memref<128xf32, #tpu.memory_space<vmem>>)
      %dma_wait3A_715 = arith.constant 31 : i32
      %dma_wait3A_716 = arith.constant 31744 : i32
      %dma_wait3A_717 = tpu.memref_slice %arg5[%dma_wait3A_716] : memref<32768xf32, #tpu.memory_space<vmem>> -> memref<128xf32, #tpu.memory_space<vmem>>
      %dma_wait3A_718 = arith.constant 0 : i32
      %dma_wait3A_719 = tpu.memref_slice %arg3[%dma_wait3A_715, %dma_wait3A_718] : memref<32x128xf32, #tpu.memory_space<hbm>> -> memref<1x128xf32, #tpu.memory_space<hbm>>
      %dma_wait3A_720 = tpu.memref_squeeze %dma_wait3A_719 : memref<1x128xf32, #tpu.memory_space<hbm>> -> memref<128xf32, #tpu.memory_space<hbm>>
      %dma_wait3A_721 = arith.constant 31744 : i32
      %dma_wait3A_722 = tpu.memref_slice %arg5[%dma_wait3A_721] : memref<32768xf32, #tpu.memory_space<vmem>> -> memref<128xf32, #tpu.memory_space<vmem>>
      %dma_wait3A_723 = arith.constant 0 : i32
      %dma_wait3A_724 = tpu.memref_slice %arg3[%dma_wait3A_715, %dma_wait3A_723] : memref<32x128xf32, #tpu.memory_space<hbm>> -> memref<1x128xf32, #tpu.memory_space<hbm>>
      %dma_wait3A_725 = tpu.memref_squeeze %dma_wait3A_724 : memref<1x128xf32, #tpu.memory_space<hbm>> -> memref<128xf32, #tpu.memory_space<hbm>>
      tpu.wait_dma2 semaphore(%arg7 : memref<!tpu.dma_semaphore, #tpu.memory_space<semaphore_mem>>) src(%dma_wait3A_725 : memref<128xf32, #tpu.memory_space<hbm>>) dst(%dma_wait3A_722 : memref<128xf32, #tpu.memory_space<vmem>>)
      %scan3A_726 = arith.constant 0 : i32
      %scan3A_727 = arith.constant 0 : i32
      %scan3A_728 = arith.constant 32 : i32
      %scan3A_729 = arith.addi %scan3A_727, %scan3A_728 : i32
      %scan3A_730 = arith.constant 4 : i32
      scf.for %scan3A_732 = %scan3A_727 to %scan3A_729 step %scan3A_730  : i32 {
        %add3A_733 = vector.broadcast %scan3A_732 : i32 to vector<16xi32>
        %add3A_734 = arith.addi %mul3A_3, %add3A_733 : vector<16xi32>
        %gather3A = tpu.vector_load_idx %arg5[%add3A_734] : memref<32768xf32, #tpu.memory_space<vmem>>[vector<16xi32>], vector<16xf32>,
        %add3A_735 = vector.broadcast %scan3A_732 : i32 to vector<16xi32>
        %add3A_736 = arith.addi %add3A_6, %add3A_735 : vector<16xi32>
        %gather3A_737 = tpu.vector_load_idx %arg5[%add3A_736] : memref<32768xf32, #tpu.memory_space<vmem>>[vector<16xi32>], vector<16xf32>,
        %mul3A_738 = arith.constant 32 : i32
        %mul3A_739 = arith.muli %scan3A_732, %mul3A_738 : i32
        %swap3A = arith.index_cast %mul3A_739 : i32 to index
        %swap3A_740 = tpu.vector_load %arg6[%swap3A] {strides = array<i32>} : memref<32768xf32, #tpu.memory_space<vmem>>, vector<16xf32>,
        tpu.vector_store %arg6[%swap3A], %gather3A {strides = array<i32>} : memref<32768xf32, #tpu.memory_space<vmem>>, vector<16xf32>,
        %mul3A_741 = arith.constant 32 : i32
        %mul3A_742 = arith.muli %scan3A_732, %mul3A_741 : i32
        %add3A_743 = arith.constant 16 : i32
        %add3A_744 = arith.addi %mul3A_742, %add3A_743 : i32
        %swap3A_745 = arith.index_cast %add3A_744 : i32 to index
        %swap3A_746 = tpu.vector_load %arg6[%swap3A_745] {strides = array<i32>} : memref<32768xf32, #tpu.memory_space<vmem>>, vector<16xf32>,
        tpu.vector_store %arg6[%swap3A_745], %gather3A_737 {strides = array<i32>} : memref<32768xf32, #tpu.memory_space<vmem>>, vector<16xf32>,
        %scan3A_747 = arith.constant 1 : i32
        %scan3A_748 = arith.addi %scan3A_732, %scan3A_747 : i32
        %add3A_749 = vector.broadcast %scan3A_748 : i32 to vector<16xi32>
        %add3A_750 = arith.addi %mul3A_3, %add3A_749 : vector<16xi32>
        %gather3A_751 = tpu.vector_load_idx %arg5[%add3A_750] : memref<32768xf32, #tpu.memory_space<vmem>>[vector<16xi32>], vector<16xf32>,
        %add3A_752 = vector.broadcast %scan3A_748 : i32 to vector<16xi32>
        %add3A_753 = arith.addi %add3A_6, %add3A_752 : vector<16xi32>
        %gather3A_754 = tpu.vector_load_idx %arg5[%add3A_753] : memref<32768xf32, #tpu.memory_space<vmem>>[vector<16xi32>], vector<16xf32>,
        %mul3A_755 = arith.constant 32 : i32
        %mul3A_756 = arith.muli %scan3A_748, %mul3A_755 : i32
        %swap3A_757 = arith.index_cast %mul3A_756 : i32 to index
        %swap3A_758 = tpu.vector_load %arg6[%swap3A_757] {strides = array<i32>} : memref<32768xf32, #tpu.memory_space<vmem>>, vector<16xf32>,
        tpu.vector_store %arg6[%swap3A_757], %gather3A_751 {strides = array<i32>} : memref<32768xf32, #tpu.memory_space<vmem>>, vector<16xf32>,
        %mul3A_759 = arith.constant 32 : i32
        %mul3A_760 = arith.muli %scan3A_748, %mul3A_759 : i32
        %add3A_761 = arith.constant 16 : i32
        %add3A_762 = arith.addi %mul3A_760, %add3A_761 : i32
        %swap3A_763 = arith.index_cast %add3A_762 : i32 to index
        %swap3A_764 = tpu.vector_load %arg6[%swap3A_763] {strides = array<i32>} : memref<32768xf32, #tpu.memory_space<vmem>>, vector<16xf32>,
        tpu.vector_store %arg6[%swap3A_763], %gather3A_754 {strides = array<i32>} : memref<32768xf32, #tpu.memory_space<vmem>>, vector<16xf32>,
        %scan3A_765 = arith.constant 2 : i32
        %scan3A_766 = arith.addi %scan3A_732, %scan3A_765 : i32
        %add3A_767 = vector.broadcast %scan3A_766 : i32 to vector<16xi32>
        %add3A_768 = arith.addi %mul3A_3, %add3A_767 : vector<16xi32>
        %gather3A_769 = tpu.vector_load_idx %arg5[%add3A_768] : memref<32768xf32, #tpu.memory_space<vmem>>[vector<16xi32>], vector<16xf32>,
        %add3A_770 = vector.broadcast %scan3A_766 : i32 to vector<16xi32>
        %add3A_771 = arith.addi %add3A_6, %add3A_770 : vector<16xi32>
        %gather3A_772 = tpu.vector_load_idx %arg5[%add3A_771] : memref<32768xf32, #tpu.memory_space<vmem>>[vector<16xi32>], vector<16xf32>,
        %mul3A_773 = arith.constant 32 : i32
        %mul3A_774 = arith.muli %scan3A_766, %mul3A_773 : i32
        %swap3A_775 = arith.index_cast %mul3A_774 : i32 to index
        %swap3A_776 = tpu.vector_load %arg6[%swap3A_775] {strides = array<i32>} : memref<32768xf32, #tpu.memory_space<vmem>>, vector<16xf32>,
        tpu.vector_store %arg6[%swap3A_775], %gather3A_769 {strides = array<i32>} : memref<32768xf32, #tpu.memory_space<vmem>>, vector<16xf32>,
        %mul3A_777 = arith.constant 32 : i32
        %mul3A_778 = arith.muli %scan3A_766, %mul3A_777 : i32
        %add3A_779 = arith.constant 16 : i32
        %add3A_780 = arith.addi %mul3A_778, %add3A_779 : i32
        %swap3A_781 = arith.index_cast %add3A_780 : i32 to index
        %swap3A_782 = tpu.vector_load %arg6[%swap3A_781] {strides = array<i32>} : memref<32768xf32, #tpu.memory_space<vmem>>, vector<16xf32>,
        tpu.vector_store %arg6[%swap3A_781], %gather3A_772 {strides = array<i32>} : memref<32768xf32, #tpu.memory_space<vmem>>, vector<16xf32>,
        %scan3A_783 = arith.constant 3 : i32
        %scan3A_784 = arith.addi %scan3A_732, %scan3A_783 : i32
        %add3A_785 = vector.broadcast %scan3A_784 : i32 to vector<16xi32>
        %add3A_786 = arith.addi %mul3A_3, %add3A_785 : vector<16xi32>
        %gather3A_787 = tpu.vector_load_idx %arg5[%add3A_786] : memref<32768xf32, #tpu.memory_space<vmem>>[vector<16xi32>], vector<16xf32>,
        %add3A_788 = vector.broadcast %scan3A_784 : i32 to vector<16xi32>
        %add3A_789 = arith.addi %add3A_6, %add3A_788 : vector<16xi32>
        %gather3A_790 = tpu.vector_load_idx %arg5[%add3A_789] : memref<32768xf32, #tpu.memory_space<vmem>>[vector<16xi32>], vector<16xf32>,
        %mul3A_791 = arith.constant 32 : i32
        %mul3A_792 = arith.muli %scan3A_784, %mul3A_791 : i32
        %swap3A_793 = arith.index_cast %mul3A_792 : i32 to index
        %swap3A_794 = tpu.vector_load %arg6[%swap3A_793] {strides = array<i32>} : memref<32768xf32, #tpu.memory_space<vmem>>, vector<16xf32>,
        tpu.vector_store %arg6[%swap3A_793], %gather3A_787 {strides = array<i32>} : memref<32768xf32, #tpu.memory_space<vmem>>, vector<16xf32>,
        %mul3A_795 = arith.constant 32 : i32
        %mul3A_796 = arith.muli %scan3A_784, %mul3A_795 : i32
        %add3A_797 = arith.constant 16 : i32
        %add3A_798 = arith.addi %mul3A_796, %add3A_797 : i32
        %swap3A_799 = arith.index_cast %add3A_798 : i32 to index
        %swap3A_800 = tpu.vector_load %arg6[%swap3A_799] {strides = array<i32>} : memref<32768xf32, #tpu.memory_space<vmem>>, vector<16xf32>,
        tpu.vector_store %arg6[%swap3A_799], %gather3A_790 {strides = array<i32>} : memref<32768xf32, #tpu.memory_space<vmem>>, vector<16xf32>,
      }
      %scan3A_731 = arith.constant 32 : i32
      "tpu.region"() ({
        %run_scoped3A = tpu.sem_alloc : memref<!tpu.dma_semaphore, #tpu.memory_space<semaphore_mem>>
        %dma_start3A_732 = arith.constant 0 : i32
        %dma_start3A_733 = tpu.memref_slice %arg6[%dma_start3A_732] : memref<32768xf32, #tpu.memory_space<vmem>> -> memref<1024xf32, #tpu.memory_space<vmem>>
        %dma_start3A_734 = arith.constant 15998976 : i32
        %dma_start3A_735 = tpu.memref_slice %arg4[%dma_start3A_734] : memref<16000000xf32, #tpu.memory_space<hbm>> -> memref<1024xf32, #tpu.memory_space<hbm>>
        %dma_start3A_736 = arith.constant 15998976 : i32
        %dma_start3A_737 = tpu.memref_slice %arg4[%dma_start3A_736] : memref<16000000xf32, #tpu.memory_space<hbm>> -> memref<1024xf32, #tpu.memory_space<hbm>>
        %dma_start3A_738 = arith.constant 0 : i32
        %dma_start3A_739 = tpu.memref_slice %arg6[%dma_start3A_738] : memref<32768xf32, #tpu.memory_space<vmem>> -> memref<1024xf32, #tpu.memory_space<vmem>>
        tpu.enqueue_dma source(%dma_start3A_739 : memref<1024xf32, #tpu.memory_space<vmem>>) target(%dma_start3A_737 : memref<1024xf32, #tpu.memory_space<hbm>>) target_semaphore(%run_scoped3A : memref<!tpu.dma_semaphore, #tpu.memory_space<semaphore_mem>>)
        %dma_wait3A_740 = arith.constant 0 : i32
        %dma_wait3A_741 = tpu.memref_slice %arg6[%dma_wait3A_740] : memref<32768xf32, #tpu.memory_space<vmem>> -> memref<1024xf32, #tpu.memory_space<vmem>>
        %dma_wait3A_742 = arith.constant 15998976 : i32
        %dma_wait3A_743 = tpu.memref_slice %arg4[%dma_wait3A_742] : memref<16000000xf32, #tpu.memory_space<hbm>> -> memref<1024xf32, #tpu.memory_space<hbm>>
        %dma_wait3A_744 = arith.constant 15998976 : i32
        %dma_wait3A_745 = tpu.memref_slice %arg4[%dma_wait3A_744] : memref<16000000xf32, #tpu.memory_space<hbm>> -> memref<1024xf32, #tpu.memory_space<hbm>>
        %dma_wait3A_746 = arith.constant 0 : i32
        %dma_wait3A_747 = tpu.memref_slice %arg6[%dma_wait3A_746] : memref<32768xf32, #tpu.memory_space<vmem>> -> memref<1024xf32, #tpu.memory_space<vmem>>
        tpu.wait_dma2 semaphore(%run_scoped3A : memref<!tpu.dma_semaphore, #tpu.memory_space<semaphore_mem>>) src(%dma_wait3A_747 : memref<1024xf32, #tpu.memory_space<vmem>>) dst(%dma_wait3A_745 : memref<1024xf32, #tpu.memory_space<hbm>>)
        tpu.yield
      }) : () -> ()
    } else {
    }
    return
  }
}

</mosaic_0001>

<sc_bundles>
// kernel: _sc_transpose.3.cloned.1.call-start
scs
__scs_entry_jumppad:
0x0: {  	(pc) =	sbr.rel $0x88, $3  }
0x1: {  	(tag) =	ssettag $0x0;
	lr =	simm.s32 $0x1  }
0x2: {  	[smem:$0x3F9F] =	sst lr;
	_ =	strace $0xD0000000  }
0x3: {  	_ = 	snop  }
0x4: {  	_ = 	snop  }
0x5: {  	_ = 	snop  }
0x6: {  	_ = 	snop  }
0x7: {  	_ = 	snop  }
__scs_overlays_trampoline_lowered:
0x8: {  	[smem:$0x3FAE] =	sst s0  }
0x9: {  	[smem:$0x3FAF] =	sst s1  }
0xa: {  	[smem:$0x3FB0] =	sst s2  }
0xb: {  	[smem:$0x3FB1] =	sst s3  }
0xc: {  	[smem:$0x3FB2] =	sst s4  }
0xd: {  	[smem:$0x3FB3] =	sst s5  }
0xe: {  	[smem:$0x3FB4] =	sst s6  }
0xf: {  	[smem:$0x3FB5] =	sst s7  }
0x10: {  	[smem:$0x3FB6] =	sst s8  }
0x11: {  	[smem:$0x3FB7] =	sst s9;
	s0 =	simm.s32 @!p0 $0x0  }
0x12: {  	s1 =	sld [smem:$0x3F9D];
	s0 =	simm.s32 @p0 $0x1  }
0x13: {  	[smem:$0x3FB8] =	sst s0;
	s0 =	simm.s32 @!p1 $0x0  }
0x14: {  	s2 =	sld [smem:$0x3F9C];
	s0 =	simm.s32 @p1 $0x1  }
0x15: {  	[smem:$0x3FB9] =	sst s0;
	s0 =	simm.s32 @!p2 $0x0  }
0x16: {  	s3 =	sld [smem:$0x3FDB];
	s0 =	simm.s32 @p2 $0x1  }
0x17: {  	s4 =	simm.s32 $0x1BF5;
	[smem:$0x3FBB] =	sst s0  }
0x18: {  	s0 =	sld [smem:$0x3F9E];
	_ =	swait.ge [sflag:s4], $0x0  }
0x19: {  	s7 =	sld [smem:$0x3F9F]  }
0x1a: {  	s8 =	sadd.s32 $0xFFFFE003, lr  }
0x1b: {  	s9 =	sadd.s32 $0xFFFFFEF7, lr;
	s5 =	simm.s32 $0xFFFFFFFF;
	p2 =	slt.u32 s8, $0xFFFFF086  }
0x1c: {  	p1 =	slt.u32 s9, $0xF7A;
	s5 =	simm.s32 @!p2 $0x0  }
0x1d: {  	s5 =	simm.s32 @p1 $0x1;
	p0 =	seq.s32 s7, s2  }
0x1e: {  	s7 =	smul.u32 @!p0 $0xF7A, s2;
	p2 =	seq.s32 @!p0 s5, $0x0  }
0x1f: {  	s9 =	smul.u32 $0xF7A, s1;
	s8 =	simm.s32 @!p0 $0x1BF5;
	p2 =	por !p2, p0  }
0x20: {  	[sflag:s8] =	ssyncset.s32 @!p0 $0xFFFFF086;
	s6 =	sadd.s32 @!p0 s3, s7;
	s7 =	simm.s32 @!p0 $0x108  }
0x21: {  	s3 =	sadd.s32 s3, s9;
	s6 =	sadd.s32 @!p0 $0x88, s6;
	s7 =	simm.s32 @p2 $0x1082  }
0x22: {  	[simem:s7], [sflag:s8] =	dma.local @!p0 [hbm:s6], $0xF7A  }
0x23: {  	s9 =	sor.u32 $0xD0000000, s2;
	s6 =	simm.s32 $0x108;
	_ =	swait.ge @!p0 [sflag:s8], $0x0  }
0x24: {  	s3 =	sadd.s32 $0x88, s3;
	s6 =	simm.s32 @!p1 $0x1082;
	[sflag:s4] =	ssyncset.s32 $0xFFFFF086  }
0x25: {  	[simem:s6], [sflag:s4] =	dma.local [hbm:s3], $0xF7A  }
0x26: {  	[smem:$0x3F9F] =	sst s1;
	(tag) =	ssettag s2;
	_ =	strace s9  }
0x27: {  	s1 =	sld [smem:$0x3FAF]  }
0x28: {  	s2 =	sld [smem:$0x3FB0]  }
0x29: {  	s4 =	sld [smem:$0x3FB2]  }
0x2a: {  	p0 =	seq.s32 s5, $0x0;
	s5 =	sld [smem:$0x3FB3]  }
0x2b: {  	s6 =	sld [smem:$0x3FB4]  }
0x2c: {  	s7 =	sld [smem:$0x3FB5]  }
0x2d: {  	s3 =	simm.s32 $0x108;
	s8 =	sld [smem:$0x3FB6]  }
0x2e: {  	s3 =	simm.s32 @!p0 $0x1082;
	s9 =	sld [smem:$0x3FB7]  }
0x2f: {  	lr =	sadd.s32 s0, s3;
	s0 =	sld [smem:$0x3FAE]  }
0x30: {  	s3 =	sld [smem:$0x3FB1]  }
0x31: {  	[smem:$0x3FBA] =	sst s10  }
0x32: {  	s10 =	sld [smem:$0x3FB8];
	_ =	sdelay $0x3  }
0x33: {  	p0 =	seq.s32 s10, $0x1;
	s10 =	sld [smem:$0x3FBA];
	_ =	sdelay $0x3  }
0x34: {  	[smem:$0x3FBA] =	sst s10  }
0x35: {  	s10 =	sld [smem:$0x3FB9];
	_ =	sdelay $0x3  }
0x36: {  	p1 =	seq.s32 s10, $0x1;
	s10 =	sld [smem:$0x3FBA];
	_ =	sdelay $0x3  }
0x37: {  	[smem:$0x3FBA] =	sst s10  }
0x38: {  	s10 =	sld [smem:$0x3FBB]  }
0x39: {  	_ = 	snop;
	(pc) =	sbr.ind lr, $3  }
0x3a: {  	_ = 	snop  }
0x3b: {  	_ = 	snop  }
0x3c: {  	p2 =	seq.s32 s10, $0x1;
	s10 =	sld [smem:$0x3FBA]  }
0x3d: {  	_ =	shalt  }
0x3e: {  	_ =	shalt  }
0x3f: {  	_ =	shalt  }
0x40: {  	_ =	shalt  }
0x41: {  	_ =	shalt  }
0x42: {  	_ =	shalt  }
0x43: {  	_ =	shalt  }
0x44: {  	_ =	shalt  }
0x45: {  	_ =	shalt  }
0x46: {  	_ =	shalt  }
0x47: {  	_ =	shalt  }
0x48: {  	_ =	shalt  }
0x49: {  	_ =	shalt  }
0x4a: {  	_ =	shalt  }
0x4b: {  	_ =	shalt  }
0x4c: {  	_ =	shalt  }
0x4d: {  	_ =	shalt  }
0x4e: {  	_ =	shalt  }
0x4f: {  	_ =	shalt  }
0x50: {  	_ =	shalt  }
0x51: {  	_ =	shalt  }
0x52: {  	_ =	shalt  }
0x53: {  	_ =	shalt  }
0x54: {  	_ =	shalt  }
0x55: {  	_ =	shalt  }
0x56: {  	_ =	shalt  }
0x57: {  	_ =	shalt  }
0x58: {  	_ =	shalt  }
0x59: {  	_ =	shalt  }
0x5a: {  	_ =	shalt  }
0x5b: {  	_ =	shalt  }
0x5c: {  	_ =	shalt  }
0x5d: {  	_ =	shalt  }
0x5e: {  	_ =	shalt  }
0x5f: {  	_ =	shalt  }
0x60: {  	_ =	shalt  }
0x61: {  	_ =	shalt  }
0x62: {  	_ =	shalt  }
0x63: {  	_ =	shalt  }
0x64: {  	_ =	shalt  }
0x65: {  	_ =	shalt  }
0x66: {  	_ =	shalt  }
0x67: {  	_ =	shalt  }
0x68: {  	_ =	shalt  }
0x69: {  	_ =	shalt  }
0x6a: {  	_ =	shalt  }
0x6b: {  	_ =	shalt  }
0x6c: {  	_ =	shalt  }
0x6d: {  	_ =	shalt  }
0x6e: {  	_ =	shalt  }
0x6f: {  	_ =	shalt  }
0x70: {  	_ =	shalt  }
0x71: {  	_ =	shalt  }
0x72: {  	_ =	shalt  }
0x73: {  	_ =	shalt  }
0x74: {  	_ =	shalt  }
0x75: {  	_ =	shalt  }
0x76: {  	_ =	shalt  }
0x77: {  	_ =	shalt  }
0x78: {  	_ =	shalt  }
0x79: {  	_ =	shalt  }
0x7a: {  	_ =	shalt  }
0x7b: {  	_ =	shalt  }
0x7c: {  	_ =	shalt  }
0x7d: {  	_ =	shalt  }
0x7e: {  	_ =	shalt  }
0x7f: {  	_ =	shalt  }
0x80: {  	_ =	shalt  }
0x81: {  	_ =	shalt  }
0x82: {  	_ =	shalt  }
0x83: {  	_ =	shalt  }
0x84: {  	_ =	shalt  }
0x85: {  	_ =	shalt  }
0x86: {  	_ =	shalt  }
0x87: {  	_ =	shalt  }
.Lfunc_end0:
.L_simem_size_0:
called_computation_lowered:
.L_overlay_start_0:
0x88: {  	s2 =	sld [smem:$0x3FD9]  }
0x89: {  	s3 =	sld [smem:$0x3FFE];
	_ =	sdelay $0x1  }
0x8a: {  	s1 =	srdreg.scid  }
0x8b: {  	s0 =	sand.u32 $0x1, s1  }
0x8c: {  	s18 =	sshll.u32 s0, $0xA;
	s2 =	sadd.s32 s3, s2  }
0x8d: {  	s2 =	sadd.s32 s2, s18  }
0x8e: {  	[smem:$0x3FC6] =	sst s2  }
0x8f: {  	_ = 	snop  }
0x90: {  	s2 =	sld [smem:$0x3FC9]  }
0x91: {  	s19 =	sld [smem:$0x3FC8]  }
0x92: {  	s4 =	sld [smem:$0x3FD0];
	(tm) =	ssettm $0x1  }
0x93: {  	s5 =	sld [smem:$0x3FFB];
	_ =	sdelay $0x3  }
0x94: {  	_ =	strace s5  }
0x95: {  	s5 =	sld [smem:$0x3FFC];
	_ =	sdelay $0x3  }
0x96: {  	_ =	strace s5  }
0x97: {  	s5 =	sld [smem:$0x3FFD];
	_ =	sdelay $0x3  }
0x98: {  	_ =	strace s5  }
0x99: {  	_ =	strace $0x8FFFFFFF  }
0x9a: {  	s20 =	sld [smem:$0x3FDB];
	_ =	sdelay $0x1  }
0x9b: {  	s6 =	simm.s32 $_scs_section_size  }
0x9c: {  	s7 =	simm.s32 $_size__tile_overlayer_lowered;
	s8 =	simm.s32 $_tile_overlayer_lowered  }
0x9d: {  	s23 =	simm.s32 $0x1BFF;
	s22 =	sshll.u32 s8, $0x1;
	s5 =	sadd.s32 s6, s20  }
0x9e: {  	s9 =	simm.s32 $0x0;
	s21 =	sshll.u32 s7, $0x1;
	s7 =	sadd.s32 s22, s5  }
0x9f: {  	[timem:s9], [sflag:s23] =	dma.local [hbm:s7], s21  }
0xa0: {  	_ =	swait.ge [sflag:s23], s21  }
0xa1: {  	s6 =	ssub.s32 $0x0, s21;
	[sflag:s23] =	ssyncset.done $0x0  }
0xa2: {  	[sflag:s23] =	ssyncadd.s32 s6;
	_ =	sdelay $0x1  }
0xa3: {  	s24 =	simm.s32 $0x1B8B  }
0xa4: {  	_ =	swait.ge [sflag:s24], $0x1  }
0xa5: {  	[sflag:s24] =	ssyncset.done $0x0  }
0xa6: {  	s25 =	simm.s32 $0x1B8E;
	[sflag:s24] =	ssyncadd.s32 $0xFFFFFFFF  }
0xa7: {  	s26 =	simm.s32 $execute0_lowered;
	[smem:$0x3FD2] =	sst s25  }
0xa8: {  	s6 =	sshll.u32 s26, $0x1;
	_ =	strace $0x80000046;
	[dreg:$0x1] =	wrdreg $0xFFFFFFFF  }
0xa9: {  	s28 =	simm.s32 $_size_execute0_lowered;
	s5 =	sadd.s32 s5, s6;
	[dreg:$0x0] =	wrdreg $0x0  }
0xaa: {  	s6 =	sshll.u32 s28, $0x1;
	[dreg:$0x2] =	wrdreg s5  }
0xab: {  	[dreg:$0x3] =	wrdreg s6  }
0xac: {  	[dreg:$0x4] =	wrdreg $0xC0  }
0xad: {  	_ =	task [dreg:s9], $0x5FFFF  }
0xae: {  	[dreg:$0x1] =	wrdreg $0xFFFFFFFF  }
0xaf: {  	[dreg:$0x0] =	wrdreg $0x60  }
0xb0: {  	[dreg:$0x2] =	wrdreg s2  }
0xb1: {  	[dreg:$0x3] =	wrdreg s19  }
0xb2: {  	[dreg:$0x4] =	wrdreg s4  }
0xb3: {  	[dreg:$0x5] =	wrdreg $0x9  }
0xb4: {  	_ =	task.clear_ibuf [dreg:s9], $0x6FFFF;
	_ =	strace $0x90000046  }
0xb5: {  	s29 =	simm.s32 $0x9;
	_ =	strace $0x80000048  }
0xb6: {  	_ =	swait.ge [sflag:s29], $0x1  }
0xb7: {  	[sflag:s29] =	ssyncadd.s32 $0xFFFFFFFF  }
0xb8: {  	_ =	strace $0x90000048  }
0xb9: {  	_ =	sfence  }
0xba: {  	s30 =	sld [smem:$0x0];
	_ =	sdelay $0x2  }
0xbb: {  	s31 =	sshll.u32 s1, $0xD;
	s1 =	sshrl.u32 s1, $0x2  }
0xbc: {  	s3 =	sand.u32 $0x4000, s31;
	s1 =	sadd.s32 s1, s30  }
0xbd: {  	s0 =	sor.u32 s3, s0;
	s1 =	sshll.u32 s1, $0x11  }
0xbe: {  	s0 =	sor.u32 s1, s0  }
0xbf: {  	s0 =	sadd.s32 $0x8F2B, s0  }
0xc0: {  	[sflag:s0] =	ssyncadd.remote.s32 $0x1  }
0xc1: {  	_ =	sfence.sel $0xFFFF  }
0xc2: {  	[dreg:$0x0] =	wrdreg $0xFFFFFFFF;
	(pc) =	sbr.abs _section_cstart, $3  }
0xc3: {  	[dreg:$0x1] =	wrdreg $0xFFFFFFFF  }
0xc4: {  	_ =	task.clear_ibuf [dreg:s9], $0x2FFFF;
	_ =	strace $0x9FFFFFFF  }
0xc5: {  	(tm) =	ssettm $0x7FFFFFFF  }
tec
execute0_lowered:
.L_overlay_start_1:
0x0: {  	(tag) =	ssettag $0x1  }
0x1: {  	s1 =	rddreg [dreg:$0x0]  }
0x2: {  	s14 =	rddreg [dreg:$0x1]  }
0x3: {  	s0 =	srdreg.scid;
	s15 =	rddreg [dreg:$0x2]  }
0x4: {  	s5 =	simm.s32 $0x0;
	s16 =	stileid.u32;
	s2 =	sand.u32 $0x1, s0  }
0x5: {  	[smem:$0x7FF] =	sst s5;
	s26 =	sshll.u32 s16, $0x1;
	s7 =	sadd.s32 $0x10, s1  }
0x6: {  	s8 =	sadd.s32 $0x20, s1;
	s9 =	sadd.s32 $0x30, s1;
	p1 =	sgt.u32 s16, $0x3  }
0x7: {  	p2 =	sne.s32 s16, $0x4;
	s16 =	sadd.s32 $0x60, s14;
	s6 =	sor.u32 s2, s26  }
0x8: {  	s0 =	ssub.s32 $0x2, s2;
	_ =	strace $0x80000047;
	s2 =	sor.u32 $0x1E0, s6  }
0x9: {  	[smem:$0x7E3] =	sst s16;
	s16 =	sadd.s32 $0x150, s14;
	s31 =	sshll.u32 s2, $0xA  }
0xa: {  	s10 =	sadd.s32 $0x40, s1;
	[smem:$0x7F2] =	sst s16;
	s4 =	sadd.s32 s31, s7  }
0xb: {  	s11 =	sadd.s32 $0x50, s1;
	s18 =	sadd.s32 s31, s8;
	[dreg:$0x5] =	wrdreg s4  }
0xc: {  	s12 =	sadd.s32 $0x60, s1;
	s19 =	sadd.s32 s31, s9;
	[dreg:$0x6] =	wrdreg s18  }
0xd: {  	s13 =	sadd.s32 $0x70, s1;
	s20 =	sadd.s32 s31, s10;
	[dreg:$0x7] =	wrdreg s19  }
0xe: {  	s3 =	sshrl.u32 s0, $0x1;
	s21 =	sadd.s32 s31, s11;
	[dreg:$0x8] =	wrdreg s20  }
0xf: {  	s0 =	ssub.s32 s0, s3;
	s22 =	sadd.s32 s31, s12;
	[dreg:$0x9] =	wrdreg s21  }
0x10: {  	s2 =	sshll.u32 s2, $0xC;
	s3 =	sadd.s32 s31, s13;
	[dreg:$0xa] =	wrdreg s22  }
0x11: {  	s2 =	sadd.s32 s15, s2;
	[dreg:$0xb] =	wrdreg s3  }
0x12: {  	s0 =	smax.u32 s0, $0x1;
	[dreg:$0xc] =	wrdreg s2  }
0x13: {  	s23 =	sshll.u32 s6, $0x7;
	s17 =	sadd.s32 s1, s31;
	[smem:$0x7D6] =	sst s0  }
0x14: {  	s3 =	sadd.s32 $0x79C00, s23;
	s4 =	sadd.s32 $0x7A1B0, s17;
	[dreg:$0x4] =	wrdreg s17  }
0x15: {  	s24 =	sadd.s32 s1, s3;
	[smem:$0x7C8] =	sst s4  }
0x16: {  	s2 =	sadd.s32 s23, s1;
	s25 =	sadd.s32 s3, s7;
	[dreg:$0xd] =	wrdreg s24  }
0x17: {  	s26 =	sadd.s32 $0xF3D80, s2;
	[dreg:$0xe] =	wrdreg s25  }
0x18: {  	s31 =	sadd.s32 $0xF3D90, s2;
	[dreg:$0xf] =	wrdreg s26  }
0x19: {  	s18 =	sadd.s32 $0xF3DA0, s2;
	[dreg:$0x10] =	wrdreg s31  }
0x1a: {  	s19 =	sadd.s32 $0xF3DB0, s2;
	[dreg:$0x11] =	wrdreg s18  }
0x1b: {  	s20 =	sadd.s32 $0xF3DC0, s2;
	[dreg:$0x12] =	wrdreg s19  }
0x1c: {  	s21 =	sadd.s32 $0xF3DD0, s2;
	[dreg:$0x13] =	wrdreg s20  }
0x1d: {  	s22 =	sadd.s32 $0xF3DE0, s2;
	[dreg:$0x14] =	wrdreg s21  }
0x1e: {  	s23 =	sadd.s32 $0xF3DF0, s2;
	[dreg:$0x15] =	wrdreg s22  }
0x1f: {  	s4 =	sadd.s32 $0xF4370, s17;
	[dreg:$0x16] =	wrdreg s23  }
0x20: {  	s24 =	sadd.s32 s3, s8;
	[smem:$0x7D4] =	sst s4  }
0x21: {  	s25 =	sadd.s32 $0x16DF00, s2;
	[dreg:$0x17] =	wrdreg s24  }
0x22: {  	s26 =	sadd.s32 $0x16DF10, s2;
	[dreg:$0x18] =	wrdreg s25  }
0x23: {  	s31 =	sadd.s32 s3, s9;
	[dreg:$0x19] =	wrdreg s26  }
0x24: {  	s18 =	sadd.s32 $0x16DF20, s2;
	[dreg:$0x1a] =	wrdreg s31  }
0x25: {  	s19 =	sadd.s32 $0x16DF30, s2;
	[dreg:$0x1b] =	wrdreg s18  }
0x26: {  	s20 =	sadd.s32 s3, s10;
	[dreg:$0x1c] =	wrdreg s19  }
0x27: {  	s21 =	sadd.s32 $0x16DF40, s2;
	[dreg:$0x1d] =	wrdreg s20  }
0x28: {  	s22 =	sadd.s32 $0x16DF50, s2;
	[dreg:$0x1e] =	wrdreg s21  }
0x29: {  	s23 =	sadd.s32 s3, s11;
	[dreg:$0x1f] =	wrdreg s22  }
0x2a: {  	s4 =	sadd.s32 $0x50, s14;
	[smem:$0x7B7] =	sst s23  }
0x2b: {  	s24 =	sadd.s32 $0x16DF60, s2;
	[smem:$0x7E2] =	sst s4  }
0x2c: {  	s25 =	sadd.s32 $0x16DF70, s2;
	[smem:$0x7B8] =	sst s24  }
0x2d: {  	s26 =	sadd.s32 s3, s12;
	[smem:$0x7B9] =	sst s25  }
0x2e: {  	s31 =	sadd.s32 $0x1E8080, s2;
	[smem:$0x7BA] =	sst s26  }
0x2f: {  	s18 =	sadd.s32 $0x1E8090, s2;
	[smem:$0x7BB] =	sst s31  }
0x30: {  	s19 =	sadd.s32 s3, s13;
	[smem:$0x7BC] =	sst s18  }
0x31: {  	s20 =	sadd.s32 $0x1E80A0, s2;
	[smem:$0x7BD] =	sst s19  }
0x32: {  	s21 =	sadd.s32 $0x1E80B0, s2;
	[smem:$0x7BE] =	sst s20  }
0x33: {  	s22 =	sadd.s32 $0x1E80C0, s2;
	[smem:$0x7BF] =	sst s21  }
0x34: {  	s23 =	sadd.s32 $0x1E80D0, s2;
	[smem:$0x7C0] =	sst s22  }
0x35: {  	s4 =	sadd.s32 $0x140, s14;
	[smem:$0x7C1] =	sst s23  }
0x36: {  	s24 =	sadd.s32 $0x1E80E0, s2;
	[smem:$0x7F1] =	sst s4  }
0x37: {  	s3 =	sshll.u32 s3, $0x2;
	s2 =	sadd.s32 $0x1E80F0, s2;
	[smem:$0x7C2] =	sst s24  }
0x38: {  	s25 =	sadd.s32 s15, s3;
	[smem:$0x7C3] =	sst s2  }
0x39: {  	s26 =	sadd.s32 $0x7A180, s17;
	[smem:$0x7C4] =	sst s25  }
0x3a: {  	s31 =	sadd.s32 $0x7A190, s17;
	[smem:$0x7C5] =	sst s26  }
0x3b: {  	s3 =	sadd.s32 $0x7A1A0, s17;
	[smem:$0x7C6] =	sst s31  }
0x3c: {  	s18 =	sadd.s32 $0x7A1C0, s17;
	[smem:$0x7C7] =	sst s3  }
0x3d: {  	s19 =	sadd.s32 $0x7A1D0, s17;
	[smem:$0x7C9] =	sst s18  }
0x3e: {  	s20 =	sadd.s32 $0x7A1E0, s17;
	[smem:$0x7CA] =	sst s19  }
0x3f: {  	s21 =	sadd.s32 $0x7A1F0, s17;
	[smem:$0x7CB] =	sst s20  }
0x40: {  	s22 =	sadd.s32 $0xF4300, s17;
	[smem:$0x7CC] =	sst s21  }
0x41: {  	s23 =	sadd.s32 $0xF4310, s17;
	[smem:$0x7CD] =	sst s22  }
0x42: {  	[smem:$0x7CE] =	sst s23;
	s24 =	sadd.s32 $0xF4320, s17  }
0x43: {  	s25 =	sadd.s32 $0xF4330, s17;
	[smem:$0x7CF] =	sst s24  }
0x44: {  	s26 =	sadd.s32 $0xF4340, s17;
	[smem:$0x7D0] =	sst s25  }
0x45: {  	s31 =	sadd.s32 $0xF4350, s17;
	[smem:$0x7D1] =	sst s26  }
0x46: {  	s3 =	sadd.s32 $0xF4360, s17;
	[smem:$0x7D2] =	sst s31  }
0x47: {  	s18 =	sadd.s32 $0x16E480, s17;
	[smem:$0x7D3] =	sst s3  }
0x48: {  	s19 =	sadd.s32 $0x16E490, s17;
	[smem:$0x7D5] =	sst s18  }
0x49: {  	s20 =	sadd.s32 $0x16E4A0, s17;
	[smem:$0x7D7] =	sst s19  }
0x4a: {  	s21 =	sadd.s32 $0x16E4B0, s17;
	[smem:$0x7D8] =	sst s20  }
0x4b: {  	s22 =	sadd.s32 $0x16E4C0, s17;
	[smem:$0x7D9] =	sst s21  }
0x4c: {  	s23 =	sadd.s32 $0x16E4D0, s17;
	[smem:$0x7DA] =	sst s22  }
0x4d: {  	s2 =	sadd.s32 $0x30, s14;
	[smem:$0x7DB] =	sst s23  }
0x4e: {  	s24 =	sadd.s32 $0x16E4E0, s17;
	[smem:$0x7E0] =	sst s2  }
0x4f: {  	s25 =	sadd.s32 $0x16E4F0, s17;
	[smem:$0x7DC] =	sst s24  }
0x50: {  	s26 =	sadd.s32 $0x10, s14;
	[smem:$0x7DD] =	sst s25  }
0x51: {  	s31 =	sadd.s32 $0x20, s14;
	[smem:$0x7DE] =	sst s26  }
0x52: {  	s3 =	sadd.s32 $0x40, s14;
	[smem:$0x7DF] =	sst s31  }
0x53: {  	s17 =	sadd.s32 $0x70, s14;
	[smem:$0x7E1] =	sst s3  }
0x54: {  	s18 =	sadd.s32 $0x80, s14;
	[smem:$0x7E4] =	sst s17  }
0x55: {  	s19 =	sadd.s32 $0x90, s14;
	[smem:$0x7E5] =	sst s18  }
0x56: {  	s20 =	sadd.s32 $0xA0, s14;
	[smem:$0x7E6] =	sst s19  }
0x57: {  	s21 =	sadd.s32 $0xB0, s14;
	[smem:$0x7E7] =	sst s20  }
0x58: {  	s22 =	sadd.s32 $0xC0, s14;
	[smem:$0x7E8] =	sst s21  }
0x59: {  	s23 =	sadd.s32 $0xD0, s14;
	[smem:$0x7E9] =	sst s22  }
0x5a: {  	s2 =	sadd.s32 $0x120, s14;
	[smem:$0x7EA] =	sst s23  }
0x5b: {  	s24 =	sadd.s32 $0xE0, s14;
	[smem:$0x7EF] =	sst s2  }
0x5c: {  	s25 =	sadd.s32 $0xF0, s14;
	[smem:$0x7EB] =	sst s24  }
0x5d: {  	s26 =	sadd.s32 $0x100, s14;
	[smem:$0x7EC] =	sst s25  }
0x5e: {  	s31 =	sadd.s32 $0x110, s14;
	[smem:$0x7ED] =	sst s26  }
0x5f: {  	s3 =	sadd.s32 $0x130, s14;
	[smem:$0x7EE] =	sst s31  }
0x60: {  	s28 =	simm.s32 $0x1;
	s17 =	sadd.s32 $0x160, s14;
	[smem:$0x7F0] =	sst s3  }
0x61: {  	s29 =	simm.s32 $0x8000;
	s18 =	sadd.s32 $0x170, s14;
	[smem:$0x7F3] =	sst s17  }
0x62: {  	s30 =	simm.s32 $0x2;
	s19 =	sadd.s32 $0x180, s14;
	[smem:$0x7F4] =	sst s18  }
0x63: {  	p0 =	sne.s32 s6, $0x1F;
	s20 =	sadd.s32 $0x190, s14;
	[smem:$0x7F5] =	sst s19  }
0x64: {  	s16 =	simm.s32 $0x6400;
	s21 =	sadd.s32 $0x1A0, s14;
	[smem:$0x7F6] =	sst s20  }
0x65: {  	s0 =	simm.s32 $0x80;
	s22 =	sadd.s32 $0x1B0, s14;
	[smem:$0x7F7] =	sst s21  }
0x66: {  	s4 =	simm.s32 $0x400;
	s23 =	sadd.s32 $0x1C0, s14;
	[smem:$0x7F8] =	sst s22  }
0x67: {  	[smem:$0x7F9] =	sst s23;
	s24 =	sadd.s32 $0x1D0, s14;
	s25 =	sadd.s32 $0x1E0, s14  }
.Ltmp0:
0x68: {  	s26 =	sadd.s32 $0x1F0, s14;
	s31 =	sadd.s32 $0x1E8400, s15;
	(pc) =	sbr.rel .LBB2_1-.Ltmp0, $4  }
0x69: {  	v0 =	vlaneseq.u32;
	s15 =	simm.s32 $0x6000;
	s17 =	simm.s32 $0x6800;
	[smem:$0x7FA] =	sst s24  }
0x6a: {  	v0 =	vmul.u32 $0x400, v0;
	s18 =	simm.s32 $0x6C00;
	s19 =	simm.s32 $0x7000;
	[smem:$0x7FB] =	sst s25  }
0x6b: {  	s20 =	simm.s32 $0x7400;
	s21 =	simm.s32 $0x7800;
	[smem:$0x7FC] =	sst s26  }
0x6c: {  	v1 =	vor.u32 $0x4000, v0;
	s3 =	simm.s32 $0x0;
	[smem:$0x7FD] =	sst s31;
	s26 =	simm.s32 $0x7C00  }
.LBB2_17:
0x6d: {  	s2 =	sld [smem:$0x7D6];
	_ =	sdelay $0x1  }
0x6e: {  	s3 =	sadd.s32 $0x1, s3  }
0x6f: {  	p3 =	sne.s32 s3, s2  }
.Ltmp1:
0x70: {  	_ = 	snop;
	(pc) =	sbr.rel @!p3 .LBB2_18-.Ltmp1, $1  }
0x71: {  	_ =	sdelay $0x3  }
.LBB2_1:
0x72: {  	[smem:$0x7B6] =	sst s3;
	s31 =	simm.s32 $0x0  }
.LBB2_2:
0x73: {  	s2 =	sshll.u32 s31, $0x5  }
0x74: {  	s2 =	sor.u32 s6, s2  }
0x75: {  	s3 =	sshll.u32 s2, $0xA  }
0x76: {  	s22 =	simm.s32 $0x0;
	s14 =	sadd.s32 s1, s3  }
0x77: {  	[tilespmem:s22], [sflag:$0x1] =	stream.strided.gather [hbm4b:s14+s0], $0x400, s4, s0, $0x38;
	[tilespmem:$0x10000] =	vst v63  }
0x78: {  	s24 =	sadd.s32 s3, s7  }
0x79: {  	[tilespmem:s4], [sflag:$0x1] =	stream.strided.gather [hbm4b:s24+s0], $0x400, s4, s0, $0x38;
	[tilespmem:$0x10000] =	vst v63  }
0x7a: {  	s23 =	simm.s32 $0x800;
	s25 =	sadd.s32 s3, s8  }
0x7b: {  	[tilespmem:s23], [sflag:$0x1] =	stream.strided.gather [hbm4b:s25+s0], $0x400, s4, s0, $0x38;
	[tilespmem:$0x10000] =	vst v63  }
0x7c: {  	s24 =	sadd.s32 s3, s9;
	s25 =	simm.s32 $0xC00  }
0x7d: {  	[tilespmem:s25], [sflag:$0x1] =	stream.strided.gather [hbm4b:s24+s0], $0x400, s4, s0, $0x38;
	[tilespmem:$0x10000] =	vst v63  }
0x7e: {  	s24 =	sadd.s32 s3, s10;
	s25 =	simm.s32 $0x1000  }
0x7f: {  	[tilespmem:s25], [sflag:$0x1] =	stream.strided.gather [hbm4b:s24+s0], $0x400, s4, s0, $0x38;
	[tilespmem:$0x10000] =	vst v63  }
0x80: {  	s24 =	sadd.s32 s3, s11;
	s25 =	simm.s32 $0x1400  }
0x81: {  	[tilespmem:s25], [sflag:$0x1] =	stream.strided.gather [hbm4b:s24+s0], $0x400, s4, s0, $0x38;
	[tilespmem:$0x10000] =	vst v63  }
0x82: {  	s24 =	sadd.s32 s3, s12;
	s25 =	simm.s32 $0x1800  }
0x83: {  	[tilespmem:s25], [sflag:$0x1] =	stream.strided.gather [hbm4b:s24+s0], $0x400, s4, s0, $0x38;
	[tilespmem:$0x10000] =	vst v63  }
0x84: {  	s24 =	sadd.s32 s3, s13;
	s3 =	sand.u32 $0x1FFFFC00, s3  }
0x85: {  	s25 =	simm.s32 $0x1C00;
	s3 =	sadd.s32 s1, s3  }
0x86: {  	[tilespmem:s25], [sflag:$0x1] =	stream.strided.gather [hbm4b:s24+s0], $0x400, s4, s0, $0x38;
	[tilespmem:$0x10000] =	vst v63  }
0x87: {  	s24 =	sadd.s32 $0x7A180, s3;
	s25 =	simm.s32 $0x2000  }
0x88: {  	[tilespmem:s25], [sflag:$0x1] =	stream.strided.gather [hbm4b:s24+s0], $0x400, s4, s0, $0x38;
	[tilespmem:$0x10000] =	vst v63  }
0x89: {  	s24 =	sadd.s32 $0x7A190, s3;
	s25 =	simm.s32 $0x2400  }
0x8a: {  	[tilespmem:s25], [sflag:$0x1] =	stream.strided.gather [hbm4b:s24+s0], $0x400, s4, s0, $0x38;
	[tilespmem:$0x10000] =	vst v63  }
0x8b: {  	s24 =	sadd.s32 $0x7A1A0, s3;
	s25 =	simm.s32 $0x2800  }
0x8c: {  	[tilespmem:s25], [sflag:$0x1] =	stream.strided.gather [hbm4b:s24+s0], $0x400, s4, s0, $0x38;
	[tilespmem:$0x10000] =	vst v63  }
0x8d: {  	s24 =	sadd.s32 $0x7A1B0, s3;
	s25 =	simm.s32 $0x2C00  }
0x8e: {  	[tilespmem:s25], [sflag:$0x1] =	stream.strided.gather [hbm4b:s24+s0], $0x400, s4, s0, $0x38;
	[tilespmem:$0x10000] =	vst v63  }
0x8f: {  	s24 =	sadd.s32 $0x7A1C0, s3;
	s25 =	simm.s32 $0x3000  }
0x90: {  	[tilespmem:s25], [sflag:$0x1] =	stream.strided.gather [hbm4b:s24+s0], $0x400, s4, s0, $0x38;
	[tilespmem:$0x10000] =	vst v63  }
0x91: {  	s24 =	sadd.s32 $0x7A1D0, s3;
	s25 =	simm.s32 $0x3400  }
0x92: {  	[tilespmem:s25], [sflag:$0x1] =	stream.strided.gather [hbm4b:s24+s0], $0x400, s4, s0, $0x38;
	[tilespmem:$0x10000] =	vst v63  }
0x93: {  	s24 =	sadd.s32 $0x7A1E0, s3;
	s25 =	simm.s32 $0x3800  }
0x94: {  	[tilespmem:s25], [sflag:$0x1] =	stream.strided.gather [hbm4b:s24+s0], $0x400, s4, s0, $0x38;
	[tilespmem:$0x10000] =	vst v63  }
0x95: {  	s24 =	sadd.s32 $0x7A1F0, s3;
	s25 =	simm.s32 $0x3C00  }
0x96: {  	[tilespmem:s25], [sflag:$0x1] =	stream.strided.gather [hbm4b:s24+s0], $0x400, s4, s0, $0x38;
	[tilespmem:$0x10000] =	vst v63  }
0x97: {  	s24 =	sadd.s32 $0xF4300, s3;
	s25 =	simm.s32 $0x4000  }
0x98: {  	[tilespmem:s25], [sflag:$0x1] =	stream.strided.gather [hbm4b:s24+s0], $0x400, s4, s0, $0x38;
	[tilespmem:$0x10000] =	vst v63  }
0x99: {  	s24 =	sadd.s32 $0xF4310, s3;
	s25 =	simm.s32 $0x4400  }
0x9a: {  	[tilespmem:s25], [sflag:$0x1] =	stream.strided.gather [hbm4b:s24+s0], $0x400, s4, s0, $0x38;
	[tilespmem:$0x10000] =	vst v63  }
0x9b: {  	s24 =	sadd.s32 $0xF4320, s3;
	s25 =	simm.s32 $0x4800  }
0x9c: {  	[tilespmem:s25], [sflag:$0x1] =	stream.strided.gather [hbm4b:s24+s0], $0x400, s4, s0, $0x38;
	[tilespmem:$0x10000] =	vst v63  }
0x9d: {  	s24 =	sadd.s32 $0xF4330, s3;
	s25 =	simm.s32 $0x4C00  }
0x9e: {  	[tilespmem:s25], [sflag:$0x1] =	stream.strided.gather [hbm4b:s24+s0], $0x400, s4, s0, $0x38;
	[tilespmem:$0x10000] =	vst v63  }
0x9f: {  	s24 =	sadd.s32 $0xF4340, s3;
	s25 =	simm.s32 $0x5000  }
0xa0: {  	[tilespmem:s25], [sflag:$0x1] =	stream.strided.gather [hbm4b:s24+s0], $0x400, s4, s0, $0x38;
	[tilespmem:$0x10000] =	vst v63  }
0xa1: {  	s24 =	sadd.s32 $0xF4350, s3;
	s25 =	simm.s32 $0x5400  }
0xa2: {  	[tilespmem:s25], [sflag:$0x1] =	stream.strided.gather [hbm4b:s24+s0], $0x400, s4, s0, $0x38;
	[tilespmem:$0x10000] =	vst v63  }
0xa3: {  	s24 =	sadd.s32 $0xF4360, s3;
	s25 =	simm.s32 $0x5800  }
0xa4: {  	[tilespmem:s25], [sflag:$0x1] =	stream.strided.gather [hbm4b:s24+s0], $0x400, s4, s0, $0x38;
	[tilespmem:$0x10000] =	vst v63  }
0xa5: {  	s24 =	sadd.s32 $0xF4370, s3;
	s25 =	simm.s32 $0x5C00  }
0xa6: {  	[tilespmem:s25], [sflag:$0x1] =	stream.strided.gather [hbm4b:s24+s0], $0x400, s4, s0, $0x38;
	[tilespmem:$0x10000] =	vst v63  }
0xa7: {  	s24 =	sadd.s32 $0x16E480, s3  }
0xa8: {  	[tilespmem:s15], [sflag:$0x1] =	stream.strided.gather [hbm4b:s24+s0], $0x400, s4, s0, $0x38;
	[tilespmem:$0x10000] =	vst v63  }
0xa9: {  	s25 =	sadd.s32 $0x16E490, s3  }
0xaa: {  	[tilespmem:s16], [sflag:$0x1] =	stream.strided.gather [hbm4b:s25+s0], $0x400, s4, s0, $0x38;
	[tilespmem:$0x10000] =	vst v63  }
0xab: {  	s23 =	sadd.s32 $0x16E4A0, s3  }
0xac: {  	[tilespmem:s17], [sflag:$0x1] =	stream.strided.gather [hbm4b:s23+s0], $0x400, s4, s0, $0x38;
	[tilespmem:$0x10000] =	vst v63  }
0xad: {  	s24 =	sadd.s32 $0x16E4B0, s3  }
0xae: {  	[tilespmem:s18], [sflag:$0x1] =	stream.strided.gather [hbm4b:s24+s0], $0x400, s4, s0, $0x38;
	[tilespmem:$0x10000] =	vst v63  }
0xaf: {  	s25 =	sadd.s32 $0x16E4C0, s3  }
0xb0: {  	[tilespmem:s19], [sflag:$0x1] =	stream.strided.gather [hbm4b:s25+s0], $0x400, s4, s0, $0x38;
	[tilespmem:$0x10000] =	vst v63  }
0xb1: {  	s23 =	sadd.s32 $0x16E4D0, s3  }
0xb2: {  	[tilespmem:s20], [sflag:$0x1] =	stream.strided.gather [hbm4b:s23+s0], $0x400, s4, s0, $0x38;
	[tilespmem:$0x10000] =	vst v63  }
0xb3: {  	s24 =	sadd.s32 $0x16E4E0, s3  }
0xb4: {  	[tilespmem:s21], [sflag:$0x1] =	stream.strided.gather [hbm4b:s24+s0], $0x400, s4, s0, $0x38;
	[tilespmem:$0x10000] =	vst v63  }
0xb5: {  	s3 =	sadd.s32 $0x16E4F0, s3  }
0xb6: {  	[tilespmem:s26], [sflag:$0x1] =	stream.strided.gather [hbm4b:s3+s0], $0x400, s4, s0, $0x38;
	[tilespmem:$0x10000] =	vst v63  }
0xb7: {  	_ =	swait.ge [sflag:s28], $0x400  }
0xb8: {  	[sflag:s28] =	ssyncset.done $0x0  }
0xb9: {  	[sflag:s28] =	ssyncadd.s32 $0xFFFFFC00  }
0xba: {  	_ =	swait.ge [sflag:s28], $0x400  }
0xbb: {  	[sflag:s28] =	ssyncset.done $0x0  }
0xbc: {  	[sflag:s28] =	ssyncadd.s32 $0xFFFFFC00  }
0xbd: {  	_ =	swait.ge [sflag:s28], $0x400  }
0xbe: {  	[sflag:s28] =	ssyncset.done $0x0  }
0xbf: {  	[sflag:s28] =	ssyncadd.s32 $0xFFFFFC00  }
0xc0: {  	_ =	swait.ge [sflag:s28], $0x400  }
0xc1: {  	[sflag:s28] =	ssyncset.done $0x0  }
0xc2: {  	[sflag:s28] =	ssyncadd.s32 $0xFFFFFC00  }
0xc3: {  	_ =	swait.ge [sflag:s28], $0x400  }
0xc4: {  	[sflag:s28] =	ssyncset.done $0x0  }
0xc5: {  	[sflag:s28] =	ssyncadd.s32 $0xFFFFFC00  }
0xc6: {  	_ =	swait.ge [sflag:s28], $0x400  }
0xc7: {  	[sflag:s28] =	ssyncset.done $0x0  }
0xc8: {  	[sflag:s28] =	ssyncadd.s32 $0xFFFFFC00  }
0xc9: {  	_ =	swait.ge [sflag:s28], $0x400  }
0xca: {  	[sflag:s28] =	ssyncset.done $0x0  }
0xcb: {  	[sflag:s28] =	ssyncadd.s32 $0xFFFFFC00  }
0xcc: {  	_ =	swait.ge [sflag:s28], $0x400  }
0xcd: {  	[sflag:s28] =	ssyncset.done $0x0  }
0xce: {  	[sflag:s28] =	ssyncadd.s32 $0xFFFFFC00  }
0xcf: {  	_ =	swait.ge [sflag:s28], $0x400  }
0xd0: {  	[sflag:s28] =	ssyncset.done $0x0  }
0xd1: {  	[sflag:s28] =	ssyncadd.s32 $0xFFFFFC00  }
0xd2: {  	_ =	swait.ge [sflag:s28], $0x400  }
0xd3: {  	[sflag:s28] =	ssyncset.done $0x0  }
0xd4: {  	[sflag:s28] =	ssyncadd.s32 $0xFFFFFC00  }
0xd5: {  	_ =	swait.ge [sflag:s28], $0x400  }
0xd6: {  	[sflag:s28] =	ssyncset.done $0x0  }
0xd7: {  	[sflag:s28] =	ssyncadd.s32 $0xFFFFFC00  }
0xd8: {  	_ =	swait.ge [sflag:s28], $0x400  }
0xd9: {  	[sflag:s28] =	ssyncset.done $0x0  }
0xda: {  	[sflag:s28] =	ssyncadd.s32 $0xFFFFFC00  }
0xdb: {  	_ =	swait.ge [sflag:s28], $0x400  }
0xdc: {  	[sflag:s28] =	ssyncset.done $0x0  }
0xdd: {  	[sflag:s28] =	ssyncadd.s32 $0xFFFFFC00  }
0xde: {  	_ =	swait.ge [sflag:s28], $0x400  }
0xdf: {  	[sflag:s28] =	ssyncset.done $0x0  }
0xe0: {  	[sflag:s28] =	ssyncadd.s32 $0xFFFFFC00  }
0xe1: {  	_ =	swait.ge [sflag:s28], $0x400  }
0xe2: {  	[sflag:s28] =	ssyncset.done $0x0  }
0xe3: {  	[sflag:s28] =	ssyncadd.s32 $0xFFFFFC00  }
0xe4: {  	_ =	swait.ge [sflag:s28], $0x400  }
0xe5: {  	[sflag:s28] =	ssyncset.done $0x0  }
0xe6: {  	[sflag:s28] =	ssyncadd.s32 $0xFFFFFC00  }
0xe7: {  	_ =	swait.ge [sflag:s28], $0x400  }
0xe8: {  	[sflag:s28] =	ssyncset.done $0x0  }
0xe9: {  	[sflag:s28] =	ssyncadd.s32 $0xFFFFFC00  }
0xea: {  	_ =	swait.ge [sflag:s28], $0x400  }
0xeb: {  	[sflag:s28] =	ssyncset.done $0x0  }
0xec: {  	[sflag:s28] =	ssyncadd.s32 $0xFFFFFC00  }
0xed: {  	_ =	swait.ge [sflag:s28], $0x400  }
0xee: {  	[sflag:s28] =	ssyncset.done $0x0  }
0xef: {  	[sflag:s28] =	ssyncadd.s32 $0xFFFFFC00  }
0xf0: {  	_ =	swait.ge [sflag:s28], $0x400  }
0xf1: {  	[sflag:s28] =	ssyncset.done $0x0  }
0xf2: {  	[sflag:s28] =	ssyncadd.s32 $0xFFFFFC00  }
0xf3: {  	_ =	swait.ge [sflag:s28], $0x400  }
0xf4: {  	[sflag:s28] =	ssyncset.done $0x0  }
0xf5: {  	[sflag:s28] =	ssyncadd.s32 $0xFFFFFC00  }
0xf6: {  	_ =	swait.ge [sflag:s28], $0x400  }
0xf7: {  	[sflag:s28] =	ssyncset.done $0x0  }
0xf8: {  	[sflag:s28] =	ssyncadd.s32 $0xFFFFFC00  }
0xf9: {  	_ =	swait.ge [sflag:s28], $0x400  }
0xfa: {  	[sflag:s28] =	ssyncset.done $0x0  }
0xfb: {  	[sflag:s28] =	ssyncadd.s32 $0xFFFFFC00  }
0xfc: {  	_ =	swait.ge [sflag:s28], $0x400  }
0xfd: {  	[sflag:s28] =	ssyncset.done $0x0  }
0xfe: {  	[sflag:s28] =	ssyncadd.s32 $0xFFFFFC00  }
0xff: {  	_ =	swait.ge [sflag:s28], $0x400  }
0x100: {  	[sflag:s28] =	ssyncset.done $0x0  }
0x101: {  	[sflag:s28] =	ssyncadd.s32 $0xFFFFFC00  }
0x102: {  	_ =	swait.ge [sflag:s28], $0x400  }
0x103: {  	[sflag:s28] =	ssyncset.done $0x0  }
0x104: {  	[sflag:s28] =	ssyncadd.s32 $0xFFFFFC00  }
0x105: {  	_ =	swait.ge [sflag:s28], $0x400  }
0x106: {  	[sflag:s28] =	ssyncset.done $0x0  }
0x107: {  	[sflag:s28] =	ssyncadd.s32 $0xFFFFFC00  }
0x108: {  	_ =	swait.ge [sflag:s28], $0x400  }
0x109: {  	[sflag:s28] =	ssyncset.done $0x0  }
0x10a: {  	[sflag:s28] =	ssyncadd.s32 $0xFFFFFC00  }
0x10b: {  	_ =	swait.ge [sflag:s28], $0x400  }
0x10c: {  	[sflag:s28] =	ssyncset.done $0x0  }
0x10d: {  	[sflag:s28] =	ssyncadd.s32 $0xFFFFFC00  }
0x10e: {  	_ =	swait.ge [sflag:s28], $0x400  }
0x10f: {  	[sflag:s28] =	ssyncset.done $0x0  }
0x110: {  	[sflag:s28] =	ssyncadd.s32 $0xFFFFFC00  }
0x111: {  	_ =	swait.ge [sflag:s28], $0x400  }
0x112: {  	v2 =	vor.u32 s22, v0;
	[sflag:s28] =	ssyncset.done $0x0  }
0x113: {  	v3 =	vor.u32 s22, v1;
	[sflag:s28] =	ssyncadd.s32 $0xFFFFFC00  }
0x114: {  	_ =	swait.ge [sflag:s28], $0x400  }
0x115: {  	[sflag:s28] =	ssyncset.done $0x0  }
0x116: {  	[sflag:s28] =	ssyncadd.s32 $0xFFFFFC00  }
0x117: {  	v2 =	vld.idx.msk [tilespmem:v2+s5+$0x0], $0xffff  }
0x118: {  	s25 =	simm.s32 $0x1;
	v3 =	vld.idx.msk [tilespmem:v3+s5+$0x0], $0xffff  }
0x119: {  	v4 =	vor.u32 s25, v0  }
0x11a: {  	v5 =	vor.u32 s25, v1  }
0x11b: {  	s22 =	simm.s32 $0x8040  }
0x11c: {  	[tilespmem:s22+$0xFFFFFFC0] =	vst v2  }
0x11d: {  	[tilespmem:s22+$0xFFFFFFD0] =	vst v3  }
0x11e: {  	v2 =	vld.idx.msk [tilespmem:v4+s5+$0x0], $0xffff  }
0x11f: {  	s14 =	simm.s32 $0x2;
	v3 =	vld.idx.msk [tilespmem:v5+s5+$0x0], $0xffff  }
0x120: {  	v4 =	vor.u32 s14, v0;
	_ =	sdelay $0x1  }
0x121: {  	s23 =	simm.s32 $0x20;
	v5 =	vor.u32 s14, v1  }
0x122: {  	s3 =	sor.u32 $0x30, s23;
	[tilespmem:s22+$0xFFFFFFE0] =	vst v2  }
0x123: {  	[tilespmem:s3+$0x8000] =	vst v3  }
0x124: {  	v2 =	vld.idx.msk [tilespmem:v4+s5+$0x0], $0xffff;
	_ =	sdelay $0x1  }
0x125: {  	s24 =	simm.s32 $0x3;
	v3 =	vld.idx.msk [tilespmem:v5+s5+$0x0], $0xffff  }
0x126: {  	v4 =	vor.u32 s24, v0;
	_ =	sdelay $0x1  }
0x127: {  	s25 =	simm.s32 $0x40;
	[tilespmem:s22+$0x0] =	vst v2;
	v2 =	vor.u32 s24, v1  }
0x128: {  	s14 =	sor.u32 $0x50, s25  }
0x129: {  	[tilespmem:s14+$0x8000] =	vst v3  }
0x12a: {  	v5 =	vld.idx.msk [tilespmem:v4+s5+$0x0], $0xffff;
	_ =	sdelay $0x1  }
0x12b: {  	s14 =	simm.s32 $0x4;
	v4 =	vld.idx.msk [tilespmem:v2+s5+$0x0], $0xffff  }
0x12c: {  	v2 =	vor.u32 s14, v0  }
0x12d: {  	s3 =	simm.s32 $0x60;
	v3 =	vor.u32 s14, v1  }
0x12e: {  	s23 =	simm.s32 $0x8;
	s25 =	sor.u32 $0x70, s3;
	[tilespmem:s22+$0x20] =	vst v5  }
.LBB2_3:
0x12f: {  	s3 =	sadd.s32 $0x80, s3  }
0x130: {  	[tilespmem:s25+$0x8000] =	vst v4;
	s22 =	sadd.s32 $0x80, s22;
	s25 =	smov.u32 s23;
	s24 =	sadd.s32 $0x4, s23  }
0x131: {  	p3 =	slt.u32 s23, $0x3FC;
	v2 =	vld.idx.msk [tilespmem:v2+s5+$0x0], $0xffff  }
0x132: {  	v3 =	vld.idx.msk [tilespmem:v3+s5+$0x0], $0xffff  }
0x133: {  	s23 =	sadd.s32 $0x1, s14  }
0x134: {  	v4 =	vor.u32 s23, v0  }
0x135: {  	v5 =	vor.u32 s23, v1;
	_ =	sdelay $0x1  }
0x136: {  	[tilespmem:s22+$0xFFFFFFC0] =	vst v2  }
0x137: {  	[tilespmem:s22+$0xFFFFFFD0] =	vst v3  }
0x138: {  	v2 =	vld.idx.msk [tilespmem:v4+s5+$0x0], $0xffff  }
0x139: {  	v3 =	vld.idx.msk [tilespmem:v5+s5+$0x0], $0xffff  }
0x13a: {  	s23 =	sadd.s32 $0x2, s14  }
0x13b: {  	v4 =	vor.u32 s23, v0  }
0x13c: {  	v5 =	vor.u32 s23, v1  }
0x13d: {  	s23 =	sadd.s32 $0xFFFFFFC0, s3  }
0x13e: {  	s23 =	sor.u32 $0x30, s23;
	[tilespmem:s22+$0xFFFFFFE0] =	vst v2  }
0x13f: {  	[tilespmem:s23+$0x8000] =	vst v3  }
0x140: {  	v2 =	vld.idx.msk [tilespmem:v4+s5+$0x0], $0xffff  }
0x141: {  	v3 =	vld.idx.msk [tilespmem:v5+s5+$0x0], $0xffff  }
0x142: {  	s23 =	sadd.s32 $0x3, s14;
	s14 =	smov.u32 s25  }
0x143: {  	v4 =	vor.u32 s23, v0  }
0x144: {  	v5 =	vor.u32 s23, v1  }
0x145: {  	s23 =	sadd.s32 $0xFFFFFFE0, s3  }
0x146: {  	s23 =	sor.u32 $0x50, s23;
	[tilespmem:s22+$0x0] =	vst v2  }
0x147: {  	[tilespmem:s23+$0x8000] =	vst v3  }
0x148: {  	v6 =	vld.idx.msk [tilespmem:v4+s5+$0x0], $0xffff  }
0x149: {  	v4 =	vld.idx.msk [tilespmem:v5+s5+$0x0], $0xffff  }
.Ltmp2:
0x14a: {  	(pc) =	sbr.rel @p3 .LBB2_3-.Ltmp2, $3  }
0x14b: {  	v2 =	vor.u32 s14, v0  }
0x14c: {  	v3 =	vor.u32 s14, v1;
	_ =	sdelay $0x1  }
0x14d: {  	s25 =	sor.u32 $0x70, s3;
	s23 =	smov.u32 s24;
	[tilespmem:s22+$0x20] =	vst v6  }
0x14e: {  	_ =	sdelay $0x2  }
0x14f: {  	[tilespmem:s25+$0x8000] =	vst v4  }
0x150: {  	v2 =	vld.idx.msk [tilespmem:v2+s5+$0x0], $0xffff  }
0x151: {  	s23 =	sadd.s32 $0x1, s14;
	v3 =	vld.idx.msk [tilespmem:v3+s5+$0x0], $0xffff  }
0x152: {  	v59 =	vor.u32 s23, v0  }
0x153: {  	v5 =	vor.u32 s23, v1  }
0x154: {  	s22 =	sadd.s32 $0x80, s22  }
0x155: {  	[tilespmem:s22+$0xFFFFFFC0] =	vst v2  }
0x156: {  	[tilespmem:s22+$0xFFFFFFD0] =	vst v3  }
0x157: {  	v2 =	vld.idx.msk [tilespmem:v59+s5+$0x0], $0xffff  }
0x158: {  	s24 =	sadd.s32 $0x2, s14;
	v3 =	vld.idx.msk [tilespmem:v5+s5+$0x0], $0xffff  }
0x159: {  	v60 =	vor.u32 s24, v0  }
0x15a: {  	s3 =	sadd.s32 $0x80, s3;
	v61 =	vor.u32 s24, v1  }
0x15b: {  	s25 =	sadd.s32 $0xFFFFFFC0, s3  }
0x15c: {  	s23 =	sor.u32 $0x30, s25;
	[tilespmem:s22+$0xFFFFFFE0] =	vst v2  }
0x15d: {  	[tilespmem:s23+$0x8000] =	vst v3  }
0x15e: {  	v2 =	vld.idx.msk [tilespmem:v60+s5+$0x0], $0xffff  }
0x15f: {  	s23 =	sadd.s32 $0x3, s14;
	v3 =	vld.idx.msk [tilespmem:v61+s5+$0x0], $0xffff  }
0x160: {  	v62 =	vor.u32 s23, v0  }
0x161: {  	v63 =	vor.u32 s23, v1  }
0x162: {  	s24 =	sadd.s32 $0xFFFFFFE0, s3  }
0x163: {  	s14 =	sor.u32 $0x50, s24;
	[tilespmem:s22+$0x0] =	vst v2  }
0x164: {  	[tilespmem:s14+$0x8000] =	vst v3  }
0x165: {  	v2 =	vld.idx.msk [tilespmem:v62+s5+$0x0], $0xffff  }
0x166: {  	v3 =	vld.idx.msk [tilespmem:v63+s5+$0x0], $0xffff;
	_ =	sdelay $0x2  }
0x167: {  	s2 =	sshll.u32 s2, $0xC;
	s31 =	sadd.s32 $0x1, s31  }
0x168: {  	s3 =	sor.u32 $0x70, s3;
	p3 =	sne.s32 s31, $0xF;
	s25 =	rddreg [dreg:$0x2];
	[tilespmem:s22+$0x20] =	vst v2  }
.Ltmp3:
0x169: {  	s2 =	sadd.s32 s25, s2;
	[tilespmem:s3+$0x8000] =	vst v3;
	(pc) =	sbr.rel @p3 .LBB2_2-.Ltmp3, $4  }
0x16a: {  	[hbm4b:s2+s5] =	stream.linear.scatter [tilespmem:s29], [sflag:$0x2], $0x8000, $0x38;
	[tilespmem:$0x10000] =	vst v63  }
0x16b: {  	_ =	swait.ge [sflag:s30], $0x8000  }
0x16c: {  	[sflag:s30] =	ssyncset.done $0x0  }
0x16d: {  	[sflag:s30] =	ssyncadd.s32 $0xFFFF8000  }
.Ltmp4:
0x16e: {  	(pc) =	sbr.rel @p1 .LBB2_9-.Ltmp4, $1  }
0x16f: {  	_ =	sdelay $0x3  }
0x170: {  	s3 =	rddreg [dreg:$0x4]  }
0x171: {  	s2 =	simm.s32 $0x0;
	s23 =	rddreg [dreg:$0x5]  }
0x172: {  	[tilespmem:s2], [sflag:$0x1] =	stream.strided.gather [hbm4b:s3+s0], $0x400, s4, s0, $0x38;
	[tilespmem:$0x10000] =	vst v63  }
0x173: {  	s24 =	rddreg [dreg:$0x6]  }
0x174: {  	[tilespmem:s4], [sflag:$0x1] =	stream.strided.gather [hbm4b:s23+s0], $0x400, s4, s0, $0x38;
	[tilespmem:$0x10000] =	vst v63  }
0x175: {  	s14 =	simm.s32 $0x800;
	s25 =	rddreg [dreg:$0x7]  }
0x176: {  	[tilespmem:s14], [sflag:$0x1] =	stream.strided.gather [hbm4b:s24+s0], $0x400, s4, s0, $0x38;
	[tilespmem:$0x10000] =	vst v63  }
0x177: {  	s31 =	simm.s32 $0xC00;
	s23 =	rddreg [dreg:$0x9]  }
0x178: {  	[tilespmem:s31], [sflag:$0x1] =	stream.strided.gather [hbm4b:s25+s0], $0x400, s4, s0, $0x38;
	[tilespmem:$0x10000] =	vst v63  }
0x179: {  	s22 =	simm.s32 $0x1000;
	s14 =	rddreg [dreg:$0x8]  }
0x17a: {  	[tilespmem:s22], [sflag:$0x1] =	stream.strided.gather [hbm4b:s14+s0], $0x400, s4, s0, $0x38;
	[tilespmem:$0x10000] =	vst v63  }
0x17b: {  	s24 =	simm.s32 $0x1400;
	s25 =	rddreg [dreg:$0xa]  }
0x17c: {  	[tilespmem:s24], [sflag:$0x1] =	stream.strided.gather [hbm4b:s23+s0], $0x400, s4, s0, $0x38;
	[tilespmem:$0x10000] =	vst v63  }
0x17d: {  	s31 =	simm.s32 $0x1800;
	s14 =	rddreg [dreg:$0xb]  }
0x17e: {  	[tilespmem:s31], [sflag:$0x1] =	stream.strided.gather [hbm4b:s25+s0], $0x400, s4, s0, $0x38;
	[tilespmem:$0x10000] =	vst v63  }
0x17f: {  	s22 =	simm.s32 $0x1C00;
	s23 =	sld [smem:$0x7C5]  }
0x180: {  	[tilespmem:s22], [sflag:$0x1] =	stream.strided.gather [hbm4b:s14+s0], $0x400, s4, s0, $0x38;
	[tilespmem:$0x10000] =	vst v63  }
0x181: {  	s24 =	simm.s32 $0x2000;
	s25 =	sld [smem:$0x7C6]  }
0x182: {  	[tilespmem:s24], [sflag:$0x1] =	stream.strided.gather [hbm4b:s23+s0], $0x400, s4, s0, $0x38;
	[tilespmem:$0x10000] =	vst v63  }
0x183: {  	s31 =	simm.s32 $0x2400;
	s14 =	sld [smem:$0x7C7]  }
0x184: {  	[tilespmem:s31], [sflag:$0x1] =	stream.strided.gather [hbm4b:s25+s0], $0x400, s4, s0, $0x38;
	[tilespmem:$0x10000] =	vst v63  }
0x185: {  	s22 =	simm.s32 $0x2800;
	s23 =	sld [smem:$0x7C8]  }
0x186: {  	[tilespmem:s22], [sflag:$0x1] =	stream.strided.gather [hbm4b:s14+s0], $0x400, s4, s0, $0x38;
	[tilespmem:$0x10000] =	vst v63  }
0x187: {  	s24 =	simm.s32 $0x2C00;
	s25 =	sld [smem:$0x7C9]  }
0x188: {  	[tilespmem:s24], [sflag:$0x1] =	stream.strided.gather [hbm4b:s23+s0], $0x400, s4, s0, $0x38;
	[tilespmem:$0x10000] =	vst v63  }
0x189: {  	s31 =	simm.s32 $0x3000;
	s14 =	sld [smem:$0x7CA]  }
0x18a: {  	[tilespmem:s31], [sflag:$0x1] =	stream.strided.gather [hbm4b:s25+s0], $0x400, s4, s0, $0x38;
	[tilespmem:$0x10000] =	vst v63  }
0x18b: {  	s22 =	simm.s32 $0x3400;
	s23 =	sld [smem:$0x7CB]  }
0x18c: {  	[tilespmem:s22], [sflag:$0x1] =	stream.strided.gather [hbm4b:s14+s0], $0x400, s4, s0, $0x38;
	[tilespmem:$0x10000] =	vst v63  }
0x18d: {  	s24 =	simm.s32 $0x3800;
	s25 =	sld [smem:$0x7CC]  }
0x18e: {  	[tilespmem:s24], [sflag:$0x1] =	stream.strided.gather [hbm4b:s23+s0], $0x400, s4, s0, $0x38;
	[tilespmem:$0x10000] =	vst v63  }
0x18f: {  	s31 =	simm.s32 $0x3C00;
	s14 =	sld [smem:$0x7CD]  }
0x190: {  	[tilespmem:s31], [sflag:$0x1] =	stream.strided.gather [hbm4b:s25+s0], $0x400, s4, s0, $0x38;
	[tilespmem:$0x10000] =	vst v63  }
0x191: {  	s22 =	simm.s32 $0x4000;
	s23 =	sld [smem:$0x7CE]  }
0x192: {  	[tilespmem:s22], [sflag:$0x1] =	stream.strided.gather [hbm4b:s14+s0], $0x400, s4, s0, $0x38;
	[tilespmem:$0x10000] =	vst v63  }
0x193: {  	s24 =	simm.s32 $0x4400;
	s25 =	sld [smem:$0x7CF]  }
0x194: {  	[tilespmem:s24], [sflag:$0x1] =	stream.strided.gather [hbm4b:s23+s0], $0x400, s4, s0, $0x38;
	[tilespmem:$0x10000] =	vst v63  }
0x195: {  	s31 =	simm.s32 $0x4800;
	s14 =	sld [smem:$0x7D0]  }
0x196: {  	[tilespmem:s31], [sflag:$0x1] =	stream.strided.gather [hbm4b:s25+s0], $0x400, s4, s0, $0x38;
	[tilespmem:$0x10000] =	vst v63  }
0x197: {  	s22 =	simm.s32 $0x4C00;
	s23 =	sld [smem:$0x7D1]  }
0x198: {  	[tilespmem:s22], [sflag:$0x1] =	stream.strided.gather [hbm4b:s14+s0], $0x400, s4, s0, $0x38;
	[tilespmem:$0x10000] =	vst v63  }
0x199: {  	s24 =	simm.s32 $0x5000;
	s25 =	sld [smem:$0x7D2]  }
0x19a: {  	[tilespmem:s24], [sflag:$0x1] =	stream.strided.gather [hbm4b:s23+s0], $0x400, s4, s0, $0x38;
	[tilespmem:$0x10000] =	vst v63  }
0x19b: {  	s31 =	simm.s32 $0x5400;
	s22 =	sld [smem:$0x7D3]  }
0x19c: {  	[tilespmem:s31], [sflag:$0x1] =	stream.strided.gather [hbm4b:s25+s0], $0x400, s4, s0, $0x38;
	[tilespmem:$0x10000] =	vst v63  }
0x19d: {  	s23 =	simm.s32 $0x5800;
	s24 =	sld [smem:$0x7D4]  }
0x19e: {  	[tilespmem:s23], [sflag:$0x1] =	stream.strided.gather [hbm4b:s22+s0], $0x400, s4, s0, $0x38;
	[tilespmem:$0x10000] =	vst v63  }
0x19f: {  	s25 =	simm.s32 $0x5C00;
	s31 =	sld [smem:$0x7D5]  }
0x1a0: {  	[tilespmem:s25], [sflag:$0x1] =	stream.strided.gather [hbm4b:s24+s0], $0x400, s4, s0, $0x38;
	[tilespmem:$0x10000] =	vst v63  }
0x1a1: {  	s14 =	sld [smem:$0x7D7]  }
0x1a2: {  	[tilespmem:s15], [sflag:$0x1] =	stream.strided.gather [hbm4b:s31+s0], $0x400, s4, s0, $0x38;
	[tilespmem:$0x10000] =	vst v63  }
0x1a3: {  	s22 =	sld [smem:$0x7D8]  }
0x1a4: {  	[tilespmem:s16], [sflag:$0x1] =	stream.strided.gather [hbm4b:s14+s0], $0x400, s4, s0, $0x38;
	[tilespmem:$0x10000] =	vst v63  }
0x1a5: {  	s23 =	sld [smem:$0x7D9]  }
0x1a6: {  	[tilespmem:s17], [sflag:$0x1] =	stream.strided.gather [hbm4b:s22+s0], $0x400, s4, s0, $0x38;
	[tilespmem:$0x10000] =	vst v63  }
0x1a7: {  	s24 =	sld [smem:$0x7DA]  }
0x1a8: {  	[tilespmem:s18], [sflag:$0x1] =	stream.strided.gather [hbm4b:s23+s0], $0x400, s4, s0, $0x38;
	[tilespmem:$0x10000] =	vst v63  }
0x1a9: {  	s25 =	sld [smem:$0x7DB]  }
0x1aa: {  	[tilespmem:s19], [sflag:$0x1] =	stream.strided.gather [hbm4b:s24+s0], $0x400, s4, s0, $0x38;
	[tilespmem:$0x10000] =	vst v63  }
0x1ab: {  	s31 =	sld [smem:$0x7DC]  }
0x1ac: {  	[tilespmem:s20], [sflag:$0x1] =	stream.strided.gather [hbm4b:s25+s0], $0x400, s4, s0, $0x38;
	[tilespmem:$0x10000] =	vst v63  }
0x1ad: {  	s14 =	sld [smem:$0x7DD]  }
0x1ae: {  	[tilespmem:s21], [sflag:$0x1] =	stream.strided.gather [hbm4b:s31+s0], $0x400, s4, s0, $0x38;
	[tilespmem:$0x10000] =	vst v63  }
0x1af: {  	_ = 	snop  }
0x1b0: {  	[tilespmem:s26], [sflag:$0x1] =	stream.strided.gather [hbm4b:s14+s0], $0x400, s4, s0, $0x38;
	[tilespmem:$0x10000] =	vst v63  }
0x1b1: {  	_ =	swait.ge [sflag:s28], $0x400  }
0x1b2: {  	[sflag:s28] =	ssyncset.done $0x0  }
0x1b3: {  	[sflag:s28] =	ssyncadd.s32 $0xFFFFFC00  }
0x1b4: {  	_ =	swait.ge [sflag:s28], $0x400  }
0x1b5: {  	[sflag:s28] =	ssyncset.done $0x0  }
0x1b6: {  	[sflag:s28] =	ssyncadd.s32 $0xFFFFFC00  }
0x1b7: {  	_ =	swait.ge [sflag:s28], $0x400  }
0x1b8: {  	[sflag:s28] =	ssyncset.done $0x0  }
0x1b9: {  	[sflag:s28] =	ssyncadd.s32 $0xFFFFFC00  }
0x1ba: {  	_ =	swait.ge [sflag:s28], $0x400  }
0x1bb: {  	[sflag:s28] =	ssyncset.done $0x0  }
0x1bc: {  	[sflag:s28] =	ssyncadd.s32 $0xFFFFFC00  }
0x1bd: {  	_ =	swait.ge [sflag:s28], $0x400  }
0x1be: {  	[sflag:s28] =	ssyncset.done $0x0  }
0x1bf: {  	[sflag:s28] =	ssyncadd.s32 $0xFFFFFC00  }
0x1c0: {  	_ =	swait.ge [sflag:s28], $0x400  }
0x1c1: {  	[sflag:s28] =	ssyncset.done $0x0  }
0x1c2: {  	[sflag:s28] =	ssyncadd.s32 $0xFFFFFC00  }
0x1c3: {  	_ =	swait.ge [sflag:s28], $0x400  }
0x1c4: {  	[sflag:s28] =	ssyncset.done $0x0  }
0x1c5: {  	[sflag:s28] =	ssyncadd.s32 $0xFFFFFC00  }
0x1c6: {  	_ =	swait.ge [sflag:s28], $0x400  }
0x1c7: {  	[sflag:s28] =	ssyncset.done $0x0  }
0x1c8: {  	[sflag:s28] =	ssyncadd.s32 $0xFFFFFC00  }
0x1c9: {  	_ =	swait.ge [sflag:s28], $0x400  }
0x1ca: {  	[sflag:s28] =	ssyncset.done $0x0  }
0x1cb: {  	[sflag:s28] =	ssyncadd.s32 $0xFFFFFC00  }
0x1cc: {  	_ =	swait.ge [sflag:s28], $0x400  }
0x1cd: {  	[sflag:s28] =	ssyncset.done $0x0  }
0x1ce: {  	[sflag:s28] =	ssyncadd.s32 $0xFFFFFC00  }
0x1cf: {  	_ =	swait.ge [sflag:s28], $0x400  }
0x1d0: {  	[sflag:s28] =	ssyncset.done $0x0  }
0x1d1: {  	[sflag:s28] =	ssyncadd.s32 $0xFFFFFC00  }
0x1d2: {  	_ =	swait.ge [sflag:s28], $0x400  }
0x1d3: {  	[sflag:s28] =	ssyncset.done $0x0  }
0x1d4: {  	[sflag:s28] =	ssyncadd.s32 $0xFFFFFC00  }
0x1d5: {  	_ =	swait.ge [sflag:s28], $0x400  }
0x1d6: {  	[sflag:s28] =	ssyncset.done $0x0  }
0x1d7: {  	[sflag:s28] =	ssyncadd.s32 $0xFFFFFC00  }
0x1d8: {  	_ =	swait.ge [sflag:s28], $0x400  }
0x1d9: {  	[sflag:s28] =	ssyncset.done $0x0  }
0x1da: {  	[sflag:s28] =	ssyncadd.s32 $0xFFFFFC00  }
0x1db: {  	_ =	swait.ge [sflag:s28], $0x400  }
0x1dc: {  	[sflag:s28] =	ssyncset.done $0x0  }
0x1dd: {  	[sflag:s28] =	ssyncadd.s32 $0xFFFFFC00  }
0x1de: {  	_ =	swait.ge [sflag:s28], $0x400  }
0x1df: {  	[sflag:s28] =	ssyncset.done $0x0  }
0x1e0: {  	[sflag:s28] =	ssyncadd.s32 $0xFFFFFC00  }
0x1e1: {  	_ =	swait.ge [sflag:s28], $0x400  }
0x1e2: {  	[sflag:s28] =	ssyncset.done $0x0  }
0x1e3: {  	[sflag:s28] =	ssyncadd.s32 $0xFFFFFC00  }
0x1e4: {  	_ =	swait.ge [sflag:s28], $0x400  }
0x1e5: {  	[sflag:s28] =	ssyncset.done $0x0  }
0x1e6: {  	[sflag:s28] =	ssyncadd.s32 $0xFFFFFC00  }
0x1e7: {  	_ =	swait.ge [sflag:s28], $0x400  }
0x1e8: {  	[sflag:s28] =	ssyncset.done $0x0  }
0x1e9: {  	[sflag:s28] =	ssyncadd.s32 $0xFFFFFC00  }
0x1ea: {  	_ =	swait.ge [sflag:s28], $0x400  }
0x1eb: {  	[sflag:s28] =	ssyncset.done $0x0  }
0x1ec: {  	[sflag:s28] =	ssyncadd.s32 $0xFFFFFC00  }
0x1ed: {  	_ =	swait.ge [sflag:s28], $0x400  }
0x1ee: {  	[sflag:s28] =	ssyncset.done $0x0  }
0x1ef: {  	[sflag:s28] =	ssyncadd.s32 $0xFFFFFC00  }
0x1f0: {  	_ =	swait.ge [sflag:s28], $0x400  }
0x1f1: {  	[sflag:s28] =	ssyncset.done $0x0  }
0x1f2: {  	[sflag:s28] =	ssyncadd.s32 $0xFFFFFC00  }
0x1f3: {  	_ =	swait.ge [sflag:s28], $0x400  }
0x1f4: {  	[sflag:s28] =	ssyncset.done $0x0  }
0x1f5: {  	[sflag:s28] =	ssyncadd.s32 $0xFFFFFC00  }
0x1f6: {  	_ =	swait.ge [sflag:s28], $0x400  }
0x1f7: {  	[sflag:s28] =	ssyncset.done $0x0  }
0x1f8: {  	[sflag:s28] =	ssyncadd.s32 $0xFFFFFC00  }
0x1f9: {  	_ =	swait.ge [sflag:s28], $0x400  }
0x1fa: {  	[sflag:s28] =	ssyncset.done $0x0  }
0x1fb: {  	[sflag:s28] =	ssyncadd.s32 $0xFFFFFC00  }
0x1fc: {  	_ =	swait.ge [sflag:s28], $0x400  }
0x1fd: {  	[sflag:s28] =	ssyncset.done $0x0  }
0x1fe: {  	[sflag:s28] =	ssyncadd.s32 $0xFFFFFC00  }
0x1ff: {  	_ =	swait.ge [sflag:s28], $0x400  }
0x200: {  	[sflag:s28] =	ssyncset.done $0x0  }
0x201: {  	[sflag:s28] =	ssyncadd.s32 $0xFFFFFC00  }
0x202: {  	_ =	swait.ge [sflag:s28], $0x400  }
0x203: {  	[sflag:s28] =	ssyncset.done $0x0  }
0x204: {  	[sflag:s28] =	ssyncadd.s32 $0xFFFFFC00  }
0x205: {  	_ =	swait.ge [sflag:s28], $0x400  }
0x206: {  	[sflag:s28] =	ssyncset.done $0x0  }
0x207: {  	[sflag:s28] =	ssyncadd.s32 $0xFFFFFC00  }
0x208: {  	_ =	swait.ge [sflag:s28], $0x400  }
0x209: {  	[sflag:s28] =	ssyncset.done $0x0  }
0x20a: {  	[sflag:s28] =	ssyncadd.s32 $0xFFFFFC00  }
0x20b: {  	_ =	swait.ge [sflag:s28], $0x400  }
0x20c: {  	v2 =	vor.u32 s2, v0;
	[sflag:s28] =	ssyncset.done $0x0  }
0x20d: {  	v3 =	vor.u32 s2, v1;
	[sflag:s28] =	ssyncadd.s32 $0xFFFFFC00  }
0x20e: {  	_ =	swait.ge [sflag:s28], $0x400  }
0x20f: {  	[sflag:s28] =	ssyncset.done $0x0  }
0x210: {  	[sflag:s28] =	ssyncadd.s32 $0xFFFFFC00  }
0x211: {  	v2 =	vld.idx.msk [tilespmem:v2+s5+$0x0], $0xffff  }
0x212: {  	s22 =	simm.s32 $0x1;
	v3 =	vld.idx.msk [tilespmem:v3+s5+$0x0], $0xffff  }
0x213: {  	v4 =	vor.u32 s22, v0  }
0x214: {  	v5 =	vor.u32 s22, v1  }
0x215: {  	s2 =	simm.s32 $0x8040  }
0x216: {  	[tilespmem:s2+$0xFFFFFFC0] =	vst v2  }
0x217: {  	[tilespmem:s2+$0xFFFFFFD0] =	vst v3  }
0x218: {  	v2 =	vld.idx.msk [tilespmem:v4+s5+$0x0], $0xffff  }
0x219: {  	s23 =	simm.s32 $0x2;
	v3 =	vld.idx.msk [tilespmem:v5+s5+$0x0], $0xffff  }
0x21a: {  	v4 =	vor.u32 s23, v0;
	_ =	sdelay $0x1  }
0x21b: {  	s24 =	simm.s32 $0x20;
	v5 =	vor.u32 s23, v1  }
0x21c: {  	s3 =	sor.u32 $0x30, s24;
	[tilespmem:s2+$0xFFFFFFE0] =	vst v2  }
0x21d: {  	[tilespmem:s3+$0x8000] =	vst v3  }
0x21e: {  	v2 =	vld.idx.msk [tilespmem:v4+s5+$0x0], $0xffff;
	_ =	sdelay $0x1  }
0x21f: {  	s25 =	simm.s32 $0x3;
	v3 =	vld.idx.msk [tilespmem:v5+s5+$0x0], $0xffff  }
0x220: {  	v4 =	vor.u32 s25, v0;
	_ =	sdelay $0x1  }
0x221: {  	s31 =	simm.s32 $0x40;
	[tilespmem:s2+$0x0] =	vst v2;
	v2 =	vor.u32 s25, v1  }
0x222: {  	s14 =	sor.u32 $0x50, s31  }
0x223: {  	[tilespmem:s14+$0x8000] =	vst v3  }
0x224: {  	v5 =	vld.idx.msk [tilespmem:v4+s5+$0x0], $0xffff;
	_ =	sdelay $0x1  }
0x225: {  	s14 =	simm.s32 $0x4;
	v4 =	vld.idx.msk [tilespmem:v2+s5+$0x0], $0xffff  }
0x226: {  	v2 =	vor.u32 s14, v0  }
0x227: {  	s3 =	simm.s32 $0x60;
	v3 =	vor.u32 s14, v1  }
0x228: {  	s23 =	simm.s32 $0x8;
	s24 =	sor.u32 $0x70, s3;
	[tilespmem:s2+$0x20] =	vst v5  }
.LBB2_7:
0x229: {  	s3 =	sadd.s32 $0x80, s3  }
0x22a: {  	[tilespmem:s24+$0x8000] =	vst v4;
	s2 =	sadd.s32 $0x80, s2;
	s24 =	smov.u32 s23;
	s22 =	sadd.s32 $0x4, s23  }
0x22b: {  	p3 =	slt.u32 s23, $0x3FC;
	v2 =	vld.idx.msk [tilespmem:v2+s5+$0x0], $0xffff  }
0x22c: {  	v3 =	vld.idx.msk [tilespmem:v3+s5+$0x0], $0xffff  }
0x22d: {  	s23 =	sadd.s32 $0x1, s14  }
0x22e: {  	v4 =	vor.u32 s23, v0  }
0x22f: {  	v5 =	vor.u32 s23, v1;
	_ =	sdelay $0x1  }
0x230: {  	[tilespmem:s2+$0xFFFFFFC0] =	vst v2  }
0x231: {  	[tilespmem:s2+$0xFFFFFFD0] =	vst v3  }
0x232: {  	v2 =	vld.idx.msk [tilespmem:v4+s5+$0x0], $0xffff  }
0x233: {  	v3 =	vld.idx.msk [tilespmem:v5+s5+$0x0], $0xffff  }
0x234: {  	s23 =	sadd.s32 $0x2, s14  }
0x235: {  	v4 =	vor.u32 s23, v0  }
0x236: {  	v5 =	vor.u32 s23, v1  }
0x237: {  	s23 =	sadd.s32 $0xFFFFFFC0, s3  }
0x238: {  	s23 =	sor.u32 $0x30, s23;
	[tilespmem:s2+$0xFFFFFFE0] =	vst v2  }
0x239: {  	[tilespmem:s23+$0x8000] =	vst v3  }
0x23a: {  	v2 =	vld.idx.msk [tilespmem:v4+s5+$0x0], $0xffff  }
0x23b: {  	v3 =	vld.idx.msk [tilespmem:v5+s5+$0x0], $0xffff  }
0x23c: {  	s23 =	sadd.s32 $0x3, s14;
	s14 =	smov.u32 s24  }
0x23d: {  	v4 =	vor.u32 s23, v0  }
0x23e: {  	v5 =	vor.u32 s23, v1  }
0x23f: {  	s23 =	sadd.s32 $0xFFFFFFE0, s3  }
0x240: {  	s23 =	sor.u32 $0x50, s23;
	[tilespmem:s2+$0x0] =	vst v2  }
0x241: {  	[tilespmem:s23+$0x8000] =	vst v3  }
0x242: {  	v6 =	vld.idx.msk [tilespmem:v4+s5+$0x0], $0xffff  }
0x243: {  	v4 =	vld.idx.msk [tilespmem:v5+s5+$0x0], $0xffff  }
.Ltmp5:
0x244: {  	(pc) =	sbr.rel @p3 .LBB2_7-.Ltmp5, $3  }
0x245: {  	v2 =	vor.u32 s14, v0  }
0x246: {  	v3 =	vor.u32 s14, v1;
	_ =	sdelay $0x1  }
0x247: {  	s24 =	sor.u32 $0x70, s3;
	s23 =	smov.u32 s22;
	[tilespmem:s2+$0x20] =	vst v6  }
0x248: {  	_ =	sdelay $0x2  }
0x249: {  	[tilespmem:s24+$0x8000] =	vst v4  }
0x24a: {  	v2 =	vld.idx.msk [tilespmem:v2+s5+$0x0], $0xffff  }
0x24b: {  	s22 =	sadd.s32 $0x1, s14;
	v3 =	vld.idx.msk [tilespmem:v3+s5+$0x0], $0xffff  }
0x24c: {  	v59 =	vor.u32 s22, v0  }
0x24d: {  	v5 =	vor.u32 s22, v1  }
0x24e: {  	s2 =	sadd.s32 $0x80, s2  }
0x24f: {  	[tilespmem:s2+$0xFFFFFFC0] =	vst v2  }
0x250: {  	[tilespmem:s2+$0xFFFFFFD0] =	vst v3  }
0x251: {  	v2 =	vld.idx.msk [tilespmem:v59+s5+$0x0], $0xffff  }
0x252: {  	s25 =	sadd.s32 $0x2, s14;
	v3 =	vld.idx.msk [tilespmem:v5+s5+$0x0], $0xffff  }
0x253: {  	v60 =	vor.u32 s25, v0  }
0x254: {  	s3 =	sadd.s32 $0x80, s3;
	v61 =	vor.u32 s25, v1  }
0x255: {  	s31 =	sadd.s32 $0xFFFFFFC0, s3  }
0x256: {  	s22 =	sor.u32 $0x30, s31;
	[tilespmem:s2+$0xFFFFFFE0] =	vst v2  }
0x257: {  	[tilespmem:s22+$0x8000] =	vst v3  }
0x258: {  	v2 =	vld.idx.msk [tilespmem:v60+s5+$0x0], $0xffff  }
0x259: {  	s23 =	sadd.s32 $0x3, s14;
	v3 =	vld.idx.msk [tilespmem:v61+s5+$0x0], $0xffff  }
0x25a: {  	v62 =	vor.u32 s23, v0  }
0x25b: {  	v63 =	vor.u32 s23, v1  }
0x25c: {  	s24 =	sadd.s32 $0xFFFFFFE0, s3  }
0x25d: {  	s14 =	sor.u32 $0x50, s24;
	[tilespmem:s2+$0x0] =	vst v2  }
0x25e: {  	[tilespmem:s14+$0x8000] =	vst v3  }
0x25f: {  	v2 =	vld.idx.msk [tilespmem:v62+s5+$0x0], $0xffff  }
0x260: {  	v3 =	vld.idx.msk [tilespmem:v63+s5+$0x0], $0xffff;
	_ =	sdelay $0x3  }
0x261: {  	s25 =	sor.u32 $0x70, s3;
	[tilespmem:s2+$0x20] =	vst v2  }
.Ltmp6:
0x262: {  	s31 =	rddreg [dreg:$0xc];
	[tilespmem:s25+$0x8000] =	vst v3;
	(pc) =	sbr.rel .LBB2_13-.Ltmp6, $4  }
0x263: {  	[hbm4b:s31+s5] =	stream.linear.scatter [tilespmem:s29], [sflag:$0x2], $0x8000, $0x38;
	[tilespmem:$0x10000] =	vst v63  }
0x264: {  	_ =	swait.ge [sflag:s30], $0x8000  }
0x265: {  	[sflag:s30] =	ssyncset.done $0x0  }
0x266: {  	[sflag:s30] =	ssyncadd.s32 $0xFFFF8000  }
.LBB2_9:
.Ltmp7:
0x267: {  	(pc) =	sbr.rel @p2 .LBB2_13-.Ltmp7, $1  }
0x268: {  	_ =	sdelay $0x3  }
0x269: {  	s3 =	rddreg [dreg:$0xd]  }
0x26a: {  	s2 =	simm.s32 $0x0;
	s23 =	rddreg [dreg:$0xe]  }
0x26b: {  	[tilespmem:s2], [sflag:$0x1] =	stream.linear.gather [hbm4b:s3+s2], $0x80, $0x38;
	[tilespmem:$0x10000] =	vst v63  }
0x26c: {  	s24 =	rddreg [dreg:$0x17]  }
0x26d: {  	[tilespmem:s4], [sflag:$0x1] =	stream.linear.gather [hbm4b:s23+s2], $0x80, $0x38;
	[tilespmem:$0x10000] =	vst v63  }
0x26e: {  	s14 =	simm.s32 $0x800;
	s25 =	rddreg [dreg:$0x1a]  }
0x26f: {  	[tilespmem:s14], [sflag:$0x1] =	stream.linear.gather [hbm4b:s24+s2], $0x80, $0x38;
	[tilespmem:$0x10000] =	vst v63  }
0x270: {  	s31 =	simm.s32 $0xC00;
	s23 =	sld [smem:$0x7B7]  }
0x271: {  	[tilespmem:s31], [sflag:$0x1] =	stream.linear.gather [hbm4b:s25+s2], $0x80, $0x38;
	[tilespmem:$0x10000] =	vst v63  }
0x272: {  	s22 =	simm.s32 $0x1000;
	s14 =	rddreg [dreg:$0x1d]  }
0x273: {  	[tilespmem:s22], [sflag:$0x1] =	stream.linear.gather [hbm4b:s14+s2], $0x80, $0x38;
	[tilespmem:$0x10000] =	vst v63  }
0x274: {  	s24 =	simm.s32 $0x1400;
	s25 =	sld [smem:$0x7BA]  }
0x275: {  	[tilespmem:s24], [sflag:$0x1] =	stream.linear.gather [hbm4b:s23+s2], $0x80, $0x38;
	[tilespmem:$0x10000] =	vst v63  }
0x276: {  	s31 =	simm.s32 $0x1800;
	s14 =	sld [smem:$0x7BD]  }
0x277: {  	[tilespmem:s31], [sflag:$0x1] =	stream.linear.gather [hbm4b:s25+s2], $0x80, $0x38;
	[tilespmem:$0x10000] =	vst v63  }
0x278: {  	s22 =	simm.s32 $0x1C00;
	s23 =	rddreg [dreg:$0xf]  }
0x279: {  	[tilespmem:s22], [sflag:$0x1] =	stream.linear.gather [hbm4b:s14+s2], $0x80, $0x38;
	[tilespmem:$0x10000] =	vst v63  }
0x27a: {  	s24 =	simm.s32 $0x2000;
	s25 =	rddreg [dreg:$0x10]  }
0x27b: {  	[tilespmem:s24], [sflag:$0x1] =	stream.linear.gather [hbm4b:s23+s2], $0x80, $0x38;
	[tilespmem:$0x10000] =	vst v63  }
0x27c: {  	s31 =	simm.s32 $0x2400;
	s14 =	rddreg [dreg:$0x11]  }
0x27d: {  	[tilespmem:s31], [sflag:$0x1] =	stream.linear.gather [hbm4b:s25+s2], $0x80, $0x38;
	[tilespmem:$0x10000] =	vst v63  }
0x27e: {  	s22 =	simm.s32 $0x2800;
	s23 =	rddreg [dreg:$0x12]  }
0x27f: {  	[tilespmem:s22], [sflag:$0x1] =	stream.linear.gather [hbm4b:s14+s2], $0x80, $0x38;
	[tilespmem:$0x10000] =	vst v63  }
0x280: {  	s24 =	simm.s32 $0x2C00;
	s25 =	rddreg [dreg:$0x13]  }
0x281: {  	[tilespmem:s24], [sflag:$0x1] =	stream.linear.gather [hbm4b:s23+s2], $0x80, $0x38;
	[tilespmem:$0x10000] =	vst v63  }
0x282: {  	s31 =	simm.s32 $0x3000;
	s14 =	rddreg [dreg:$0x14]  }
0x283: {  	[tilespmem:s31], [sflag:$0x1] =	stream.linear.gather [hbm4b:s25+s2], $0x80, $0x38;
	[tilespmem:$0x10000] =	vst v63  }
0x284: {  	s22 =	simm.s32 $0x3400;
	s23 =	rddreg [dreg:$0x15]  }
0x285: {  	[tilespmem:s22], [sflag:$0x1] =	stream.linear.gather [hbm4b:s14+s2], $0x80, $0x38;
	[tilespmem:$0x10000] =	vst v63  }
0x286: {  	s24 =	simm.s32 $0x3800;
	s25 =	rddreg [dreg:$0x16]  }
0x287: {  	[tilespmem:s24], [sflag:$0x1] =	stream.linear.gather [hbm4b:s23+s2], $0x80, $0x38;
	[tilespmem:$0x10000] =	vst v63  }
0x288: {  	s31 =	simm.s32 $0x3C00;
	s14 =	rddreg [dreg:$0x18]  }
0x289: {  	[tilespmem:s31], [sflag:$0x1] =	stream.linear.gather [hbm4b:s25+s2], $0x80, $0x38;
	[tilespmem:$0x10000] =	vst v63  }
0x28a: {  	s22 =	simm.s32 $0x4000;
	s23 =	rddreg [dreg:$0x19]  }
0x28b: {  	[tilespmem:s22], [sflag:$0x1] =	stream.linear.gather [hbm4b:s14+s2], $0x80, $0x38;
	[tilespmem:$0x10000] =	vst v63  }
0x28c: {  	s24 =	simm.s32 $0x4400;
	s25 =	rddreg [dreg:$0x1b]  }
0x28d: {  	[tilespmem:s24], [sflag:$0x1] =	stream.linear.gather [hbm4b:s23+s2], $0x80, $0x38;
	[tilespmem:$0x10000] =	vst v63  }
0x28e: {  	s31 =	simm.s32 $0x4800;
	s14 =	rddreg [dreg:$0x1c]  }
0x28f: {  	[tilespmem:s31], [sflag:$0x1] =	stream.linear.gather [hbm4b:s25+s2], $0x80, $0x38;
	[tilespmem:$0x10000] =	vst v63  }
0x290: {  	s22 =	simm.s32 $0x4C00;
	s23 =	rddreg [dreg:$0x1e]  }
0x291: {  	[tilespmem:s22], [sflag:$0x1] =	stream.linear.gather [hbm4b:s14+s2], $0x80, $0x38;
	[tilespmem:$0x10000] =	vst v63  }
0x292: {  	s24 =	simm.s32 $0x5000;
	s25 =	rddreg [dreg:$0x1f]  }
0x293: {  	[tilespmem:s24], [sflag:$0x1] =	stream.linear.gather [hbm4b:s23+s2], $0x80, $0x38;
	[tilespmem:$0x10000] =	vst v63  }
0x294: {  	s31 =	simm.s32 $0x5400;
	s22 =	sld [smem:$0x7B8]  }
0x295: {  	[tilespmem:s31], [sflag:$0x1] =	stream.linear.gather [hbm4b:s25+s2], $0x80, $0x38;
	[tilespmem:$0x10000] =	vst v63  }
0x296: {  	s23 =	simm.s32 $0x5800;
	s24 =	sld [smem:$0x7B9]  }
0x297: {  	[tilespmem:s23], [sflag:$0x1] =	stream.linear.gather [hbm4b:s22+s2], $0x80, $0x38;
	[tilespmem:$0x10000] =	vst v63  }
0x298: {  	s25 =	simm.s32 $0x5C00;
	s31 =	sld [smem:$0x7BB]  }
0x299: {  	[tilespmem:s25], [sflag:$0x1] =	stream.linear.gather [hbm4b:s24+s2], $0x80, $0x38;
	[tilespmem:$0x10000] =	vst v63  }
0x29a: {  	s14 =	sld [smem:$0x7BC]  }
0x29b: {  	[tilespmem:s15], [sflag:$0x1] =	stream.linear.gather [hbm4b:s31+s2], $0x80, $0x38;
	[tilespmem:$0x10000] =	vst v63  }
0x29c: {  	s22 =	sld [smem:$0x7BE]  }
0x29d: {  	[tilespmem:s16], [sflag:$0x1] =	stream.linear.gather [hbm4b:s14+s2], $0x80, $0x38;
	[tilespmem:$0x10000] =	vst v63  }
0x29e: {  	s23 =	sld [smem:$0x7BF]  }
0x29f: {  	[tilespmem:s17], [sflag:$0x1] =	stream.linear.gather [hbm4b:s22+s2], $0x80, $0x38;
	[tilespmem:$0x10000] =	vst v63  }
0x2a0: {  	s24 =	sld [smem:$0x7C0]  }
0x2a1: {  	[tilespmem:s18], [sflag:$0x1] =	stream.linear.gather [hbm4b:s23+s2], $0x80, $0x38;
	[tilespmem:$0x10000] =	vst v63  }
0x2a2: {  	s25 =	sld [smem:$0x7C1]  }
0x2a3: {  	[tilespmem:s19], [sflag:$0x1] =	stream.linear.gather [hbm4b:s24+s2], $0x80, $0x38;
	[tilespmem:$0x10000] =	vst v63  }
0x2a4: {  	s31 =	sld [smem:$0x7C2]  }
0x2a5: {  	[tilespmem:s20], [sflag:$0x1] =	stream.linear.gather [hbm4b:s25+s2], $0x80, $0x38;
	[tilespmem:$0x10000] =	vst v63  }
0x2a6: {  	s14 =	sld [smem:$0x7C3]  }
0x2a7: {  	[tilespmem:s21], [sflag:$0x1] =	stream.linear.gather [hbm4b:s31+s2], $0x80, $0x38;
	[tilespmem:$0x10000] =	vst v63  }
0x2a8: {  	_ = 	snop  }
0x2a9: {  	[tilespmem:s26], [sflag:$0x1] =	stream.linear.gather [hbm4b:s14+s2], $0x80, $0x38;
	[tilespmem:$0x10000] =	vst v63  }
0x2aa: {  	_ =	swait.ge [sflag:s28], $0x80  }
0x2ab: {  	[sflag:s28] =	ssyncset.done $0x0  }
0x2ac: {  	[sflag:s28] =	ssyncadd.s32 $0xFFFFFF80  }
0x2ad: {  	_ =	swait.ge [sflag:s28], $0x80  }
0x2ae: {  	[sflag:s28] =	ssyncset.done $0x0  }
0x2af: {  	[sflag:s28] =	ssyncadd.s32 $0xFFFFFF80  }
0x2b0: {  	_ =	swait.ge [sflag:s28], $0x80  }
0x2b1: {  	[sflag:s28] =	ssyncset.done $0x0  }
0x2b2: {  	[sflag:s28] =	ssyncadd.s32 $0xFFFFFF80  }
0x2b3: {  	_ =	swait.ge [sflag:s28], $0x80  }
0x2b4: {  	[sflag:s28] =	ssyncset.done $0x0  }
0x2b5: {  	[sflag:s28] =	ssyncadd.s32 $0xFFFFFF80  }
0x2b6: {  	_ =	swait.ge [sflag:s28], $0x80  }
0x2b7: {  	[sflag:s28] =	ssyncset.done $0x0  }
0x2b8: {  	[sflag:s28] =	ssyncadd.s32 $0xFFFFFF80  }
0x2b9: {  	_ =	swait.ge [sflag:s28], $0x80  }
0x2ba: {  	[sflag:s28] =	ssyncset.done $0x0  }
0x2bb: {  	[sflag:s28] =	ssyncadd.s32 $0xFFFFFF80  }
0x2bc: {  	_ =	swait.ge [sflag:s28], $0x80  }
0x2bd: {  	[sflag:s28] =	ssyncset.done $0x0  }
0x2be: {  	[sflag:s28] =	ssyncadd.s32 $0xFFFFFF80  }
0x2bf: {  	_ =	swait.ge [sflag:s28], $0x80  }
0x2c0: {  	[sflag:s28] =	ssyncset.done $0x0  }
0x2c1: {  	[sflag:s28] =	ssyncadd.s32 $0xFFFFFF80  }
0x2c2: {  	_ =	swait.ge [sflag:s28], $0x80  }
0x2c3: {  	[sflag:s28] =	ssyncset.done $0x0  }
0x2c4: {  	[sflag:s28] =	ssyncadd.s32 $0xFFFFFF80  }
0x2c5: {  	_ =	swait.ge [sflag:s28], $0x80  }
0x2c6: {  	[sflag:s28] =	ssyncset.done $0x0  }
0x2c7: {  	[sflag:s28] =	ssyncadd.s32 $0xFFFFFF80  }
0x2c8: {  	_ =	swait.ge [sflag:s28], $0x80  }
0x2c9: {  	[sflag:s28] =	ssyncset.done $0x0  }
0x2ca: {  	[sflag:s28] =	ssyncadd.s32 $0xFFFFFF80  }
0x2cb: {  	_ =	swait.ge [sflag:s28], $0x80  }
0x2cc: {  	[sflag:s28] =	ssyncset.done $0x0  }
0x2cd: {  	[sflag:s28] =	ssyncadd.s32 $0xFFFFFF80  }
0x2ce: {  	_ =	swait.ge [sflag:s28], $0x80  }
0x2cf: {  	[sflag:s28] =	ssyncset.done $0x0  }
0x2d0: {  	[sflag:s28] =	ssyncadd.s32 $0xFFFFFF80  }
0x2d1: {  	_ =	swait.ge [sflag:s28], $0x80  }
0x2d2: {  	[sflag:s28] =	ssyncset.done $0x0  }
0x2d3: {  	[sflag:s28] =	ssyncadd.s32 $0xFFFFFF80  }
0x2d4: {  	_ =	swait.ge [sflag:s28], $0x80  }
0x2d5: {  	[sflag:s28] =	ssyncset.done $0x0  }
0x2d6: {  	[sflag:s28] =	ssyncadd.s32 $0xFFFFFF80  }
0x2d7: {  	_ =	swait.ge [sflag:s28], $0x80  }
0x2d8: {  	[sflag:s28] =	ssyncset.done $0x0  }
0x2d9: {  	[sflag:s28] =	ssyncadd.s32 $0xFFFFFF80  }
0x2da: {  	_ =	swait.ge [sflag:s28], $0x80  }
0x2db: {  	[sflag:s28] =	ssyncset.done $0x0  }
0x2dc: {  	[sflag:s28] =	ssyncadd.s32 $0xFFFFFF80  }
0x2dd: {  	_ =	swait.ge [sflag:s28], $0x80  }
0x2de: {  	[sflag:s28] =	ssyncset.done $0x0  }
0x2df: {  	[sflag:s28] =	ssyncadd.s32 $0xFFFFFF80  }
0x2e0: {  	_ =	swait.ge [sflag:s28], $0x80  }
0x2e1: {  	[sflag:s28] =	ssyncset.done $0x0  }
0x2e2: {  	[sflag:s28] =	ssyncadd.s32 $0xFFFFFF80  }
0x2e3: {  	_ =	swait.ge [sflag:s28], $0x80  }
0x2e4: {  	[sflag:s28] =	ssyncset.done $0x0  }
0x2e5: {  	[sflag:s28] =	ssyncadd.s32 $0xFFFFFF80  }
0x2e6: {  	_ =	swait.ge [sflag:s28], $0x80  }
0x2e7: {  	[sflag:s28] =	ssyncset.done $0x0  }
0x2e8: {  	[sflag:s28] =	ssyncadd.s32 $0xFFFFFF80  }
0x2e9: {  	_ =	swait.ge [sflag:s28], $0x80  }
0x2ea: {  	[sflag:s28] =	ssyncset.done $0x0  }
0x2eb: {  	[sflag:s28] =	ssyncadd.s32 $0xFFFFFF80  }
0x2ec: {  	_ =	swait.ge [sflag:s28], $0x80  }
0x2ed: {  	[sflag:s28] =	ssyncset.done $0x0  }
0x2ee: {  	[sflag:s28] =	ssyncadd.s32 $0xFFFFFF80  }
0x2ef: {  	_ =	swait.ge [sflag:s28], $0x80  }
0x2f0: {  	[sflag:s28] =	ssyncset.done $0x0  }
0x2f1: {  	[sflag:s28] =	ssyncadd.s32 $0xFFFFFF80  }
0x2f2: {  	_ =	swait.ge [sflag:s28], $0x80  }
0x2f3: {  	[sflag:s28] =	ssyncset.done $0x0  }
0x2f4: {  	[sflag:s28] =	ssyncadd.s32 $0xFFFFFF80  }
0x2f5: {  	_ =	swait.ge [sflag:s28], $0x80  }
0x2f6: {  	[sflag:s28] =	ssyncset.done $0x0  }
0x2f7: {  	[sflag:s28] =	ssyncadd.s32 $0xFFFFFF80  }
0x2f8: {  	_ =	swait.ge [sflag:s28], $0x80  }
0x2f9: {  	[sflag:s28] =	ssyncset.done $0x0  }
0x2fa: {  	[sflag:s28] =	ssyncadd.s32 $0xFFFFFF80  }
0x2fb: {  	_ =	swait.ge [sflag:s28], $0x80  }
0x2fc: {  	[sflag:s28] =	ssyncset.done $0x0  }
0x2fd: {  	[sflag:s28] =	ssyncadd.s32 $0xFFFFFF80  }
0x2fe: {  	_ =	swait.ge [sflag:s28], $0x80  }
0x2ff: {  	[sflag:s28] =	ssyncset.done $0x0  }
0x300: {  	[sflag:s28] =	ssyncadd.s32 $0xFFFFFF80  }
0x301: {  	_ =	swait.ge [sflag:s28], $0x80  }
0x302: {  	[sflag:s28] =	ssyncset.done $0x0  }
0x303: {  	[sflag:s28] =	ssyncadd.s32 $0xFFFFFF80  }
0x304: {  	_ =	swait.ge [sflag:s28], $0x80  }
0x305: {  	v2 =	vor.u32 s2, v0;
	[sflag:s28] =	ssyncset.done $0x0  }
0x306: {  	v3 =	vor.u32 s2, v1;
	[sflag:s28] =	ssyncadd.s32 $0xFFFFFF80  }
0x307: {  	_ =	swait.ge [sflag:s28], $0x80  }
0x308: {  	[sflag:s28] =	ssyncset.done $0x0  }
0x309: {  	[sflag:s28] =	ssyncadd.s32 $0xFFFFFF80  }
0x30a: {  	v2 =	vld.idx.msk [tilespmem:v2+s5+$0x0], $0xffff  }
0x30b: {  	s22 =	simm.s32 $0x1;
	v3 =	vld.idx.msk [tilespmem:v3+s5+$0x0], $0xffff  }
0x30c: {  	v4 =	vor.u32 s22, v0  }
0x30d: {  	v5 =	vor.u32 s22, v1  }
0x30e: {  	s2 =	simm.s32 $0x8040  }
0x30f: {  	[tilespmem:s2+$0xFFFFFFC0] =	vst v2  }
0x310: {  	[tilespmem:s2+$0xFFFFFFD0] =	vst v3  }
0x311: {  	v2 =	vld.idx.msk [tilespmem:v4+s5+$0x0], $0xffff  }
0x312: {  	s23 =	simm.s32 $0x2;
	v3 =	vld.idx.msk [tilespmem:v5+s5+$0x0], $0xffff  }
0x313: {  	v4 =	vor.u32 s23, v0;
	_ =	sdelay $0x1  }
0x314: {  	s24 =	simm.s32 $0x20;
	v5 =	vor.u32 s23, v1  }
0x315: {  	s3 =	sor.u32 $0x30, s24;
	[tilespmem:s2+$0xFFFFFFE0] =	vst v2  }
0x316: {  	[tilespmem:s3+$0x8000] =	vst v3  }
0x317: {  	v2 =	vld.idx.msk [tilespmem:v4+s5+$0x0], $0xffff;
	_ =	sdelay $0x1  }
0x318: {  	s25 =	simm.s32 $0x3;
	v3 =	vld.idx.msk [tilespmem:v5+s5+$0x0], $0xffff  }
0x319: {  	v4 =	vor.u32 s25, v0;
	_ =	sdelay $0x1  }
0x31a: {  	s31 =	simm.s32 $0x40;
	[tilespmem:s2+$0x0] =	vst v2;
	v2 =	vor.u32 s25, v1  }
0x31b: {  	s14 =	sor.u32 $0x50, s31  }
0x31c: {  	[tilespmem:s14+$0x8000] =	vst v3  }
0x31d: {  	v5 =	vld.idx.msk [tilespmem:v4+s5+$0x0], $0xffff;
	_ =	sdelay $0x1  }
0x31e: {  	s14 =	simm.s32 $0x4;
	v4 =	vld.idx.msk [tilespmem:v2+s5+$0x0], $0xffff  }
0x31f: {  	v2 =	vor.u32 s14, v0  }
0x320: {  	s3 =	simm.s32 $0x60;
	v3 =	vor.u32 s14, v1  }
0x321: {  	s23 =	simm.s32 $0x8;
	s24 =	sor.u32 $0x70, s3;
	[tilespmem:s2+$0x20] =	vst v5  }
.LBB2_11:
0x322: {  	s3 =	sadd.s32 $0x80, s3  }
0x323: {  	[tilespmem:s24+$0x8000] =	vst v4;
	s2 =	sadd.s32 $0x80, s2;
	s24 =	smov.u32 s23;
	s22 =	sadd.s32 $0x4, s23  }
0x324: {  	p3 =	slt.u32 s23, $0x7C;
	v2 =	vld.idx.msk [tilespmem:v2+s5+$0x0], $0xffff  }
0x325: {  	v3 =	vld.idx.msk [tilespmem:v3+s5+$0x0], $0xffff  }
0x326: {  	s23 =	sadd.s32 $0x1, s14  }
0x327: {  	v4 =	vor.u32 s23, v0  }
0x328: {  	v5 =	vor.u32 s23, v1;
	_ =	sdelay $0x1  }
0x329: {  	[tilespmem:s2+$0xFFFFFFC0] =	vst v2  }
0x32a: {  	[tilespmem:s2+$0xFFFFFFD0] =	vst v3  }
0x32b: {  	v2 =	vld.idx.msk [tilespmem:v4+s5+$0x0], $0xffff  }
0x32c: {  	v3 =	vld.idx.msk [tilespmem:v5+s5+$0x0], $0xffff  }
0x32d: {  	s23 =	sadd.s32 $0x2, s14  }
0x32e: {  	v4 =	vor.u32 s23, v0  }
0x32f: {  	v5 =	vor.u32 s23, v1  }
0x330: {  	s23 =	sadd.s32 $0xFFFFFFC0, s3  }
0x331: {  	s23 =	sor.u32 $0x30, s23;
	[tilespmem:s2+$0xFFFFFFE0] =	vst v2  }
0x332: {  	[tilespmem:s23+$0x8000] =	vst v3  }
0x333: {  	v2 =	vld.idx.msk [tilespmem:v4+s5+$0x0], $0xffff  }
0x334: {  	v3 =	vld.idx.msk [tilespmem:v5+s5+$0x0], $0xffff  }
0x335: {  	s23 =	sadd.s32 $0x3, s14;
	s14 =	smov.u32 s24  }
0x336: {  	v4 =	vor.u32 s23, v0  }
0x337: {  	v5 =	vor.u32 s23, v1  }
0x338: {  	s23 =	sadd.s32 $0xFFFFFFE0, s3  }
0x339: {  	s23 =	sor.u32 $0x50, s23;
	[tilespmem:s2+$0x0] =	vst v2  }
0x33a: {  	[tilespmem:s23+$0x8000] =	vst v3  }
0x33b: {  	v6 =	vld.idx.msk [tilespmem:v4+s5+$0x0], $0xffff  }
0x33c: {  	v4 =	vld.idx.msk [tilespmem:v5+s5+$0x0], $0xffff  }
.Ltmp8:
0x33d: {  	(pc) =	sbr.rel @p3 .LBB2_11-.Ltmp8, $3  }
0x33e: {  	v2 =	vor.u32 s14, v0  }
0x33f: {  	v3 =	vor.u32 s14, v1;
	_ =	sdelay $0x1  }
0x340: {  	s24 =	sor.u32 $0x70, s3;
	s23 =	smov.u32 s22;
	[tilespmem:s2+$0x20] =	vst v6  }
0x341: {  	_ =	sdelay $0x2  }
0x342: {  	[tilespmem:s24+$0x8000] =	vst v4  }
0x343: {  	v2 =	vld.idx.msk [tilespmem:v2+s5+$0x0], $0xffff  }
0x344: {  	s22 =	sadd.s32 $0x1, s14;
	v3 =	vld.idx.msk [tilespmem:v3+s5+$0x0], $0xffff  }
0x345: {  	v59 =	vor.u32 s22, v0  }
0x346: {  	v5 =	vor.u32 s22, v1  }
0x347: {  	s2 =	sadd.s32 $0x80, s2  }
0x348: {  	[tilespmem:s2+$0xFFFFFFC0] =	vst v2  }
0x349: {  	[tilespmem:s2+$0xFFFFFFD0] =	vst v3  }
0x34a: {  	v2 =	vld.idx.msk [tilespmem:v59+s5+$0x0], $0xffff  }
0x34b: {  	s25 =	sadd.s32 $0x2, s14;
	v3 =	vld.idx.msk [tilespmem:v5+s5+$0x0], $0xffff  }
0x34c: {  	v60 =	vor.u32 s25, v0  }
0x34d: {  	s3 =	sadd.s32 $0x80, s3;
	v61 =	vor.u32 s25, v1  }
0x34e: {  	s31 =	sadd.s32 $0xFFFFFFC0, s3  }
0x34f: {  	s22 =	sor.u32 $0x30, s31;
	[tilespmem:s2+$0xFFFFFFE0] =	vst v2  }
0x350: {  	[tilespmem:s22+$0x8000] =	vst v3  }
0x351: {  	v2 =	vld.idx.msk [tilespmem:v60+s5+$0x0], $0xffff  }
0x352: {  	s23 =	sadd.s32 $0x3, s14;
	v3 =	vld.idx.msk [tilespmem:v61+s5+$0x0], $0xffff  }
0x353: {  	v62 =	vor.u32 s23, v0  }
0x354: {  	v63 =	vor.u32 s23, v1  }
0x355: {  	s24 =	sadd.s32 $0xFFFFFFE0, s3  }
0x356: {  	s14 =	sor.u32 $0x50, s24;
	[tilespmem:s2+$0x0] =	vst v2  }
0x357: {  	[tilespmem:s14+$0x8000] =	vst v3  }
0x358: {  	v2 =	vld.idx.msk [tilespmem:v62+s5+$0x0], $0xffff  }
0x359: {  	v3 =	vld.idx.msk [tilespmem:v63+s5+$0x0], $0xffff;
	_ =	sdelay $0x2  }
0x35a: {  	s31 =	sld [smem:$0x7C4]  }
0x35b: {  	s25 =	sor.u32 $0x70, s3;
	[tilespmem:s2+$0x20] =	vst v2  }
0x35c: {  	[tilespmem:s25+$0x8000] =	vst v3  }
0x35d: {  	[hbm4b:s31+s5] =	stream.linear.scatter [tilespmem:s29], [sflag:$0x2], $0x1000, $0x38;
	[tilespmem:$0x10000] =	vst v63  }
0x35e: {  	_ =	swait.ge [sflag:s30], $0x1000  }
0x35f: {  	[sflag:s30] =	ssyncset.done $0x0  }
0x360: {  	[sflag:s30] =	ssyncadd.s32 $0xFFFFF000  }
.LBB2_13:
.Ltmp9:
0x361: {  	(pc) =	sbr.rel @p0 .LBB2_17-.Ltmp9, $2  }
0x362: {  	_ =	sdelay $0x2  }
0x363: {  	s3 =	sld [smem:$0x7B6]  }
0x364: {  	s3 =	rddreg [dreg:$0x1]  }
0x365: {  	s2 =	simm.s32 $0x0;
	s23 =	sld [smem:$0x7DE]  }
0x366: {  	[tilespmem:s2], [sflag:$0x1] =	stream.linear.gather [hbm4b:s3+s2], $0x80, $0x38;
	[tilespmem:$0x10000] =	vst v63  }
0x367: {  	s24 =	sld [smem:$0x7DF]  }
0x368: {  	[tilespmem:s4], [sflag:$0x1] =	stream.linear.gather [hbm4b:s23+s2], $0x80, $0x38;
	[tilespmem:$0x10000] =	vst v63  }
0x369: {  	s14 =	simm.s32 $0x800;
	s25 =	sld [smem:$0x7E0]  }
0x36a: {  	[tilespmem:s14], [sflag:$0x1] =	stream.linear.gather [hbm4b:s24+s2], $0x80, $0x38;
	[tilespmem:$0x10000] =	vst v63  }
0x36b: {  	s31 =	simm.s32 $0xC00;
	s14 =	sld [smem:$0x7E1]  }
0x36c: {  	[tilespmem:s31], [sflag:$0x1] =	stream.linear.gather [hbm4b:s25+s2], $0x80, $0x38;
	[tilespmem:$0x10000] =	vst v63  }
0x36d: {  	s22 =	simm.s32 $0x1000;
	s23 =	sld [smem:$0x7E2]  }
0x36e: {  	[tilespmem:s22], [sflag:$0x1] =	stream.linear.gather [hbm4b:s14+s2], $0x80, $0x38;
	[tilespmem:$0x10000] =	vst v63  }
0x36f: {  	s24 =	simm.s32 $0x1400;
	s25 =	sld [smem:$0x7E3]  }
0x370: {  	[tilespmem:s24], [sflag:$0x1] =	stream.linear.gather [hbm4b:s23+s2], $0x80, $0x38;
	[tilespmem:$0x10000] =	vst v63  }
0x371: {  	s31 =	simm.s32 $0x1800;
	s14 =	sld [smem:$0x7E4]  }
0x372: {  	[tilespmem:s31], [sflag:$0x1] =	stream.linear.gather [hbm4b:s25+s2], $0x80, $0x38;
	[tilespmem:$0x10000] =	vst v63  }
0x373: {  	s22 =	simm.s32 $0x1C00;
	s23 =	sld [smem:$0x7E5]  }
0x374: {  	[tilespmem:s22], [sflag:$0x1] =	stream.linear.gather [hbm4b:s14+s2], $0x80, $0x38;
	[tilespmem:$0x10000] =	vst v63  }
0x375: {  	s24 =	simm.s32 $0x2000;
	s25 =	sld [smem:$0x7E6]  }
0x376: {  	[tilespmem:s24], [sflag:$0x1] =	stream.linear.gather [hbm4b:s23+s2], $0x80, $0x38;
	[tilespmem:$0x10000] =	vst v63  }
0x377: {  	s31 =	simm.s32 $0x2400;
	s14 =	sld [smem:$0x7E7]  }
0x378: {  	[tilespmem:s31], [sflag:$0x1] =	stream.linear.gather [hbm4b:s25+s2], $0x80, $0x38;
	[tilespmem:$0x10000] =	vst v63  }
0x379: {  	s22 =	simm.s32 $0x2800;
	s23 =	sld [smem:$0x7E8]  }
0x37a: {  	[tilespmem:s22], [sflag:$0x1] =	stream.linear.gather [hbm4b:s14+s2], $0x80, $0x38;
	[tilespmem:$0x10000] =	vst v63  }
0x37b: {  	s24 =	simm.s32 $0x2C00;
	s25 =	sld [smem:$0x7E9]  }
0x37c: {  	[tilespmem:s24], [sflag:$0x1] =	stream.linear.gather [hbm4b:s23+s2], $0x80, $0x38;
	[tilespmem:$0x10000] =	vst v63  }
0x37d: {  	s31 =	simm.s32 $0x3000;
	s14 =	sld [smem:$0x7EA]  }
0x37e: {  	[tilespmem:s31], [sflag:$0x1] =	stream.linear.gather [hbm4b:s25+s2], $0x80, $0x38;
	[tilespmem:$0x10000] =	vst v63  }
0x37f: {  	s22 =	simm.s32 $0x3400;
	s23 =	sld [smem:$0x7EB]  }
0x380: {  	[tilespmem:s22], [sflag:$0x1] =	stream.linear.gather [hbm4b:s14+s2], $0x80, $0x38;
	[tilespmem:$0x10000] =	vst v63  }
0x381: {  	s24 =	simm.s32 $0x3800;
	s25 =	sld [smem:$0x7EC]  }
0x382: {  	[tilespmem:s24], [sflag:$0x1] =	stream.linear.gather [hbm4b:s23+s2], $0x80, $0x38;
	[tilespmem:$0x10000] =	vst v63  }
0x383: {  	s31 =	simm.s32 $0x3C00;
	s14 =	sld [smem:$0x7ED]  }
0x384: {  	[tilespmem:s31], [sflag:$0x1] =	stream.linear.gather [hbm4b:s25+s2], $0x80, $0x38;
	[tilespmem:$0x10000] =	vst v63  }
0x385: {  	s22 =	simm.s32 $0x4000;
	s23 =	sld [smem:$0x7EE]  }
0x386: {  	[tilespmem:s22], [sflag:$0x1] =	stream.linear.gather [hbm4b:s14+s2], $0x80, $0x38;
	[tilespmem:$0x10000] =	vst v63  }
0x387: {  	s24 =	simm.s32 $0x4400;
	s25 =	sld [smem:$0x7EF]  }
0x388: {  	[tilespmem:s24], [sflag:$0x1] =	stream.linear.gather [hbm4b:s23+s2], $0x80, $0x38;
	[tilespmem:$0x10000] =	vst v63  }
0x389: {  	s31 =	simm.s32 $0x4800;
	s14 =	sld [smem:$0x7F0]  }
0x38a: {  	[tilespmem:s31], [sflag:$0x1] =	stream.linear.gather [hbm4b:s25+s2], $0x80, $0x38;
	[tilespmem:$0x10000] =	vst v63  }
0x38b: {  	s22 =	simm.s32 $0x4C00;
	s23 =	sld [smem:$0x7F1]  }
0x38c: {  	[tilespmem:s22], [sflag:$0x1] =	stream.linear.gather [hbm4b:s14+s2], $0x80, $0x38;
	[tilespmem:$0x10000] =	vst v63  }
0x38d: {  	s24 =	simm.s32 $0x5000;
	s25 =	sld [smem:$0x7F2]  }
0x38e: {  	[tilespmem:s24], [sflag:$0x1] =	stream.linear.gather [hbm4b:s23+s2], $0x80, $0x38;
	[tilespmem:$0x10000] =	vst v63  }
0x38f: {  	s31 =	simm.s32 $0x5400;
	s22 =	sld [smem:$0x7F3]  }
0x390: {  	[tilespmem:s31], [sflag:$0x1] =	stream.linear.gather [hbm4b:s25+s2], $0x80, $0x38;
	[tilespmem:$0x10000] =	vst v63  }
0x391: {  	s23 =	simm.s32 $0x5800;
	s24 =	sld [smem:$0x7F4]  }
0x392: {  	[tilespmem:s23], [sflag:$0x1] =	stream.linear.gather [hbm4b:s22+s2], $0x80, $0x38;
	[tilespmem:$0x10000] =	vst v63  }
0x393: {  	s25 =	simm.s32 $0x5C00;
	s31 =	sld [smem:$0x7F5]  }
0x394: {  	[tilespmem:s25], [sflag:$0x1] =	stream.linear.gather [hbm4b:s24+s2], $0x80, $0x38;
	[tilespmem:$0x10000] =	vst v63  }
0x395: {  	s14 =	sld [smem:$0x7F6]  }
0x396: {  	[tilespmem:s15], [sflag:$0x1] =	stream.linear.gather [hbm4b:s31+s2], $0x80, $0x38;
	[tilespmem:$0x10000] =	vst v63  }
0x397: {  	s22 =	sld [smem:$0x7F7]  }
0x398: {  	[tilespmem:s16], [sflag:$0x1] =	stream.linear.gather [hbm4b:s14+s2], $0x80, $0x38;
	[tilespmem:$0x10000] =	vst v63  }
0x399: {  	s23 =	sld [smem:$0x7F8]  }
0x39a: {  	[tilespmem:s17], [sflag:$0x1] =	stream.linear.gather [hbm4b:s22+s2], $0x80, $0x38;
	[tilespmem:$0x10000] =	vst v63  }
0x39b: {  	s24 =	sld [smem:$0x7F9]  }
0x39c: {  	[tilespmem:s18], [sflag:$0x1] =	stream.linear.gather [hbm4b:s23+s2], $0x80, $0x38;
	[tilespmem:$0x10000] =	vst v63  }
0x39d: {  	s25 =	sld [smem:$0x7FA]  }
0x39e: {  	[tilespmem:s19], [sflag:$0x1] =	stream.linear.gather [hbm4b:s24+s2], $0x80, $0x38;
	[tilespmem:$0x10000] =	vst v63  }
0x39f: {  	s31 =	sld [smem:$0x7FB]  }
0x3a0: {  	[tilespmem:s20], [sflag:$0x1] =	stream.linear.gather [hbm4b:s25+s2], $0x80, $0x38;
	[tilespmem:$0x10000] =	vst v63  }
0x3a1: {  	s14 =	sld [smem:$0x7FC]  }
0x3a2: {  	[tilespmem:s21], [sflag:$0x1] =	stream.linear.gather [hbm4b:s31+s2], $0x80, $0x38;
	[tilespmem:$0x10000] =	vst v63  }
0x3a3: {  	_ = 	snop  }
0x3a4: {  	[tilespmem:s26], [sflag:$0x1] =	stream.linear.gather [hbm4b:s14+s2], $0x80, $0x38;
	[tilespmem:$0x10000] =	vst v63  }
0x3a5: {  	_ =	swait.ge [sflag:s28], $0x80  }
0x3a6: {  	[sflag:s28] =	ssyncset.done $0x0  }
0x3a7: {  	[sflag:s28] =	ssyncadd.s32 $0xFFFFFF80  }
0x3a8: {  	_ =	swait.ge [sflag:s28], $0x80  }
0x3a9: {  	[sflag:s28] =	ssyncset.done $0x0  }
0x3aa: {  	[sflag:s28] =	ssyncadd.s32 $0xFFFFFF80  }
0x3ab: {  	_ =	swait.ge [sflag:s28], $0x80  }
0x3ac: {  	[sflag:s28] =	ssyncset.done $0x0  }
0x3ad: {  	[sflag:s28] =	ssyncadd.s32 $0xFFFFFF80  }
0x3ae: {  	_ =	swait.ge [sflag:s28], $0x80  }
0x3af: {  	[sflag:s28] =	ssyncset.done $0x0  }
0x3b0: {  	[sflag:s28] =	ssyncadd.s32 $0xFFFFFF80  }
0x3b1: {  	_ =	swait.ge [sflag:s28], $0x80  }
0x3b2: {  	[sflag:s28] =	ssyncset.done $0x0  }
0x3b3: {  	[sflag:s28] =	ssyncadd.s32 $0xFFFFFF80  }
0x3b4: {  	_ =	swait.ge [sflag:s28], $0x80  }
0x3b5: {  	[sflag:s28] =	ssyncset.done $0x0  }
0x3b6: {  	[sflag:s28] =	ssyncadd.s32 $0xFFFFFF80  }
0x3b7: {  	_ =	swait.ge [sflag:s28], $0x80  }
0x3b8: {  	[sflag:s28] =	ssyncset.done $0x0  }
0x3b9: {  	[sflag:s28] =	ssyncadd.s32 $0xFFFFFF80  }
0x3ba: {  	_ =	swait.ge [sflag:s28], $0x80  }
0x3bb: {  	[sflag:s28] =	ssyncset.done $0x0  }
0x3bc: {  	[sflag:s28] =	ssyncadd.s32 $0xFFFFFF80  }
0x3bd: {  	_ =	swait.ge [sflag:s28], $0x80  }
0x3be: {  	[sflag:s28] =	ssyncset.done $0x0  }
0x3bf: {  	[sflag:s28] =	ssyncadd.s32 $0xFFFFFF80  }
0x3c0: {  	_ =	swait.ge [sflag:s28], $0x80  }
0x3c1: {  	[sflag:s28] =	ssyncset.done $0x0  }
0x3c2: {  	[sflag:s28] =	ssyncadd.s32 $0xFFFFFF80  }
0x3c3: {  	_ =	swait.ge [sflag:s28], $0x80  }
0x3c4: {  	[sflag:s28] =	ssyncset.done $0x0  }
0x3c5: {  	[sflag:s28] =	ssyncadd.s32 $0xFFFFFF80  }
0x3c6: {  	_ =	swait.ge [sflag:s28], $0x80  }
0x3c7: {  	[sflag:s28] =	ssyncset.done $0x0  }
0x3c8: {  	[sflag:s28] =	ssyncadd.s32 $0xFFFFFF80  }
0x3c9: {  	_ =	swait.ge [sflag:s28], $0x80  }
0x3ca: {  	[sflag:s28] =	ssyncset.done $0x0  }
0x3cb: {  	[sflag:s28] =	ssyncadd.s32 $0xFFFFFF80  }
0x3cc: {  	_ =	swait.ge [sflag:s28], $0x80  }
0x3cd: {  	[sflag:s28] =	ssyncset.done $0x0  }
0x3ce: {  	[sflag:s28] =	ssyncadd.s32 $0xFFFFFF80  }
0x3cf: {  	_ =	swait.ge [sflag:s28], $0x80  }
0x3d0: {  	[sflag:s28] =	ssyncset.done $0x0  }
0x3d1: {  	[sflag:s28] =	ssyncadd.s32 $0xFFFFFF80  }
0x3d2: {  	_ =	swait.ge [sflag:s28], $0x80  }
0x3d3: {  	[sflag:s28] =	ssyncset.done $0x0  }
0x3d4: {  	[sflag:s28] =	ssyncadd.s32 $0xFFFFFF80  }
0x3d5: {  	_ =	swait.ge [sflag:s28], $0x80  }
0x3d6: {  	[sflag:s28] =	ssyncset.done $0x0  }
0x3d7: {  	[sflag:s28] =	ssyncadd.s32 $0xFFFFFF80  }
0x3d8: {  	_ =	swait.ge [sflag:s28], $0x80  }
0x3d9: {  	[sflag:s28] =	ssyncset.done $0x0  }
0x3da: {  	[sflag:s28] =	ssyncadd.s32 $0xFFFFFF80  }
0x3db: {  	_ =	swait.ge [sflag:s28], $0x80  }
0x3dc: {  	[sflag:s28] =	ssyncset.done $0x0  }
0x3dd: {  	[sflag:s28] =	ssyncadd.s32 $0xFFFFFF80  }
0x3de: {  	_ =	swait.ge [sflag:s28], $0x80  }
0x3df: {  	[sflag:s28] =	ssyncset.done $0x0  }
0x3e0: {  	[sflag:s28] =	ssyncadd.s32 $0xFFFFFF80  }
0x3e1: {  	_ =	swait.ge [sflag:s28], $0x80  }
0x3e2: {  	[sflag:s28] =	ssyncset.done $0x0  }
0x3e3: {  	[sflag:s28] =	ssyncadd.s32 $0xFFFFFF80  }
0x3e4: {  	_ =	swait.ge [sflag:s28], $0x80  }
0x3e5: {  	[sflag:s28] =	ssyncset.done $0x0  }
0x3e6: {  	[sflag:s28] =	ssyncadd.s32 $0xFFFFFF80  }
0x3e7: {  	_ =	swait.ge [sflag:s28], $0x80  }
0x3e8: {  	[sflag:s28] =	ssyncset.done $0x0  }
0x3e9: {  	[sflag:s28] =	ssyncadd.s32 $0xFFFFFF80  }
0x3ea: {  	_ =	swait.ge [sflag:s28], $0x80  }
0x3eb: {  	[sflag:s28] =	ssyncset.done $0x0  }
0x3ec: {  	[sflag:s28] =	ssyncadd.s32 $0xFFFFFF80  }
0x3ed: {  	_ =	swait.ge [sflag:s28], $0x80  }
0x3ee: {  	[sflag:s28] =	ssyncset.done $0x0  }
0x3ef: {  	[sflag:s28] =	ssyncadd.s32 $0xFFFFFF80  }
0x3f0: {  	_ =	swait.ge [sflag:s28], $0x80  }
0x3f1: {  	[sflag:s28] =	ssyncset.done $0x0  }
0x3f2: {  	[sflag:s28] =	ssyncadd.s32 $0xFFFFFF80  }
0x3f3: {  	_ =	swait.ge [sflag:s28], $0x80  }
0x3f4: {  	[sflag:s28] =	ssyncset.done $0x0  }
0x3f5: {  	[sflag:s28] =	ssyncadd.s32 $0xFFFFFF80  }
0x3f6: {  	_ =	swait.ge [sflag:s28], $0x80  }
0x3f7: {  	[sflag:s28] =	ssyncset.done $0x0  }
0x3f8: {  	[sflag:s28] =	ssyncadd.s32 $0xFFFFFF80  }
0x3f9: {  	_ =	swait.ge [sflag:s28], $0x80  }
0x3fa: {  	[sflag:s28] =	ssyncset.done $0x0  }
0x3fb: {  	[sflag:s28] =	ssyncadd.s32 $0xFFFFFF80  }
0x3fc: {  	_ =	swait.ge [sflag:s28], $0x80  }
0x3fd: {  	[sflag:s28] =	ssyncset.done $0x0  }
0x3fe: {  	[sflag:s28] =	ssyncadd.s32 $0xFFFFFF80  }
0x3ff: {  	_ =	swait.ge [sflag:s28], $0x80  }
0x400: {  	v2 =	vor.u32 s2, v0;
	[sflag:s28] =	ssyncset.done $0x0  }
0x401: {  	v3 =	vor.u32 s2, v1;
	[sflag:s28] =	ssyncadd.s32 $0xFFFFFF80  }
0x402: {  	_ =	swait.ge [sflag:s28], $0x80  }
0x403: {  	[sflag:s28] =	ssyncset.done $0x0  }
0x404: {  	[sflag:s28] =	ssyncadd.s32 $0xFFFFFF80  }
0x405: {  	v2 =	vld.idx.msk [tilespmem:v2+s5+$0x0], $0xffff  }
0x406: {  	s22 =	simm.s32 $0x1;
	v3 =	vld.idx.msk [tilespmem:v3+s5+$0x0], $0xffff  }
0x407: {  	v4 =	vor.u32 s22, v0  }
0x408: {  	v5 =	vor.u32 s22, v1  }
0x409: {  	s2 =	simm.s32 $0x8040  }
0x40a: {  	[tilespmem:s2+$0xFFFFFFC0] =	vst v2  }
0x40b: {  	[tilespmem:s2+$0xFFFFFFD0] =	vst v3  }
0x40c: {  	v2 =	vld.idx.msk [tilespmem:v4+s5+$0x0], $0xffff  }
0x40d: {  	s23 =	simm.s32 $0x2;
	v3 =	vld.idx.msk [tilespmem:v5+s5+$0x0], $0xffff  }
0x40e: {  	v4 =	vor.u32 s23, v0;
	_ =	sdelay $0x1  }
0x40f: {  	s24 =	simm.s32 $0x20;
	v5 =	vor.u32 s23, v1  }
0x410: {  	s3 =	sor.u32 $0x30, s24;
	[tilespmem:s2+$0xFFFFFFE0] =	vst v2  }
0x411: {  	[tilespmem:s3+$0x8000] =	vst v3  }
0x412: {  	v2 =	vld.idx.msk [tilespmem:v4+s5+$0x0], $0xffff;
	_ =	sdelay $0x1  }
0x413: {  	s25 =	simm.s32 $0x3;
	v3 =	vld.idx.msk [tilespmem:v5+s5+$0x0], $0xffff  }
0x414: {  	v4 =	vor.u32 s25, v0;
	_ =	sdelay $0x1  }
0x415: {  	s31 =	simm.s32 $0x40;
	[tilespmem:s2+$0x0] =	vst v2;
	v2 =	vor.u32 s25, v1  }
0x416: {  	s14 =	sor.u32 $0x50, s31  }
0x417: {  	[tilespmem:s14+$0x8000] =	vst v3  }
0x418: {  	v5 =	vld.idx.msk [tilespmem:v4+s5+$0x0], $0xffff;
	_ =	sdelay $0x1  }
0x419: {  	s14 =	simm.s32 $0x4;
	v4 =	vld.idx.msk [tilespmem:v2+s5+$0x0], $0xffff  }
0x41a: {  	v2 =	vor.u32 s14, v0  }
0x41b: {  	s3 =	simm.s32 $0x60;
	v3 =	vor.u32 s14, v1  }
0x41c: {  	s23 =	simm.s32 $0x8;
	s24 =	sor.u32 $0x70, s3;
	[tilespmem:s2+$0x20] =	vst v5  }
.LBB2_15:
0x41d: {  	s3 =	sadd.s32 $0x80, s3  }
0x41e: {  	[tilespmem:s24+$0x8000] =	vst v4;
	s2 =	sadd.s32 $0x80, s2;
	s24 =	smov.u32 s23;
	s22 =	sadd.s32 $0x4, s23  }
0x41f: {  	p3 =	slt.u32 s23, $0x1C;
	v2 =	vld.idx.msk [tilespmem:v2+s5+$0x0], $0xffff  }
0x420: {  	v3 =	vld.idx.msk [tilespmem:v3+s5+$0x0], $0xffff  }
0x421: {  	s23 =	sadd.s32 $0x1, s14  }
0x422: {  	v4 =	vor.u32 s23, v0  }
0x423: {  	v5 =	vor.u32 s23, v1;
	_ =	sdelay $0x1  }
0x424: {  	[tilespmem:s2+$0xFFFFFFC0] =	vst v2  }
0x425: {  	[tilespmem:s2+$0xFFFFFFD0] =	vst v3  }
0x426: {  	v2 =	vld.idx.msk [tilespmem:v4+s5+$0x0], $0xffff  }
0x427: {  	v3 =	vld.idx.msk [tilespmem:v5+s5+$0x0], $0xffff  }
0x428: {  	s23 =	sadd.s32 $0x2, s14  }
0x429: {  	v4 =	vor.u32 s23, v0  }
0x42a: {  	v5 =	vor.u32 s23, v1  }
0x42b: {  	s23 =	sadd.s32 $0xFFFFFFC0, s3  }
0x42c: {  	s23 =	sor.u32 $0x30, s23;
	[tilespmem:s2+$0xFFFFFFE0] =	vst v2  }
0x42d: {  	[tilespmem:s23+$0x8000] =	vst v3  }
0x42e: {  	v2 =	vld.idx.msk [tilespmem:v4+s5+$0x0], $0xffff  }
0x42f: {  	v3 =	vld.idx.msk [tilespmem:v5+s5+$0x0], $0xffff  }
0x430: {  	s23 =	sadd.s32 $0x3, s14;
	s14 =	smov.u32 s24  }
0x431: {  	v4 =	vor.u32 s23, v0  }
0x432: {  	v5 =	vor.u32 s23, v1  }
0x433: {  	s23 =	sadd.s32 $0xFFFFFFE0, s3  }
0x434: {  	s23 =	sor.u32 $0x50, s23;
	[tilespmem:s2+$0x0] =	vst v2  }
0x435: {  	[tilespmem:s23+$0x8000] =	vst v3  }
0x436: {  	v6 =	vld.idx.msk [tilespmem:v4+s5+$0x0], $0xffff  }
0x437: {  	v4 =	vld.idx.msk [tilespmem:v5+s5+$0x0], $0xffff  }
.Ltmp10:
0x438: {  	(pc) =	sbr.rel @p3 .LBB2_15-.Ltmp10, $3  }
0x439: {  	v2 =	vor.u32 s14, v0  }
0x43a: {  	v3 =	vor.u32 s14, v1;
	_ =	sdelay $0x1  }
0x43b: {  	s24 =	sor.u32 $0x70, s3;
	s23 =	smov.u32 s22;
	[tilespmem:s2+$0x20] =	vst v6  }
0x43c: {  	_ =	sdelay $0x2  }
0x43d: {  	[tilespmem:s24+$0x8000] =	vst v4  }
0x43e: {  	v2 =	vld.idx.msk [tilespmem:v2+s5+$0x0], $0xffff  }
0x43f: {  	s22 =	sadd.s32 $0x1, s14;
	v3 =	vld.idx.msk [tilespmem:v3+s5+$0x0], $0xffff  }
0x440: {  	v59 =	vor.u32 s22, v0  }
0x441: {  	v5 =	vor.u32 s22, v1  }
0x442: {  	s2 =	sadd.s32 $0x80, s2  }
0x443: {  	[tilespmem:s2+$0xFFFFFFC0] =	vst v2  }
0x444: {  	[tilespmem:s2+$0xFFFFFFD0] =	vst v3  }
0x445: {  	v2 =	vld.idx.msk [tilespmem:v59+s5+$0x0], $0xffff  }
0x446: {  	s25 =	sadd.s32 $0x2, s14;
	v3 =	vld.idx.msk [tilespmem:v5+s5+$0x0], $0xffff  }
0x447: {  	v60 =	vor.u32 s25, v0  }
0x448: {  	s3 =	sadd.s32 $0x80, s3;
	v61 =	vor.u32 s25, v1  }
0x449: {  	s31 =	sadd.s32 $0xFFFFFFC0, s3  }
0x44a: {  	s22 =	sor.u32 $0x30, s31;
	[tilespmem:s2+$0xFFFFFFE0] =	vst v2  }
0x44b: {  	[tilespmem:s22+$0x8000] =	vst v3  }
0x44c: {  	v2 =	vld.idx.msk [tilespmem:v60+s5+$0x0], $0xffff  }
0x44d: {  	s23 =	sadd.s32 $0x3, s14;
	v3 =	vld.idx.msk [tilespmem:v61+s5+$0x0], $0xffff  }
0x44e: {  	v62 =	vor.u32 s23, v0  }
0x44f: {  	v63 =	vor.u32 s23, v1  }
0x450: {  	s24 =	sadd.s32 $0xFFFFFFE0, s3  }
0x451: {  	s14 =	sor.u32 $0x50, s24;
	[tilespmem:s2+$0x0] =	vst v2  }
0x452: {  	[tilespmem:s14+$0x8000] =	vst v3  }
0x453: {  	v2 =	vld.idx.msk [tilespmem:v62+s5+$0x0], $0xffff  }
0x454: {  	v3 =	vld.idx.msk [tilespmem:v63+s5+$0x0], $0xffff;
	_ =	sdelay $0x2  }
0x455: {  	s31 =	sld [smem:$0x7FD]  }
0x456: {  	s25 =	sor.u32 $0x70, s3;
	[tilespmem:s2+$0x20] =	vst v2  }
.Ltmp11:
0x457: {  	[tilespmem:s25+$0x8000] =	vst v3;
	(pc) =	sbr.rel .LBB2_17-.Ltmp11, $4  }
0x458: {  	[hbm4b:s31+s5] =	stream.linear.scatter [tilespmem:s29], [sflag:$0x2], $0x400, $0x38;
	[tilespmem:$0x10000] =	vst v63  }
0x459: {  	_ =	swait.ge [sflag:s30], $0x400  }
0x45a: {  	[sflag:s30] =	ssyncset.done $0x0  }
0x45b: {  	s3 =	sld [smem:$0x7B6];
	[sflag:s30] =	ssyncadd.s32 $0xFFFFFC00  }
.LBB2_18:
0x45c: {  	_ =	sfence.sel $0x180000  }
0x45d: {  	[bflag:$0x0] =	sbarrier.arrive $0xFFFF  }
0x45e: {  	_ =	strace $0x90000047  }
0x45f: {  	s0 =	stileid.u32;
	[bflag:$0x2] =	sbarrier.arrive $0xFFFF  }
0x460: {  	p0 =	sne.s32 s0, $0x0;
	s0 =	rddreg [dreg:$0x3]  }
0x461: {  	s0 =	sadd.s32 @!p0 $0x100000, s0  }
0x462: {  	[sflag:s0] =	ssyncadd.tile.s32 @!p0 $0x1;
	_ =	shalt  }
.Lfunc_end2:
_tile_overlayer_lowered:
.L_overlay_start_2:
0x463: {  	(tag) =	ssettag $0x2  }
0x464: {  	s0 =	rddreg [dreg:$0x0];
	s2 =	stileid.u32  }
0x465: {  	s1 =	rddreg [dreg:$0x1];
	p0 =	sne.s32 s2, $0x0  }
0x466: {  	s3 =	rddreg [dreg:$0x2];
	[bflag:$0x3] =	sbarrier.arrive $0xFFFF;
	s2 =	simm.s32 @!p0 $0x1C02  }
0x467: {  	[timem:s3], [sflag:s2] =	dma.local @!p0 [hbm:s0], s1  }
0x468: {  	s0 =	simm.s32 @!p0 $0x2  }
0x469: {  	_ =	swait.ge @!p0 [sflag:s0], s1  }
0x46a: {  	s1 =	ssub.s32 @!p0 $0x0, s1;
	[sflag:s0] =	ssyncset.done @!p0 $0x0  }
0x46b: {  	[sflag:s0] =	ssyncadd.s32 @!p0 s1  }
0x46c: {  	[bflag:$0x3] =	sbarrier.arrive $0xFFFF  }
0x46d: {  	_ =	shalt  }

</sc_bundles>
